<compile_context>
chip_gen: v7x
topology: tpu7x:2x2x1
jax: 0.10.2.dev20260603
libtpu: 0.0.44.dev20260713+nightly
codegen_flags: <defaults>
</compile_context>

<pallas_src>
import functools

import jax
import jax.numpy as jnp
from jax import lax
from jax.experimental import pallas as pl
from jax.experimental.pallas import tpu as pltpu
from jax.experimental.pallas import tpu_sc as plsc

NUM_USER = 2000
NUM_ITEM = 8000
N = NUM_USER + NUM_ITEM
E_DIR = 2 * 320000
NC, NS, L = 2, 16, 16
CHUNK = 128
N_PAD = 10112
ZROWS = N_PAD // NS
ROWS_PT = 624

IB = 40
CH_A = 64
KA = IB * (-(-E_DIR // (NS * CH_A * IB)))
PAD_A = NS * KA * CH_A - E_DIR
CH_B = 64
KB = IB * (-(-E_DIR // (NC * NS * CH_B * IB)))
PAD_B = NC * NS * KB * CH_B - E_DIR

_lr = functools.partial(jax.nn.leaky_relu, negative_slope=0.01)



def _tc_a_body(pref, vfeat, wmlp, bmlp, wconv1, wlin1, blin1, idemb,
               xw_a, xw_b, xhat):
    i = pl.program_id(0)
    tf = jnp.dot(vfeat[...], wmlp[...].T, preferred_element_type=jnp.float32)
    tf = tf + bmlp[...]
    x = jnp.where(i < 2, pref[...], tf)
    nrm = jnp.sqrt(jnp.sum(x * x, axis=1, keepdims=True))
    x = x / jnp.maximum(nrm, 1e-12)
    xw = jnp.dot(x, wconv1[...], preferred_element_type=jnp.float32)
    xw_a[...] = xw[:, :128]
    xw_b[...] = xw[:, 128:]
    xh = _lr(jnp.dot(x, wlin1[...].T, preferred_element_type=jnp.float32)
             + blin1[...])
    xhat[...] = xh + idemb[...]


def _tc_b_body(h_st, xhat_in, wg, bg, wconv, wlin, blin, idemb,
               xw_out, xhat_out):
    h = jnp.concatenate([h_st[0], h_st[1]], axis=1)
    h = _lr(h)
    _tc_mid_tail(h, xhat_in, wg, bg, wconv, wlin, blin, idemb,
                 xw_out, xhat_out)


def _tc_c_body(h_in, xhat_in, wg, bg, wconv, wlin, blin, idemb,
               xw_out, xhat_out):
    h = _lr(h_in[0] + h_in[1])
    _tc_mid_tail(h, xhat_in, wg, bg, wconv, wlin, blin, idemb,
                 xw_out, xhat_out)


def _tc_mid_tail(h, xhat_in, wg, bg, wconv, wlin, blin, idemb,
                 xw_out, xhat_out):
    g = jnp.dot(h, wg[...].T, preferred_element_type=jnp.float32) + bg[...]
    x = _lr(g + xhat_in[...])
    xw_out[...] = jnp.dot(x, wconv[...], preferred_element_type=jnp.float32)
    xh = _lr(jnp.dot(x, wlin[...].T, preferred_element_type=jnp.float32)
             + blin[...])
    xhat_out[...] = xh + idemb[...]


def _tc_d_body(h_in, xhat_in, wg, bg, out):
    h = _lr(h_in[0] + h_in[1])
    g = jnp.dot(h, wg[...].T, preferred_element_type=jnp.float32) + bg[...]
    out[...] = _lr(g + xhat_in[...])


_BLK = 1000
_GRID = N // _BLK


def _full(shape):
    return pl.BlockSpec(shape, lambda i: tuple(0 for _ in shape))


def _rows(width):
    return pl.BlockSpec((_BLK, width), lambda i: (i, 0))


def _stacked(width):
    return pl.BlockSpec((2, _BLK, width), lambda i: (0, i, 0))



def _conv_pipeline(n_chunks, nbuf, xw, src, dst, plane,
                   idx_src, idx_dst, rows, accum, semg, sems_):
    def wait_g(b):
        pltpu.make_async_copy(xw.at[idx_src.at[0]], rows.at[b],
                              semg[b]).wait()

    def wait_s(b):
        pltpu.make_async_copy(rows.at[b], accum.at[idx_dst.at[0]],
                              sems_[b]).wait()

    def block(blk, carry):
        pltpu.sync_copy(src.at[plane, pl.ds(blk * IB, IB)], idx_src)
        pltpu.sync_copy(dst.at[plane, pl.ds(blk * IB, IB)], idx_dst)
        for b in range(nbuf):
            pltpu.async_copy(xw.at[idx_src.at[b]], rows.at[b], semg[b])
        for b in range(nbuf):
            wait_g(b)
            pltpu.async_copy(rows.at[b], accum.at[idx_dst.at[b]], sems_[b],
                             add=True)

        def body(t, carry2):
            j = t * nbuf
            for b in range(nbuf):
                wait_s(b)
                pltpu.async_copy(xw.at[idx_src.at[j + b]], rows.at[b],
                                 semg[b])
            for b in range(nbuf):
                wait_g(b)
                pltpu.async_copy(rows.at[b], accum.at[idx_dst.at[j + b]],
                                 sems_[b], add=True)
            return carry2

        lax.fori_loop(1, IB // nbuf, body, 0)
        for b in range(nbuf):
            wait_s(b)
        return carry

    lax.fori_loop(0, n_chunks // IB, block, 0)


def _copy_out(c, s, accum, out):
    @pl.when(s < NS - 1)
    def _():
        pltpu.sync_copy(accum.at[pl.ds(s * ROWS_PT, ROWS_PT)],
                        out.at[pl.ds(c * N + s * ROWS_PT, ROWS_PT)])

    @pl.when(s == NS - 1)
    def _():
        last = (NS - 1) * ROWS_PT
        pltpu.sync_copy(accum.at[pl.ds(last, N - last)],
                        out.at[pl.ds(c * N + last, N - last)])


def _sc_conv1_body(n_chunks, nbuf, xw_a, xw_b, src, dst, zeros, out,
                   idx_src, idx_dst, rows, accum, *sems):
    semg, sems_ = sems[:nbuf], sems[nbuf:]
    c = lax.axis_index("c")
    s = lax.axis_index("s")
    pltpu.sync_copy(zeros, accum.at[pl.ds(s * ZROWS, ZROWS)])
    plsc.subcore_barrier()

    @pl.when(c == 0)
    def _():
        _conv_pipeline(n_chunks, nbuf, xw_a, src, dst, s,
                       idx_src, idx_dst, rows, accum, semg, sems_)

    @pl.when(c == 1)
    def _():
        _conv_pipeline(n_chunks, nbuf, xw_b, src, dst, s,
                       idx_src, idx_dst, rows, accum, semg, sems_)

    plsc.subcore_barrier()
    _copy_out(c, s, accum, out)


def _sc_conv_body(n_chunks, nbuf, xw, src, dst, zeros, out,
                  idx_src, idx_dst, rows, accum, *sems):
    semg, sems_ = sems[:nbuf], sems[nbuf:]
    c = lax.axis_index("c")
    s = lax.axis_index("s")
    pltpu.sync_copy(zeros, accum.at[pl.ds(s * ZROWS, ZROWS)])
    plsc.subcore_barrier()
    _conv_pipeline(n_chunks, nbuf, xw, src, dst, c * NS + s,
                   idx_src, idx_dst, rows, accum, semg, sems_)
    plsc.subcore_barrier()
    _copy_out(c, s, accum, out)


def _sc_scratch(d, nbuf, ch):
    return [
        pltpu.VMEM((IB, ch), jnp.int32),
        pltpu.VMEM((IB, ch), jnp.int32),
        pltpu.VMEM((nbuf, ch, d), jnp.float32),
        pltpu.VMEM_SHARED((N_PAD, d), jnp.float32),
    ] + [pltpu.SemaphoreType.DMA] * (2 * nbuf)


_MESH = dict(core_axis_name="c", subcore_axis_name="s")


def _make_sc_conv1(n_chunks, nbuf, ch):
    return pl.kernel(
        functools.partial(_sc_conv1_body, n_chunks, nbuf),
        out_type=jax.ShapeDtypeStruct((2 * N, 128), jnp.float32),
        mesh=plsc.VectorSubcoreMesh(**_MESH),
        compiler_params=pltpu.CompilerParams(use_tc_tiling_on_sc=False),
        scratch_types=_sc_scratch(128, nbuf, ch),
    )


def _make_sc_conv(n_chunks, nbuf, ch):
    return pl.kernel(
        functools.partial(_sc_conv_body, n_chunks, nbuf),
        out_type=jax.ShapeDtypeStruct((2 * N, 64), jnp.float32),
        mesh=plsc.VectorSubcoreMesh(**_MESH),
        compiler_params=pltpu.CompilerParams(use_tc_tiling_on_sc=False),
        scratch_types=_sc_scratch(64, nbuf, ch),
    )



def kernel(v_feat, edge_index, preference, W_mlp, b_mlp,
           W_conv1, W_lin1, b_lin1, W_g1, b_g1,
           W_conv2, W_lin2, b_lin2, W_g2, b_g2,
           W_conv3, W_lin3, b_lin3, W_g3, b_g3,
           id_embedding):
    f32 = jnp.float32

    e0 = edge_index[:, 0]
    e1 = edge_index[:, 1]
    src_dir = jnp.concatenate([e0, e1])
    dst_dir = jnp.concatenate([e1, e0])

    pad_src = (jnp.arange(PAD_A, dtype=jnp.int32) * 7) % N
    pad_dst = N + (jnp.arange(PAD_A, dtype=jnp.int32) % (N_PAD - N))
    flat_src = jnp.concatenate([src_dir, pad_src])
    flat_dst = jnp.concatenate([dst_dir, pad_dst])
    src_a = flat_src.reshape(NS, KA, CH_A)
    dst_a = flat_dst.reshape(NS, KA, CH_A)
    src_b = flat_src.reshape(NC * NS, KB, CH_B)
    dst_b = flat_dst.reshape(NC * NS, KB, CH_B)

    zeros_a = jnp.zeros((ZROWS, 128), f32)
    zeros_b = jnp.zeros((ZROWS, 64), f32)

    b_mlp2 = b_mlp.reshape(1, 256)
    b_lin1_2 = b_lin1.reshape(1, 64)
    b_g1_2 = b_g1.reshape(1, 64)
    b_lin2_2 = b_lin2.reshape(1, 64)
    b_g2_2 = b_g2.reshape(1, 64)
    b_lin3_2 = b_lin3.reshape(1, 64)
    b_g3_2 = b_g3.reshape(1, 64)

    xw_a, xw_b, xhat1 = pl.pallas_call(
        _tc_a_body,
        grid=(_GRID,),
        in_specs=[
            pl.BlockSpec((_BLK, 256), lambda i: (jnp.minimum(i, 1), 0)),
            pl.BlockSpec((_BLK, 128), lambda i: (jnp.maximum(i - 2, 0), 0)),
            _full((256, 128)), _full((1, 256)), _full((256, 256)),
            _full((64, 256)), _full((1, 64)), _rows(64),
        ],
        out_specs=[_rows(128), _rows(128), _rows(64)],
        out_shape=[jax.ShapeDtypeStruct((N, 128), f32),
                   jax.ShapeDtypeStruct((N, 128), f32),
                   jax.ShapeDtypeStruct((N, 64), f32)],
    )(preference, v_feat, W_mlp, b_mlp2, W_conv1, W_lin1, b_lin1_2,
      id_embedding)

    h1_st = _make_sc_conv1(KA, 5, CH_A)(xw_a, xw_b, src_a, dst_a,
                                        zeros_a).reshape(2, N, 128)

    xw2, xhat2 = pl.pallas_call(
        _tc_b_body,
        grid=(_GRID,),
        in_specs=[
            _stacked(128), _rows(64),
            _full((64, 256)), _full((1, 64)), _full((64, 64)),
            _full((64, 64)), _full((1, 64)), _rows(64),
        ],
        out_specs=[_rows(64), _rows(64)],
        out_shape=[jax.ShapeDtypeStruct((N, 64), f32),
                   jax.ShapeDtypeStruct((N, 64), f32)],
    )(h1_st, xhat1, W_g1, b_g1_2, W_conv2, W_lin2, b_lin2_2, id_embedding)

    h2_st = _make_sc_conv(KB, 8, CH_B)(xw2, src_b, dst_b,
                                  zeros_b).reshape(2, N, 64)

    xw3, xhat3 = pl.pallas_call(
        _tc_c_body,
        grid=(_GRID,),
        in_specs=[
            _stacked(64), _rows(64),
            _full((64, 64)), _full((1, 64)), _full((64, 64)),
            _full((64, 64)), _full((1, 64)), _rows(64),
        ],
        out_specs=[_rows(64), _rows(64)],
        out_shape=[jax.ShapeDtypeStruct((N, 64), f32),
                   jax.ShapeDtypeStruct((N, 64), f32)],
    )(h2_st, xhat2, W_g2, b_g2_2, W_conv3, W_lin3, b_lin3_2, id_embedding)

    h3_st = _make_sc_conv(KB, 8, CH_B)(xw3, src_b, dst_b,
                                  zeros_b).reshape(2, N, 64)

    out = pl.pallas_call(
        _tc_d_body,
        grid=(_GRID,),
        in_specs=[_stacked(64), _rows(64), _full((64, 64)), _full((1, 64))],
        out_specs=_rows(64),
        out_shape=jax.ShapeDtypeStruct((N, 64), f32),
    )(h3_st, xhat3, W_g3, b_g3_2)
    return out

# --- scband reference (transcript-rebuilt; emitter-appended) ---
"""Pipeline reference for scband-net-40467181863124 (READ-ONLY COPY).

The authoritative reference and input builder live on the scoring server;
editing this copy changes nothing except your own understanding.
"""

import jax, jax.numpy as jnp
import numpy as np

NUM_USER = 2000
NUM_ITEM = 8000
DIM_FEAT = 128
DIM_LATENT = 256
DIM_X = 64
N_NODES = NUM_USER + NUM_ITEM
N_EDGES = 320000


def setup_inputs(seed: int = 0) -> dict:
    key = jax.random.key(seed)
    ks = jax.random.split(key, 24)

    def xn(k, shape):
        return jax.random.normal(k, shape, dtype=jnp.float32) * 0.05

    inp = {}
    inp["v_feat"] = jax.random.normal(ks[0], (NUM_ITEM, DIM_FEAT), dtype=jnp.float32)
    inp["edge_index"] = jax.random.randint(ks[1], (N_EDGES, 2), 0, N_NODES, dtype=jnp.int32)
    # learned parameters of v_gcn (dim_latent=256 branch) + id_embedding
    inp["preference"] = xn(ks[2], (NUM_USER, DIM_LATENT))
    inp["W_mlp"] = xn(ks[3], (DIM_LATENT, DIM_FEAT))
    inp["b_mlp"] = jnp.zeros((DIM_LATENT,), dtype=jnp.float32)
    inp["W_conv1"] = xn(ks[4], (DIM_LATENT, DIM_LATENT))
    inp["W_lin1"] = xn(ks[5], (DIM_X, DIM_LATENT))
    inp["b_lin1"] = jnp.zeros((DIM_X,), dtype=jnp.float32)
    inp["W_g1"] = xn(ks[6], (DIM_X, DIM_LATENT))
    inp["b_g1"] = jnp.zeros((DIM_X,), dtype=jnp.float32)
    inp["W_conv2"] = xn(ks[7], (DIM_X, DIM_X))
    inp["W_lin2"] = xn(ks[8], (DIM_X, DIM_X))
    inp["b_lin2"] = jnp.zeros((DIM_X,), dtype=jnp.float32)
    inp["W_g2"] = xn(ks[9], (DIM_X, DIM_X))
    inp["b_g2"] = jnp.zeros((DIM_X,), dtype=jnp.float32)
    inp["W_conv3"] = xn(ks[10], (DIM_X, DIM_X))
    inp["W_lin3"] = xn(ks[11], (DIM_X, DIM_X))
    inp["b_lin3"] = jnp.zeros((DIM_X,), dtype=jnp.float32)
    inp["W_g3"] = xn(ks[12], (DIM_X, DIM_X))
    inp["b_g3"] = jnp.zeros((DIM_X,), dtype=jnp.float32)
    inp["id_embedding"] = xn(ks[13], (N_NODES, DIM_X))
    return inp


def reference(v_feat, edge_index, preference, W_mlp, b_mlp,
              W_conv1, W_lin1, b_lin1, W_g1, b_g1,
              W_conv2, W_lin2, b_lin2, W_g2, b_g2,
              W_conv3, W_lin3, b_lin3, W_g3, b_g3,
              id_embedding):
    N = preference.shape[0] + v_feat.shape[0]
    # Net.__init__: transpose and append reverse edges
    ei = edge_index.T
    ei = jnp.concatenate([ei, ei[::-1]], axis=1)
    src, dst = ei[0], ei[1]

    def lr(t):
        return jax.nn.leaky_relu(t, 0.01)

    def conv(x, W):
        # BaseModel: x @ W, gather on src, scatter-add ('add' aggr) on dst
        xw = x @ W
        return jax.ops.segment_sum(xw[src], dst, num_segments=N)

    def lin(x, W, b):
        return x @ W.T + b

    # GCN.forward with dim_latent=256, concate=False, has_id=True
    temp_features = lin(v_feat, W_mlp, b_mlp)
    x = jnp.concatenate([preference, temp_features], axis=0)
    x = x / jnp.maximum(jnp.linalg.norm(x, axis=1, keepdims=True), 1e-12)

    h = lr(conv(x, W_conv1))
    x_hat = lr(lin(x, W_lin1, b_lin1)) + id_embedding
    x = lr(lin(h, W_g1, b_g1) + x_hat)

    h = lr(conv(x, W_conv2))
    x_hat = lr(lin(x, W_lin2, b_lin2)) + id_embedding
    x = lr(lin(h, W_g2, b_g2) + x_hat)

    h = lr(conv(x, W_conv3))
    x_hat = lr(lin(x, W_lin3, b_lin3)) + id_embedding
    x = lr(lin(h, W_g3, b_g3) + x_hat)

    # Net.forward: single modality -> representation = sum(reps)/1
    return x

if __name__ == "__main__":
    import jax
    _d = setup_inputs()
    print(jax.jit(kernel)(*tuple(_d.values())))

</pallas_src>

<mosaic_0001>
#map = affine_map<(d0, d1) -> (0, 0)>
#map1 = affine_map<(d0, d1) -> (0, 0, 0)>
module attributes {stable_mosaic.version = 14 : i64} {
  func.func @_sc_conv1_body(%arg0: i32, %arg1: i32, %arg2: memref<10000x128xf32, #tpu.memory_space<hbm>>, %arg3: memref<10000x128xf32, #tpu.memory_space<hbm>>, %arg4: memref<16x640x64xi32, #tpu.memory_space<hbm>>, %arg5: memref<16x640x64xi32, #tpu.memory_space<hbm>>, %arg6: memref<632x128xf32, #tpu.memory_space<hbm>>, %arg7: memref<20000x128xf32, #tpu.memory_space<hbm>>, %arg8: memref<40x64xi32, #tpu.memory_space<vmem>>, %arg9: memref<40x64xi32, #tpu.memory_space<vmem>>, %arg10: memref<5x64x128xf32, #tpu.memory_space<vmem>>, %arg11: memref<10112x128xf32, #tpu.memory_space<vmem_shared>>, %arg12: memref<!tpu.dma_semaphore, #tpu.memory_space<semaphore_mem>>, %arg13: memref<!tpu.dma_semaphore, #tpu.memory_space<semaphore_mem>>, %arg14: memref<!tpu.dma_semaphore, #tpu.memory_space<semaphore_mem>>, %arg15: memref<!tpu.dma_semaphore, #tpu.memory_space<semaphore_mem>>, %arg16: memref<!tpu.dma_semaphore, #tpu.memory_space<semaphore_mem>>, %arg17: memref<!tpu.dma_semaphore, #tpu.memory_space<semaphore_mem>>, %arg18: memref<!tpu.dma_semaphore, #tpu.memory_space<semaphore_mem>>, %arg19: memref<!tpu.dma_semaphore, #tpu.memory_space<semaphore_mem>>, %arg20: memref<!tpu.dma_semaphore, #tpu.memory_space<semaphore_mem>>, %arg21: memref<!tpu.dma_semaphore, #tpu.memory_space<semaphore_mem>>) attributes {dimension_semantics = [#tpu.dimension_semantics<core_parallel>, #tpu.dimension_semantics<subcore_parallel>], iteration_bounds = array<i64: 2, 16>, scalar_prefetch = 0 : i64, scratch_operands = 14 : i64, tpu.core_type = #tpu.core_type<sc_vector_subcore>, window_params = [{transform_indices = #map}, {transform_indices = #map}, {transform_indices = #map1}, {transform_indices = #map1}, {transform_indices = #map}, {transform_indices = #map}]} {
    %mul3A = arith.constant 632 : i32
    %mul3A_0 = arith.muli %arg1, %mul3A : i32
    "tpu.region"() ({
      %run_scoped3A = tpu.sem_alloc : memref<!tpu.dma_semaphore, #tpu.memory_space<semaphore_mem>>
      %dma_start3A = arith.constant 0 : i32
      %dma_start3A_18 = tpu.memref_slice %arg11[%mul3A_0, %dma_start3A] : memref<10112x128xf32, #tpu.memory_space<vmem_shared>> -> memref<632x128xf32, #tpu.memory_space<vmem_shared>>
      tpu.enqueue_dma source(%arg6 : memref<632x128xf32, #tpu.memory_space<hbm>>) target(%dma_start3A_18 : memref<632x128xf32, #tpu.memory_space<vmem_shared>>) target_semaphore(%run_scoped3A : memref<!tpu.dma_semaphore, #tpu.memory_space<semaphore_mem>>)
      %dma_wait3A = arith.constant 0 : i32
      %dma_wait3A_19 = tpu.memref_slice %arg11[%mul3A_0, %dma_wait3A] : memref<10112x128xf32, #tpu.memory_space<vmem_shared>> -> memref<632x128xf32, #tpu.memory_space<vmem_shared>>
      tpu.wait_dma2 semaphore(%run_scoped3A : memref<!tpu.dma_semaphore, #tpu.memory_space<semaphore_mem>>) src(%arg6 : memref<632x128xf32, #tpu.memory_space<hbm>>) dst(%dma_wait3A_19 : memref<632x128xf32, #tpu.memory_space<vmem_shared>>)
      tpu.yield
    }) : () -> ()
    %barrier3A = arith.constant 0 : index
    tpu.barrier barrier_id(%barrier3A)
    %eq3A = arith.constant 0 : i32
    %eq3A_1 = arith.cmpi eq, %arg0, %eq3A : i32
    %convert_element_type3A = arith.extui %eq3A_1 : i1 to i32
    %cond3A = arith.constant 0 : i32
    %cond3A_2 = arith.cmpi ne, %convert_element_type3A, %cond3A : i32
    scf.if %cond3A_2 {
      %scan3A = arith.constant 0 : i32
      %scan3A_18 = arith.constant 0 : i32
      %scan3A_19 = arith.constant 16 : i32
      %scan3A_20 = arith.addi %scan3A_18, %scan3A_19 : i32
      %scan3A_21 = arith.constant 1 : i32
      scf.for %scan3A_23 = %scan3A_18 to %scan3A_20 step %scan3A_21  : i32 {
        %mul3A_24 = arith.constant 40 : i32
        %mul3A_25 = arith.muli %scan3A_23, %mul3A_24 : i32
        "tpu.region"() ({
          %run_scoped3A = tpu.sem_alloc : memref<!tpu.dma_semaphore, #tpu.memory_space<semaphore_mem>>
          %dma_start3A_272 = arith.constant 0 : i32
          %dma_start3A_273 = tpu.memref_slice %arg4[%arg1, %mul3A_25, %dma_start3A_272] : memref<16x640x64xi32, #tpu.memory_space<hbm>> -> memref<1x40x64xi32, #tpu.memory_space<hbm>>
          %dma_start3A_274 = tpu.memref_squeeze %dma_start3A_273 : memref<1x40x64xi32, #tpu.memory_space<hbm>> -> memref<40x64xi32, #tpu.memory_space<hbm>>
          %dma_start3A_275 = arith.constant 0 : i32
          %dma_start3A_276 = tpu.memref_slice %arg4[%arg1, %mul3A_25, %dma_start3A_275] : memref<16x640x64xi32, #tpu.memory_space<hbm>> -> memref<1x40x64xi32, #tpu.memory_space<hbm>>
          %dma_start3A_277 = tpu.memref_squeeze %dma_start3A_276 : memref<1x40x64xi32, #tpu.memory_space<hbm>> -> memref<40x64xi32, #tpu.memory_space<hbm>>
          tpu.enqueue_dma source(%dma_start3A_277 : memref<40x64xi32, #tpu.memory_space<hbm>>) target(%arg8 : memref<40x64xi32, #tpu.memory_space<vmem>>) target_semaphore(%run_scoped3A : memref<!tpu.dma_semaphore, #tpu.memory_space<semaphore_mem>>)
          %dma_wait3A_278 = arith.constant 0 : i32
          %dma_wait3A_279 = tpu.memref_slice %arg4[%arg1, %mul3A_25, %dma_wait3A_278] : memref<16x640x64xi32, #tpu.memory_space<hbm>> -> memref<1x40x64xi32, #tpu.memory_space<hbm>>
          %dma_wait3A_280 = tpu.memref_squeeze %dma_wait3A_279 : memref<1x40x64xi32, #tpu.memory_space<hbm>> -> memref<40x64xi32, #tpu.memory_space<hbm>>
          %dma_wait3A_281 = arith.constant 0 : i32
          %dma_wait3A_282 = tpu.memref_slice %arg4[%arg1, %mul3A_25, %dma_wait3A_281] : memref<16x640x64xi32, #tpu.memory_space<hbm>> -> memref<1x40x64xi32, #tpu.memory_space<hbm>>
          %dma_wait3A_283 = tpu.memref_squeeze %dma_wait3A_282 : memref<1x40x64xi32, #tpu.memory_space<hbm>> -> memref<40x64xi32, #tpu.memory_space<hbm>>
          tpu.wait_dma2 semaphore(%run_scoped3A : memref<!tpu.dma_semaphore, #tpu.memory_space<semaphore_mem>>) src(%dma_wait3A_283 : memref<40x64xi32, #tpu.memory_space<hbm>>) dst(%arg8 : memref<40x64xi32, #tpu.memory_space<vmem>>)
          tpu.yield
        }) : () -> ()
        %mul3A_26 = arith.constant 40 : i32
        %mul3A_27 = arith.muli %scan3A_23, %mul3A_26 : i32
        "tpu.region"() ({
          %run_scoped3A = tpu.sem_alloc : memref<!tpu.dma_semaphore, #tpu.memory_space<semaphore_mem>>
          %dma_start3A_272 = arith.constant 0 : i32
          %dma_start3A_273 = tpu.memref_slice %arg5[%arg1, %mul3A_27, %dma_start3A_272] : memref<16x640x64xi32, #tpu.memory_space<hbm>> -> memref<1x40x64xi32, #tpu.memory_space<hbm>>
          %dma_start3A_274 = tpu.memref_squeeze %dma_start3A_273 : memref<1x40x64xi32, #tpu.memory_space<hbm>> -> memref<40x64xi32, #tpu.memory_space<hbm>>
          %dma_start3A_275 = arith.constant 0 : i32
          %dma_start3A_276 = tpu.memref_slice %arg5[%arg1, %mul3A_27, %dma_start3A_275] : memref<16x640x64xi32, #tpu.memory_space<hbm>> -> memref<1x40x64xi32, #tpu.memory_space<hbm>>
          %dma_start3A_277 = tpu.memref_squeeze %dma_start3A_276 : memref<1x40x64xi32, #tpu.memory_space<hbm>> -> memref<40x64xi32, #tpu.memory_space<hbm>>
          tpu.enqueue_dma source(%dma_start3A_277 : memref<40x64xi32, #tpu.memory_space<hbm>>) target(%arg9 : memref<40x64xi32, #tpu.memory_space<vmem>>) target_semaphore(%run_scoped3A : memref<!tpu.dma_semaphore, #tpu.memory_space<semaphore_mem>>)
          %dma_wait3A_278 = arith.constant 0 : i32
          %dma_wait3A_279 = tpu.memref_slice %arg5[%arg1, %mul3A_27, %dma_wait3A_278] : memref<16x640x64xi32, #tpu.memory_space<hbm>> -> memref<1x40x64xi32, #tpu.memory_space<hbm>>
          %dma_wait3A_280 = tpu.memref_squeeze %dma_wait3A_279 : memref<1x40x64xi32, #tpu.memory_space<hbm>> -> memref<40x64xi32, #tpu.memory_space<hbm>>
          %dma_wait3A_281 = arith.constant 0 : i32
          %dma_wait3A_282 = tpu.memref_slice %arg5[%arg1, %mul3A_27, %dma_wait3A_281] : memref<16x640x64xi32, #tpu.memory_space<hbm>> -> memref<1x40x64xi32, #tpu.memory_space<hbm>>
          %dma_wait3A_283 = tpu.memref_squeeze %dma_wait3A_282 : memref<1x40x64xi32, #tpu.memory_space<hbm>> -> memref<40x64xi32, #tpu.memory_space<hbm>>
          tpu.wait_dma2 semaphore(%run_scoped3A : memref<!tpu.dma_semaphore, #tpu.memory_space<semaphore_mem>>) src(%dma_wait3A_283 : memref<40x64xi32, #tpu.memory_space<hbm>>) dst(%arg9 : memref<40x64xi32, #tpu.memory_space<vmem>>)
          tpu.yield
        }) : () -> ()
        %dma_start3A = arith.constant 0 : i32
        %dma_start3A_28 = arith.constant 0 : i32
        %dma_start3A_29 = arith.constant 0 : i32
        %dma_start3A_30 = arith.constant 0 : i32
        %dma_start3A_31 = tpu.memref_slice %arg10[%dma_start3A_28, %dma_start3A_29, %dma_start3A_30] : memref<5x64x128xf32, #tpu.memory_space<vmem>> -> memref<1x64x128xf32, #tpu.memory_space<vmem>>
        %dma_start3A_32 = tpu.memref_squeeze %dma_start3A_31 : memref<1x64x128xf32, #tpu.memory_space<vmem>> -> memref<64x128xf32, #tpu.memory_space<vmem>>
        %dma_start3A_33 = arith.constant 0 : i32
        %dma_start3A_34 = tpu.memref_slice %arg8[%dma_start3A, %dma_start3A_33] : memref<40x64xi32, #tpu.memory_space<vmem>> -> memref<1x64xi32, #tpu.memory_space<vmem>>
        %dma_start3A_35 = tpu.memref_squeeze %dma_start3A_34 : memref<1x64xi32, #tpu.memory_space<vmem>> -> memref<64xi32, #tpu.memory_space<vmem>>
        %dma_start3A_36 = arith.constant 0 : i32
        %dma_start3A_37 = arith.constant 0 : i32
        %dma_start3A_38 = tpu.memref_slice %arg2[%dma_start3A_36, %dma_start3A_37] : memref<10000x128xf32, #tpu.memory_space<hbm>> -> memref<10000x128xf32, #tpu.memory_space<hbm>>
        tpu.enqueue_indirect_dma source(%dma_start3A_38 : memref<10000x128xf32, #tpu.memory_space<hbm>>) target(%dma_start3A_32 : memref<64x128xf32, #tpu.memory_space<vmem>>) offsets(%dma_start3A_35 : memref<64xi32, #tpu.memory_space<vmem>>) semaphore(%arg12 : memref<!tpu.dma_semaphore, #tpu.memory_space<semaphore_mem>>)
        %dma_start3A_39 = arith.constant 1 : i32
        %dma_start3A_40 = arith.constant 1 : i32
        %dma_start3A_41 = arith.constant 0 : i32
        %dma_start3A_42 = arith.constant 0 : i32
        %dma_start3A_43 = tpu.memref_slice %arg10[%dma_start3A_40, %dma_start3A_41, %dma_start3A_42] : memref<5x64x128xf32, #tpu.memory_space<vmem>> -> memref<1x64x128xf32, #tpu.memory_space<vmem>>
        %dma_start3A_44 = tpu.memref_squeeze %dma_start3A_43 : memref<1x64x128xf32, #tpu.memory_space<vmem>> -> memref<64x128xf32, #tpu.memory_space<vmem>>
        %dma_start3A_45 = arith.constant 0 : i32
        %dma_start3A_46 = tpu.memref_slice %arg8[%dma_start3A_39, %dma_start3A_45] : memref<40x64xi32, #tpu.memory_space<vmem>> -> memref<1x64xi32, #tpu.memory_space<vmem>>
        %dma_start3A_47 = tpu.memref_squeeze %dma_start3A_46 : memref<1x64xi32, #tpu.memory_space<vmem>> -> memref<64xi32, #tpu.memory_space<vmem>>
        %dma_start3A_48 = arith.constant 0 : i32
        %dma_start3A_49 = arith.constant 0 : i32
        %dma_start3A_50 = tpu.memref_slice %arg2[%dma_start3A_48, %dma_start3A_49] : memref<10000x128xf32, #tpu.memory_space<hbm>> -> memref<10000x128xf32, #tpu.memory_space<hbm>>
        tpu.enqueue_indirect_dma source(%dma_start3A_50 : memref<10000x128xf32, #tpu.memory_space<hbm>>) target(%dma_start3A_44 : memref<64x128xf32, #tpu.memory_space<vmem>>) offsets(%dma_start3A_47 : memref<64xi32, #tpu.memory_space<vmem>>) semaphore(%arg13 : memref<!tpu.dma_semaphore, #tpu.memory_space<semaphore_mem>>)
        %dma_start3A_51 = arith.constant 2 : i32
        %dma_start3A_52 = arith.constant 2 : i32
        %dma_start3A_53 = arith.constant 0 : i32
        %dma_start3A_54 = arith.constant 0 : i32
        %dma_start3A_55 = tpu.memref_slice %arg10[%dma_start3A_52, %dma_start3A_53, %dma_start3A_54] : memref<5x64x128xf32, #tpu.memory_space<vmem>> -> memref<1x64x128xf32, #tpu.memory_space<vmem>>
        %dma_start3A_56 = tpu.memref_squeeze %dma_start3A_55 : memref<1x64x128xf32, #tpu.memory_space<vmem>> -> memref<64x128xf32, #tpu.memory_space<vmem>>
        %dma_start3A_57 = arith.constant 0 : i32
        %dma_start3A_58 = tpu.memref_slice %arg8[%dma_start3A_51, %dma_start3A_57] : memref<40x64xi32, #tpu.memory_space<vmem>> -> memref<1x64xi32, #tpu.memory_space<vmem>>
        %dma_start3A_59 = tpu.memref_squeeze %dma_start3A_58 : memref<1x64xi32, #tpu.memory_space<vmem>> -> memref<64xi32, #tpu.memory_space<vmem>>
        %dma_start3A_60 = arith.constant 0 : i32
        %dma_start3A_61 = arith.constant 0 : i32
        %dma_start3A_62 = tpu.memref_slice %arg2[%dma_start3A_60, %dma_start3A_61] : memref<10000x128xf32, #tpu.memory_space<hbm>> -> memref<10000x128xf32, #tpu.memory_space<hbm>>
        tpu.enqueue_indirect_dma source(%dma_start3A_62 : memref<10000x128xf32, #tpu.memory_space<hbm>>) target(%dma_start3A_56 : memref<64x128xf32, #tpu.memory_space<vmem>>) offsets(%dma_start3A_59 : memref<64xi32, #tpu.memory_space<vmem>>) semaphore(%arg14 : memref<!tpu.dma_semaphore, #tpu.memory_space<semaphore_mem>>)
        %dma_start3A_63 = arith.constant 3 : i32
        %dma_start3A_64 = arith.constant 3 : i32
        %dma_start3A_65 = arith.constant 0 : i32
        %dma_start3A_66 = arith.constant 0 : i32
        %dma_start3A_67 = tpu.memref_slice %arg10[%dma_start3A_64, %dma_start3A_65, %dma_start3A_66] : memref<5x64x128xf32, #tpu.memory_space<vmem>> -> memref<1x64x128xf32, #tpu.memory_space<vmem>>
        %dma_start3A_68 = tpu.memref_squeeze %dma_start3A_67 : memref<1x64x128xf32, #tpu.memory_space<vmem>> -> memref<64x128xf32, #tpu.memory_space<vmem>>
        %dma_start3A_69 = arith.constant 0 : i32
        %dma_start3A_70 = tpu.memref_slice %arg8[%dma_start3A_63, %dma_start3A_69] : memref<40x64xi32, #tpu.memory_space<vmem>> -> memref<1x64xi32, #tpu.memory_space<vmem>>
        %dma_start3A_71 = tpu.memref_squeeze %dma_start3A_70 : memref<1x64xi32, #tpu.memory_space<vmem>> -> memref<64xi32, #tpu.memory_space<vmem>>
        %dma_start3A_72 = arith.constant 0 : i32
        %dma_start3A_73 = arith.constant 0 : i32
        %dma_start3A_74 = tpu.memref_slice %arg2[%dma_start3A_72, %dma_start3A_73] : memref<10000x128xf32, #tpu.memory_space<hbm>> -> memref<10000x128xf32, #tpu.memory_space<hbm>>
        tpu.enqueue_indirect_dma source(%dma_start3A_74 : memref<10000x128xf32, #tpu.memory_space<hbm>>) target(%dma_start3A_68 : memref<64x128xf32, #tpu.memory_space<vmem>>) offsets(%dma_start3A_71 : memref<64xi32, #tpu.memory_space<vmem>>) semaphore(%arg15 : memref<!tpu.dma_semaphore, #tpu.memory_space<semaphore_mem>>)
        %dma_start3A_75 = arith.constant 4 : i32
        %dma_start3A_76 = arith.constant 4 : i32
        %dma_start3A_77 = arith.constant 0 : i32
        %dma_start3A_78 = arith.constant 0 : i32
        %dma_start3A_79 = tpu.memref_slice %arg10[%dma_start3A_76, %dma_start3A_77, %dma_start3A_78] : memref<5x64x128xf32, #tpu.memory_space<vmem>> -> memref<1x64x128xf32, #tpu.memory_space<vmem>>
        %dma_start3A_80 = tpu.memref_squeeze %dma_start3A_79 : memref<1x64x128xf32, #tpu.memory_space<vmem>> -> memref<64x128xf32, #tpu.memory_space<vmem>>
        %dma_start3A_81 = arith.constant 0 : i32
        %dma_start3A_82 = tpu.memref_slice %arg8[%dma_start3A_75, %dma_start3A_81] : memref<40x64xi32, #tpu.memory_space<vmem>> -> memref<1x64xi32, #tpu.memory_space<vmem>>
        %dma_start3A_83 = tpu.memref_squeeze %dma_start3A_82 : memref<1x64xi32, #tpu.memory_space<vmem>> -> memref<64xi32, #tpu.memory_space<vmem>>
        %dma_start3A_84 = arith.constant 0 : i32
        %dma_start3A_85 = arith.constant 0 : i32
        %dma_start3A_86 = tpu.memref_slice %arg2[%dma_start3A_84, %dma_start3A_85] : memref<10000x128xf32, #tpu.memory_space<hbm>> -> memref<10000x128xf32, #tpu.memory_space<hbm>>
        tpu.enqueue_indirect_dma source(%dma_start3A_86 : memref<10000x128xf32, #tpu.memory_space<hbm>>) target(%dma_start3A_80 : memref<64x128xf32, #tpu.memory_space<vmem>>) offsets(%dma_start3A_83 : memref<64xi32, #tpu.memory_space<vmem>>) semaphore(%arg16 : memref<!tpu.dma_semaphore, #tpu.memory_space<semaphore_mem>>)
        %dma_wait3A = arith.constant 0 : i32
        %dma_wait3A_87 = arith.constant 0 : i32
        %dma_wait3A_88 = arith.constant 0 : i32
        %dma_wait3A_89 = arith.constant 0 : i32
        %dma_wait3A_90 = tpu.memref_slice %arg10[%dma_wait3A_87, %dma_wait3A_88, %dma_wait3A_89] : memref<5x64x128xf32, #tpu.memory_space<vmem>> -> memref<1x64x128xf32, #tpu.memory_space<vmem>>
        %dma_wait3A_91 = tpu.memref_squeeze %dma_wait3A_90 : memref<1x64x128xf32, #tpu.memory_space<vmem>> -> memref<64x128xf32, #tpu.memory_space<vmem>>
        %dma_wait3A_92 = arith.constant 0 : i32
        %dma_wait3A_93 = tpu.memref_slice %arg8[%dma_wait3A, %dma_wait3A_92] : memref<40x64xi32, #tpu.memory_space<vmem>> -> memref<1x64xi32, #tpu.memory_space<vmem>>
        %dma_wait3A_94 = tpu.memref_squeeze %dma_wait3A_93 : memref<1x64xi32, #tpu.memory_space<vmem>> -> memref<64xi32, #tpu.memory_space<vmem>>
        %dma_wait3A_95 = arith.constant 0 : i32
        %dma_wait3A_96 = arith.constant 0 : i32
        %dma_wait3A_97 = tpu.memref_slice %arg2[%dma_wait3A_95, %dma_wait3A_96] : memref<10000x128xf32, #tpu.memory_space<hbm>> -> memref<10000x128xf32, #tpu.memory_space<hbm>>
        tpu.wait_indirect_dma semaphore(%arg12 : memref<!tpu.dma_semaphore, #tpu.memory_space<semaphore_mem>>) src(%dma_wait3A_97 : memref<10000x128xf32, #tpu.memory_space<hbm>>) dst(%dma_wait3A_91 : memref<64x128xf32, #tpu.memory_space<vmem>>)
        %dma_start3A_98 = arith.constant 0 : i32
        %dma_start3A_99 = arith.constant 0 : i32
        %dma_start3A_100 = arith.constant 0 : i32
        %dma_start3A_101 = arith.constant 0 : i32
        %dma_start3A_102 = tpu.memref_slice %arg10[%dma_start3A_98, %dma_start3A_100, %dma_start3A_101] : memref<5x64x128xf32, #tpu.memory_space<vmem>> -> memref<1x64x128xf32, #tpu.memory_space<vmem>>
        %dma_start3A_103 = tpu.memref_squeeze %dma_start3A_102 : memref<1x64x128xf32, #tpu.memory_space<vmem>> -> memref<64x128xf32, #tpu.memory_space<vmem>>
        %dma_start3A_104 = arith.constant 0 : i32
        %dma_start3A_105 = tpu.memref_slice %arg9[%dma_start3A_99, %dma_start3A_104] : memref<40x64xi32, #tpu.memory_space<vmem>> -> memref<1x64xi32, #tpu.memory_space<vmem>>
        %dma_start3A_106 = tpu.memref_squeeze %dma_start3A_105 : memref<1x64xi32, #tpu.memory_space<vmem>> -> memref<64xi32, #tpu.memory_space<vmem>>
        %dma_start3A_107 = arith.constant 0 : i32
        %dma_start3A_108 = arith.constant 0 : i32
        %dma_start3A_109 = tpu.memref_slice %arg11[%dma_start3A_107, %dma_start3A_108] : memref<10112x128xf32, #tpu.memory_space<vmem_shared>> -> memref<10112x128xf32, #tpu.memory_space<vmem_shared>>
        tpu.enqueue_indirect_dma source(%dma_start3A_103 : memref<64x128xf32, #tpu.memory_space<vmem>>) target(%dma_start3A_109 : memref<10112x128xf32, #tpu.memory_space<vmem_shared>>) offsets(%dma_start3A_106 : memref<64xi32, #tpu.memory_space<vmem>>) semaphore(%arg17 : memref<!tpu.dma_semaphore, #tpu.memory_space<semaphore_mem>>) {add = true}
        %dma_wait3A_110 = arith.constant 0 : i32
        %dma_wait3A_111 = arith.constant 1 : i32
        %dma_wait3A_112 = arith.constant 0 : i32
        %dma_wait3A_113 = arith.constant 0 : i32
        %dma_wait3A_114 = tpu.memref_slice %arg10[%dma_wait3A_111, %dma_wait3A_112, %dma_wait3A_113] : memref<5x64x128xf32, #tpu.memory_space<vmem>> -> memref<1x64x128xf32, #tpu.memory_space<vmem>>
        %dma_wait3A_115 = tpu.memref_squeeze %dma_wait3A_114 : memref<1x64x128xf32, #tpu.memory_space<vmem>> -> memref<64x128xf32, #tpu.memory_space<vmem>>
        %dma_wait3A_116 = arith.constant 0 : i32
        %dma_wait3A_117 = tpu.memref_slice %arg8[%dma_wait3A_110, %dma_wait3A_116] : memref<40x64xi32, #tpu.memory_space<vmem>> -> memref<1x64xi32, #tpu.memory_space<vmem>>
        %dma_wait3A_118 = tpu.memref_squeeze %dma_wait3A_117 : memref<1x64xi32, #tpu.memory_space<vmem>> -> memref<64xi32, #tpu.memory_space<vmem>>
        %dma_wait3A_119 = arith.constant 0 : i32
        %dma_wait3A_120 = arith.constant 0 : i32
        %dma_wait3A_121 = tpu.memref_slice %arg2[%dma_wait3A_119, %dma_wait3A_120] : memref<10000x128xf32, #tpu.memory_space<hbm>> -> memref<10000x128xf32, #tpu.memory_space<hbm>>
        tpu.wait_indirect_dma semaphore(%arg13 : memref<!tpu.dma_semaphore, #tpu.memory_space<semaphore_mem>>) src(%dma_wait3A_121 : memref<10000x128xf32, #tpu.memory_space<hbm>>) dst(%dma_wait3A_115 : memref<64x128xf32, #tpu.memory_space<vmem>>)
        %dma_start3A_122 = arith.constant 1 : i32
        %dma_start3A_123 = arith.constant 1 : i32
        %dma_start3A_124 = arith.constant 0 : i32
        %dma_start3A_125 = arith.constant 0 : i32
        %dma_start3A_126 = tpu.memref_slice %arg10[%dma_start3A_122, %dma_start3A_124, %dma_start3A_125] : memref<5x64x128xf32, #tpu.memory_space<vmem>> -> memref<1x64x128xf32, #tpu.memory_space<vmem>>
        %dma_start3A_127 = tpu.memref_squeeze %dma_start3A_126 : memref<1x64x128xf32, #tpu.memory_space<vmem>> -> memref<64x128xf32, #tpu.memory_space<vmem>>
        %dma_start3A_128 = arith.constant 0 : i32
        %dma_start3A_129 = tpu.memref_slice %arg9[%dma_start3A_123, %dma_start3A_128] : memref<40x64xi32, #tpu.memory_space<vmem>> -> memref<1x64xi32, #tpu.memory_space<vmem>>
        %dma_start3A_130 = tpu.memref_squeeze %dma_start3A_129 : memref<1x64xi32, #tpu.memory_space<vmem>> -> memref<64xi32, #tpu.memory_space<vmem>>
        %dma_start3A_131 = arith.constant 0 : i32
        %dma_start3A_132 = arith.constant 0 : i32
        %dma_start3A_133 = tpu.memref_slice %arg11[%dma_start3A_131, %dma_start3A_132] : memref<10112x128xf32, #tpu.memory_space<vmem_shared>> -> memref<10112x128xf32, #tpu.memory_space<vmem_shared>>
        tpu.enqueue_indirect_dma source(%dma_start3A_127 : memref<64x128xf32, #tpu.memory_space<vmem>>) target(%dma_start3A_133 : memref<10112x128xf32, #tpu.memory_space<vmem_shared>>) offsets(%dma_start3A_130 : memref<64xi32, #tpu.memory_space<vmem>>) semaphore(%arg18 : memref<!tpu.dma_semaphore, #tpu.memory_space<semaphore_mem>>) {add = true}
        %dma_wait3A_134 = arith.constant 0 : i32
        %dma_wait3A_135 = arith.constant 2 : i32
        %dma_wait3A_136 = arith.constant 0 : i32
        %dma_wait3A_137 = arith.constant 0 : i32
        %dma_wait3A_138 = tpu.memref_slice %arg10[%dma_wait3A_135, %dma_wait3A_136, %dma_wait3A_137] : memref<5x64x128xf32, #tpu.memory_space<vmem>> -> memref<1x64x128xf32, #tpu.memory_space<vmem>>
        %dma_wait3A_139 = tpu.memref_squeeze %dma_wait3A_138 : memref<1x64x128xf32, #tpu.memory_space<vmem>> -> memref<64x128xf32, #tpu.memory_space<vmem>>
        %dma_wait3A_140 = arith.constant 0 : i32
        %dma_wait3A_141 = tpu.memref_slice %arg8[%dma_wait3A_134, %dma_wait3A_140] : memref<40x64xi32, #tpu.memory_space<vmem>> -> memref<1x64xi32, #tpu.memory_space<vmem>>
        %dma_wait3A_142 = tpu.memref_squeeze %dma_wait3A_141 : memref<1x64xi32, #tpu.memory_space<vmem>> -> memref<64xi32, #tpu.memory_space<vmem>>
        %dma_wait3A_143 = arith.constant 0 : i32
        %dma_wait3A_144 = arith.constant 0 : i32
        %dma_wait3A_145 = tpu.memref_slice %arg2[%dma_wait3A_143, %dma_wait3A_144] : memref<10000x128xf32, #tpu.memory_space<hbm>> -> memref<10000x128xf32, #tpu.memory_space<hbm>>
        tpu.wait_indirect_dma semaphore(%arg14 : memref<!tpu.dma_semaphore, #tpu.memory_space<semaphore_mem>>) src(%dma_wait3A_145 : memref<10000x128xf32, #tpu.memory_space<hbm>>) dst(%dma_wait3A_139 : memref<64x128xf32, #tpu.memory_space<vmem>>)
        %dma_start3A_146 = arith.constant 2 : i32
        %dma_start3A_147 = arith.constant 2 : i32
        %dma_start3A_148 = arith.constant 0 : i32
        %dma_start3A_149 = arith.constant 0 : i32
        %dma_start3A_150 = tpu.memref_slice %arg10[%dma_start3A_146, %dma_start3A_148, %dma_start3A_149] : memref<5x64x128xf32, #tpu.memory_space<vmem>> -> memref<1x64x128xf32, #tpu.memory_space<vmem>>
        %dma_start3A_151 = tpu.memref_squeeze %dma_start3A_150 : memref<1x64x128xf32, #tpu.memory_space<vmem>> -> memref<64x128xf32, #tpu.memory_space<vmem>>
        %dma_start3A_152 = arith.constant 0 : i32
        %dma_start3A_153 = tpu.memref_slice %arg9[%dma_start3A_147, %dma_start3A_152] : memref<40x64xi32, #tpu.memory_space<vmem>> -> memref<1x64xi32, #tpu.memory_space<vmem>>
        %dma_start3A_154 = tpu.memref_squeeze %dma_start3A_153 : memref<1x64xi32, #tpu.memory_space<vmem>> -> memref<64xi32, #tpu.memory_space<vmem>>
        %dma_start3A_155 = arith.constant 0 : i32
        %dma_start3A_156 = arith.constant 0 : i32
        %dma_start3A_157 = tpu.memref_slice %arg11[%dma_start3A_155, %dma_start3A_156] : memref<10112x128xf32, #tpu.memory_space<vmem_shared>> -> memref<10112x128xf32, #tpu.memory_space<vmem_shared>>
        tpu.enqueue_indirect_dma source(%dma_start3A_151 : memref<64x128xf32, #tpu.memory_space<vmem>>) target(%dma_start3A_157 : memref<10112x128xf32, #tpu.memory_space<vmem_shared>>) offsets(%dma_start3A_154 : memref<64xi32, #tpu.memory_space<vmem>>) semaphore(%arg19 : memref<!tpu.dma_semaphore, #tpu.memory_space<semaphore_mem>>) {add = true}
        %dma_wait3A_158 = arith.constant 0 : i32
        %dma_wait3A_159 = arith.constant 3 : i32
        %dma_wait3A_160 = arith.constant 0 : i32
        %dma_wait3A_161 = arith.constant 0 : i32
        %dma_wait3A_162 = tpu.memref_slice %arg10[%dma_wait3A_159, %dma_wait3A_160, %dma_wait3A_161] : memref<5x64x128xf32, #tpu.memory_space<vmem>> -> memref<1x64x128xf32, #tpu.memory_space<vmem>>
        %dma_wait3A_163 = tpu.memref_squeeze %dma_wait3A_162 : memref<1x64x128xf32, #tpu.memory_space<vmem>> -> memref<64x128xf32, #tpu.memory_space<vmem>>
        %dma_wait3A_164 = arith.constant 0 : i32
        %dma_wait3A_165 = tpu.memref_slice %arg8[%dma_wait3A_158, %dma_wait3A_164] : memref<40x64xi32, #tpu.memory_space<vmem>> -> memref<1x64xi32, #tpu.memory_space<vmem>>
        %dma_wait3A_166 = tpu.memref_squeeze %dma_wait3A_165 : memref<1x64xi32, #tpu.memory_space<vmem>> -> memref<64xi32, #tpu.memory_space<vmem>>
        %dma_wait3A_167 = arith.constant 0 : i32
        %dma_wait3A_168 = arith.constant 0 : i32
        %dma_wait3A_169 = tpu.memref_slice %arg2[%dma_wait3A_167, %dma_wait3A_168] : memref<10000x128xf32, #tpu.memory_space<hbm>> -> memref<10000x128xf32, #tpu.memory_space<hbm>>
        tpu.wait_indirect_dma semaphore(%arg15 : memref<!tpu.dma_semaphore, #tpu.memory_space<semaphore_mem>>) src(%dma_wait3A_169 : memref<10000x128xf32, #tpu.memory_space<hbm>>) dst(%dma_wait3A_163 : memref<64x128xf32, #tpu.memory_space<vmem>>)
        %dma_start3A_170 = arith.constant 3 : i32
        %dma_start3A_171 = arith.constant 3 : i32
        %dma_start3A_172 = arith.constant 0 : i32
        %dma_start3A_173 = arith.constant 0 : i32
        %dma_start3A_174 = tpu.memref_slice %arg10[%dma_start3A_170, %dma_start3A_172, %dma_start3A_173] : memref<5x64x128xf32, #tpu.memory_space<vmem>> -> memref<1x64x128xf32, #tpu.memory_space<vmem>>
        %dma_start3A_175 = tpu.memref_squeeze %dma_start3A_174 : memref<1x64x128xf32, #tpu.memory_space<vmem>> -> memref<64x128xf32, #tpu.memory_space<vmem>>
        %dma_start3A_176 = arith.constant 0 : i32
        %dma_start3A_177 = tpu.memref_slice %arg9[%dma_start3A_171, %dma_start3A_176] : memref<40x64xi32, #tpu.memory_space<vmem>> -> memref<1x64xi32, #tpu.memory_space<vmem>>
        %dma_start3A_178 = tpu.memref_squeeze %dma_start3A_177 : memref<1x64xi32, #tpu.memory_space<vmem>> -> memref<64xi32, #tpu.memory_space<vmem>>
        %dma_start3A_179 = arith.constant 0 : i32
        %dma_start3A_180 = arith.constant 0 : i32
        %dma_start3A_181 = tpu.memref_slice %arg11[%dma_start3A_179, %dma_start3A_180] : memref<10112x128xf32, #tpu.memory_space<vmem_shared>> -> memref<10112x128xf32, #tpu.memory_space<vmem_shared>>
        tpu.enqueue_indirect_dma source(%dma_start3A_175 : memref<64x128xf32, #tpu.memory_space<vmem>>) target(%dma_start3A_181 : memref<10112x128xf32, #tpu.memory_space<vmem_shared>>) offsets(%dma_start3A_178 : memref<64xi32, #tpu.memory_space<vmem>>) semaphore(%arg20 : memref<!tpu.dma_semaphore, #tpu.memory_space<semaphore_mem>>) {add = true}
        %dma_wait3A_182 = arith.constant 0 : i32
        %dma_wait3A_183 = arith.constant 4 : i32
        %dma_wait3A_184 = arith.constant 0 : i32
        %dma_wait3A_185 = arith.constant 0 : i32
        %dma_wait3A_186 = tpu.memref_slice %arg10[%dma_wait3A_183, %dma_wait3A_184, %dma_wait3A_185] : memref<5x64x128xf32, #tpu.memory_space<vmem>> -> memref<1x64x128xf32, #tpu.memory_space<vmem>>
        %dma_wait3A_187 = tpu.memref_squeeze %dma_wait3A_186 : memref<1x64x128xf32, #tpu.memory_space<vmem>> -> memref<64x128xf32, #tpu.memory_space<vmem>>
        %dma_wait3A_188 = arith.constant 0 : i32
        %dma_wait3A_189 = tpu.memref_slice %arg8[%dma_wait3A_182, %dma_wait3A_188] : memref<40x64xi32, #tpu.memory_space<vmem>> -> memref<1x64xi32, #tpu.memory_space<vmem>>
        %dma_wait3A_190 = tpu.memref_squeeze %dma_wait3A_189 : memref<1x64xi32, #tpu.memory_space<vmem>> -> memref<64xi32, #tpu.memory_space<vmem>>
        %dma_wait3A_191 = arith.constant 0 : i32
        %dma_wait3A_192 = arith.constant 0 : i32
        %dma_wait3A_193 = tpu.memref_slice %arg2[%dma_wait3A_191, %dma_wait3A_192] : memref<10000x128xf32, #tpu.memory_space<hbm>> -> memref<10000x128xf32, #tpu.memory_space<hbm>>
        tpu.wait_indirect_dma semaphore(%arg16 : memref<!tpu.dma_semaphore, #tpu.memory_space<semaphore_mem>>) src(%dma_wait3A_193 : memref<10000x128xf32, #tpu.memory_space<hbm>>) dst(%dma_wait3A_187 : memref<64x128xf32, #tpu.memory_space<vmem>>)
        %dma_start3A_194 = arith.constant 4 : i32
        %dma_start3A_195 = arith.constant 4 : i32
        %dma_start3A_196 = arith.constant 0 : i32
        %dma_start3A_197 = arith.constant 0 : i32
        %dma_start3A_198 = tpu.memref_slice %arg10[%dma_start3A_194, %dma_start3A_196, %dma_start3A_197] : memref<5x64x128xf32, #tpu.memory_space<vmem>> -> memref<1x64x128xf32, #tpu.memory_space<vmem>>
        %dma_start3A_199 = tpu.memref_squeeze %dma_start3A_198 : memref<1x64x128xf32, #tpu.memory_space<vmem>> -> memref<64x128xf32, #tpu.memory_space<vmem>>
        %dma_start3A_200 = arith.constant 0 : i32
        %dma_start3A_201 = tpu.memref_slice %arg9[%dma_start3A_195, %dma_start3A_200] : memref<40x64xi32, #tpu.memory_space<vmem>> -> memref<1x64xi32, #tpu.memory_space<vmem>>
        %dma_start3A_202 = tpu.memref_squeeze %dma_start3A_201 : memref<1x64xi32, #tpu.memory_space<vmem>> -> memref<64xi32, #tpu.memory_space<vmem>>
        %dma_start3A_203 = arith.constant 0 : i32
        %dma_start3A_204 = arith.constant 0 : i32
        %dma_start3A_205 = tpu.memref_slice %arg11[%dma_start3A_203, %dma_start3A_204] : memref<10112x128xf32, #tpu.memory_space<vmem_shared>> -> memref<10112x128xf32, #tpu.memory_space<vmem_shared>>
        tpu.enqueue_indirect_dma source(%dma_start3A_199 : memref<64x128xf32, #tpu.memory_space<vmem>>) target(%dma_start3A_205 : memref<10112x128xf32, #tpu.memory_space<vmem_shared>>) offsets(%dma_start3A_202 : memref<64xi32, #tpu.memory_space<vmem>>) semaphore(%arg21 : memref<!tpu.dma_semaphore, #tpu.memory_space<semaphore_mem>>) {add = true}
        %scan3A_206 = arith.constant 0 : i32
        %scan3A_207 = arith.constant 1 : i32
        %scan3A_208 = arith.constant 7 : i32
        %scan3A_209 = arith.addi %scan3A_207, %scan3A_208 : i32
        %scan3A_210 = arith.constant 1 : i32
        scf.for %scan3A_272 = %scan3A_207 to %scan3A_209 step %scan3A_210  : i32 {
          %mul3A_273 = arith.constant 5 : i32
          %mul3A_274 = arith.muli %scan3A_272, %mul3A_273 : i32
          %dma_wait3A_275 = arith.constant 0 : i32
          %dma_wait3A_276 = arith.constant 0 : i32
          %dma_wait3A_277 = arith.constant 0 : i32
          %dma_wait3A_278 = arith.constant 0 : i32
          %dma_wait3A_279 = tpu.memref_slice %arg10[%dma_wait3A_275, %dma_wait3A_277, %dma_wait3A_278] : memref<5x64x128xf32, #tpu.memory_space<vmem>> -> memref<1x64x128xf32, #tpu.memory_space<vmem>>
          %dma_wait3A_280 = tpu.memref_squeeze %dma_wait3A_279 : memref<1x64x128xf32, #tpu.memory_space<vmem>> -> memref<64x128xf32, #tpu.memory_space<vmem>>
          %dma_wait3A_281 = arith.constant 0 : i32
          %dma_wait3A_282 = tpu.memref_slice %arg9[%dma_wait3A_276, %dma_wait3A_281] : memref<40x64xi32, #tpu.memory_space<vmem>> -> memref<1x64xi32, #tpu.memory_space<vmem>>
          %dma_wait3A_283 = tpu.memref_squeeze %dma_wait3A_282 : memref<1x64xi32, #tpu.memory_space<vmem>> -> memref<64xi32, #tpu.memory_space<vmem>>
          %dma_wait3A_284 = arith.constant 0 : i32
          %dma_wait3A_285 = arith.constant 0 : i32
          %dma_wait3A_286 = tpu.memref_slice %arg11[%dma_wait3A_284, %dma_wait3A_285] : memref<10112x128xf32, #tpu.memory_space<vmem_shared>> -> memref<10112x128xf32, #tpu.memory_space<vmem_shared>>
          tpu.wait_indirect_dma semaphore(%arg17 : memref<!tpu.dma_semaphore, #tpu.memory_space<semaphore_mem>>) src(%dma_wait3A_280 : memref<64x128xf32, #tpu.memory_space<vmem>>) dst(%dma_wait3A_286 : memref<10112x128xf32, #tpu.memory_space<vmem_shared>>)
          %add3A = arith.constant 0 : i32
          %add3A_287 = arith.addi %mul3A_274, %add3A : i32
          %dma_start3A_288 = arith.constant 0 : i32
          %dma_start3A_289 = arith.constant 0 : i32
          %dma_start3A_290 = arith.constant 0 : i32
          %dma_start3A_291 = tpu.memref_slice %arg10[%dma_start3A_288, %dma_start3A_289, %dma_start3A_290] : memref<5x64x128xf32, #tpu.memory_space<vmem>> -> memref<1x64x128xf32, #tpu.memory_space<vmem>>
          %dma_start3A_292 = tpu.memref_squeeze %dma_start3A_291 : memref<1x64x128xf32, #tpu.memory_space<vmem>> -> memref<64x128xf32, #tpu.memory_space<vmem>>
          %dma_start3A_293 = arith.constant 0 : i32
          %dma_start3A_294 = tpu.memref_slice %arg8[%add3A_287, %dma_start3A_293] : memref<40x64xi32, #tpu.memory_space<vmem>> -> memref<1x64xi32, #tpu.memory_space<vmem>>
          %dma_start3A_295 = tpu.memref_squeeze %dma_start3A_294 : memref<1x64xi32, #tpu.memory_space<vmem>> -> memref<64xi32, #tpu.memory_space<vmem>>
          %dma_start3A_296 = arith.constant 0 : i32
          %dma_start3A_297 = arith.constant 0 : i32
          %dma_start3A_298 = tpu.memref_slice %arg2[%dma_start3A_296, %dma_start3A_297] : memref<10000x128xf32, #tpu.memory_space<hbm>> -> memref<10000x128xf32, #tpu.memory_space<hbm>>
          tpu.enqueue_indirect_dma source(%dma_start3A_298 : memref<10000x128xf32, #tpu.memory_space<hbm>>) target(%dma_start3A_292 : memref<64x128xf32, #tpu.memory_space<vmem>>) offsets(%dma_start3A_295 : memref<64xi32, #tpu.memory_space<vmem>>) semaphore(%arg12 : memref<!tpu.dma_semaphore, #tpu.memory_space<semaphore_mem>>)
          %dma_wait3A_299 = arith.constant 1 : i32
          %dma_wait3A_300 = arith.constant 0 : i32
          %dma_wait3A_301 = arith.constant 0 : i32
          %dma_wait3A_302 = arith.constant 0 : i32
          %dma_wait3A_303 = tpu.memref_slice %arg10[%dma_wait3A_299, %dma_wait3A_301, %dma_wait3A_302] : memref<5x64x128xf32, #tpu.memory_space<vmem>> -> memref<1x64x128xf32, #tpu.memory_space<vmem>>
          %dma_wait3A_304 = tpu.memref_squeeze %dma_wait3A_303 : memref<1x64x128xf32, #tpu.memory_space<vmem>> -> memref<64x128xf32, #tpu.memory_space<vmem>>
          %dma_wait3A_305 = arith.constant 0 : i32
          %dma_wait3A_306 = tpu.memref_slice %arg9[%dma_wait3A_300, %dma_wait3A_305] : memref<40x64xi32, #tpu.memory_space<vmem>> -> memref<1x64xi32, #tpu.memory_space<vmem>>
          %dma_wait3A_307 = tpu.memref_squeeze %dma_wait3A_306 : memref<1x64xi32, #tpu.memory_space<vmem>> -> memref<64xi32, #tpu.memory_space<vmem>>
          %dma_wait3A_308 = arith.constant 0 : i32
          %dma_wait3A_309 = arith.constant 0 : i32
          %dma_wait3A_310 = tpu.memref_slice %arg11[%dma_wait3A_308, %dma_wait3A_309] : memref<10112x128xf32, #tpu.memory_space<vmem_shared>> -> memref<10112x128xf32, #tpu.memory_space<vmem_shared>>
          tpu.wait_indirect_dma semaphore(%arg18 : memref<!tpu.dma_semaphore, #tpu.memory_space<semaphore_mem>>) src(%dma_wait3A_304 : memref<64x128xf32, #tpu.memory_space<vmem>>) dst(%dma_wait3A_310 : memref<10112x128xf32, #tpu.memory_space<vmem_shared>>)
          %add3A_311 = arith.constant 1 : i32
          %add3A_312 = arith.addi %mul3A_274, %add3A_311 : i32
          %dma_start3A_313 = arith.constant 1 : i32
          %dma_start3A_314 = arith.constant 0 : i32
          %dma_start3A_315 = arith.constant 0 : i32
          %dma_start3A_316 = tpu.memref_slice %arg10[%dma_start3A_313, %dma_start3A_314, %dma_start3A_315] : memref<5x64x128xf32, #tpu.memory_space<vmem>> -> memref<1x64x128xf32, #tpu.memory_space<vmem>>
          %dma_start3A_317 = tpu.memref_squeeze %dma_start3A_316 : memref<1x64x128xf32, #tpu.memory_space<vmem>> -> memref<64x128xf32, #tpu.memory_space<vmem>>
          %dma_start3A_318 = arith.constant 0 : i32
          %dma_start3A_319 = tpu.memref_slice %arg8[%add3A_312, %dma_start3A_318] : memref<40x64xi32, #tpu.memory_space<vmem>> -> memref<1x64xi32, #tpu.memory_space<vmem>>
          %dma_start3A_320 = tpu.memref_squeeze %dma_start3A_319 : memref<1x64xi32, #tpu.memory_space<vmem>> -> memref<64xi32, #tpu.memory_space<vmem>>
          %dma_start3A_321 = arith.constant 0 : i32
          %dma_start3A_322 = arith.constant 0 : i32
          %dma_start3A_323 = tpu.memref_slice %arg2[%dma_start3A_321, %dma_start3A_322] : memref<10000x128xf32, #tpu.memory_space<hbm>> -> memref<10000x128xf32, #tpu.memory_space<hbm>>
          tpu.enqueue_indirect_dma source(%dma_start3A_323 : memref<10000x128xf32, #tpu.memory_space<hbm>>) target(%dma_start3A_317 : memref<64x128xf32, #tpu.memory_space<vmem>>) offsets(%dma_start3A_320 : memref<64xi32, #tpu.memory_space<vmem>>) semaphore(%arg13 : memref<!tpu.dma_semaphore, #tpu.memory_space<semaphore_mem>>)
          %dma_wait3A_324 = arith.constant 2 : i32
          %dma_wait3A_325 = arith.constant 0 : i32
          %dma_wait3A_326 = arith.constant 0 : i32
          %dma_wait3A_327 = arith.constant 0 : i32
          %dma_wait3A_328 = tpu.memref_slice %arg10[%dma_wait3A_324, %dma_wait3A_326, %dma_wait3A_327] : memref<5x64x128xf32, #tpu.memory_space<vmem>> -> memref<1x64x128xf32, #tpu.memory_space<vmem>>
          %dma_wait3A_329 = tpu.memref_squeeze %dma_wait3A_328 : memref<1x64x128xf32, #tpu.memory_space<vmem>> -> memref<64x128xf32, #tpu.memory_space<vmem>>
          %dma_wait3A_330 = arith.constant 0 : i32
          %dma_wait3A_331 = tpu.memref_slice %arg9[%dma_wait3A_325, %dma_wait3A_330] : memref<40x64xi32, #tpu.memory_space<vmem>> -> memref<1x64xi32, #tpu.memory_space<vmem>>
          %dma_wait3A_332 = tpu.memref_squeeze %dma_wait3A_331 : memref<1x64xi32, #tpu.memory_space<vmem>> -> memref<64xi32, #tpu.memory_space<vmem>>
          %dma_wait3A_333 = arith.constant 0 : i32
          %dma_wait3A_334 = arith.constant 0 : i32
          %dma_wait3A_335 = tpu.memref_slice %arg11[%dma_wait3A_333, %dma_wait3A_334] : memref<10112x128xf32, #tpu.memory_space<vmem_shared>> -> memref<10112x128xf32, #tpu.memory_space<vmem_shared>>
          tpu.wait_indirect_dma semaphore(%arg19 : memref<!tpu.dma_semaphore, #tpu.memory_space<semaphore_mem>>) src(%dma_wait3A_329 : memref<64x128xf32, #tpu.memory_space<vmem>>) dst(%dma_wait3A_335 : memref<10112x128xf32, #tpu.memory_space<vmem_shared>>)
          %add3A_336 = arith.constant 2 : i32
          %add3A_337 = arith.addi %mul3A_274, %add3A_336 : i32
          %dma_start3A_338 = arith.constant 2 : i32
          %dma_start3A_339 = arith.constant 0 : i32
          %dma_start3A_340 = arith.constant 0 : i32
          %dma_start3A_341 = tpu.memref_slice %arg10[%dma_start3A_338, %dma_start3A_339, %dma_start3A_340] : memref<5x64x128xf32, #tpu.memory_space<vmem>> -> memref<1x64x128xf32, #tpu.memory_space<vmem>>
          %dma_start3A_342 = tpu.memref_squeeze %dma_start3A_341 : memref<1x64x128xf32, #tpu.memory_space<vmem>> -> memref<64x128xf32, #tpu.memory_space<vmem>>
          %dma_start3A_343 = arith.constant 0 : i32
          %dma_start3A_344 = tpu.memref_slice %arg8[%add3A_337, %dma_start3A_343] : memref<40x64xi32, #tpu.memory_space<vmem>> -> memref<1x64xi32, #tpu.memory_space<vmem>>
          %dma_start3A_345 = tpu.memref_squeeze %dma_start3A_344 : memref<1x64xi32, #tpu.memory_space<vmem>> -> memref<64xi32, #tpu.memory_space<vmem>>
          %dma_start3A_346 = arith.constant 0 : i32
          %dma_start3A_347 = arith.constant 0 : i32
          %dma_start3A_348 = tpu.memref_slice %arg2[%dma_start3A_346, %dma_start3A_347] : memref<10000x128xf32, #tpu.memory_space<hbm>> -> memref<10000x128xf32, #tpu.memory_space<hbm>>
          tpu.enqueue_indirect_dma source(%dma_start3A_348 : memref<10000x128xf32, #tpu.memory_space<hbm>>) target(%dma_start3A_342 : memref<64x128xf32, #tpu.memory_space<vmem>>) offsets(%dma_start3A_345 : memref<64xi32, #tpu.memory_space<vmem>>) semaphore(%arg14 : memref<!tpu.dma_semaphore, #tpu.memory_space<semaphore_mem>>)
          %dma_wait3A_349 = arith.constant 3 : i32
          %dma_wait3A_350 = arith.constant 0 : i32
          %dma_wait3A_351 = arith.constant 0 : i32
          %dma_wait3A_352 = arith.constant 0 : i32
          %dma_wait3A_353 = tpu.memref_slice %arg10[%dma_wait3A_349, %dma_wait3A_351, %dma_wait3A_352] : memref<5x64x128xf32, #tpu.memory_space<vmem>> -> memref<1x64x128xf32, #tpu.memory_space<vmem>>
          %dma_wait3A_354 = tpu.memref_squeeze %dma_wait3A_353 : memref<1x64x128xf32, #tpu.memory_space<vmem>> -> memref<64x128xf32, #tpu.memory_space<vmem>>
          %dma_wait3A_355 = arith.constant 0 : i32
          %dma_wait3A_356 = tpu.memref_slice %arg9[%dma_wait3A_350, %dma_wait3A_355] : memref<40x64xi32, #tpu.memory_space<vmem>> -> memref<1x64xi32, #tpu.memory_space<vmem>>
          %dma_wait3A_357 = tpu.memref_squeeze %dma_wait3A_356 : memref<1x64xi32, #tpu.memory_space<vmem>> -> memref<64xi32, #tpu.memory_space<vmem>>
          %dma_wait3A_358 = arith.constant 0 : i32
          %dma_wait3A_359 = arith.constant 0 : i32
          %dma_wait3A_360 = tpu.memref_slice %arg11[%dma_wait3A_358, %dma_wait3A_359] : memref<10112x128xf32, #tpu.memory_space<vmem_shared>> -> memref<10112x128xf32, #tpu.memory_space<vmem_shared>>
          tpu.wait_indirect_dma semaphore(%arg20 : memref<!tpu.dma_semaphore, #tpu.memory_space<semaphore_mem>>) src(%dma_wait3A_354 : memref<64x128xf32, #tpu.memory_space<vmem>>) dst(%dma_wait3A_360 : memref<10112x128xf32, #tpu.memory_space<vmem_shared>>)
          %add3A_361 = arith.constant 3 : i32
          %add3A_362 = arith.addi %mul3A_274, %add3A_361 : i32
          %dma_start3A_363 = arith.constant 3 : i32
          %dma_start3A_364 = arith.constant 0 : i32
          %dma_start3A_365 = arith.constant 0 : i32
          %dma_start3A_366 = tpu.memref_slice %arg10[%dma_start3A_363, %dma_start3A_364, %dma_start3A_365] : memref<5x64x128xf32, #tpu.memory_space<vmem>> -> memref<1x64x128xf32, #tpu.memory_space<vmem>>
          %dma_start3A_367 = tpu.memref_squeeze %dma_start3A_366 : memref<1x64x128xf32, #tpu.memory_space<vmem>> -> memref<64x128xf32, #tpu.memory_space<vmem>>
          %dma_start3A_368 = arith.constant 0 : i32
          %dma_start3A_369 = tpu.memref_slice %arg8[%add3A_362, %dma_start3A_368] : memref<40x64xi32, #tpu.memory_space<vmem>> -> memref<1x64xi32, #tpu.memory_space<vmem>>
          %dma_start3A_370 = tpu.memref_squeeze %dma_start3A_369 : memref<1x64xi32, #tpu.memory_space<vmem>> -> memref<64xi32, #tpu.memory_space<vmem>>
          %dma_start3A_371 = arith.constant 0 : i32
          %dma_start3A_372 = arith.constant 0 : i32
          %dma_start3A_373 = tpu.memref_slice %arg2[%dma_start3A_371, %dma_start3A_372] : memref<10000x128xf32, #tpu.memory_space<hbm>> -> memref<10000x128xf32, #tpu.memory_space<hbm>>
          tpu.enqueue_indirect_dma source(%dma_start3A_373 : memref<10000x128xf32, #tpu.memory_space<hbm>>) target(%dma_start3A_367 : memref<64x128xf32, #tpu.memory_space<vmem>>) offsets(%dma_start3A_370 : memref<64xi32, #tpu.memory_space<vmem>>) semaphore(%arg15 : memref<!tpu.dma_semaphore, #tpu.memory_space<semaphore_mem>>)
          %dma_wait3A_374 = arith.constant 4 : i32
          %dma_wait3A_375 = arith.constant 0 : i32
          %dma_wait3A_376 = arith.constant 0 : i32
          %dma_wait3A_377 = arith.constant 0 : i32
          %dma_wait3A_378 = tpu.memref_slice %arg10[%dma_wait3A_374, %dma_wait3A_376, %dma_wait3A_377] : memref<5x64x128xf32, #tpu.memory_space<vmem>> -> memref<1x64x128xf32, #tpu.memory_space<vmem>>
          %dma_wait3A_379 = tpu.memref_squeeze %dma_wait3A_378 : memref<1x64x128xf32, #tpu.memory_space<vmem>> -> memref<64x128xf32, #tpu.memory_space<vmem>>
          %dma_wait3A_380 = arith.constant 0 : i32
          %dma_wait3A_381 = tpu.memref_slice %arg9[%dma_wait3A_375, %dma_wait3A_380] : memref<40x64xi32, #tpu.memory_space<vmem>> -> memref<1x64xi32, #tpu.memory_space<vmem>>
          %dma_wait3A_382 = tpu.memref_squeeze %dma_wait3A_381 : memref<1x64xi32, #tpu.memory_space<vmem>> -> memref<64xi32, #tpu.memory_space<vmem>>
          %dma_wait3A_383 = arith.constant 0 : i32
          %dma_wait3A_384 = arith.constant 0 : i32
          %dma_wait3A_385 = tpu.memref_slice %arg11[%dma_wait3A_383, %dma_wait3A_384] : memref<10112x128xf32, #tpu.memory_space<vmem_shared>> -> memref<10112x128xf32, #tpu.memory_space<vmem_shared>>
          tpu.wait_indirect_dma semaphore(%arg21 : memref<!tpu.dma_semaphore, #tpu.memory_space<semaphore_mem>>) src(%dma_wait3A_379 : memref<64x128xf32, #tpu.memory_space<vmem>>) dst(%dma_wait3A_385 : memref<10112x128xf32, #tpu.memory_space<vmem_shared>>)
          %add3A_386 = arith.constant 4 : i32
          %add3A_387 = arith.addi %mul3A_274, %add3A_386 : i32
          %dma_start3A_388 = arith.constant 4 : i32
          %dma_start3A_389 = arith.constant 0 : i32
          %dma_start3A_390 = arith.constant 0 : i32
          %dma_start3A_391 = tpu.memref_slice %arg10[%dma_start3A_388, %dma_start3A_389, %dma_start3A_390] : memref<5x64x128xf32, #tpu.memory_space<vmem>> -> memref<1x64x128xf32, #tpu.memory_space<vmem>>
          %dma_start3A_392 = tpu.memref_squeeze %dma_start3A_391 : memref<1x64x128xf32, #tpu.memory_space<vmem>> -> memref<64x128xf32, #tpu.memory_space<vmem>>
          %dma_start3A_393 = arith.constant 0 : i32
          %dma_start3A_394 = tpu.memref_slice %arg8[%add3A_387, %dma_start3A_393] : memref<40x64xi32, #tpu.memory_space<vmem>> -> memref<1x64xi32, #tpu.memory_space<vmem>>
          %dma_start3A_395 = tpu.memref_squeeze %dma_start3A_394 : memref<1x64xi32, #tpu.memory_space<vmem>> -> memref<64xi32, #tpu.memory_space<vmem>>
          %dma_start3A_396 = arith.constant 0 : i32
          %dma_start3A_397 = arith.constant 0 : i32
          %dma_start3A_398 = tpu.memref_slice %arg2[%dma_start3A_396, %dma_start3A_397] : memref<10000x128xf32, #tpu.memory_space<hbm>> -> memref<10000x128xf32, #tpu.memory_space<hbm>>
          tpu.enqueue_indirect_dma source(%dma_start3A_398 : memref<10000x128xf32, #tpu.memory_space<hbm>>) target(%dma_start3A_392 : memref<64x128xf32, #tpu.memory_space<vmem>>) offsets(%dma_start3A_395 : memref<64xi32, #tpu.memory_space<vmem>>) semaphore(%arg16 : memref<!tpu.dma_semaphore, #tpu.memory_space<semaphore_mem>>)
          %dma_wait3A_399 = arith.constant 0 : i32
          %dma_wait3A_400 = arith.constant 0 : i32
          %dma_wait3A_401 = arith.constant 0 : i32
          %dma_wait3A_402 = arith.constant 0 : i32
          %dma_wait3A_403 = tpu.memref_slice %arg10[%dma_wait3A_400, %dma_wait3A_401, %dma_wait3A_402] : memref<5x64x128xf32, #tpu.memory_space<vmem>> -> memref<1x64x128xf32, #tpu.memory_space<vmem>>
          %dma_wait3A_404 = tpu.memref_squeeze %dma_wait3A_403 : memref<1x64x128xf32, #tpu.memory_space<vmem>> -> memref<64x128xf32, #tpu.memory_space<vmem>>
          %dma_wait3A_405 = arith.constant 0 : i32
          %dma_wait3A_406 = tpu.memref_slice %arg8[%dma_wait3A_399, %dma_wait3A_405] : memref<40x64xi32, #tpu.memory_space<vmem>> -> memref<1x64xi32, #tpu.memory_space<vmem>>
          %dma_wait3A_407 = tpu.memref_squeeze %dma_wait3A_406 : memref<1x64xi32, #tpu.memory_space<vmem>> -> memref<64xi32, #tpu.memory_space<vmem>>
          %dma_wait3A_408 = arith.constant 0 : i32
          %dma_wait3A_409 = arith.constant 0 : i32
          %dma_wait3A_410 = tpu.memref_slice %arg2[%dma_wait3A_408, %dma_wait3A_409] : memref<10000x128xf32, #tpu.memory_space<hbm>> -> memref<10000x128xf32, #tpu.memory_space<hbm>>
          tpu.wait_indirect_dma semaphore(%arg12 : memref<!tpu.dma_semaphore, #tpu.memory_space<semaphore_mem>>) src(%dma_wait3A_410 : memref<10000x128xf32, #tpu.memory_space<hbm>>) dst(%dma_wait3A_404 : memref<64x128xf32, #tpu.memory_space<vmem>>)
          %add3A_411 = arith.constant 0 : i32
          %add3A_412 = arith.addi %mul3A_274, %add3A_411 : i32
          %dma_start3A_413 = arith.constant 0 : i32
          %dma_start3A_414 = arith.constant 0 : i32
          %dma_start3A_415 = arith.constant 0 : i32
          %dma_start3A_416 = tpu.memref_slice %arg10[%dma_start3A_413, %dma_start3A_414, %dma_start3A_415] : memref<5x64x128xf32, #tpu.memory_space<vmem>> -> memref<1x64x128xf32, #tpu.memory_space<vmem>>
          %dma_start3A_417 = tpu.memref_squeeze %dma_start3A_416 : memref<1x64x128xf32, #tpu.memory_space<vmem>> -> memref<64x128xf32, #tpu.memory_space<vmem>>
          %dma_start3A_418 = arith.constant 0 : i32
          %dma_start3A_419 = tpu.memref_slice %arg9[%add3A_412, %dma_start3A_418] : memref<40x64xi32, #tpu.memory_space<vmem>> -> memref<1x64xi32, #tpu.memory_space<vmem>>
          %dma_start3A_420 = tpu.memref_squeeze %dma_start3A_419 : memref<1x64xi32, #tpu.memory_space<vmem>> -> memref<64xi32, #tpu.memory_space<vmem>>
          %dma_start3A_421 = arith.constant 0 : i32
          %dma_start3A_422 = arith.constant 0 : i32
          %dma_start3A_423 = tpu.memref_slice %arg11[%dma_start3A_421, %dma_start3A_422] : memref<10112x128xf32, #tpu.memory_space<vmem_shared>> -> memref<10112x128xf32, #tpu.memory_space<vmem_shared>>
          tpu.enqueue_indirect_dma source(%dma_start3A_417 : memref<64x128xf32, #tpu.memory_space<vmem>>) target(%dma_start3A_423 : memref<10112x128xf32, #tpu.memory_space<vmem_shared>>) offsets(%dma_start3A_420 : memref<64xi32, #tpu.memory_space<vmem>>) semaphore(%arg17 : memref<!tpu.dma_semaphore, #tpu.memory_space<semaphore_mem>>) {add = true}
          %dma_wait3A_424 = arith.constant 0 : i32
          %dma_wait3A_425 = arith.constant 1 : i32
          %dma_wait3A_426 = arith.constant 0 : i32
          %dma_wait3A_427 = arith.constant 0 : i32
          %dma_wait3A_428 = tpu.memref_slice %arg10[%dma_wait3A_425, %dma_wait3A_426, %dma_wait3A_427] : memref<5x64x128xf32, #tpu.memory_space<vmem>> -> memref<1x64x128xf32, #tpu.memory_space<vmem>>
          %dma_wait3A_429 = tpu.memref_squeeze %dma_wait3A_428 : memref<1x64x128xf32, #tpu.memory_space<vmem>> -> memref<64x128xf32, #tpu.memory_space<vmem>>
          %dma_wait3A_430 = arith.constant 0 : i32
          %dma_wait3A_431 = tpu.memref_slice %arg8[%dma_wait3A_424, %dma_wait3A_430] : memref<40x64xi32, #tpu.memory_space<vmem>> -> memref<1x64xi32, #tpu.memory_space<vmem>>
          %dma_wait3A_432 = tpu.memref_squeeze %dma_wait3A_431 : memref<1x64xi32, #tpu.memory_space<vmem>> -> memref<64xi32, #tpu.memory_space<vmem>>
          %dma_wait3A_433 = arith.constant 0 : i32
          %dma_wait3A_434 = arith.constant 0 : i32
          %dma_wait3A_435 = tpu.memref_slice %arg2[%dma_wait3A_433, %dma_wait3A_434] : memref<10000x128xf32, #tpu.memory_space<hbm>> -> memref<10000x128xf32, #tpu.memory_space<hbm>>
          tpu.wait_indirect_dma semaphore(%arg13 : memref<!tpu.dma_semaphore, #tpu.memory_space<semaphore_mem>>) src(%dma_wait3A_435 : memref<10000x128xf32, #tpu.memory_space<hbm>>) dst(%dma_wait3A_429 : memref<64x128xf32, #tpu.memory_space<vmem>>)
          %add3A_436 = arith.constant 1 : i32
          %add3A_437 = arith.addi %mul3A_274, %add3A_436 : i32
          %dma_start3A_438 = arith.constant 1 : i32
          %dma_start3A_439 = arith.constant 0 : i32
          %dma_start3A_440 = arith.constant 0 : i32
          %dma_start3A_441 = tpu.memref_slice %arg10[%dma_start3A_438, %dma_start3A_439, %dma_start3A_440] : memref<5x64x128xf32, #tpu.memory_space<vmem>> -> memref<1x64x128xf32, #tpu.memory_space<vmem>>
          %dma_start3A_442 = tpu.memref_squeeze %dma_start3A_441 : memref<1x64x128xf32, #tpu.memory_space<vmem>> -> memref<64x128xf32, #tpu.memory_space<vmem>>
          %dma_start3A_443 = arith.constant 0 : i32
          %dma_start3A_444 = tpu.memref_slice %arg9[%add3A_437, %dma_start3A_443] : memref<40x64xi32, #tpu.memory_space<vmem>> -> memref<1x64xi32, #tpu.memory_space<vmem>>
          %dma_start3A_445 = tpu.memref_squeeze %dma_start3A_444 : memref<1x64xi32, #tpu.memory_space<vmem>> -> memref<64xi32, #tpu.memory_space<vmem>>
          %dma_start3A_446 = arith.constant 0 : i32
          %dma_start3A_447 = arith.constant 0 : i32
          %dma_start3A_448 = tpu.memref_slice %arg11[%dma_start3A_446, %dma_start3A_447] : memref<10112x128xf32, #tpu.memory_space<vmem_shared>> -> memref<10112x128xf32, #tpu.memory_space<vmem_shared>>
          tpu.enqueue_indirect_dma source(%dma_start3A_442 : memref<64x128xf32, #tpu.memory_space<vmem>>) target(%dma_start3A_448 : memref<10112x128xf32, #tpu.memory_space<vmem_shared>>) offsets(%dma_start3A_445 : memref<64xi32, #tpu.memory_space<vmem>>) semaphore(%arg18 : memref<!tpu.dma_semaphore, #tpu.memory_space<semaphore_mem>>) {add = true}
          %dma_wait3A_449 = arith.constant 0 : i32
          %dma_wait3A_450 = arith.constant 2 : i32
          %dma_wait3A_451 = arith.constant 0 : i32
          %dma_wait3A_452 = arith.constant 0 : i32
          %dma_wait3A_453 = tpu.memref_slice %arg10[%dma_wait3A_450, %dma_wait3A_451, %dma_wait3A_452] : memref<5x64x128xf32, #tpu.memory_space<vmem>> -> memref<1x64x128xf32, #tpu.memory_space<vmem>>
          %dma_wait3A_454 = tpu.memref_squeeze %dma_wait3A_453 : memref<1x64x128xf32, #tpu.memory_space<vmem>> -> memref<64x128xf32, #tpu.memory_space<vmem>>
          %dma_wait3A_455 = arith.constant 0 : i32
          %dma_wait3A_456 = tpu.memref_slice %arg8[%dma_wait3A_449, %dma_wait3A_455] : memref<40x64xi32, #tpu.memory_space<vmem>> -> memref<1x64xi32, #tpu.memory_space<vmem>>
          %dma_wait3A_457 = tpu.memref_squeeze %dma_wait3A_456 : memref<1x64xi32, #tpu.memory_space<vmem>> -> memref<64xi32, #tpu.memory_space<vmem>>
          %dma_wait3A_458 = arith.constant 0 : i32
          %dma_wait3A_459 = arith.constant 0 : i32
          %dma_wait3A_460 = tpu.memref_slice %arg2[%dma_wait3A_458, %dma_wait3A_459] : memref<10000x128xf32, #tpu.memory_space<hbm>> -> memref<10000x128xf32, #tpu.memory_space<hbm>>
          tpu.wait_indirect_dma semaphore(%arg14 : memref<!tpu.dma_semaphore, #tpu.memory_space<semaphore_mem>>) src(%dma_wait3A_460 : memref<10000x128xf32, #tpu.memory_space<hbm>>) dst(%dma_wait3A_454 : memref<64x128xf32, #tpu.memory_space<vmem>>)
          %add3A_461 = arith.constant 2 : i32
          %add3A_462 = arith.addi %mul3A_274, %add3A_461 : i32
          %dma_start3A_463 = arith.constant 2 : i32
          %dma_start3A_464 = arith.constant 0 : i32
          %dma_start3A_465 = arith.constant 0 : i32
          %dma_start3A_466 = tpu.memref_slice %arg10[%dma_start3A_463, %dma_start3A_464, %dma_start3A_465] : memref<5x64x128xf32, #tpu.memory_space<vmem>> -> memref<1x64x128xf32, #tpu.memory_space<vmem>>
          %dma_start3A_467 = tpu.memref_squeeze %dma_start3A_466 : memref<1x64x128xf32, #tpu.memory_space<vmem>> -> memref<64x128xf32, #tpu.memory_space<vmem>>
          %dma_start3A_468 = arith.constant 0 : i32
          %dma_start3A_469 = tpu.memref_slice %arg9[%add3A_462, %dma_start3A_468] : memref<40x64xi32, #tpu.memory_space<vmem>> -> memref<1x64xi32, #tpu.memory_space<vmem>>
          %dma_start3A_470 = tpu.memref_squeeze %dma_start3A_469 : memref<1x64xi32, #tpu.memory_space<vmem>> -> memref<64xi32, #tpu.memory_space<vmem>>
          %dma_start3A_471 = arith.constant 0 : i32
          %dma_start3A_472 = arith.constant 0 : i32
          %dma_start3A_473 = tpu.memref_slice %arg11[%dma_start3A_471, %dma_start3A_472] : memref<10112x128xf32, #tpu.memory_space<vmem_shared>> -> memref<10112x128xf32, #tpu.memory_space<vmem_shared>>
          tpu.enqueue_indirect_dma source(%dma_start3A_467 : memref<64x128xf32, #tpu.memory_space<vmem>>) target(%dma_start3A_473 : memref<10112x128xf32, #tpu.memory_space<vmem_shared>>) offsets(%dma_start3A_470 : memref<64xi32, #tpu.memory_space<vmem>>) semaphore(%arg19 : memref<!tpu.dma_semaphore, #tpu.memory_space<semaphore_mem>>) {add = true}
          %dma_wait3A_474 = arith.constant 0 : i32
          %dma_wait3A_475 = arith.constant 3 : i32
          %dma_wait3A_476 = arith.constant 0 : i32
          %dma_wait3A_477 = arith.constant 0 : i32
          %dma_wait3A_478 = tpu.memref_slice %arg10[%dma_wait3A_475, %dma_wait3A_476, %dma_wait3A_477] : memref<5x64x128xf32, #tpu.memory_space<vmem>> -> memref<1x64x128xf32, #tpu.memory_space<vmem>>
          %dma_wait3A_479 = tpu.memref_squeeze %dma_wait3A_478 : memref<1x64x128xf32, #tpu.memory_space<vmem>> -> memref<64x128xf32, #tpu.memory_space<vmem>>
          %dma_wait3A_480 = arith.constant 0 : i32
          %dma_wait3A_481 = tpu.memref_slice %arg8[%dma_wait3A_474, %dma_wait3A_480] : memref<40x64xi32, #tpu.memory_space<vmem>> -> memref<1x64xi32, #tpu.memory_space<vmem>>
          %dma_wait3A_482 = tpu.memref_squeeze %dma_wait3A_481 : memref<1x64xi32, #tpu.memory_space<vmem>> -> memref<64xi32, #tpu.memory_space<vmem>>
          %dma_wait3A_483 = arith.constant 0 : i32
          %dma_wait3A_484 = arith.constant 0 : i32
          %dma_wait3A_485 = tpu.memref_slice %arg2[%dma_wait3A_483, %dma_wait3A_484] : memref<10000x128xf32, #tpu.memory_space<hbm>> -> memref<10000x128xf32, #tpu.memory_space<hbm>>
          tpu.wait_indirect_dma semaphore(%arg15 : memref<!tpu.dma_semaphore, #tpu.memory_space<semaphore_mem>>) src(%dma_wait3A_485 : memref<10000x128xf32, #tpu.memory_space<hbm>>) dst(%dma_wait3A_479 : memref<64x128xf32, #tpu.memory_space<vmem>>)
          %add3A_486 = arith.constant 3 : i32
          %add3A_487 = arith.addi %mul3A_274, %add3A_486 : i32
          %dma_start3A_488 = arith.constant 3 : i32
          %dma_start3A_489 = arith.constant 0 : i32
          %dma_start3A_490 = arith.constant 0 : i32
          %dma_start3A_491 = tpu.memref_slice %arg10[%dma_start3A_488, %dma_start3A_489, %dma_start3A_490] : memref<5x64x128xf32, #tpu.memory_space<vmem>> -> memref<1x64x128xf32, #tpu.memory_space<vmem>>
          %dma_start3A_492 = tpu.memref_squeeze %dma_start3A_491 : memref<1x64x128xf32, #tpu.memory_space<vmem>> -> memref<64x128xf32, #tpu.memory_space<vmem>>
          %dma_start3A_493 = arith.constant 0 : i32
          %dma_start3A_494 = tpu.memref_slice %arg9[%add3A_487, %dma_start3A_493] : memref<40x64xi32, #tpu.memory_space<vmem>> -> memref<1x64xi32, #tpu.memory_space<vmem>>
          %dma_start3A_495 = tpu.memref_squeeze %dma_start3A_494 : memref<1x64xi32, #tpu.memory_space<vmem>> -> memref<64xi32, #tpu.memory_space<vmem>>
          %dma_start3A_496 = arith.constant 0 : i32
          %dma_start3A_497 = arith.constant 0 : i32
          %dma_start3A_498 = tpu.memref_slice %arg11[%dma_start3A_496, %dma_start3A_497] : memref<10112x128xf32, #tpu.memory_space<vmem_shared>> -> memref<10112x128xf32, #tpu.memory_space<vmem_shared>>
          tpu.enqueue_indirect_dma source(%dma_start3A_492 : memref<64x128xf32, #tpu.memory_space<vmem>>) target(%dma_start3A_498 : memref<10112x128xf32, #tpu.memory_space<vmem_shared>>) offsets(%dma_start3A_495 : memref<64xi32, #tpu.memory_space<vmem>>) semaphore(%arg20 : memref<!tpu.dma_semaphore, #tpu.memory_space<semaphore_mem>>) {add = true}
          %dma_wait3A_499 = arith.constant 0 : i32
          %dma_wait3A_500 = arith.constant 4 : i32
          %dma_wait3A_501 = arith.constant 0 : i32
          %dma_wait3A_502 = arith.constant 0 : i32
          %dma_wait3A_503 = tpu.memref_slice %arg10[%dma_wait3A_500, %dma_wait3A_501, %dma_wait3A_502] : memref<5x64x128xf32, #tpu.memory_space<vmem>> -> memref<1x64x128xf32, #tpu.memory_space<vmem>>
          %dma_wait3A_504 = tpu.memref_squeeze %dma_wait3A_503 : memref<1x64x128xf32, #tpu.memory_space<vmem>> -> memref<64x128xf32, #tpu.memory_space<vmem>>
          %dma_wait3A_505 = arith.constant 0 : i32
          %dma_wait3A_506 = tpu.memref_slice %arg8[%dma_wait3A_499, %dma_wait3A_505] : memref<40x64xi32, #tpu.memory_space<vmem>> -> memref<1x64xi32, #tpu.memory_space<vmem>>
          %dma_wait3A_507 = tpu.memref_squeeze %dma_wait3A_506 : memref<1x64xi32, #tpu.memory_space<vmem>> -> memref<64xi32, #tpu.memory_space<vmem>>
          %dma_wait3A_508 = arith.constant 0 : i32
          %dma_wait3A_509 = arith.constant 0 : i32
          %dma_wait3A_510 = tpu.memref_slice %arg2[%dma_wait3A_508, %dma_wait3A_509] : memref<10000x128xf32, #tpu.memory_space<hbm>> -> memref<10000x128xf32, #tpu.memory_space<hbm>>
          tpu.wait_indirect_dma semaphore(%arg16 : memref<!tpu.dma_semaphore, #tpu.memory_space<semaphore_mem>>) src(%dma_wait3A_510 : memref<10000x128xf32, #tpu.memory_space<hbm>>) dst(%dma_wait3A_504 : memref<64x128xf32, #tpu.memory_space<vmem>>)
          %add3A_511 = arith.constant 4 : i32
          %add3A_512 = arith.addi %mul3A_274, %add3A_511 : i32
          %dma_start3A_513 = arith.constant 4 : i32
          %dma_start3A_514 = arith.constant 0 : i32
          %dma_start3A_515 = arith.constant 0 : i32
          %dma_start3A_516 = tpu.memref_slice %arg10[%dma_start3A_513, %dma_start3A_514, %dma_start3A_515] : memref<5x64x128xf32, #tpu.memory_space<vmem>> -> memref<1x64x128xf32, #tpu.memory_space<vmem>>
          %dma_start3A_517 = tpu.memref_squeeze %dma_start3A_516 : memref<1x64x128xf32, #tpu.memory_space<vmem>> -> memref<64x128xf32, #tpu.memory_space<vmem>>
          %dma_start3A_518 = arith.constant 0 : i32
          %dma_start3A_519 = tpu.memref_slice %arg9[%add3A_512, %dma_start3A_518] : memref<40x64xi32, #tpu.memory_space<vmem>> -> memref<1x64xi32, #tpu.memory_space<vmem>>
          %dma_start3A_520 = tpu.memref_squeeze %dma_start3A_519 : memref<1x64xi32, #tpu.memory_space<vmem>> -> memref<64xi32, #tpu.memory_space<vmem>>
          %dma_start3A_521 = arith.constant 0 : i32
          %dma_start3A_522 = arith.constant 0 : i32
          %dma_start3A_523 = tpu.memref_slice %arg11[%dma_start3A_521, %dma_start3A_522] : memref<10112x128xf32, #tpu.memory_space<vmem_shared>> -> memref<10112x128xf32, #tpu.memory_space<vmem_shared>>
          tpu.enqueue_indirect_dma source(%dma_start3A_517 : memref<64x128xf32, #tpu.memory_space<vmem>>) target(%dma_start3A_523 : memref<10112x128xf32, #tpu.memory_space<vmem_shared>>) offsets(%dma_start3A_520 : memref<64xi32, #tpu.memory_space<vmem>>) semaphore(%arg21 : memref<!tpu.dma_semaphore, #tpu.memory_space<semaphore_mem>>) {add = true}
        }
        %scan3A_211 = arith.constant 7 : i32
        %dma_wait3A_212 = arith.constant 0 : i32
        %dma_wait3A_213 = arith.constant 0 : i32
        %dma_wait3A_214 = arith.constant 0 : i32
        %dma_wait3A_215 = arith.constant 0 : i32
        %dma_wait3A_216 = tpu.memref_slice %arg10[%dma_wait3A_212, %dma_wait3A_214, %dma_wait3A_215] : memref<5x64x128xf32, #tpu.memory_space<vmem>> -> memref<1x64x128xf32, #tpu.memory_space<vmem>>
        %dma_wait3A_217 = tpu.memref_squeeze %dma_wait3A_216 : memref<1x64x128xf32, #tpu.memory_space<vmem>> -> memref<64x128xf32, #tpu.memory_space<vmem>>
        %dma_wait3A_218 = arith.constant 0 : i32
        %dma_wait3A_219 = tpu.memref_slice %arg9[%dma_wait3A_213, %dma_wait3A_218] : memref<40x64xi32, #tpu.memory_space<vmem>> -> memref<1x64xi32, #tpu.memory_space<vmem>>
        %dma_wait3A_220 = tpu.memref_squeeze %dma_wait3A_219 : memref<1x64xi32, #tpu.memory_space<vmem>> -> memref<64xi32, #tpu.memory_space<vmem>>
        %dma_wait3A_221 = arith.constant 0 : i32
        %dma_wait3A_222 = arith.constant 0 : i32
        %dma_wait3A_223 = tpu.memref_slice %arg11[%dma_wait3A_221, %dma_wait3A_222] : memref<10112x128xf32, #tpu.memory_space<vmem_shared>> -> memref<10112x128xf32, #tpu.memory_space<vmem_shared>>
        tpu.wait_indirect_dma semaphore(%arg17 : memref<!tpu.dma_semaphore, #tpu.memory_space<semaphore_mem>>) src(%dma_wait3A_217 : memref<64x128xf32, #tpu.memory_space<vmem>>) dst(%dma_wait3A_223 : memref<10112x128xf32, #tpu.memory_space<vmem_shared>>)
        %dma_wait3A_224 = arith.constant 1 : i32
        %dma_wait3A_225 = arith.constant 0 : i32
        %dma_wait3A_226 = arith.constant 0 : i32
        %dma_wait3A_227 = arith.constant 0 : i32
        %dma_wait3A_228 = tpu.memref_slice %arg10[%dma_wait3A_224, %dma_wait3A_226, %dma_wait3A_227] : memref<5x64x128xf32, #tpu.memory_space<vmem>> -> memref<1x64x128xf32, #tpu.memory_space<vmem>>
        %dma_wait3A_229 = tpu.memref_squeeze %dma_wait3A_228 : memref<1x64x128xf32, #tpu.memory_space<vmem>> -> memref<64x128xf32, #tpu.memory_space<vmem>>
        %dma_wait3A_230 = arith.constant 0 : i32
        %dma_wait3A_231 = tpu.memref_slice %arg9[%dma_wait3A_225, %dma_wait3A_230] : memref<40x64xi32, #tpu.memory_space<vmem>> -> memref<1x64xi32, #tpu.memory_space<vmem>>
        %dma_wait3A_232 = tpu.memref_squeeze %dma_wait3A_231 : memref<1x64xi32, #tpu.memory_space<vmem>> -> memref<64xi32, #tpu.memory_space<vmem>>
        %dma_wait3A_233 = arith.constant 0 : i32
        %dma_wait3A_234 = arith.constant 0 : i32
        %dma_wait3A_235 = tpu.memref_slice %arg11[%dma_wait3A_233, %dma_wait3A_234] : memref<10112x128xf32, #tpu.memory_space<vmem_shared>> -> memref<10112x128xf32, #tpu.memory_space<vmem_shared>>
        tpu.wait_indirect_dma semaphore(%arg18 : memref<!tpu.dma_semaphore, #tpu.memory_space<semaphore_mem>>) src(%dma_wait3A_229 : memref<64x128xf32, #tpu.memory_space<vmem>>) dst(%dma_wait3A_235 : memref<10112x128xf32, #tpu.memory_space<vmem_shared>>)
        %dma_wait3A_236 = arith.constant 2 : i32
        %dma_wait3A_237 = arith.constant 0 : i32
        %dma_wait3A_238 = arith.constant 0 : i32
        %dma_wait3A_239 = arith.constant 0 : i32
        %dma_wait3A_240 = tpu.memref_slice %arg10[%dma_wait3A_236, %dma_wait3A_238, %dma_wait3A_239] : memref<5x64x128xf32, #tpu.memory_space<vmem>> -> memref<1x64x128xf32, #tpu.memory_space<vmem>>
        %dma_wait3A_241 = tpu.memref_squeeze %dma_wait3A_240 : memref<1x64x128xf32, #tpu.memory_space<vmem>> -> memref<64x128xf32, #tpu.memory_space<vmem>>
        %dma_wait3A_242 = arith.constant 0 : i32
        %dma_wait3A_243 = tpu.memref_slice %arg9[%dma_wait3A_237, %dma_wait3A_242] : memref<40x64xi32, #tpu.memory_space<vmem>> -> memref<1x64xi32, #tpu.memory_space<vmem>>
        %dma_wait3A_244 = tpu.memref_squeeze %dma_wait3A_243 : memref<1x64xi32, #tpu.memory_space<vmem>> -> memref<64xi32, #tpu.memory_space<vmem>>
        %dma_wait3A_245 = arith.constant 0 : i32
        %dma_wait3A_246 = arith.constant 0 : i32
        %dma_wait3A_247 = tpu.memref_slice %arg11[%dma_wait3A_245, %dma_wait3A_246] : memref<10112x128xf32, #tpu.memory_space<vmem_shared>> -> memref<10112x128xf32, #tpu.memory_space<vmem_shared>>
        tpu.wait_indirect_dma semaphore(%arg19 : memref<!tpu.dma_semaphore, #tpu.memory_space<semaphore_mem>>) src(%dma_wait3A_241 : memref<64x128xf32, #tpu.memory_space<vmem>>) dst(%dma_wait3A_247 : memref<10112x128xf32, #tpu.memory_space<vmem_shared>>)
        %dma_wait3A_248 = arith.constant 3 : i32
        %dma_wait3A_249 = arith.constant 0 : i32
        %dma_wait3A_250 = arith.constant 0 : i32
        %dma_wait3A_251 = arith.constant 0 : i32
        %dma_wait3A_252 = tpu.memref_slice %arg10[%dma_wait3A_248, %dma_wait3A_250, %dma_wait3A_251] : memref<5x64x128xf32, #tpu.memory_space<vmem>> -> memref<1x64x128xf32, #tpu.memory_space<vmem>>
        %dma_wait3A_253 = tpu.memref_squeeze %dma_wait3A_252 : memref<1x64x128xf32, #tpu.memory_space<vmem>> -> memref<64x128xf32, #tpu.memory_space<vmem>>
        %dma_wait3A_254 = arith.constant 0 : i32
        %dma_wait3A_255 = tpu.memref_slice %arg9[%dma_wait3A_249, %dma_wait3A_254] : memref<40x64xi32, #tpu.memory_space<vmem>> -> memref<1x64xi32, #tpu.memory_space<vmem>>
        %dma_wait3A_256 = tpu.memref_squeeze %dma_wait3A_255 : memref<1x64xi32, #tpu.memory_space<vmem>> -> memref<64xi32, #tpu.memory_space<vmem>>
        %dma_wait3A_257 = arith.constant 0 : i32
        %dma_wait3A_258 = arith.constant 0 : i32
        %dma_wait3A_259 = tpu.memref_slice %arg11[%dma_wait3A_257, %dma_wait3A_258] : memref<10112x128xf32, #tpu.memory_space<vmem_shared>> -> memref<10112x128xf32, #tpu.memory_space<vmem_shared>>
        tpu.wait_indirect_dma semaphore(%arg20 : memref<!tpu.dma_semaphore, #tpu.memory_space<semaphore_mem>>) src(%dma_wait3A_253 : memref<64x128xf32, #tpu.memory_space<vmem>>) dst(%dma_wait3A_259 : memref<10112x128xf32, #tpu.memory_space<vmem_shared>>)
        %dma_wait3A_260 = arith.constant 4 : i32
        %dma_wait3A_261 = arith.constant 0 : i32
        %dma_wait3A_262 = arith.constant 0 : i32
        %dma_wait3A_263 = arith.constant 0 : i32
        %dma_wait3A_264 = tpu.memref_slice %arg10[%dma_wait3A_260, %dma_wait3A_262, %dma_wait3A_263] : memref<5x64x128xf32, #tpu.memory_space<vmem>> -> memref<1x64x128xf32, #tpu.memory_space<vmem>>
        %dma_wait3A_265 = tpu.memref_squeeze %dma_wait3A_264 : memref<1x64x128xf32, #tpu.memory_space<vmem>> -> memref<64x128xf32, #tpu.memory_space<vmem>>
        %dma_wait3A_266 = arith.constant 0 : i32
        %dma_wait3A_267 = tpu.memref_slice %arg9[%dma_wait3A_261, %dma_wait3A_266] : memref<40x64xi32, #tpu.memory_space<vmem>> -> memref<1x64xi32, #tpu.memory_space<vmem>>
        %dma_wait3A_268 = tpu.memref_squeeze %dma_wait3A_267 : memref<1x64xi32, #tpu.memory_space<vmem>> -> memref<64xi32, #tpu.memory_space<vmem>>
        %dma_wait3A_269 = arith.constant 0 : i32
        %dma_wait3A_270 = arith.constant 0 : i32
        %dma_wait3A_271 = tpu.memref_slice %arg11[%dma_wait3A_269, %dma_wait3A_270] : memref<10112x128xf32, #tpu.memory_space<vmem_shared>> -> memref<10112x128xf32, #tpu.memory_space<vmem_shared>>
        tpu.wait_indirect_dma semaphore(%arg21 : memref<!tpu.dma_semaphore, #tpu.memory_space<semaphore_mem>>) src(%dma_wait3A_265 : memref<64x128xf32, #tpu.memory_space<vmem>>) dst(%dma_wait3A_271 : memref<10112x128xf32, #tpu.memory_space<vmem_shared>>)
      }
      %scan3A_22 = arith.constant 16 : i32
    } else {
    }
    %eq3A_3 = arith.constant 1 : i32
    %eq3A_4 = arith.cmpi eq, %arg0, %eq3A_3 : i32
    %convert_element_type3A_5 = arith.extui %eq3A_4 : i1 to i32
    %cond3A_6 = arith.constant 0 : i32
    %cond3A_7 = arith.cmpi ne, %convert_element_type3A_5, %cond3A_6 : i32
    scf.if %cond3A_7 {
      %scan3A = arith.constant 0 : i32
      %scan3A_18 = arith.constant 0 : i32
      %scan3A_19 = arith.constant 16 : i32
      %scan3A_20 = arith.addi %scan3A_18, %scan3A_19 : i32
      %scan3A_21 = arith.constant 1 : i32
      scf.for %scan3A_23 = %scan3A_18 to %scan3A_20 step %scan3A_21  : i32 {
        %mul3A_24 = arith.constant 40 : i32
        %mul3A_25 = arith.muli %scan3A_23, %mul3A_24 : i32
        "tpu.region"() ({
          %run_scoped3A = tpu.sem_alloc : memref<!tpu.dma_semaphore, #tpu.memory_space<semaphore_mem>>
          %dma_start3A_272 = arith.constant 0 : i32
          %dma_start3A_273 = tpu.memref_slice %arg4[%arg1, %mul3A_25, %dma_start3A_272] : memref<16x640x64xi32, #tpu.memory_space<hbm>> -> memref<1x40x64xi32, #tpu.memory_space<hbm>>
          %dma_start3A_274 = tpu.memref_squeeze %dma_start3A_273 : memref<1x40x64xi32, #tpu.memory_space<hbm>> -> memref<40x64xi32, #tpu.memory_space<hbm>>
          %dma_start3A_275 = arith.constant 0 : i32
          %dma_start3A_276 = tpu.memref_slice %arg4[%arg1, %mul3A_25, %dma_start3A_275] : memref<16x640x64xi32, #tpu.memory_space<hbm>> -> memref<1x40x64xi32, #tpu.memory_space<hbm>>
          %dma_start3A_277 = tpu.memref_squeeze %dma_start3A_276 : memref<1x40x64xi32, #tpu.memory_space<hbm>> -> memref<40x64xi32, #tpu.memory_space<hbm>>
          tpu.enqueue_dma source(%dma_start3A_277 : memref<40x64xi32, #tpu.memory_space<hbm>>) target(%arg8 : memref<40x64xi32, #tpu.memory_space<vmem>>) target_semaphore(%run_scoped3A : memref<!tpu.dma_semaphore, #tpu.memory_space<semaphore_mem>>)
          %dma_wait3A_278 = arith.constant 0 : i32
          %dma_wait3A_279 = tpu.memref_slice %arg4[%arg1, %mul3A_25, %dma_wait3A_278] : memref<16x640x64xi32, #tpu.memory_space<hbm>> -> memref<1x40x64xi32, #tpu.memory_space<hbm>>
          %dma_wait3A_280 = tpu.memref_squeeze %dma_wait3A_279 : memref<1x40x64xi32, #tpu.memory_space<hbm>> -> memref<40x64xi32, #tpu.memory_space<hbm>>
          %dma_wait3A_281 = arith.constant 0 : i32
          %dma_wait3A_282 = tpu.memref_slice %arg4[%arg1, %mul3A_25, %dma_wait3A_281] : memref<16x640x64xi32, #tpu.memory_space<hbm>> -> memref<1x40x64xi32, #tpu.memory_space<hbm>>
          %dma_wait3A_283 = tpu.memref_squeeze %dma_wait3A_282 : memref<1x40x64xi32, #tpu.memory_space<hbm>> -> memref<40x64xi32, #tpu.memory_space<hbm>>
          tpu.wait_dma2 semaphore(%run_scoped3A : memref<!tpu.dma_semaphore, #tpu.memory_space<semaphore_mem>>) src(%dma_wait3A_283 : memref<40x64xi32, #tpu.memory_space<hbm>>) dst(%arg8 : memref<40x64xi32, #tpu.memory_space<vmem>>)
          tpu.yield
        }) : () -> ()
        %mul3A_26 = arith.constant 40 : i32
        %mul3A_27 = arith.muli %scan3A_23, %mul3A_26 : i32
        "tpu.region"() ({
          %run_scoped3A = tpu.sem_alloc : memref<!tpu.dma_semaphore, #tpu.memory_space<semaphore_mem>>
          %dma_start3A_272 = arith.constant 0 : i32
          %dma_start3A_273 = tpu.memref_slice %arg5[%arg1, %mul3A_27, %dma_start3A_272] : memref<16x640x64xi32, #tpu.memory_space<hbm>> -> memref<1x40x64xi32, #tpu.memory_space<hbm>>
          %dma_start3A_274 = tpu.memref_squeeze %dma_start3A_273 : memref<1x40x64xi32, #tpu.memory_space<hbm>> -> memref<40x64xi32, #tpu.memory_space<hbm>>
          %dma_start3A_275 = arith.constant 0 : i32
          %dma_start3A_276 = tpu.memref_slice %arg5[%arg1, %mul3A_27, %dma_start3A_275] : memref<16x640x64xi32, #tpu.memory_space<hbm>> -> memref<1x40x64xi32, #tpu.memory_space<hbm>>
          %dma_start3A_277 = tpu.memref_squeeze %dma_start3A_276 : memref<1x40x64xi32, #tpu.memory_space<hbm>> -> memref<40x64xi32, #tpu.memory_space<hbm>>
          tpu.enqueue_dma source(%dma_start3A_277 : memref<40x64xi32, #tpu.memory_space<hbm>>) target(%arg9 : memref<40x64xi32, #tpu.memory_space<vmem>>) target_semaphore(%run_scoped3A : memref<!tpu.dma_semaphore, #tpu.memory_space<semaphore_mem>>)
          %dma_wait3A_278 = arith.constant 0 : i32
          %dma_wait3A_279 = tpu.memref_slice %arg5[%arg1, %mul3A_27, %dma_wait3A_278] : memref<16x640x64xi32, #tpu.memory_space<hbm>> -> memref<1x40x64xi32, #tpu.memory_space<hbm>>
          %dma_wait3A_280 = tpu.memref_squeeze %dma_wait3A_279 : memref<1x40x64xi32, #tpu.memory_space<hbm>> -> memref<40x64xi32, #tpu.memory_space<hbm>>
          %dma_wait3A_281 = arith.constant 0 : i32
          %dma_wait3A_282 = tpu.memref_slice %arg5[%arg1, %mul3A_27, %dma_wait3A_281] : memref<16x640x64xi32, #tpu.memory_space<hbm>> -> memref<1x40x64xi32, #tpu.memory_space<hbm>>
          %dma_wait3A_283 = tpu.memref_squeeze %dma_wait3A_282 : memref<1x40x64xi32, #tpu.memory_space<hbm>> -> memref<40x64xi32, #tpu.memory_space<hbm>>
          tpu.wait_dma2 semaphore(%run_scoped3A : memref<!tpu.dma_semaphore, #tpu.memory_space<semaphore_mem>>) src(%dma_wait3A_283 : memref<40x64xi32, #tpu.memory_space<hbm>>) dst(%arg9 : memref<40x64xi32, #tpu.memory_space<vmem>>)
          tpu.yield
        }) : () -> ()
        %dma_start3A = arith.constant 0 : i32
        %dma_start3A_28 = arith.constant 0 : i32
        %dma_start3A_29 = arith.constant 0 : i32
        %dma_start3A_30 = arith.constant 0 : i32
        %dma_start3A_31 = tpu.memref_slice %arg10[%dma_start3A_28, %dma_start3A_29, %dma_start3A_30] : memref<5x64x128xf32, #tpu.memory_space<vmem>> -> memref<1x64x128xf32, #tpu.memory_space<vmem>>
        %dma_start3A_32 = tpu.memref_squeeze %dma_start3A_31 : memref<1x64x128xf32, #tpu.memory_space<vmem>> -> memref<64x128xf32, #tpu.memory_space<vmem>>
        %dma_start3A_33 = arith.constant 0 : i32
        %dma_start3A_34 = tpu.memref_slice %arg8[%dma_start3A, %dma_start3A_33] : memref<40x64xi32, #tpu.memory_space<vmem>> -> memref<1x64xi32, #tpu.memory_space<vmem>>
        %dma_start3A_35 = tpu.memref_squeeze %dma_start3A_34 : memref<1x64xi32, #tpu.memory_space<vmem>> -> memref<64xi32, #tpu.memory_space<vmem>>
        %dma_start3A_36 = arith.constant 0 : i32
        %dma_start3A_37 = arith.constant 0 : i32
        %dma_start3A_38 = tpu.memref_slice %arg3[%dma_start3A_36, %dma_start3A_37] : memref<10000x128xf32, #tpu.memory_space<hbm>> -> memref<10000x128xf32, #tpu.memory_space<hbm>>
        tpu.enqueue_indirect_dma source(%dma_start3A_38 : memref<10000x128xf32, #tpu.memory_space<hbm>>) target(%dma_start3A_32 : memref<64x128xf32, #tpu.memory_space<vmem>>) offsets(%dma_start3A_35 : memref<64xi32, #tpu.memory_space<vmem>>) semaphore(%arg12 : memref<!tpu.dma_semaphore, #tpu.memory_space<semaphore_mem>>)
        %dma_start3A_39 = arith.constant 1 : i32
        %dma_start3A_40 = arith.constant 1 : i32
        %dma_start3A_41 = arith.constant 0 : i32
        %dma_start3A_42 = arith.constant 0 : i32
        %dma_start3A_43 = tpu.memref_slice %arg10[%dma_start3A_40, %dma_start3A_41, %dma_start3A_42] : memref<5x64x128xf32, #tpu.memory_space<vmem>> -> memref<1x64x128xf32, #tpu.memory_space<vmem>>
        %dma_start3A_44 = tpu.memref_squeeze %dma_start3A_43 : memref<1x64x128xf32, #tpu.memory_space<vmem>> -> memref<64x128xf32, #tpu.memory_space<vmem>>
        %dma_start3A_45 = arith.constant 0 : i32
        %dma_start3A_46 = tpu.memref_slice %arg8[%dma_start3A_39, %dma_start3A_45] : memref<40x64xi32, #tpu.memory_space<vmem>> -> memref<1x64xi32, #tpu.memory_space<vmem>>
        %dma_start3A_47 = tpu.memref_squeeze %dma_start3A_46 : memref<1x64xi32, #tpu.memory_space<vmem>> -> memref<64xi32, #tpu.memory_space<vmem>>
        %dma_start3A_48 = arith.constant 0 : i32
        %dma_start3A_49 = arith.constant 0 : i32
        %dma_start3A_50 = tpu.memref_slice %arg3[%dma_start3A_48, %dma_start3A_49] : memref<10000x128xf32, #tpu.memory_space<hbm>> -> memref<10000x128xf32, #tpu.memory_space<hbm>>
        tpu.enqueue_indirect_dma source(%dma_start3A_50 : memref<10000x128xf32, #tpu.memory_space<hbm>>) target(%dma_start3A_44 : memref<64x128xf32, #tpu.memory_space<vmem>>) offsets(%dma_start3A_47 : memref<64xi32, #tpu.memory_space<vmem>>) semaphore(%arg13 : memref<!tpu.dma_semaphore, #tpu.memory_space<semaphore_mem>>)
        %dma_start3A_51 = arith.constant 2 : i32
        %dma_start3A_52 = arith.constant 2 : i32
        %dma_start3A_53 = arith.constant 0 : i32
        %dma_start3A_54 = arith.constant 0 : i32
        %dma_start3A_55 = tpu.memref_slice %arg10[%dma_start3A_52, %dma_start3A_53, %dma_start3A_54] : memref<5x64x128xf32, #tpu.memory_space<vmem>> -> memref<1x64x128xf32, #tpu.memory_space<vmem>>
        %dma_start3A_56 = tpu.memref_squeeze %dma_start3A_55 : memref<1x64x128xf32, #tpu.memory_space<vmem>> -> memref<64x128xf32, #tpu.memory_space<vmem>>
        %dma_start3A_57 = arith.constant 0 : i32
        %dma_start3A_58 = tpu.memref_slice %arg8[%dma_start3A_51, %dma_start3A_57] : memref<40x64xi32, #tpu.memory_space<vmem>> -> memref<1x64xi32, #tpu.memory_space<vmem>>
        %dma_start3A_59 = tpu.memref_squeeze %dma_start3A_58 : memref<1x64xi32, #tpu.memory_space<vmem>> -> memref<64xi32, #tpu.memory_space<vmem>>
        %dma_start3A_60 = arith.constant 0 : i32
        %dma_start3A_61 = arith.constant 0 : i32
        %dma_start3A_62 = tpu.memref_slice %arg3[%dma_start3A_60, %dma_start3A_61] : memref<10000x128xf32, #tpu.memory_space<hbm>> -> memref<10000x128xf32, #tpu.memory_space<hbm>>
        tpu.enqueue_indirect_dma source(%dma_start3A_62 : memref<10000x128xf32, #tpu.memory_space<hbm>>) target(%dma_start3A_56 : memref<64x128xf32, #tpu.memory_space<vmem>>) offsets(%dma_start3A_59 : memref<64xi32, #tpu.memory_space<vmem>>) semaphore(%arg14 : memref<!tpu.dma_semaphore, #tpu.memory_space<semaphore_mem>>)
        %dma_start3A_63 = arith.constant 3 : i32
        %dma_start3A_64 = arith.constant 3 : i32
        %dma_start3A_65 = arith.constant 0 : i32
        %dma_start3A_66 = arith.constant 0 : i32
        %dma_start3A_67 = tpu.memref_slice %arg10[%dma_start3A_64, %dma_start3A_65, %dma_start3A_66] : memref<5x64x128xf32, #tpu.memory_space<vmem>> -> memref<1x64x128xf32, #tpu.memory_space<vmem>>
        %dma_start3A_68 = tpu.memref_squeeze %dma_start3A_67 : memref<1x64x128xf32, #tpu.memory_space<vmem>> -> memref<64x128xf32, #tpu.memory_space<vmem>>
        %dma_start3A_69 = arith.constant 0 : i32
        %dma_start3A_70 = tpu.memref_slice %arg8[%dma_start3A_63, %dma_start3A_69] : memref<40x64xi32, #tpu.memory_space<vmem>> -> memref<1x64xi32, #tpu.memory_space<vmem>>
        %dma_start3A_71 = tpu.memref_squeeze %dma_start3A_70 : memref<1x64xi32, #tpu.memory_space<vmem>> -> memref<64xi32, #tpu.memory_space<vmem>>
        %dma_start3A_72 = arith.constant 0 : i32
        %dma_start3A_73 = arith.constant 0 : i32
        %dma_start3A_74 = tpu.memref_slice %arg3[%dma_start3A_72, %dma_start3A_73] : memref<10000x128xf32, #tpu.memory_space<hbm>> -> memref<10000x128xf32, #tpu.memory_space<hbm>>
        tpu.enqueue_indirect_dma source(%dma_start3A_74 : memref<10000x128xf32, #tpu.memory_space<hbm>>) target(%dma_start3A_68 : memref<64x128xf32, #tpu.memory_space<vmem>>) offsets(%dma_start3A_71 : memref<64xi32, #tpu.memory_space<vmem>>) semaphore(%arg15 : memref<!tpu.dma_semaphore, #tpu.memory_space<semaphore_mem>>)
        %dma_start3A_75 = arith.constant 4 : i32
        %dma_start3A_76 = arith.constant 4 : i32
        %dma_start3A_77 = arith.constant 0 : i32
        %dma_start3A_78 = arith.constant 0 : i32
        %dma_start3A_79 = tpu.memref_slice %arg10[%dma_start3A_76, %dma_start3A_77, %dma_start3A_78] : memref<5x64x128xf32, #tpu.memory_space<vmem>> -> memref<1x64x128xf32, #tpu.memory_space<vmem>>
        %dma_start3A_80 = tpu.memref_squeeze %dma_start3A_79 : memref<1x64x128xf32, #tpu.memory_space<vmem>> -> memref<64x128xf32, #tpu.memory_space<vmem>>
        %dma_start3A_81 = arith.constant 0 : i32
        %dma_start3A_82 = tpu.memref_slice %arg8[%dma_start3A_75, %dma_start3A_81] : memref<40x64xi32, #tpu.memory_space<vmem>> -> memref<1x64xi32, #tpu.memory_space<vmem>>
        %dma_start3A_83 = tpu.memref_squeeze %dma_start3A_82 : memref<1x64xi32, #tpu.memory_space<vmem>> -> memref<64xi32, #tpu.memory_space<vmem>>
        %dma_start3A_84 = arith.constant 0 : i32
        %dma_start3A_85 = arith.constant 0 : i32
        %dma_start3A_86 = tpu.memref_slice %arg3[%dma_start3A_84, %dma_start3A_85] : memref<10000x128xf32, #tpu.memory_space<hbm>> -> memref<10000x128xf32, #tpu.memory_space<hbm>>
        tpu.enqueue_indirect_dma source(%dma_start3A_86 : memref<10000x128xf32, #tpu.memory_space<hbm>>) target(%dma_start3A_80 : memref<64x128xf32, #tpu.memory_space<vmem>>) offsets(%dma_start3A_83 : memref<64xi32, #tpu.memory_space<vmem>>) semaphore(%arg16 : memref<!tpu.dma_semaphore, #tpu.memory_space<semaphore_mem>>)
        %dma_wait3A = arith.constant 0 : i32
        %dma_wait3A_87 = arith.constant 0 : i32
        %dma_wait3A_88 = arith.constant 0 : i32
        %dma_wait3A_89 = arith.constant 0 : i32
        %dma_wait3A_90 = tpu.memref_slice %arg10[%dma_wait3A_87, %dma_wait3A_88, %dma_wait3A_89] : memref<5x64x128xf32, #tpu.memory_space<vmem>> -> memref<1x64x128xf32, #tpu.memory_space<vmem>>
        %dma_wait3A_91 = tpu.memref_squeeze %dma_wait3A_90 : memref<1x64x128xf32, #tpu.memory_space<vmem>> -> memref<64x128xf32, #tpu.memory_space<vmem>>
        %dma_wait3A_92 = arith.constant 0 : i32
        %dma_wait3A_93 = tpu.memref_slice %arg8[%dma_wait3A, %dma_wait3A_92] : memref<40x64xi32, #tpu.memory_space<vmem>> -> memref<1x64xi32, #tpu.memory_space<vmem>>
        %dma_wait3A_94 = tpu.memref_squeeze %dma_wait3A_93 : memref<1x64xi32, #tpu.memory_space<vmem>> -> memref<64xi32, #tpu.memory_space<vmem>>
        %dma_wait3A_95 = arith.constant 0 : i32
        %dma_wait3A_96 = arith.constant 0 : i32
        %dma_wait3A_97 = tpu.memref_slice %arg3[%dma_wait3A_95, %dma_wait3A_96] : memref<10000x128xf32, #tpu.memory_space<hbm>> -> memref<10000x128xf32, #tpu.memory_space<hbm>>
        tpu.wait_indirect_dma semaphore(%arg12 : memref<!tpu.dma_semaphore, #tpu.memory_space<semaphore_mem>>) src(%dma_wait3A_97 : memref<10000x128xf32, #tpu.memory_space<hbm>>) dst(%dma_wait3A_91 : memref<64x128xf32, #tpu.memory_space<vmem>>)
        %dma_start3A_98 = arith.constant 0 : i32
        %dma_start3A_99 = arith.constant 0 : i32
        %dma_start3A_100 = arith.constant 0 : i32
        %dma_start3A_101 = arith.constant 0 : i32
        %dma_start3A_102 = tpu.memref_slice %arg10[%dma_start3A_98, %dma_start3A_100, %dma_start3A_101] : memref<5x64x128xf32, #tpu.memory_space<vmem>> -> memref<1x64x128xf32, #tpu.memory_space<vmem>>
        %dma_start3A_103 = tpu.memref_squeeze %dma_start3A_102 : memref<1x64x128xf32, #tpu.memory_space<vmem>> -> memref<64x128xf32, #tpu.memory_space<vmem>>
        %dma_start3A_104 = arith.constant 0 : i32
        %dma_start3A_105 = tpu.memref_slice %arg9[%dma_start3A_99, %dma_start3A_104] : memref<40x64xi32, #tpu.memory_space<vmem>> -> memref<1x64xi32, #tpu.memory_space<vmem>>
        %dma_start3A_106 = tpu.memref_squeeze %dma_start3A_105 : memref<1x64xi32, #tpu.memory_space<vmem>> -> memref<64xi32, #tpu.memory_space<vmem>>
        %dma_start3A_107 = arith.constant 0 : i32
        %dma_start3A_108 = arith.constant 0 : i32
        %dma_start3A_109 = tpu.memref_slice %arg11[%dma_start3A_107, %dma_start3A_108] : memref<10112x128xf32, #tpu.memory_space<vmem_shared>> -> memref<10112x128xf32, #tpu.memory_space<vmem_shared>>
        tpu.enqueue_indirect_dma source(%dma_start3A_103 : memref<64x128xf32, #tpu.memory_space<vmem>>) target(%dma_start3A_109 : memref<10112x128xf32, #tpu.memory_space<vmem_shared>>) offsets(%dma_start3A_106 : memref<64xi32, #tpu.memory_space<vmem>>) semaphore(%arg17 : memref<!tpu.dma_semaphore, #tpu.memory_space<semaphore_mem>>) {add = true}
        %dma_wait3A_110 = arith.constant 0 : i32
        %dma_wait3A_111 = arith.constant 1 : i32
        %dma_wait3A_112 = arith.constant 0 : i32
        %dma_wait3A_113 = arith.constant 0 : i32
        %dma_wait3A_114 = tpu.memref_slice %arg10[%dma_wait3A_111, %dma_wait3A_112, %dma_wait3A_113] : memref<5x64x128xf32, #tpu.memory_space<vmem>> -> memref<1x64x128xf32, #tpu.memory_space<vmem>>
        %dma_wait3A_115 = tpu.memref_squeeze %dma_wait3A_114 : memref<1x64x128xf32, #tpu.memory_space<vmem>> -> memref<64x128xf32, #tpu.memory_space<vmem>>
        %dma_wait3A_116 = arith.constant 0 : i32
        %dma_wait3A_117 = tpu.memref_slice %arg8[%dma_wait3A_110, %dma_wait3A_116] : memref<40x64xi32, #tpu.memory_space<vmem>> -> memref<1x64xi32, #tpu.memory_space<vmem>>
        %dma_wait3A_118 = tpu.memref_squeeze %dma_wait3A_117 : memref<1x64xi32, #tpu.memory_space<vmem>> -> memref<64xi32, #tpu.memory_space<vmem>>
        %dma_wait3A_119 = arith.constant 0 : i32
        %dma_wait3A_120 = arith.constant 0 : i32
        %dma_wait3A_121 = tpu.memref_slice %arg3[%dma_wait3A_119, %dma_wait3A_120] : memref<10000x128xf32, #tpu.memory_space<hbm>> -> memref<10000x128xf32, #tpu.memory_space<hbm>>
        tpu.wait_indirect_dma semaphore(%arg13 : memref<!tpu.dma_semaphore, #tpu.memory_space<semaphore_mem>>) src(%dma_wait3A_121 : memref<10000x128xf32, #tpu.memory_space<hbm>>) dst(%dma_wait3A_115 : memref<64x128xf32, #tpu.memory_space<vmem>>)
        %dma_start3A_122 = arith.constant 1 : i32
        %dma_start3A_123 = arith.constant 1 : i32
        %dma_start3A_124 = arith.constant 0 : i32
        %dma_start3A_125 = arith.constant 0 : i32
        %dma_start3A_126 = tpu.memref_slice %arg10[%dma_start3A_122, %dma_start3A_124, %dma_start3A_125] : memref<5x64x128xf32, #tpu.memory_space<vmem>> -> memref<1x64x128xf32, #tpu.memory_space<vmem>>
        %dma_start3A_127 = tpu.memref_squeeze %dma_start3A_126 : memref<1x64x128xf32, #tpu.memory_space<vmem>> -> memref<64x128xf32, #tpu.memory_space<vmem>>
        %dma_start3A_128 = arith.constant 0 : i32
        %dma_start3A_129 = tpu.memref_slice %arg9[%dma_start3A_123, %dma_start3A_128] : memref<40x64xi32, #tpu.memory_space<vmem>> -> memref<1x64xi32, #tpu.memory_space<vmem>>
        %dma_start3A_130 = tpu.memref_squeeze %dma_start3A_129 : memref<1x64xi32, #tpu.memory_space<vmem>> -> memref<64xi32, #tpu.memory_space<vmem>>
        %dma_start3A_131 = arith.constant 0 : i32
        %dma_start3A_132 = arith.constant 0 : i32
        %dma_start3A_133 = tpu.memref_slice %arg11[%dma_start3A_131, %dma_start3A_132] : memref<10112x128xf32, #tpu.memory_space<vmem_shared>> -> memref<10112x128xf32, #tpu.memory_space<vmem_shared>>
        tpu.enqueue_indirect_dma source(%dma_start3A_127 : memref<64x128xf32, #tpu.memory_space<vmem>>) target(%dma_start3A_133 : memref<10112x128xf32, #tpu.memory_space<vmem_shared>>) offsets(%dma_start3A_130 : memref<64xi32, #tpu.memory_space<vmem>>) semaphore(%arg18 : memref<!tpu.dma_semaphore, #tpu.memory_space<semaphore_mem>>) {add = true}
        %dma_wait3A_134 = arith.constant 0 : i32
        %dma_wait3A_135 = arith.constant 2 : i32
        %dma_wait3A_136 = arith.constant 0 : i32
        %dma_wait3A_137 = arith.constant 0 : i32
        %dma_wait3A_138 = tpu.memref_slice %arg10[%dma_wait3A_135, %dma_wait3A_136, %dma_wait3A_137] : memref<5x64x128xf32, #tpu.memory_space<vmem>> -> memref<1x64x128xf32, #tpu.memory_space<vmem>>
        %dma_wait3A_139 = tpu.memref_squeeze %dma_wait3A_138 : memref<1x64x128xf32, #tpu.memory_space<vmem>> -> memref<64x128xf32, #tpu.memory_space<vmem>>
        %dma_wait3A_140 = arith.constant 0 : i32
        %dma_wait3A_141 = tpu.memref_slice %arg8[%dma_wait3A_134, %dma_wait3A_140] : memref<40x64xi32, #tpu.memory_space<vmem>> -> memref<1x64xi32, #tpu.memory_space<vmem>>
        %dma_wait3A_142 = tpu.memref_squeeze %dma_wait3A_141 : memref<1x64xi32, #tpu.memory_space<vmem>> -> memref<64xi32, #tpu.memory_space<vmem>>
        %dma_wait3A_143 = arith.constant 0 : i32
        %dma_wait3A_144 = arith.constant 0 : i32
        %dma_wait3A_145 = tpu.memref_slice %arg3[%dma_wait3A_143, %dma_wait3A_144] : memref<10000x128xf32, #tpu.memory_space<hbm>> -> memref<10000x128xf32, #tpu.memory_space<hbm>>
        tpu.wait_indirect_dma semaphore(%arg14 : memref<!tpu.dma_semaphore, #tpu.memory_space<semaphore_mem>>) src(%dma_wait3A_145 : memref<10000x128xf32, #tpu.memory_space<hbm>>) dst(%dma_wait3A_139 : memref<64x128xf32, #tpu.memory_space<vmem>>)
        %dma_start3A_146 = arith.constant 2 : i32
        %dma_start3A_147 = arith.constant 2 : i32
        %dma_start3A_148 = arith.constant 0 : i32
        %dma_start3A_149 = arith.constant 0 : i32
        %dma_start3A_150 = tpu.memref_slice %arg10[%dma_start3A_146, %dma_start3A_148, %dma_start3A_149] : memref<5x64x128xf32, #tpu.memory_space<vmem>> -> memref<1x64x128xf32, #tpu.memory_space<vmem>>
        %dma_start3A_151 = tpu.memref_squeeze %dma_start3A_150 : memref<1x64x128xf32, #tpu.memory_space<vmem>> -> memref<64x128xf32, #tpu.memory_space<vmem>>
        %dma_start3A_152 = arith.constant 0 : i32
        %dma_start3A_153 = tpu.memref_slice %arg9[%dma_start3A_147, %dma_start3A_152] : memref<40x64xi32, #tpu.memory_space<vmem>> -> memref<1x64xi32, #tpu.memory_space<vmem>>
        %dma_start3A_154 = tpu.memref_squeeze %dma_start3A_153 : memref<1x64xi32, #tpu.memory_space<vmem>> -> memref<64xi32, #tpu.memory_space<vmem>>
        %dma_start3A_155 = arith.constant 0 : i32
        %dma_start3A_156 = arith.constant 0 : i32
        %dma_start3A_157 = tpu.memref_slice %arg11[%dma_start3A_155, %dma_start3A_156] : memref<10112x128xf32, #tpu.memory_space<vmem_shared>> -> memref<10112x128xf32, #tpu.memory_space<vmem_shared>>
        tpu.enqueue_indirect_dma source(%dma_start3A_151 : memref<64x128xf32, #tpu.memory_space<vmem>>) target(%dma_start3A_157 : memref<10112x128xf32, #tpu.memory_space<vmem_shared>>) offsets(%dma_start3A_154 : memref<64xi32, #tpu.memory_space<vmem>>) semaphore(%arg19 : memref<!tpu.dma_semaphore, #tpu.memory_space<semaphore_mem>>) {add = true}
        %dma_wait3A_158 = arith.constant 0 : i32
        %dma_wait3A_159 = arith.constant 3 : i32
        %dma_wait3A_160 = arith.constant 0 : i32
        %dma_wait3A_161 = arith.constant 0 : i32
        %dma_wait3A_162 = tpu.memref_slice %arg10[%dma_wait3A_159, %dma_wait3A_160, %dma_wait3A_161] : memref<5x64x128xf32, #tpu.memory_space<vmem>> -> memref<1x64x128xf32, #tpu.memory_space<vmem>>
        %dma_wait3A_163 = tpu.memref_squeeze %dma_wait3A_162 : memref<1x64x128xf32, #tpu.memory_space<vmem>> -> memref<64x128xf32, #tpu.memory_space<vmem>>
        %dma_wait3A_164 = arith.constant 0 : i32
        %dma_wait3A_165 = tpu.memref_slice %arg8[%dma_wait3A_158, %dma_wait3A_164] : memref<40x64xi32, #tpu.memory_space<vmem>> -> memref<1x64xi32, #tpu.memory_space<vmem>>
        %dma_wait3A_166 = tpu.memref_squeeze %dma_wait3A_165 : memref<1x64xi32, #tpu.memory_space<vmem>> -> memref<64xi32, #tpu.memory_space<vmem>>
        %dma_wait3A_167 = arith.constant 0 : i32
        %dma_wait3A_168 = arith.constant 0 : i32
        %dma_wait3A_169 = tpu.memref_slice %arg3[%dma_wait3A_167, %dma_wait3A_168] : memref<10000x128xf32, #tpu.memory_space<hbm>> -> memref<10000x128xf32, #tpu.memory_space<hbm>>
        tpu.wait_indirect_dma semaphore(%arg15 : memref<!tpu.dma_semaphore, #tpu.memory_space<semaphore_mem>>) src(%dma_wait3A_169 : memref<10000x128xf32, #tpu.memory_space<hbm>>) dst(%dma_wait3A_163 : memref<64x128xf32, #tpu.memory_space<vmem>>)
        %dma_start3A_170 = arith.constant 3 : i32
        %dma_start3A_171 = arith.constant 3 : i32
        %dma_start3A_172 = arith.constant 0 : i32
        %dma_start3A_173 = arith.constant 0 : i32
        %dma_start3A_174 = tpu.memref_slice %arg10[%dma_start3A_170, %dma_start3A_172, %dma_start3A_173] : memref<5x64x128xf32, #tpu.memory_space<vmem>> -> memref<1x64x128xf32, #tpu.memory_space<vmem>>
        %dma_start3A_175 = tpu.memref_squeeze %dma_start3A_174 : memref<1x64x128xf32, #tpu.memory_space<vmem>> -> memref<64x128xf32, #tpu.memory_space<vmem>>
        %dma_start3A_176 = arith.constant 0 : i32
        %dma_start3A_177 = tpu.memref_slice %arg9[%dma_start3A_171, %dma_start3A_176] : memref<40x64xi32, #tpu.memory_space<vmem>> -> memref<1x64xi32, #tpu.memory_space<vmem>>
        %dma_start3A_178 = tpu.memref_squeeze %dma_start3A_177 : memref<1x64xi32, #tpu.memory_space<vmem>> -> memref<64xi32, #tpu.memory_space<vmem>>
        %dma_start3A_179 = arith.constant 0 : i32
        %dma_start3A_180 = arith.constant 0 : i32
        %dma_start3A_181 = tpu.memref_slice %arg11[%dma_start3A_179, %dma_start3A_180] : memref<10112x128xf32, #tpu.memory_space<vmem_shared>> -> memref<10112x128xf32, #tpu.memory_space<vmem_shared>>
        tpu.enqueue_indirect_dma source(%dma_start3A_175 : memref<64x128xf32, #tpu.memory_space<vmem>>) target(%dma_start3A_181 : memref<10112x128xf32, #tpu.memory_space<vmem_shared>>) offsets(%dma_start3A_178 : memref<64xi32, #tpu.memory_space<vmem>>) semaphore(%arg20 : memref<!tpu.dma_semaphore, #tpu.memory_space<semaphore_mem>>) {add = true}
        %dma_wait3A_182 = arith.constant 0 : i32
        %dma_wait3A_183 = arith.constant 4 : i32
        %dma_wait3A_184 = arith.constant 0 : i32
        %dma_wait3A_185 = arith.constant 0 : i32
        %dma_wait3A_186 = tpu.memref_slice %arg10[%dma_wait3A_183, %dma_wait3A_184, %dma_wait3A_185] : memref<5x64x128xf32, #tpu.memory_space<vmem>> -> memref<1x64x128xf32, #tpu.memory_space<vmem>>
        %dma_wait3A_187 = tpu.memref_squeeze %dma_wait3A_186 : memref<1x64x128xf32, #tpu.memory_space<vmem>> -> memref<64x128xf32, #tpu.memory_space<vmem>>
        %dma_wait3A_188 = arith.constant 0 : i32
        %dma_wait3A_189 = tpu.memref_slice %arg8[%dma_wait3A_182, %dma_wait3A_188] : memref<40x64xi32, #tpu.memory_space<vmem>> -> memref<1x64xi32, #tpu.memory_space<vmem>>
        %dma_wait3A_190 = tpu.memref_squeeze %dma_wait3A_189 : memref<1x64xi32, #tpu.memory_space<vmem>> -> memref<64xi32, #tpu.memory_space<vmem>>
        %dma_wait3A_191 = arith.constant 0 : i32
        %dma_wait3A_192 = arith.constant 0 : i32
        %dma_wait3A_193 = tpu.memref_slice %arg3[%dma_wait3A_191, %dma_wait3A_192] : memref<10000x128xf32, #tpu.memory_space<hbm>> -> memref<10000x128xf32, #tpu.memory_space<hbm>>
        tpu.wait_indirect_dma semaphore(%arg16 : memref<!tpu.dma_semaphore, #tpu.memory_space<semaphore_mem>>) src(%dma_wait3A_193 : memref<10000x128xf32, #tpu.memory_space<hbm>>) dst(%dma_wait3A_187 : memref<64x128xf32, #tpu.memory_space<vmem>>)
        %dma_start3A_194 = arith.constant 4 : i32
        %dma_start3A_195 = arith.constant 4 : i32
        %dma_start3A_196 = arith.constant 0 : i32
        %dma_start3A_197 = arith.constant 0 : i32
        %dma_start3A_198 = tpu.memref_slice %arg10[%dma_start3A_194, %dma_start3A_196, %dma_start3A_197] : memref<5x64x128xf32, #tpu.memory_space<vmem>> -> memref<1x64x128xf32, #tpu.memory_space<vmem>>
        %dma_start3A_199 = tpu.memref_squeeze %dma_start3A_198 : memref<1x64x128xf32, #tpu.memory_space<vmem>> -> memref<64x128xf32, #tpu.memory_space<vmem>>
        %dma_start3A_200 = arith.constant 0 : i32
        %dma_start3A_201 = tpu.memref_slice %arg9[%dma_start3A_195, %dma_start3A_200] : memref<40x64xi32, #tpu.memory_space<vmem>> -> memref<1x64xi32, #tpu.memory_space<vmem>>
        %dma_start3A_202 = tpu.memref_squeeze %dma_start3A_201 : memref<1x64xi32, #tpu.memory_space<vmem>> -> memref<64xi32, #tpu.memory_space<vmem>>
        %dma_start3A_203 = arith.constant 0 : i32
        %dma_start3A_204 = arith.constant 0 : i32
        %dma_start3A_205 = tpu.memref_slice %arg11[%dma_start3A_203, %dma_start3A_204] : memref<10112x128xf32, #tpu.memory_space<vmem_shared>> -> memref<10112x128xf32, #tpu.memory_space<vmem_shared>>
        tpu.enqueue_indirect_dma source(%dma_start3A_199 : memref<64x128xf32, #tpu.memory_space<vmem>>) target(%dma_start3A_205 : memref<10112x128xf32, #tpu.memory_space<vmem_shared>>) offsets(%dma_start3A_202 : memref<64xi32, #tpu.memory_space<vmem>>) semaphore(%arg21 : memref<!tpu.dma_semaphore, #tpu.memory_space<semaphore_mem>>) {add = true}
        %scan3A_206 = arith.constant 0 : i32
        %scan3A_207 = arith.constant 1 : i32
        %scan3A_208 = arith.constant 7 : i32
        %scan3A_209 = arith.addi %scan3A_207, %scan3A_208 : i32
        %scan3A_210 = arith.constant 1 : i32
        scf.for %scan3A_272 = %scan3A_207 to %scan3A_209 step %scan3A_210  : i32 {
          %mul3A_273 = arith.constant 5 : i32
          %mul3A_274 = arith.muli %scan3A_272, %mul3A_273 : i32
          %dma_wait3A_275 = arith.constant 0 : i32
          %dma_wait3A_276 = arith.constant 0 : i32
          %dma_wait3A_277 = arith.constant 0 : i32
          %dma_wait3A_278 = arith.constant 0 : i32
          %dma_wait3A_279 = tpu.memref_slice %arg10[%dma_wait3A_275, %dma_wait3A_277, %dma_wait3A_278] : memref<5x64x128xf32, #tpu.memory_space<vmem>> -> memref<1x64x128xf32, #tpu.memory_space<vmem>>
          %dma_wait3A_280 = tpu.memref_squeeze %dma_wait3A_279 : memref<1x64x128xf32, #tpu.memory_space<vmem>> -> memref<64x128xf32, #tpu.memory_space<vmem>>
          %dma_wait3A_281 = arith.constant 0 : i32
          %dma_wait3A_282 = tpu.memref_slice %arg9[%dma_wait3A_276, %dma_wait3A_281] : memref<40x64xi32, #tpu.memory_space<vmem>> -> memref<1x64xi32, #tpu.memory_space<vmem>>
          %dma_wait3A_283 = tpu.memref_squeeze %dma_wait3A_282 : memref<1x64xi32, #tpu.memory_space<vmem>> -> memref<64xi32, #tpu.memory_space<vmem>>
          %dma_wait3A_284 = arith.constant 0 : i32
          %dma_wait3A_285 = arith.constant 0 : i32
          %dma_wait3A_286 = tpu.memref_slice %arg11[%dma_wait3A_284, %dma_wait3A_285] : memref<10112x128xf32, #tpu.memory_space<vmem_shared>> -> memref<10112x128xf32, #tpu.memory_space<vmem_shared>>
          tpu.wait_indirect_dma semaphore(%arg17 : memref<!tpu.dma_semaphore, #tpu.memory_space<semaphore_mem>>) src(%dma_wait3A_280 : memref<64x128xf32, #tpu.memory_space<vmem>>) dst(%dma_wait3A_286 : memref<10112x128xf32, #tpu.memory_space<vmem_shared>>)
          %add3A = arith.constant 0 : i32
          %add3A_287 = arith.addi %mul3A_274, %add3A : i32
          %dma_start3A_288 = arith.constant 0 : i32
          %dma_start3A_289 = arith.constant 0 : i32
          %dma_start3A_290 = arith.constant 0 : i32
          %dma_start3A_291 = tpu.memref_slice %arg10[%dma_start3A_288, %dma_start3A_289, %dma_start3A_290] : memref<5x64x128xf32, #tpu.memory_space<vmem>> -> memref<1x64x128xf32, #tpu.memory_space<vmem>>
          %dma_start3A_292 = tpu.memref_squeeze %dma_start3A_291 : memref<1x64x128xf32, #tpu.memory_space<vmem>> -> memref<64x128xf32, #tpu.memory_space<vmem>>
          %dma_start3A_293 = arith.constant 0 : i32
          %dma_start3A_294 = tpu.memref_slice %arg8[%add3A_287, %dma_start3A_293] : memref<40x64xi32, #tpu.memory_space<vmem>> -> memref<1x64xi32, #tpu.memory_space<vmem>>
          %dma_start3A_295 = tpu.memref_squeeze %dma_start3A_294 : memref<1x64xi32, #tpu.memory_space<vmem>> -> memref<64xi32, #tpu.memory_space<vmem>>
          %dma_start3A_296 = arith.constant 0 : i32
          %dma_start3A_297 = arith.constant 0 : i32
          %dma_start3A_298 = tpu.memref_slice %arg3[%dma_start3A_296, %dma_start3A_297] : memref<10000x128xf32, #tpu.memory_space<hbm>> -> memref<10000x128xf32, #tpu.memory_space<hbm>>
          tpu.enqueue_indirect_dma source(%dma_start3A_298 : memref<10000x128xf32, #tpu.memory_space<hbm>>) target(%dma_start3A_292 : memref<64x128xf32, #tpu.memory_space<vmem>>) offsets(%dma_start3A_295 : memref<64xi32, #tpu.memory_space<vmem>>) semaphore(%arg12 : memref<!tpu.dma_semaphore, #tpu.memory_space<semaphore_mem>>)
          %dma_wait3A_299 = arith.constant 1 : i32
          %dma_wait3A_300 = arith.constant 0 : i32
          %dma_wait3A_301 = arith.constant 0 : i32
          %dma_wait3A_302 = arith.constant 0 : i32
          %dma_wait3A_303 = tpu.memref_slice %arg10[%dma_wait3A_299, %dma_wait3A_301, %dma_wait3A_302] : memref<5x64x128xf32, #tpu.memory_space<vmem>> -> memref<1x64x128xf32, #tpu.memory_space<vmem>>
          %dma_wait3A_304 = tpu.memref_squeeze %dma_wait3A_303 : memref<1x64x128xf32, #tpu.memory_space<vmem>> -> memref<64x128xf32, #tpu.memory_space<vmem>>
          %dma_wait3A_305 = arith.constant 0 : i32
          %dma_wait3A_306 = tpu.memref_slice %arg9[%dma_wait3A_300, %dma_wait3A_305] : memref<40x64xi32, #tpu.memory_space<vmem>> -> memref<1x64xi32, #tpu.memory_space<vmem>>
          %dma_wait3A_307 = tpu.memref_squeeze %dma_wait3A_306 : memref<1x64xi32, #tpu.memory_space<vmem>> -> memref<64xi32, #tpu.memory_space<vmem>>
          %dma_wait3A_308 = arith.constant 0 : i32
          %dma_wait3A_309 = arith.constant 0 : i32
          %dma_wait3A_310 = tpu.memref_slice %arg11[%dma_wait3A_308, %dma_wait3A_309] : memref<10112x128xf32, #tpu.memory_space<vmem_shared>> -> memref<10112x128xf32, #tpu.memory_space<vmem_shared>>
          tpu.wait_indirect_dma semaphore(%arg18 : memref<!tpu.dma_semaphore, #tpu.memory_space<semaphore_mem>>) src(%dma_wait3A_304 : memref<64x128xf32, #tpu.memory_space<vmem>>) dst(%dma_wait3A_310 : memref<10112x128xf32, #tpu.memory_space<vmem_shared>>)
          %add3A_311 = arith.constant 1 : i32
          %add3A_312 = arith.addi %mul3A_274, %add3A_311 : i32
          %dma_start3A_313 = arith.constant 1 : i32
          %dma_start3A_314 = arith.constant 0 : i32
          %dma_start3A_315 = arith.constant 0 : i32
          %dma_start3A_316 = tpu.memref_slice %arg10[%dma_start3A_313, %dma_start3A_314, %dma_start3A_315] : memref<5x64x128xf32, #tpu.memory_space<vmem>> -> memref<1x64x128xf32, #tpu.memory_space<vmem>>
          %dma_start3A_317 = tpu.memref_squeeze %dma_start3A_316 : memref<1x64x128xf32, #tpu.memory_space<vmem>> -> memref<64x128xf32, #tpu.memory_space<vmem>>
          %dma_start3A_318 = arith.constant 0 : i32
          %dma_start3A_319 = tpu.memref_slice %arg8[%add3A_312, %dma_start3A_318] : memref<40x64xi32, #tpu.memory_space<vmem>> -> memref<1x64xi32, #tpu.memory_space<vmem>>
          %dma_start3A_320 = tpu.memref_squeeze %dma_start3A_319 : memref<1x64xi32, #tpu.memory_space<vmem>> -> memref<64xi32, #tpu.memory_space<vmem>>
          %dma_start3A_321 = arith.constant 0 : i32
          %dma_start3A_322 = arith.constant 0 : i32
          %dma_start3A_323 = tpu.memref_slice %arg3[%dma_start3A_321, %dma_start3A_322] : memref<10000x128xf32, #tpu.memory_space<hbm>> -> memref<10000x128xf32, #tpu.memory_space<hbm>>
          tpu.enqueue_indirect_dma source(%dma_start3A_323 : memref<10000x128xf32, #tpu.memory_space<hbm>>) target(%dma_start3A_317 : memref<64x128xf32, #tpu.memory_space<vmem>>) offsets(%dma_start3A_320 : memref<64xi32, #tpu.memory_space<vmem>>) semaphore(%arg13 : memref<!tpu.dma_semaphore, #tpu.memory_space<semaphore_mem>>)
          %dma_wait3A_324 = arith.constant 2 : i32
          %dma_wait3A_325 = arith.constant 0 : i32
          %dma_wait3A_326 = arith.constant 0 : i32
          %dma_wait3A_327 = arith.constant 0 : i32
          %dma_wait3A_328 = tpu.memref_slice %arg10[%dma_wait3A_324, %dma_wait3A_326, %dma_wait3A_327] : memref<5x64x128xf32, #tpu.memory_space<vmem>> -> memref<1x64x128xf32, #tpu.memory_space<vmem>>
          %dma_wait3A_329 = tpu.memref_squeeze %dma_wait3A_328 : memref<1x64x128xf32, #tpu.memory_space<vmem>> -> memref<64x128xf32, #tpu.memory_space<vmem>>
          %dma_wait3A_330 = arith.constant 0 : i32
          %dma_wait3A_331 = tpu.memref_slice %arg9[%dma_wait3A_325, %dma_wait3A_330] : memref<40x64xi32, #tpu.memory_space<vmem>> -> memref<1x64xi32, #tpu.memory_space<vmem>>
          %dma_wait3A_332 = tpu.memref_squeeze %dma_wait3A_331 : memref<1x64xi32, #tpu.memory_space<vmem>> -> memref<64xi32, #tpu.memory_space<vmem>>
          %dma_wait3A_333 = arith.constant 0 : i32
          %dma_wait3A_334 = arith.constant 0 : i32
          %dma_wait3A_335 = tpu.memref_slice %arg11[%dma_wait3A_333, %dma_wait3A_334] : memref<10112x128xf32, #tpu.memory_space<vmem_shared>> -> memref<10112x128xf32, #tpu.memory_space<vmem_shared>>
          tpu.wait_indirect_dma semaphore(%arg19 : memref<!tpu.dma_semaphore, #tpu.memory_space<semaphore_mem>>) src(%dma_wait3A_329 : memref<64x128xf32, #tpu.memory_space<vmem>>) dst(%dma_wait3A_335 : memref<10112x128xf32, #tpu.memory_space<vmem_shared>>)
          %add3A_336 = arith.constant 2 : i32
          %add3A_337 = arith.addi %mul3A_274, %add3A_336 : i32
          %dma_start3A_338 = arith.constant 2 : i32
          %dma_start3A_339 = arith.constant 0 : i32
          %dma_start3A_340 = arith.constant 0 : i32
          %dma_start3A_341 = tpu.memref_slice %arg10[%dma_start3A_338, %dma_start3A_339, %dma_start3A_340] : memref<5x64x128xf32, #tpu.memory_space<vmem>> -> memref<1x64x128xf32, #tpu.memory_space<vmem>>
          %dma_start3A_342 = tpu.memref_squeeze %dma_start3A_341 : memref<1x64x128xf32, #tpu.memory_space<vmem>> -> memref<64x128xf32, #tpu.memory_space<vmem>>
          %dma_start3A_343 = arith.constant 0 : i32
          %dma_start3A_344 = tpu.memref_slice %arg8[%add3A_337, %dma_start3A_343] : memref<40x64xi32, #tpu.memory_space<vmem>> -> memref<1x64xi32, #tpu.memory_space<vmem>>
          %dma_start3A_345 = tpu.memref_squeeze %dma_start3A_344 : memref<1x64xi32, #tpu.memory_space<vmem>> -> memref<64xi32, #tpu.memory_space<vmem>>
          %dma_start3A_346 = arith.constant 0 : i32
          %dma_start3A_347 = arith.constant 0 : i32
          %dma_start3A_348 = tpu.memref_slice %arg3[%dma_start3A_346, %dma_start3A_347] : memref<10000x128xf32, #tpu.memory_space<hbm>> -> memref<10000x128xf32, #tpu.memory_space<hbm>>
          tpu.enqueue_indirect_dma source(%dma_start3A_348 : memref<10000x128xf32, #tpu.memory_space<hbm>>) target(%dma_start3A_342 : memref<64x128xf32, #tpu.memory_space<vmem>>) offsets(%dma_start3A_345 : memref<64xi32, #tpu.memory_space<vmem>>) semaphore(%arg14 : memref<!tpu.dma_semaphore, #tpu.memory_space<semaphore_mem>>)
          %dma_wait3A_349 = arith.constant 3 : i32
          %dma_wait3A_350 = arith.constant 0 : i32
          %dma_wait3A_351 = arith.constant 0 : i32
          %dma_wait3A_352 = arith.constant 0 : i32
          %dma_wait3A_353 = tpu.memref_slice %arg10[%dma_wait3A_349, %dma_wait3A_351, %dma_wait3A_352] : memref<5x64x128xf32, #tpu.memory_space<vmem>> -> memref<1x64x128xf32, #tpu.memory_space<vmem>>
          %dma_wait3A_354 = tpu.memref_squeeze %dma_wait3A_353 : memref<1x64x128xf32, #tpu.memory_space<vmem>> -> memref<64x128xf32, #tpu.memory_space<vmem>>
          %dma_wait3A_355 = arith.constant 0 : i32
          %dma_wait3A_356 = tpu.memref_slice %arg9[%dma_wait3A_350, %dma_wait3A_355] : memref<40x64xi32, #tpu.memory_space<vmem>> -> memref<1x64xi32, #tpu.memory_space<vmem>>
          %dma_wait3A_357 = tpu.memref_squeeze %dma_wait3A_356 : memref<1x64xi32, #tpu.memory_space<vmem>> -> memref<64xi32, #tpu.memory_space<vmem>>
          %dma_wait3A_358 = arith.constant 0 : i32
          %dma_wait3A_359 = arith.constant 0 : i32
          %dma_wait3A_360 = tpu.memref_slice %arg11[%dma_wait3A_358, %dma_wait3A_359] : memref<10112x128xf32, #tpu.memory_space<vmem_shared>> -> memref<10112x128xf32, #tpu.memory_space<vmem_shared>>
          tpu.wait_indirect_dma semaphore(%arg20 : memref<!tpu.dma_semaphore, #tpu.memory_space<semaphore_mem>>) src(%dma_wait3A_354 : memref<64x128xf32, #tpu.memory_space<vmem>>) dst(%dma_wait3A_360 : memref<10112x128xf32, #tpu.memory_space<vmem_shared>>)
          %add3A_361 = arith.constant 3 : i32
          %add3A_362 = arith.addi %mul3A_274, %add3A_361 : i32
          %dma_start3A_363 = arith.constant 3 : i32
          %dma_start3A_364 = arith.constant 0 : i32
          %dma_start3A_365 = arith.constant 0 : i32
          %dma_start3A_366 = tpu.memref_slice %arg10[%dma_start3A_363, %dma_start3A_364, %dma_start3A_365] : memref<5x64x128xf32, #tpu.memory_space<vmem>> -> memref<1x64x128xf32, #tpu.memory_space<vmem>>
          %dma_start3A_367 = tpu.memref_squeeze %dma_start3A_366 : memref<1x64x128xf32, #tpu.memory_space<vmem>> -> memref<64x128xf32, #tpu.memory_space<vmem>>
          %dma_start3A_368 = arith.constant 0 : i32
          %dma_start3A_369 = tpu.memref_slice %arg8[%add3A_362, %dma_start3A_368] : memref<40x64xi32, #tpu.memory_space<vmem>> -> memref<1x64xi32, #tpu.memory_space<vmem>>
          %dma_start3A_370 = tpu.memref_squeeze %dma_start3A_369 : memref<1x64xi32, #tpu.memory_space<vmem>> -> memref<64xi32, #tpu.memory_space<vmem>>
          %dma_start3A_371 = arith.constant 0 : i32
          %dma_start3A_372 = arith.constant 0 : i32
          %dma_start3A_373 = tpu.memref_slice %arg3[%dma_start3A_371, %dma_start3A_372] : memref<10000x128xf32, #tpu.memory_space<hbm>> -> memref<10000x128xf32, #tpu.memory_space<hbm>>
          tpu.enqueue_indirect_dma source(%dma_start3A_373 : memref<10000x128xf32, #tpu.memory_space<hbm>>) target(%dma_start3A_367 : memref<64x128xf32, #tpu.memory_space<vmem>>) offsets(%dma_start3A_370 : memref<64xi32, #tpu.memory_space<vmem>>) semaphore(%arg15 : memref<!tpu.dma_semaphore, #tpu.memory_space<semaphore_mem>>)
          %dma_wait3A_374 = arith.constant 4 : i32
          %dma_wait3A_375 = arith.constant 0 : i32
          %dma_wait3A_376 = arith.constant 0 : i32
          %dma_wait3A_377 = arith.constant 0 : i32
          %dma_wait3A_378 = tpu.memref_slice %arg10[%dma_wait3A_374, %dma_wait3A_376, %dma_wait3A_377] : memref<5x64x128xf32, #tpu.memory_space<vmem>> -> memref<1x64x128xf32, #tpu.memory_space<vmem>>
          %dma_wait3A_379 = tpu.memref_squeeze %dma_wait3A_378 : memref<1x64x128xf32, #tpu.memory_space<vmem>> -> memref<64x128xf32, #tpu.memory_space<vmem>>
          %dma_wait3A_380 = arith.constant 0 : i32
          %dma_wait3A_381 = tpu.memref_slice %arg9[%dma_wait3A_375, %dma_wait3A_380] : memref<40x64xi32, #tpu.memory_space<vmem>> -> memref<1x64xi32, #tpu.memory_space<vmem>>
          %dma_wait3A_382 = tpu.memref_squeeze %dma_wait3A_381 : memref<1x64xi32, #tpu.memory_space<vmem>> -> memref<64xi32, #tpu.memory_space<vmem>>
          %dma_wait3A_383 = arith.constant 0 : i32
          %dma_wait3A_384 = arith.constant 0 : i32
          %dma_wait3A_385 = tpu.memref_slice %arg11[%dma_wait3A_383, %dma_wait3A_384] : memref<10112x128xf32, #tpu.memory_space<vmem_shared>> -> memref<10112x128xf32, #tpu.memory_space<vmem_shared>>
          tpu.wait_indirect_dma semaphore(%arg21 : memref<!tpu.dma_semaphore, #tpu.memory_space<semaphore_mem>>) src(%dma_wait3A_379 : memref<64x128xf32, #tpu.memory_space<vmem>>) dst(%dma_wait3A_385 : memref<10112x128xf32, #tpu.memory_space<vmem_shared>>)
          %add3A_386 = arith.constant 4 : i32
          %add3A_387 = arith.addi %mul3A_274, %add3A_386 : i32
          %dma_start3A_388 = arith.constant 4 : i32
          %dma_start3A_389 = arith.constant 0 : i32
          %dma_start3A_390 = arith.constant 0 : i32
          %dma_start3A_391 = tpu.memref_slice %arg10[%dma_start3A_388, %dma_start3A_389, %dma_start3A_390] : memref<5x64x128xf32, #tpu.memory_space<vmem>> -> memref<1x64x128xf32, #tpu.memory_space<vmem>>
          %dma_start3A_392 = tpu.memref_squeeze %dma_start3A_391 : memref<1x64x128xf32, #tpu.memory_space<vmem>> -> memref<64x128xf32, #tpu.memory_space<vmem>>
          %dma_start3A_393 = arith.constant 0 : i32
          %dma_start3A_394 = tpu.memref_slice %arg8[%add3A_387, %dma_start3A_393] : memref<40x64xi32, #tpu.memory_space<vmem>> -> memref<1x64xi32, #tpu.memory_space<vmem>>
          %dma_start3A_395 = tpu.memref_squeeze %dma_start3A_394 : memref<1x64xi32, #tpu.memory_space<vmem>> -> memref<64xi32, #tpu.memory_space<vmem>>
          %dma_start3A_396 = arith.constant 0 : i32
          %dma_start3A_397 = arith.constant 0 : i32
          %dma_start3A_398 = tpu.memref_slice %arg3[%dma_start3A_396, %dma_start3A_397] : memref<10000x128xf32, #tpu.memory_space<hbm>> -> memref<10000x128xf32, #tpu.memory_space<hbm>>
          tpu.enqueue_indirect_dma source(%dma_start3A_398 : memref<10000x128xf32, #tpu.memory_space<hbm>>) target(%dma_start3A_392 : memref<64x128xf32, #tpu.memory_space<vmem>>) offsets(%dma_start3A_395 : memref<64xi32, #tpu.memory_space<vmem>>) semaphore(%arg16 : memref<!tpu.dma_semaphore, #tpu.memory_space<semaphore_mem>>)
          %dma_wait3A_399 = arith.constant 0 : i32
          %dma_wait3A_400 = arith.constant 0 : i32
          %dma_wait3A_401 = arith.constant 0 : i32
          %dma_wait3A_402 = arith.constant 0 : i32
          %dma_wait3A_403 = tpu.memref_slice %arg10[%dma_wait3A_400, %dma_wait3A_401, %dma_wait3A_402] : memref<5x64x128xf32, #tpu.memory_space<vmem>> -> memref<1x64x128xf32, #tpu.memory_space<vmem>>
          %dma_wait3A_404 = tpu.memref_squeeze %dma_wait3A_403 : memref<1x64x128xf32, #tpu.memory_space<vmem>> -> memref<64x128xf32, #tpu.memory_space<vmem>>
          %dma_wait3A_405 = arith.constant 0 : i32
          %dma_wait3A_406 = tpu.memref_slice %arg8[%dma_wait3A_399, %dma_wait3A_405] : memref<40x64xi32, #tpu.memory_space<vmem>> -> memref<1x64xi32, #tpu.memory_space<vmem>>
          %dma_wait3A_407 = tpu.memref_squeeze %dma_wait3A_406 : memref<1x64xi32, #tpu.memory_space<vmem>> -> memref<64xi32, #tpu.memory_space<vmem>>
          %dma_wait3A_408 = arith.constant 0 : i32
          %dma_wait3A_409 = arith.constant 0 : i32
          %dma_wait3A_410 = tpu.memref_slice %arg3[%dma_wait3A_408, %dma_wait3A_409] : memref<10000x128xf32, #tpu.memory_space<hbm>> -> memref<10000x128xf32, #tpu.memory_space<hbm>>
          tpu.wait_indirect_dma semaphore(%arg12 : memref<!tpu.dma_semaphore, #tpu.memory_space<semaphore_mem>>) src(%dma_wait3A_410 : memref<10000x128xf32, #tpu.memory_space<hbm>>) dst(%dma_wait3A_404 : memref<64x128xf32, #tpu.memory_space<vmem>>)
          %add3A_411 = arith.constant 0 : i32
          %add3A_412 = arith.addi %mul3A_274, %add3A_411 : i32
          %dma_start3A_413 = arith.constant 0 : i32
          %dma_start3A_414 = arith.constant 0 : i32
          %dma_start3A_415 = arith.constant 0 : i32
          %dma_start3A_416 = tpu.memref_slice %arg10[%dma_start3A_413, %dma_start3A_414, %dma_start3A_415] : memref<5x64x128xf32, #tpu.memory_space<vmem>> -> memref<1x64x128xf32, #tpu.memory_space<vmem>>
          %dma_start3A_417 = tpu.memref_squeeze %dma_start3A_416 : memref<1x64x128xf32, #tpu.memory_space<vmem>> -> memref<64x128xf32, #tpu.memory_space<vmem>>
          %dma_start3A_418 = arith.constant 0 : i32
          %dma_start3A_419 = tpu.memref_slice %arg9[%add3A_412, %dma_start3A_418] : memref<40x64xi32, #tpu.memory_space<vmem>> -> memref<1x64xi32, #tpu.memory_space<vmem>>
          %dma_start3A_420 = tpu.memref_squeeze %dma_start3A_419 : memref<1x64xi32, #tpu.memory_space<vmem>> -> memref<64xi32, #tpu.memory_space<vmem>>
          %dma_start3A_421 = arith.constant 0 : i32
          %dma_start3A_422 = arith.constant 0 : i32
          %dma_start3A_423 = tpu.memref_slice %arg11[%dma_start3A_421, %dma_start3A_422] : memref<10112x128xf32, #tpu.memory_space<vmem_shared>> -> memref<10112x128xf32, #tpu.memory_space<vmem_shared>>
          tpu.enqueue_indirect_dma source(%dma_start3A_417 : memref<64x128xf32, #tpu.memory_space<vmem>>) target(%dma_start3A_423 : memref<10112x128xf32, #tpu.memory_space<vmem_shared>>) offsets(%dma_start3A_420 : memref<64xi32, #tpu.memory_space<vmem>>) semaphore(%arg17 : memref<!tpu.dma_semaphore, #tpu.memory_space<semaphore_mem>>) {add = true}
          %dma_wait3A_424 = arith.constant 0 : i32
          %dma_wait3A_425 = arith.constant 1 : i32
          %dma_wait3A_426 = arith.constant 0 : i32
          %dma_wait3A_427 = arith.constant 0 : i32
          %dma_wait3A_428 = tpu.memref_slice %arg10[%dma_wait3A_425, %dma_wait3A_426, %dma_wait3A_427] : memref<5x64x128xf32, #tpu.memory_space<vmem>> -> memref<1x64x128xf32, #tpu.memory_space<vmem>>
          %dma_wait3A_429 = tpu.memref_squeeze %dma_wait3A_428 : memref<1x64x128xf32, #tpu.memory_space<vmem>> -> memref<64x128xf32, #tpu.memory_space<vmem>>
          %dma_wait3A_430 = arith.constant 0 : i32
          %dma_wait3A_431 = tpu.memref_slice %arg8[%dma_wait3A_424, %dma_wait3A_430] : memref<40x64xi32, #tpu.memory_space<vmem>> -> memref<1x64xi32, #tpu.memory_space<vmem>>
          %dma_wait3A_432 = tpu.memref_squeeze %dma_wait3A_431 : memref<1x64xi32, #tpu.memory_space<vmem>> -> memref<64xi32, #tpu.memory_space<vmem>>
          %dma_wait3A_433 = arith.constant 0 : i32
          %dma_wait3A_434 = arith.constant 0 : i32
          %dma_wait3A_435 = tpu.memref_slice %arg3[%dma_wait3A_433, %dma_wait3A_434] : memref<10000x128xf32, #tpu.memory_space<hbm>> -> memref<10000x128xf32, #tpu.memory_space<hbm>>
          tpu.wait_indirect_dma semaphore(%arg13 : memref<!tpu.dma_semaphore, #tpu.memory_space<semaphore_mem>>) src(%dma_wait3A_435 : memref<10000x128xf32, #tpu.memory_space<hbm>>) dst(%dma_wait3A_429 : memref<64x128xf32, #tpu.memory_space<vmem>>)
          %add3A_436 = arith.constant 1 : i32
          %add3A_437 = arith.addi %mul3A_274, %add3A_436 : i32
          %dma_start3A_438 = arith.constant 1 : i32
          %dma_start3A_439 = arith.constant 0 : i32
          %dma_start3A_440 = arith.constant 0 : i32
          %dma_start3A_441 = tpu.memref_slice %arg10[%dma_start3A_438, %dma_start3A_439, %dma_start3A_440] : memref<5x64x128xf32, #tpu.memory_space<vmem>> -> memref<1x64x128xf32, #tpu.memory_space<vmem>>
          %dma_start3A_442 = tpu.memref_squeeze %dma_start3A_441 : memref<1x64x128xf32, #tpu.memory_space<vmem>> -> memref<64x128xf32, #tpu.memory_space<vmem>>
          %dma_start3A_443 = arith.constant 0 : i32
          %dma_start3A_444 = tpu.memref_slice %arg9[%add3A_437, %dma_start3A_443] : memref<40x64xi32, #tpu.memory_space<vmem>> -> memref<1x64xi32, #tpu.memory_space<vmem>>
          %dma_start3A_445 = tpu.memref_squeeze %dma_start3A_444 : memref<1x64xi32, #tpu.memory_space<vmem>> -> memref<64xi32, #tpu.memory_space<vmem>>
          %dma_start3A_446 = arith.constant 0 : i32
          %dma_start3A_447 = arith.constant 0 : i32
          %dma_start3A_448 = tpu.memref_slice %arg11[%dma_start3A_446, %dma_start3A_447] : memref<10112x128xf32, #tpu.memory_space<vmem_shared>> -> memref<10112x128xf32, #tpu.memory_space<vmem_shared>>
          tpu.enqueue_indirect_dma source(%dma_start3A_442 : memref<64x128xf32, #tpu.memory_space<vmem>>) target(%dma_start3A_448 : memref<10112x128xf32, #tpu.memory_space<vmem_shared>>) offsets(%dma_start3A_445 : memref<64xi32, #tpu.memory_space<vmem>>) semaphore(%arg18 : memref<!tpu.dma_semaphore, #tpu.memory_space<semaphore_mem>>) {add = true}
          %dma_wait3A_449 = arith.constant 0 : i32
          %dma_wait3A_450 = arith.constant 2 : i32
          %dma_wait3A_451 = arith.constant 0 : i32
          %dma_wait3A_452 = arith.constant 0 : i32
          %dma_wait3A_453 = tpu.memref_slice %arg10[%dma_wait3A_450, %dma_wait3A_451, %dma_wait3A_452] : memref<5x64x128xf32, #tpu.memory_space<vmem>> -> memref<1x64x128xf32, #tpu.memory_space<vmem>>
          %dma_wait3A_454 = tpu.memref_squeeze %dma_wait3A_453 : memref<1x64x128xf32, #tpu.memory_space<vmem>> -> memref<64x128xf32, #tpu.memory_space<vmem>>
          %dma_wait3A_455 = arith.constant 0 : i32
          %dma_wait3A_456 = tpu.memref_slice %arg8[%dma_wait3A_449, %dma_wait3A_455] : memref<40x64xi32, #tpu.memory_space<vmem>> -> memref<1x64xi32, #tpu.memory_space<vmem>>
          %dma_wait3A_457 = tpu.memref_squeeze %dma_wait3A_456 : memref<1x64xi32, #tpu.memory_space<vmem>> -> memref<64xi32, #tpu.memory_space<vmem>>
          %dma_wait3A_458 = arith.constant 0 : i32
          %dma_wait3A_459 = arith.constant 0 : i32
          %dma_wait3A_460 = tpu.memref_slice %arg3[%dma_wait3A_458, %dma_wait3A_459] : memref<10000x128xf32, #tpu.memory_space<hbm>> -> memref<10000x128xf32, #tpu.memory_space<hbm>>
          tpu.wait_indirect_dma semaphore(%arg14 : memref<!tpu.dma_semaphore, #tpu.memory_space<semaphore_mem>>) src(%dma_wait3A_460 : memref<10000x128xf32, #tpu.memory_space<hbm>>) dst(%dma_wait3A_454 : memref<64x128xf32, #tpu.memory_space<vmem>>)
          %add3A_461 = arith.constant 2 : i32
          %add3A_462 = arith.addi %mul3A_274, %add3A_461 : i32
          %dma_start3A_463 = arith.constant 2 : i32
          %dma_start3A_464 = arith.constant 0 : i32
          %dma_start3A_465 = arith.constant 0 : i32
          %dma_start3A_466 = tpu.memref_slice %arg10[%dma_start3A_463, %dma_start3A_464, %dma_start3A_465] : memref<5x64x128xf32, #tpu.memory_space<vmem>> -> memref<1x64x128xf32, #tpu.memory_space<vmem>>
          %dma_start3A_467 = tpu.memref_squeeze %dma_start3A_466 : memref<1x64x128xf32, #tpu.memory_space<vmem>> -> memref<64x128xf32, #tpu.memory_space<vmem>>
          %dma_start3A_468 = arith.constant 0 : i32
          %dma_start3A_469 = tpu.memref_slice %arg9[%add3A_462, %dma_start3A_468] : memref<40x64xi32, #tpu.memory_space<vmem>> -> memref<1x64xi32, #tpu.memory_space<vmem>>
          %dma_start3A_470 = tpu.memref_squeeze %dma_start3A_469 : memref<1x64xi32, #tpu.memory_space<vmem>> -> memref<64xi32, #tpu.memory_space<vmem>>
          %dma_start3A_471 = arith.constant 0 : i32
          %dma_start3A_472 = arith.constant 0 : i32
          %dma_start3A_473 = tpu.memref_slice %arg11[%dma_start3A_471, %dma_start3A_472] : memref<10112x128xf32, #tpu.memory_space<vmem_shared>> -> memref<10112x128xf32, #tpu.memory_space<vmem_shared>>
          tpu.enqueue_indirect_dma source(%dma_start3A_467 : memref<64x128xf32, #tpu.memory_space<vmem>>) target(%dma_start3A_473 : memref<10112x128xf32, #tpu.memory_space<vmem_shared>>) offsets(%dma_start3A_470 : memref<64xi32, #tpu.memory_space<vmem>>) semaphore(%arg19 : memref<!tpu.dma_semaphore, #tpu.memory_space<semaphore_mem>>) {add = true}
          %dma_wait3A_474 = arith.constant 0 : i32
          %dma_wait3A_475 = arith.constant 3 : i32
          %dma_wait3A_476 = arith.constant 0 : i32
          %dma_wait3A_477 = arith.constant 0 : i32
          %dma_wait3A_478 = tpu.memref_slice %arg10[%dma_wait3A_475, %dma_wait3A_476, %dma_wait3A_477] : memref<5x64x128xf32, #tpu.memory_space<vmem>> -> memref<1x64x128xf32, #tpu.memory_space<vmem>>
          %dma_wait3A_479 = tpu.memref_squeeze %dma_wait3A_478 : memref<1x64x128xf32, #tpu.memory_space<vmem>> -> memref<64x128xf32, #tpu.memory_space<vmem>>
          %dma_wait3A_480 = arith.constant 0 : i32
          %dma_wait3A_481 = tpu.memref_slice %arg8[%dma_wait3A_474, %dma_wait3A_480] : memref<40x64xi32, #tpu.memory_space<vmem>> -> memref<1x64xi32, #tpu.memory_space<vmem>>
          %dma_wait3A_482 = tpu.memref_squeeze %dma_wait3A_481 : memref<1x64xi32, #tpu.memory_space<vmem>> -> memref<64xi32, #tpu.memory_space<vmem>>
          %dma_wait3A_483 = arith.constant 0 : i32
          %dma_wait3A_484 = arith.constant 0 : i32
          %dma_wait3A_485 = tpu.memref_slice %arg3[%dma_wait3A_483, %dma_wait3A_484] : memref<10000x128xf32, #tpu.memory_space<hbm>> -> memref<10000x128xf32, #tpu.memory_space<hbm>>
          tpu.wait_indirect_dma semaphore(%arg15 : memref<!tpu.dma_semaphore, #tpu.memory_space<semaphore_mem>>) src(%dma_wait3A_485 : memref<10000x128xf32, #tpu.memory_space<hbm>>) dst(%dma_wait3A_479 : memref<64x128xf32, #tpu.memory_space<vmem>>)
          %add3A_486 = arith.constant 3 : i32
          %add3A_487 = arith.addi %mul3A_274, %add3A_486 : i32
          %dma_start3A_488 = arith.constant 3 : i32
          %dma_start3A_489 = arith.constant 0 : i32
          %dma_start3A_490 = arith.constant 0 : i32
          %dma_start3A_491 = tpu.memref_slice %arg10[%dma_start3A_488, %dma_start3A_489, %dma_start3A_490] : memref<5x64x128xf32, #tpu.memory_space<vmem>> -> memref<1x64x128xf32, #tpu.memory_space<vmem>>
          %dma_start3A_492 = tpu.memref_squeeze %dma_start3A_491 : memref<1x64x128xf32, #tpu.memory_space<vmem>> -> memref<64x128xf32, #tpu.memory_space<vmem>>
          %dma_start3A_493 = arith.constant 0 : i32
          %dma_start3A_494 = tpu.memref_slice %arg9[%add3A_487, %dma_start3A_493] : memref<40x64xi32, #tpu.memory_space<vmem>> -> memref<1x64xi32, #tpu.memory_space<vmem>>
          %dma_start3A_495 = tpu.memref_squeeze %dma_start3A_494 : memref<1x64xi32, #tpu.memory_space<vmem>> -> memref<64xi32, #tpu.memory_space<vmem>>
          %dma_start3A_496 = arith.constant 0 : i32
          %dma_start3A_497 = arith.constant 0 : i32
          %dma_start3A_498 = tpu.memref_slice %arg11[%dma_start3A_496, %dma_start3A_497] : memref<10112x128xf32, #tpu.memory_space<vmem_shared>> -> memref<10112x128xf32, #tpu.memory_space<vmem_shared>>
          tpu.enqueue_indirect_dma source(%dma_start3A_492 : memref<64x128xf32, #tpu.memory_space<vmem>>) target(%dma_start3A_498 : memref<10112x128xf32, #tpu.memory_space<vmem_shared>>) offsets(%dma_start3A_495 : memref<64xi32, #tpu.memory_space<vmem>>) semaphore(%arg20 : memref<!tpu.dma_semaphore, #tpu.memory_space<semaphore_mem>>) {add = true}
          %dma_wait3A_499 = arith.constant 0 : i32
          %dma_wait3A_500 = arith.constant 4 : i32
          %dma_wait3A_501 = arith.constant 0 : i32
          %dma_wait3A_502 = arith.constant 0 : i32
          %dma_wait3A_503 = tpu.memref_slice %arg10[%dma_wait3A_500, %dma_wait3A_501, %dma_wait3A_502] : memref<5x64x128xf32, #tpu.memory_space<vmem>> -> memref<1x64x128xf32, #tpu.memory_space<vmem>>
          %dma_wait3A_504 = tpu.memref_squeeze %dma_wait3A_503 : memref<1x64x128xf32, #tpu.memory_space<vmem>> -> memref<64x128xf32, #tpu.memory_space<vmem>>
          %dma_wait3A_505 = arith.constant 0 : i32
          %dma_wait3A_506 = tpu.memref_slice %arg8[%dma_wait3A_499, %dma_wait3A_505] : memref<40x64xi32, #tpu.memory_space<vmem>> -> memref<1x64xi32, #tpu.memory_space<vmem>>
          %dma_wait3A_507 = tpu.memref_squeeze %dma_wait3A_506 : memref<1x64xi32, #tpu.memory_space<vmem>> -> memref<64xi32, #tpu.memory_space<vmem>>
          %dma_wait3A_508 = arith.constant 0 : i32
          %dma_wait3A_509 = arith.constant 0 : i32
          %dma_wait3A_510 = tpu.memref_slice %arg3[%dma_wait3A_508, %dma_wait3A_509] : memref<10000x128xf32, #tpu.memory_space<hbm>> -> memref<10000x128xf32, #tpu.memory_space<hbm>>
          tpu.wait_indirect_dma semaphore(%arg16 : memref<!tpu.dma_semaphore, #tpu.memory_space<semaphore_mem>>) src(%dma_wait3A_510 : memref<10000x128xf32, #tpu.memory_space<hbm>>) dst(%dma_wait3A_504 : memref<64x128xf32, #tpu.memory_space<vmem>>)
          %add3A_511 = arith.constant 4 : i32
          %add3A_512 = arith.addi %mul3A_274, %add3A_511 : i32
          %dma_start3A_513 = arith.constant 4 : i32
          %dma_start3A_514 = arith.constant 0 : i32
          %dma_start3A_515 = arith.constant 0 : i32
          %dma_start3A_516 = tpu.memref_slice %arg10[%dma_start3A_513, %dma_start3A_514, %dma_start3A_515] : memref<5x64x128xf32, #tpu.memory_space<vmem>> -> memref<1x64x128xf32, #tpu.memory_space<vmem>>
          %dma_start3A_517 = tpu.memref_squeeze %dma_start3A_516 : memref<1x64x128xf32, #tpu.memory_space<vmem>> -> memref<64x128xf32, #tpu.memory_space<vmem>>
          %dma_start3A_518 = arith.constant 0 : i32
          %dma_start3A_519 = tpu.memref_slice %arg9[%add3A_512, %dma_start3A_518] : memref<40x64xi32, #tpu.memory_space<vmem>> -> memref<1x64xi32, #tpu.memory_space<vmem>>
          %dma_start3A_520 = tpu.memref_squeeze %dma_start3A_519 : memref<1x64xi32, #tpu.memory_space<vmem>> -> memref<64xi32, #tpu.memory_space<vmem>>
          %dma_start3A_521 = arith.constant 0 : i32
          %dma_start3A_522 = arith.constant 0 : i32
          %dma_start3A_523 = tpu.memref_slice %arg11[%dma_start3A_521, %dma_start3A_522] : memref<10112x128xf32, #tpu.memory_space<vmem_shared>> -> memref<10112x128xf32, #tpu.memory_space<vmem_shared>>
          tpu.enqueue_indirect_dma source(%dma_start3A_517 : memref<64x128xf32, #tpu.memory_space<vmem>>) target(%dma_start3A_523 : memref<10112x128xf32, #tpu.memory_space<vmem_shared>>) offsets(%dma_start3A_520 : memref<64xi32, #tpu.memory_space<vmem>>) semaphore(%arg21 : memref<!tpu.dma_semaphore, #tpu.memory_space<semaphore_mem>>) {add = true}
        }
        %scan3A_211 = arith.constant 7 : i32
        %dma_wait3A_212 = arith.constant 0 : i32
        %dma_wait3A_213 = arith.constant 0 : i32
        %dma_wait3A_214 = arith.constant 0 : i32
        %dma_wait3A_215 = arith.constant 0 : i32
        %dma_wait3A_216 = tpu.memref_slice %arg10[%dma_wait3A_212, %dma_wait3A_214, %dma_wait3A_215] : memref<5x64x128xf32, #tpu.memory_space<vmem>> -> memref<1x64x128xf32, #tpu.memory_space<vmem>>
        %dma_wait3A_217 = tpu.memref_squeeze %dma_wait3A_216 : memref<1x64x128xf32, #tpu.memory_space<vmem>> -> memref<64x128xf32, #tpu.memory_space<vmem>>
        %dma_wait3A_218 = arith.constant 0 : i32
        %dma_wait3A_219 = tpu.memref_slice %arg9[%dma_wait3A_213, %dma_wait3A_218] : memref<40x64xi32, #tpu.memory_space<vmem>> -> memref<1x64xi32, #tpu.memory_space<vmem>>
        %dma_wait3A_220 = tpu.memref_squeeze %dma_wait3A_219 : memref<1x64xi32, #tpu.memory_space<vmem>> -> memref<64xi32, #tpu.memory_space<vmem>>
        %dma_wait3A_221 = arith.constant 0 : i32
        %dma_wait3A_222 = arith.constant 0 : i32
        %dma_wait3A_223 = tpu.memref_slice %arg11[%dma_wait3A_221, %dma_wait3A_222] : memref<10112x128xf32, #tpu.memory_space<vmem_shared>> -> memref<10112x128xf32, #tpu.memory_space<vmem_shared>>
        tpu.wait_indirect_dma semaphore(%arg17 : memref<!tpu.dma_semaphore, #tpu.memory_space<semaphore_mem>>) src(%dma_wait3A_217 : memref<64x128xf32, #tpu.memory_space<vmem>>) dst(%dma_wait3A_223 : memref<10112x128xf32, #tpu.memory_space<vmem_shared>>)
        %dma_wait3A_224 = arith.constant 1 : i32
        %dma_wait3A_225 = arith.constant 0 : i32
        %dma_wait3A_226 = arith.constant 0 : i32
        %dma_wait3A_227 = arith.constant 0 : i32
        %dma_wait3A_228 = tpu.memref_slice %arg10[%dma_wait3A_224, %dma_wait3A_226, %dma_wait3A_227] : memref<5x64x128xf32, #tpu.memory_space<vmem>> -> memref<1x64x128xf32, #tpu.memory_space<vmem>>
        %dma_wait3A_229 = tpu.memref_squeeze %dma_wait3A_228 : memref<1x64x128xf32, #tpu.memory_space<vmem>> -> memref<64x128xf32, #tpu.memory_space<vmem>>
        %dma_wait3A_230 = arith.constant 0 : i32
        %dma_wait3A_231 = tpu.memref_slice %arg9[%dma_wait3A_225, %dma_wait3A_230] : memref<40x64xi32, #tpu.memory_space<vmem>> -> memref<1x64xi32, #tpu.memory_space<vmem>>
        %dma_wait3A_232 = tpu.memref_squeeze %dma_wait3A_231 : memref<1x64xi32, #tpu.memory_space<vmem>> -> memref<64xi32, #tpu.memory_space<vmem>>
        %dma_wait3A_233 = arith.constant 0 : i32
        %dma_wait3A_234 = arith.constant 0 : i32
        %dma_wait3A_235 = tpu.memref_slice %arg11[%dma_wait3A_233, %dma_wait3A_234] : memref<10112x128xf32, #tpu.memory_space<vmem_shared>> -> memref<10112x128xf32, #tpu.memory_space<vmem_shared>>
        tpu.wait_indirect_dma semaphore(%arg18 : memref<!tpu.dma_semaphore, #tpu.memory_space<semaphore_mem>>) src(%dma_wait3A_229 : memref<64x128xf32, #tpu.memory_space<vmem>>) dst(%dma_wait3A_235 : memref<10112x128xf32, #tpu.memory_space<vmem_shared>>)
        %dma_wait3A_236 = arith.constant 2 : i32
        %dma_wait3A_237 = arith.constant 0 : i32
        %dma_wait3A_238 = arith.constant 0 : i32
        %dma_wait3A_239 = arith.constant 0 : i32
        %dma_wait3A_240 = tpu.memref_slice %arg10[%dma_wait3A_236, %dma_wait3A_238, %dma_wait3A_239] : memref<5x64x128xf32, #tpu.memory_space<vmem>> -> memref<1x64x128xf32, #tpu.memory_space<vmem>>
        %dma_wait3A_241 = tpu.memref_squeeze %dma_wait3A_240 : memref<1x64x128xf32, #tpu.memory_space<vmem>> -> memref<64x128xf32, #tpu.memory_space<vmem>>
        %dma_wait3A_242 = arith.constant 0 : i32
        %dma_wait3A_243 = tpu.memref_slice %arg9[%dma_wait3A_237, %dma_wait3A_242] : memref<40x64xi32, #tpu.memory_space<vmem>> -> memref<1x64xi32, #tpu.memory_space<vmem>>
        %dma_wait3A_244 = tpu.memref_squeeze %dma_wait3A_243 : memref<1x64xi32, #tpu.memory_space<vmem>> -> memref<64xi32, #tpu.memory_space<vmem>>
        %dma_wait3A_245 = arith.constant 0 : i32
        %dma_wait3A_246 = arith.constant 0 : i32
        %dma_wait3A_247 = tpu.memref_slice %arg11[%dma_wait3A_245, %dma_wait3A_246] : memref<10112x128xf32, #tpu.memory_space<vmem_shared>> -> memref<10112x128xf32, #tpu.memory_space<vmem_shared>>
        tpu.wait_indirect_dma semaphore(%arg19 : memref<!tpu.dma_semaphore, #tpu.memory_space<semaphore_mem>>) src(%dma_wait3A_241 : memref<64x128xf32, #tpu.memory_space<vmem>>) dst(%dma_wait3A_247 : memref<10112x128xf32, #tpu.memory_space<vmem_shared>>)
        %dma_wait3A_248 = arith.constant 3 : i32
        %dma_wait3A_249 = arith.constant 0 : i32
        %dma_wait3A_250 = arith.constant 0 : i32
        %dma_wait3A_251 = arith.constant 0 : i32
        %dma_wait3A_252 = tpu.memref_slice %arg10[%dma_wait3A_248, %dma_wait3A_250, %dma_wait3A_251] : memref<5x64x128xf32, #tpu.memory_space<vmem>> -> memref<1x64x128xf32, #tpu.memory_space<vmem>>
        %dma_wait3A_253 = tpu.memref_squeeze %dma_wait3A_252 : memref<1x64x128xf32, #tpu.memory_space<vmem>> -> memref<64x128xf32, #tpu.memory_space<vmem>>
        %dma_wait3A_254 = arith.constant 0 : i32
        %dma_wait3A_255 = tpu.memref_slice %arg9[%dma_wait3A_249, %dma_wait3A_254] : memref<40x64xi32, #tpu.memory_space<vmem>> -> memref<1x64xi32, #tpu.memory_space<vmem>>
        %dma_wait3A_256 = tpu.memref_squeeze %dma_wait3A_255 : memref<1x64xi32, #tpu.memory_space<vmem>> -> memref<64xi32, #tpu.memory_space<vmem>>
        %dma_wait3A_257 = arith.constant 0 : i32
        %dma_wait3A_258 = arith.constant 0 : i32
        %dma_wait3A_259 = tpu.memref_slice %arg11[%dma_wait3A_257, %dma_wait3A_258] : memref<10112x128xf32, #tpu.memory_space<vmem_shared>> -> memref<10112x128xf32, #tpu.memory_space<vmem_shared>>
        tpu.wait_indirect_dma semaphore(%arg20 : memref<!tpu.dma_semaphore, #tpu.memory_space<semaphore_mem>>) src(%dma_wait3A_253 : memref<64x128xf32, #tpu.memory_space<vmem>>) dst(%dma_wait3A_259 : memref<10112x128xf32, #tpu.memory_space<vmem_shared>>)
        %dma_wait3A_260 = arith.constant 4 : i32
        %dma_wait3A_261 = arith.constant 0 : i32
        %dma_wait3A_262 = arith.constant 0 : i32
        %dma_wait3A_263 = arith.constant 0 : i32
        %dma_wait3A_264 = tpu.memref_slice %arg10[%dma_wait3A_260, %dma_wait3A_262, %dma_wait3A_263] : memref<5x64x128xf32, #tpu.memory_space<vmem>> -> memref<1x64x128xf32, #tpu.memory_space<vmem>>
        %dma_wait3A_265 = tpu.memref_squeeze %dma_wait3A_264 : memref<1x64x128xf32, #tpu.memory_space<vmem>> -> memref<64x128xf32, #tpu.memory_space<vmem>>
        %dma_wait3A_266 = arith.constant 0 : i32
        %dma_wait3A_267 = tpu.memref_slice %arg9[%dma_wait3A_261, %dma_wait3A_266] : memref<40x64xi32, #tpu.memory_space<vmem>> -> memref<1x64xi32, #tpu.memory_space<vmem>>
        %dma_wait3A_268 = tpu.memref_squeeze %dma_wait3A_267 : memref<1x64xi32, #tpu.memory_space<vmem>> -> memref<64xi32, #tpu.memory_space<vmem>>
        %dma_wait3A_269 = arith.constant 0 : i32
        %dma_wait3A_270 = arith.constant 0 : i32
        %dma_wait3A_271 = tpu.memref_slice %arg11[%dma_wait3A_269, %dma_wait3A_270] : memref<10112x128xf32, #tpu.memory_space<vmem_shared>> -> memref<10112x128xf32, #tpu.memory_space<vmem_shared>>
        tpu.wait_indirect_dma semaphore(%arg21 : memref<!tpu.dma_semaphore, #tpu.memory_space<semaphore_mem>>) src(%dma_wait3A_265 : memref<64x128xf32, #tpu.memory_space<vmem>>) dst(%dma_wait3A_271 : memref<10112x128xf32, #tpu.memory_space<vmem_shared>>)
      }
      %scan3A_22 = arith.constant 16 : i32
    } else {
    }
    %barrier3A_8 = arith.constant 0 : index
    tpu.barrier barrier_id(%barrier3A_8)
    %lt3A = arith.constant 15 : i32
    %lt3A_9 = arith.cmpi slt, %arg1, %lt3A : i32
    %convert_element_type3A_10 = arith.extui %lt3A_9 : i1 to i32
    %cond3A_11 = arith.constant 0 : i32
    %cond3A_12 = arith.cmpi ne, %convert_element_type3A_10, %cond3A_11 : i32
    scf.if %cond3A_12 {
      %mul3A_18 = arith.constant 624 : i32
      %mul3A_19 = arith.muli %arg1, %mul3A_18 : i32
      %mul3A_20 = arith.constant 10000 : i32
      %mul3A_21 = arith.muli %arg0, %mul3A_20 : i32
      %mul3A_22 = arith.constant 624 : i32
      %mul3A_23 = arith.muli %arg1, %mul3A_22 : i32
      %add3A = arith.addi %mul3A_21, %mul3A_23 : i32
      "tpu.region"() ({
        %run_scoped3A = tpu.sem_alloc : memref<!tpu.dma_semaphore, #tpu.memory_space<semaphore_mem>>
        %dma_start3A = arith.constant 0 : i32
        %dma_start3A_24 = tpu.memref_slice %arg7[%add3A, %dma_start3A] : memref<20000x128xf32, #tpu.memory_space<hbm>> -> memref<624x128xf32, #tpu.memory_space<hbm>>
        %dma_start3A_25 = arith.constant 0 : i32
        %dma_start3A_26 = tpu.memref_slice %arg11[%mul3A_19, %dma_start3A_25] : memref<10112x128xf32, #tpu.memory_space<vmem_shared>> -> memref<624x128xf32, #tpu.memory_space<vmem_shared>>
        tpu.enqueue_dma source(%dma_start3A_26 : memref<624x128xf32, #tpu.memory_space<vmem_shared>>) target(%dma_start3A_24 : memref<624x128xf32, #tpu.memory_space<hbm>>) target_semaphore(%run_scoped3A : memref<!tpu.dma_semaphore, #tpu.memory_space<semaphore_mem>>)
        %dma_wait3A = arith.constant 0 : i32
        %dma_wait3A_27 = tpu.memref_slice %arg7[%add3A, %dma_wait3A] : memref<20000x128xf32, #tpu.memory_space<hbm>> -> memref<624x128xf32, #tpu.memory_space<hbm>>
        %dma_wait3A_28 = arith.constant 0 : i32
        %dma_wait3A_29 = tpu.memref_slice %arg11[%mul3A_19, %dma_wait3A_28] : memref<10112x128xf32, #tpu.memory_space<vmem_shared>> -> memref<624x128xf32, #tpu.memory_space<vmem_shared>>
        tpu.wait_dma2 semaphore(%run_scoped3A : memref<!tpu.dma_semaphore, #tpu.memory_space<semaphore_mem>>) src(%dma_wait3A_29 : memref<624x128xf32, #tpu.memory_space<vmem_shared>>) dst(%dma_wait3A_27 : memref<624x128xf32, #tpu.memory_space<hbm>>)
        tpu.yield
      }) : () -> ()
    } else {
    }
    %eq3A_13 = arith.constant 15 : i32
    %eq3A_14 = arith.cmpi eq, %arg1, %eq3A_13 : i32
    %convert_element_type3A_15 = arith.extui %eq3A_14 : i1 to i32
    %cond3A_16 = arith.constant 0 : i32
    %cond3A_17 = arith.cmpi ne, %convert_element_type3A_15, %cond3A_16 : i32
    scf.if %cond3A_17 {
      %mul3A_18 = arith.constant 10000 : i32
      %mul3A_19 = arith.muli %arg0, %mul3A_18 : i32
      %add3A = arith.constant 9360 : i32
      %add3A_20 = arith.addi %mul3A_19, %add3A : i32
      "tpu.region"() ({
        %run_scoped3A = tpu.sem_alloc : memref<!tpu.dma_semaphore, #tpu.memory_space<semaphore_mem>>
        %dma_start3A = arith.constant 0 : i32
        %dma_start3A_21 = tpu.memref_slice %arg7[%add3A_20, %dma_start3A] : memref<20000x128xf32, #tpu.memory_space<hbm>> -> memref<640x128xf32, #tpu.memory_space<hbm>>
        %dma_start3A_22 = arith.constant 9360 : i32
        %dma_start3A_23 = arith.constant 0 : i32
        %dma_start3A_24 = tpu.memref_slice %arg11[%dma_start3A_22, %dma_start3A_23] : memref<10112x128xf32, #tpu.memory_space<vmem_shared>> -> memref<640x128xf32, #tpu.memory_space<vmem_shared>>
        tpu.enqueue_dma source(%dma_start3A_24 : memref<640x128xf32, #tpu.memory_space<vmem_shared>>) target(%dma_start3A_21 : memref<640x128xf32, #tpu.memory_space<hbm>>) target_semaphore(%run_scoped3A : memref<!tpu.dma_semaphore, #tpu.memory_space<semaphore_mem>>)
        %dma_wait3A = arith.constant 0 : i32
        %dma_wait3A_25 = tpu.memref_slice %arg7[%add3A_20, %dma_wait3A] : memref<20000x128xf32, #tpu.memory_space<hbm>> -> memref<640x128xf32, #tpu.memory_space<hbm>>
        %dma_wait3A_26 = arith.constant 9360 : i32
        %dma_wait3A_27 = arith.constant 0 : i32
        %dma_wait3A_28 = tpu.memref_slice %arg11[%dma_wait3A_26, %dma_wait3A_27] : memref<10112x128xf32, #tpu.memory_space<vmem_shared>> -> memref<640x128xf32, #tpu.memory_space<vmem_shared>>
        tpu.wait_dma2 semaphore(%run_scoped3A : memref<!tpu.dma_semaphore, #tpu.memory_space<semaphore_mem>>) src(%dma_wait3A_28 : memref<640x128xf32, #tpu.memory_space<vmem_shared>>) dst(%dma_wait3A_25 : memref<640x128xf32, #tpu.memory_space<hbm>>)
        tpu.yield
      }) : () -> ()
    } else {
    }
    return
  }
}

#map = affine_map<(d0, d1) -> (0, 0)>
#map1 = affine_map<(d0, d1) -> (0, 0, 0)>
module attributes {stable_mosaic.version = 14 : i64} {
  func.func @_sc_conv_body(%arg0: i32, %arg1: i32, %arg2: memref<10000x64xf32, #tpu.memory_space<hbm>>, %arg3: memref<32x320x64xi32, #tpu.memory_space<hbm>>, %arg4: memref<32x320x64xi32, #tpu.memory_space<hbm>>, %arg5: memref<632x64xf32, #tpu.memory_space<hbm>>, %arg6: memref<20000x64xf32, #tpu.memory_space<hbm>>, %arg7: memref<40x64xi32, #tpu.memory_space<vmem>>, %arg8: memref<40x64xi32, #tpu.memory_space<vmem>>, %arg9: memref<8x64x64xf32, #tpu.memory_space<vmem>>, %arg10: memref<10112x64xf32, #tpu.memory_space<vmem_shared>>, %arg11: memref<!tpu.dma_semaphore, #tpu.memory_space<semaphore_mem>>, %arg12: memref<!tpu.dma_semaphore, #tpu.memory_space<semaphore_mem>>, %arg13: memref<!tpu.dma_semaphore, #tpu.memory_space<semaphore_mem>>, %arg14: memref<!tpu.dma_semaphore, #tpu.memory_space<semaphore_mem>>, %arg15: memref<!tpu.dma_semaphore, #tpu.memory_space<semaphore_mem>>, %arg16: memref<!tpu.dma_semaphore, #tpu.memory_space<semaphore_mem>>, %arg17: memref<!tpu.dma_semaphore, #tpu.memory_space<semaphore_mem>>, %arg18: memref<!tpu.dma_semaphore, #tpu.memory_space<semaphore_mem>>, %arg19: memref<!tpu.dma_semaphore, #tpu.memory_space<semaphore_mem>>, %arg20: memref<!tpu.dma_semaphore, #tpu.memory_space<semaphore_mem>>, %arg21: memref<!tpu.dma_semaphore, #tpu.memory_space<semaphore_mem>>, %arg22: memref<!tpu.dma_semaphore, #tpu.memory_space<semaphore_mem>>, %arg23: memref<!tpu.dma_semaphore, #tpu.memory_space<semaphore_mem>>, %arg24: memref<!tpu.dma_semaphore, #tpu.memory_space<semaphore_mem>>, %arg25: memref<!tpu.dma_semaphore, #tpu.memory_space<semaphore_mem>>, %arg26: memref<!tpu.dma_semaphore, #tpu.memory_space<semaphore_mem>>) attributes {dimension_semantics = [#tpu.dimension_semantics<core_parallel>, #tpu.dimension_semantics<subcore_parallel>], iteration_bounds = array<i64: 2, 16>, scalar_prefetch = 0 : i64, scratch_operands = 20 : i64, tpu.core_type = #tpu.core_type<sc_vector_subcore>, window_params = [{transform_indices = #map}, {transform_indices = #map1}, {transform_indices = #map1}, {transform_indices = #map}, {transform_indices = #map}]} {
    %mul3A = arith.constant 632 : i32
    %mul3A_0 = arith.muli %arg1, %mul3A : i32
    "tpu.region"() ({
      %run_scoped3A = tpu.sem_alloc : memref<!tpu.dma_semaphore, #tpu.memory_space<semaphore_mem>>
      %dma_start3A = arith.constant 0 : i32
      %dma_start3A_15 = tpu.memref_slice %arg10[%mul3A_0, %dma_start3A] : memref<10112x64xf32, #tpu.memory_space<vmem_shared>> -> memref<632x64xf32, #tpu.memory_space<vmem_shared>>
      tpu.enqueue_dma source(%arg5 : memref<632x64xf32, #tpu.memory_space<hbm>>) target(%dma_start3A_15 : memref<632x64xf32, #tpu.memory_space<vmem_shared>>) target_semaphore(%run_scoped3A : memref<!tpu.dma_semaphore, #tpu.memory_space<semaphore_mem>>)
      %dma_wait3A = arith.constant 0 : i32
      %dma_wait3A_16 = tpu.memref_slice %arg10[%mul3A_0, %dma_wait3A] : memref<10112x64xf32, #tpu.memory_space<vmem_shared>> -> memref<632x64xf32, #tpu.memory_space<vmem_shared>>
      tpu.wait_dma2 semaphore(%run_scoped3A : memref<!tpu.dma_semaphore, #tpu.memory_space<semaphore_mem>>) src(%arg5 : memref<632x64xf32, #tpu.memory_space<hbm>>) dst(%dma_wait3A_16 : memref<632x64xf32, #tpu.memory_space<vmem_shared>>)
      tpu.yield
    }) : () -> ()
    %barrier3A = arith.constant 0 : index
    tpu.barrier barrier_id(%barrier3A)
    %mul3A_1 = arith.constant 16 : i32
    %mul3A_2 = arith.muli %arg0, %mul3A_1 : i32
    %add3A = arith.addi %mul3A_2, %arg1 : i32
    %scan3A = arith.constant 0 : i32
    %scan3A_3 = arith.constant 0 : i32
    %scan3A_4 = arith.constant 8 : i32
    %scan3A_5 = arith.addi %scan3A_3, %scan3A_4 : i32
    %scan3A_6 = arith.constant 1 : i32
    scf.for %scan3A_15 = %scan3A_3 to %scan3A_5 step %scan3A_6  : i32 {
      %mul3A_16 = arith.constant 40 : i32
      %mul3A_17 = arith.muli %scan3A_15, %mul3A_16 : i32
      "tpu.region"() ({
        %run_scoped3A = tpu.sem_alloc : memref<!tpu.dma_semaphore, #tpu.memory_space<semaphore_mem>>
        %dma_start3A_408 = arith.constant 0 : i32
        %dma_start3A_409 = tpu.memref_slice %arg3[%add3A, %mul3A_17, %dma_start3A_408] : memref<32x320x64xi32, #tpu.memory_space<hbm>> -> memref<1x40x64xi32, #tpu.memory_space<hbm>>
        %dma_start3A_410 = tpu.memref_squeeze %dma_start3A_409 : memref<1x40x64xi32, #tpu.memory_space<hbm>> -> memref<40x64xi32, #tpu.memory_space<hbm>>
        %dma_start3A_411 = arith.constant 0 : i32
        %dma_start3A_412 = tpu.memref_slice %arg3[%add3A, %mul3A_17, %dma_start3A_411] : memref<32x320x64xi32, #tpu.memory_space<hbm>> -> memref<1x40x64xi32, #tpu.memory_space<hbm>>
        %dma_start3A_413 = tpu.memref_squeeze %dma_start3A_412 : memref<1x40x64xi32, #tpu.memory_space<hbm>> -> memref<40x64xi32, #tpu.memory_space<hbm>>
        tpu.enqueue_dma source(%dma_start3A_413 : memref<40x64xi32, #tpu.memory_space<hbm>>) target(%arg7 : memref<40x64xi32, #tpu.memory_space<vmem>>) target_semaphore(%run_scoped3A : memref<!tpu.dma_semaphore, #tpu.memory_space<semaphore_mem>>)
        %dma_wait3A_414 = arith.constant 0 : i32
        %dma_wait3A_415 = tpu.memref_slice %arg3[%add3A, %mul3A_17, %dma_wait3A_414] : memref<32x320x64xi32, #tpu.memory_space<hbm>> -> memref<1x40x64xi32, #tpu.memory_space<hbm>>
        %dma_wait3A_416 = tpu.memref_squeeze %dma_wait3A_415 : memref<1x40x64xi32, #tpu.memory_space<hbm>> -> memref<40x64xi32, #tpu.memory_space<hbm>>
        %dma_wait3A_417 = arith.constant 0 : i32
        %dma_wait3A_418 = tpu.memref_slice %arg3[%add3A, %mul3A_17, %dma_wait3A_417] : memref<32x320x64xi32, #tpu.memory_space<hbm>> -> memref<1x40x64xi32, #tpu.memory_space<hbm>>
        %dma_wait3A_419 = tpu.memref_squeeze %dma_wait3A_418 : memref<1x40x64xi32, #tpu.memory_space<hbm>> -> memref<40x64xi32, #tpu.memory_space<hbm>>
        tpu.wait_dma2 semaphore(%run_scoped3A : memref<!tpu.dma_semaphore, #tpu.memory_space<semaphore_mem>>) src(%dma_wait3A_419 : memref<40x64xi32, #tpu.memory_space<hbm>>) dst(%arg7 : memref<40x64xi32, #tpu.memory_space<vmem>>)
        tpu.yield
      }) : () -> ()
      %mul3A_18 = arith.constant 40 : i32
      %mul3A_19 = arith.muli %scan3A_15, %mul3A_18 : i32
      "tpu.region"() ({
        %run_scoped3A = tpu.sem_alloc : memref<!tpu.dma_semaphore, #tpu.memory_space<semaphore_mem>>
        %dma_start3A_408 = arith.constant 0 : i32
        %dma_start3A_409 = tpu.memref_slice %arg4[%add3A, %mul3A_19, %dma_start3A_408] : memref<32x320x64xi32, #tpu.memory_space<hbm>> -> memref<1x40x64xi32, #tpu.memory_space<hbm>>
        %dma_start3A_410 = tpu.memref_squeeze %dma_start3A_409 : memref<1x40x64xi32, #tpu.memory_space<hbm>> -> memref<40x64xi32, #tpu.memory_space<hbm>>
        %dma_start3A_411 = arith.constant 0 : i32
        %dma_start3A_412 = tpu.memref_slice %arg4[%add3A, %mul3A_19, %dma_start3A_411] : memref<32x320x64xi32, #tpu.memory_space<hbm>> -> memref<1x40x64xi32, #tpu.memory_space<hbm>>
        %dma_start3A_413 = tpu.memref_squeeze %dma_start3A_412 : memref<1x40x64xi32, #tpu.memory_space<hbm>> -> memref<40x64xi32, #tpu.memory_space<hbm>>
        tpu.enqueue_dma source(%dma_start3A_413 : memref<40x64xi32, #tpu.memory_space<hbm>>) target(%arg8 : memref<40x64xi32, #tpu.memory_space<vmem>>) target_semaphore(%run_scoped3A : memref<!tpu.dma_semaphore, #tpu.memory_space<semaphore_mem>>)
        %dma_wait3A_414 = arith.constant 0 : i32
        %dma_wait3A_415 = tpu.memref_slice %arg4[%add3A, %mul3A_19, %dma_wait3A_414] : memref<32x320x64xi32, #tpu.memory_space<hbm>> -> memref<1x40x64xi32, #tpu.memory_space<hbm>>
        %dma_wait3A_416 = tpu.memref_squeeze %dma_wait3A_415 : memref<1x40x64xi32, #tpu.memory_space<hbm>> -> memref<40x64xi32, #tpu.memory_space<hbm>>
        %dma_wait3A_417 = arith.constant 0 : i32
        %dma_wait3A_418 = tpu.memref_slice %arg4[%add3A, %mul3A_19, %dma_wait3A_417] : memref<32x320x64xi32, #tpu.memory_space<hbm>> -> memref<1x40x64xi32, #tpu.memory_space<hbm>>
        %dma_wait3A_419 = tpu.memref_squeeze %dma_wait3A_418 : memref<1x40x64xi32, #tpu.memory_space<hbm>> -> memref<40x64xi32, #tpu.memory_space<hbm>>
        tpu.wait_dma2 semaphore(%run_scoped3A : memref<!tpu.dma_semaphore, #tpu.memory_space<semaphore_mem>>) src(%dma_wait3A_419 : memref<40x64xi32, #tpu.memory_space<hbm>>) dst(%arg8 : memref<40x64xi32, #tpu.memory_space<vmem>>)
        tpu.yield
      }) : () -> ()
      %dma_start3A = arith.constant 0 : i32
      %dma_start3A_20 = arith.constant 0 : i32
      %dma_start3A_21 = arith.constant 0 : i32
      %dma_start3A_22 = arith.constant 0 : i32
      %dma_start3A_23 = tpu.memref_slice %arg9[%dma_start3A_20, %dma_start3A_21, %dma_start3A_22] : memref<8x64x64xf32, #tpu.memory_space<vmem>> -> memref<1x64x64xf32, #tpu.memory_space<vmem>>
      %dma_start3A_24 = tpu.memref_squeeze %dma_start3A_23 : memref<1x64x64xf32, #tpu.memory_space<vmem>> -> memref<64x64xf32, #tpu.memory_space<vmem>>
      %dma_start3A_25 = arith.constant 0 : i32
      %dma_start3A_26 = tpu.memref_slice %arg7[%dma_start3A, %dma_start3A_25] : memref<40x64xi32, #tpu.memory_space<vmem>> -> memref<1x64xi32, #tpu.memory_space<vmem>>
      %dma_start3A_27 = tpu.memref_squeeze %dma_start3A_26 : memref<1x64xi32, #tpu.memory_space<vmem>> -> memref<64xi32, #tpu.memory_space<vmem>>
      %dma_start3A_28 = arith.constant 0 : i32
      %dma_start3A_29 = arith.constant 0 : i32
      %dma_start3A_30 = tpu.memref_slice %arg2[%dma_start3A_28, %dma_start3A_29] : memref<10000x64xf32, #tpu.memory_space<hbm>> -> memref<10000x64xf32, #tpu.memory_space<hbm>>
      tpu.enqueue_indirect_dma source(%dma_start3A_30 : memref<10000x64xf32, #tpu.memory_space<hbm>>) target(%dma_start3A_24 : memref<64x64xf32, #tpu.memory_space<vmem>>) offsets(%dma_start3A_27 : memref<64xi32, #tpu.memory_space<vmem>>) semaphore(%arg11 : memref<!tpu.dma_semaphore, #tpu.memory_space<semaphore_mem>>)
      %dma_start3A_31 = arith.constant 1 : i32
      %dma_start3A_32 = arith.constant 1 : i32
      %dma_start3A_33 = arith.constant 0 : i32
      %dma_start3A_34 = arith.constant 0 : i32
      %dma_start3A_35 = tpu.memref_slice %arg9[%dma_start3A_32, %dma_start3A_33, %dma_start3A_34] : memref<8x64x64xf32, #tpu.memory_space<vmem>> -> memref<1x64x64xf32, #tpu.memory_space<vmem>>
      %dma_start3A_36 = tpu.memref_squeeze %dma_start3A_35 : memref<1x64x64xf32, #tpu.memory_space<vmem>> -> memref<64x64xf32, #tpu.memory_space<vmem>>
      %dma_start3A_37 = arith.constant 0 : i32
      %dma_start3A_38 = tpu.memref_slice %arg7[%dma_start3A_31, %dma_start3A_37] : memref<40x64xi32, #tpu.memory_space<vmem>> -> memref<1x64xi32, #tpu.memory_space<vmem>>
      %dma_start3A_39 = tpu.memref_squeeze %dma_start3A_38 : memref<1x64xi32, #tpu.memory_space<vmem>> -> memref<64xi32, #tpu.memory_space<vmem>>
      %dma_start3A_40 = arith.constant 0 : i32
      %dma_start3A_41 = arith.constant 0 : i32
      %dma_start3A_42 = tpu.memref_slice %arg2[%dma_start3A_40, %dma_start3A_41] : memref<10000x64xf32, #tpu.memory_space<hbm>> -> memref<10000x64xf32, #tpu.memory_space<hbm>>
      tpu.enqueue_indirect_dma source(%dma_start3A_42 : memref<10000x64xf32, #tpu.memory_space<hbm>>) target(%dma_start3A_36 : memref<64x64xf32, #tpu.memory_space<vmem>>) offsets(%dma_start3A_39 : memref<64xi32, #tpu.memory_space<vmem>>) semaphore(%arg12 : memref<!tpu.dma_semaphore, #tpu.memory_space<semaphore_mem>>)
      %dma_start3A_43 = arith.constant 2 : i32
      %dma_start3A_44 = arith.constant 2 : i32
      %dma_start3A_45 = arith.constant 0 : i32
      %dma_start3A_46 = arith.constant 0 : i32
      %dma_start3A_47 = tpu.memref_slice %arg9[%dma_start3A_44, %dma_start3A_45, %dma_start3A_46] : memref<8x64x64xf32, #tpu.memory_space<vmem>> -> memref<1x64x64xf32, #tpu.memory_space<vmem>>
      %dma_start3A_48 = tpu.memref_squeeze %dma_start3A_47 : memref<1x64x64xf32, #tpu.memory_space<vmem>> -> memref<64x64xf32, #tpu.memory_space<vmem>>
      %dma_start3A_49 = arith.constant 0 : i32
      %dma_start3A_50 = tpu.memref_slice %arg7[%dma_start3A_43, %dma_start3A_49] : memref<40x64xi32, #tpu.memory_space<vmem>> -> memref<1x64xi32, #tpu.memory_space<vmem>>
      %dma_start3A_51 = tpu.memref_squeeze %dma_start3A_50 : memref<1x64xi32, #tpu.memory_space<vmem>> -> memref<64xi32, #tpu.memory_space<vmem>>
      %dma_start3A_52 = arith.constant 0 : i32
      %dma_start3A_53 = arith.constant 0 : i32
      %dma_start3A_54 = tpu.memref_slice %arg2[%dma_start3A_52, %dma_start3A_53] : memref<10000x64xf32, #tpu.memory_space<hbm>> -> memref<10000x64xf32, #tpu.memory_space<hbm>>
      tpu.enqueue_indirect_dma source(%dma_start3A_54 : memref<10000x64xf32, #tpu.memory_space<hbm>>) target(%dma_start3A_48 : memref<64x64xf32, #tpu.memory_space<vmem>>) offsets(%dma_start3A_51 : memref<64xi32, #tpu.memory_space<vmem>>) semaphore(%arg13 : memref<!tpu.dma_semaphore, #tpu.memory_space<semaphore_mem>>)
      %dma_start3A_55 = arith.constant 3 : i32
      %dma_start3A_56 = arith.constant 3 : i32
      %dma_start3A_57 = arith.constant 0 : i32
      %dma_start3A_58 = arith.constant 0 : i32
      %dma_start3A_59 = tpu.memref_slice %arg9[%dma_start3A_56, %dma_start3A_57, %dma_start3A_58] : memref<8x64x64xf32, #tpu.memory_space<vmem>> -> memref<1x64x64xf32, #tpu.memory_space<vmem>>
      %dma_start3A_60 = tpu.memref_squeeze %dma_start3A_59 : memref<1x64x64xf32, #tpu.memory_space<vmem>> -> memref<64x64xf32, #tpu.memory_space<vmem>>
      %dma_start3A_61 = arith.constant 0 : i32
      %dma_start3A_62 = tpu.memref_slice %arg7[%dma_start3A_55, %dma_start3A_61] : memref<40x64xi32, #tpu.memory_space<vmem>> -> memref<1x64xi32, #tpu.memory_space<vmem>>
      %dma_start3A_63 = tpu.memref_squeeze %dma_start3A_62 : memref<1x64xi32, #tpu.memory_space<vmem>> -> memref<64xi32, #tpu.memory_space<vmem>>
      %dma_start3A_64 = arith.constant 0 : i32
      %dma_start3A_65 = arith.constant 0 : i32
      %dma_start3A_66 = tpu.memref_slice %arg2[%dma_start3A_64, %dma_start3A_65] : memref<10000x64xf32, #tpu.memory_space<hbm>> -> memref<10000x64xf32, #tpu.memory_space<hbm>>
      tpu.enqueue_indirect_dma source(%dma_start3A_66 : memref<10000x64xf32, #tpu.memory_space<hbm>>) target(%dma_start3A_60 : memref<64x64xf32, #tpu.memory_space<vmem>>) offsets(%dma_start3A_63 : memref<64xi32, #tpu.memory_space<vmem>>) semaphore(%arg14 : memref<!tpu.dma_semaphore, #tpu.memory_space<semaphore_mem>>)
      %dma_start3A_67 = arith.constant 4 : i32
      %dma_start3A_68 = arith.constant 4 : i32
      %dma_start3A_69 = arith.constant 0 : i32
      %dma_start3A_70 = arith.constant 0 : i32
      %dma_start3A_71 = tpu.memref_slice %arg9[%dma_start3A_68, %dma_start3A_69, %dma_start3A_70] : memref<8x64x64xf32, #tpu.memory_space<vmem>> -> memref<1x64x64xf32, #tpu.memory_space<vmem>>
      %dma_start3A_72 = tpu.memref_squeeze %dma_start3A_71 : memref<1x64x64xf32, #tpu.memory_space<vmem>> -> memref<64x64xf32, #tpu.memory_space<vmem>>
      %dma_start3A_73 = arith.constant 0 : i32
      %dma_start3A_74 = tpu.memref_slice %arg7[%dma_start3A_67, %dma_start3A_73] : memref<40x64xi32, #tpu.memory_space<vmem>> -> memref<1x64xi32, #tpu.memory_space<vmem>>
      %dma_start3A_75 = tpu.memref_squeeze %dma_start3A_74 : memref<1x64xi32, #tpu.memory_space<vmem>> -> memref<64xi32, #tpu.memory_space<vmem>>
      %dma_start3A_76 = arith.constant 0 : i32
      %dma_start3A_77 = arith.constant 0 : i32
      %dma_start3A_78 = tpu.memref_slice %arg2[%dma_start3A_76, %dma_start3A_77] : memref<10000x64xf32, #tpu.memory_space<hbm>> -> memref<10000x64xf32, #tpu.memory_space<hbm>>
      tpu.enqueue_indirect_dma source(%dma_start3A_78 : memref<10000x64xf32, #tpu.memory_space<hbm>>) target(%dma_start3A_72 : memref<64x64xf32, #tpu.memory_space<vmem>>) offsets(%dma_start3A_75 : memref<64xi32, #tpu.memory_space<vmem>>) semaphore(%arg15 : memref<!tpu.dma_semaphore, #tpu.memory_space<semaphore_mem>>)
      %dma_start3A_79 = arith.constant 5 : i32
      %dma_start3A_80 = arith.constant 5 : i32
      %dma_start3A_81 = arith.constant 0 : i32
      %dma_start3A_82 = arith.constant 0 : i32
      %dma_start3A_83 = tpu.memref_slice %arg9[%dma_start3A_80, %dma_start3A_81, %dma_start3A_82] : memref<8x64x64xf32, #tpu.memory_space<vmem>> -> memref<1x64x64xf32, #tpu.memory_space<vmem>>
      %dma_start3A_84 = tpu.memref_squeeze %dma_start3A_83 : memref<1x64x64xf32, #tpu.memory_space<vmem>> -> memref<64x64xf32, #tpu.memory_space<vmem>>
      %dma_start3A_85 = arith.constant 0 : i32
      %dma_start3A_86 = tpu.memref_slice %arg7[%dma_start3A_79, %dma_start3A_85] : memref<40x64xi32, #tpu.memory_space<vmem>> -> memref<1x64xi32, #tpu.memory_space<vmem>>
      %dma_start3A_87 = tpu.memref_squeeze %dma_start3A_86 : memref<1x64xi32, #tpu.memory_space<vmem>> -> memref<64xi32, #tpu.memory_space<vmem>>
      %dma_start3A_88 = arith.constant 0 : i32
      %dma_start3A_89 = arith.constant 0 : i32
      %dma_start3A_90 = tpu.memref_slice %arg2[%dma_start3A_88, %dma_start3A_89] : memref<10000x64xf32, #tpu.memory_space<hbm>> -> memref<10000x64xf32, #tpu.memory_space<hbm>>
      tpu.enqueue_indirect_dma source(%dma_start3A_90 : memref<10000x64xf32, #tpu.memory_space<hbm>>) target(%dma_start3A_84 : memref<64x64xf32, #tpu.memory_space<vmem>>) offsets(%dma_start3A_87 : memref<64xi32, #tpu.memory_space<vmem>>) semaphore(%arg16 : memref<!tpu.dma_semaphore, #tpu.memory_space<semaphore_mem>>)
      %dma_start3A_91 = arith.constant 6 : i32
      %dma_start3A_92 = arith.constant 6 : i32
      %dma_start3A_93 = arith.constant 0 : i32
      %dma_start3A_94 = arith.constant 0 : i32
      %dma_start3A_95 = tpu.memref_slice %arg9[%dma_start3A_92, %dma_start3A_93, %dma_start3A_94] : memref<8x64x64xf32, #tpu.memory_space<vmem>> -> memref<1x64x64xf32, #tpu.memory_space<vmem>>
      %dma_start3A_96 = tpu.memref_squeeze %dma_start3A_95 : memref<1x64x64xf32, #tpu.memory_space<vmem>> -> memref<64x64xf32, #tpu.memory_space<vmem>>
      %dma_start3A_97 = arith.constant 0 : i32
      %dma_start3A_98 = tpu.memref_slice %arg7[%dma_start3A_91, %dma_start3A_97] : memref<40x64xi32, #tpu.memory_space<vmem>> -> memref<1x64xi32, #tpu.memory_space<vmem>>
      %dma_start3A_99 = tpu.memref_squeeze %dma_start3A_98 : memref<1x64xi32, #tpu.memory_space<vmem>> -> memref<64xi32, #tpu.memory_space<vmem>>
      %dma_start3A_100 = arith.constant 0 : i32
      %dma_start3A_101 = arith.constant 0 : i32
      %dma_start3A_102 = tpu.memref_slice %arg2[%dma_start3A_100, %dma_start3A_101] : memref<10000x64xf32, #tpu.memory_space<hbm>> -> memref<10000x64xf32, #tpu.memory_space<hbm>>
      tpu.enqueue_indirect_dma source(%dma_start3A_102 : memref<10000x64xf32, #tpu.memory_space<hbm>>) target(%dma_start3A_96 : memref<64x64xf32, #tpu.memory_space<vmem>>) offsets(%dma_start3A_99 : memref<64xi32, #tpu.memory_space<vmem>>) semaphore(%arg17 : memref<!tpu.dma_semaphore, #tpu.memory_space<semaphore_mem>>)
      %dma_start3A_103 = arith.constant 7 : i32
      %dma_start3A_104 = arith.constant 7 : i32
      %dma_start3A_105 = arith.constant 0 : i32
      %dma_start3A_106 = arith.constant 0 : i32
      %dma_start3A_107 = tpu.memref_slice %arg9[%dma_start3A_104, %dma_start3A_105, %dma_start3A_106] : memref<8x64x64xf32, #tpu.memory_space<vmem>> -> memref<1x64x64xf32, #tpu.memory_space<vmem>>
      %dma_start3A_108 = tpu.memref_squeeze %dma_start3A_107 : memref<1x64x64xf32, #tpu.memory_space<vmem>> -> memref<64x64xf32, #tpu.memory_space<vmem>>
      %dma_start3A_109 = arith.constant 0 : i32
      %dma_start3A_110 = tpu.memref_slice %arg7[%dma_start3A_103, %dma_start3A_109] : memref<40x64xi32, #tpu.memory_space<vmem>> -> memref<1x64xi32, #tpu.memory_space<vmem>>
      %dma_start3A_111 = tpu.memref_squeeze %dma_start3A_110 : memref<1x64xi32, #tpu.memory_space<vmem>> -> memref<64xi32, #tpu.memory_space<vmem>>
      %dma_start3A_112 = arith.constant 0 : i32
      %dma_start3A_113 = arith.constant 0 : i32
      %dma_start3A_114 = tpu.memref_slice %arg2[%dma_start3A_112, %dma_start3A_113] : memref<10000x64xf32, #tpu.memory_space<hbm>> -> memref<10000x64xf32, #tpu.memory_space<hbm>>
      tpu.enqueue_indirect_dma source(%dma_start3A_114 : memref<10000x64xf32, #tpu.memory_space<hbm>>) target(%dma_start3A_108 : memref<64x64xf32, #tpu.memory_space<vmem>>) offsets(%dma_start3A_111 : memref<64xi32, #tpu.memory_space<vmem>>) semaphore(%arg18 : memref<!tpu.dma_semaphore, #tpu.memory_space<semaphore_mem>>)
      %dma_wait3A = arith.constant 0 : i32
      %dma_wait3A_115 = arith.constant 0 : i32
      %dma_wait3A_116 = arith.constant 0 : i32
      %dma_wait3A_117 = arith.constant 0 : i32
      %dma_wait3A_118 = tpu.memref_slice %arg9[%dma_wait3A_115, %dma_wait3A_116, %dma_wait3A_117] : memref<8x64x64xf32, #tpu.memory_space<vmem>> -> memref<1x64x64xf32, #tpu.memory_space<vmem>>
      %dma_wait3A_119 = tpu.memref_squeeze %dma_wait3A_118 : memref<1x64x64xf32, #tpu.memory_space<vmem>> -> memref<64x64xf32, #tpu.memory_space<vmem>>
      %dma_wait3A_120 = arith.constant 0 : i32
      %dma_wait3A_121 = tpu.memref_slice %arg7[%dma_wait3A, %dma_wait3A_120] : memref<40x64xi32, #tpu.memory_space<vmem>> -> memref<1x64xi32, #tpu.memory_space<vmem>>
      %dma_wait3A_122 = tpu.memref_squeeze %dma_wait3A_121 : memref<1x64xi32, #tpu.memory_space<vmem>> -> memref<64xi32, #tpu.memory_space<vmem>>
      %dma_wait3A_123 = arith.constant 0 : i32
      %dma_wait3A_124 = arith.constant 0 : i32
      %dma_wait3A_125 = tpu.memref_slice %arg2[%dma_wait3A_123, %dma_wait3A_124] : memref<10000x64xf32, #tpu.memory_space<hbm>> -> memref<10000x64xf32, #tpu.memory_space<hbm>>
      tpu.wait_indirect_dma semaphore(%arg11 : memref<!tpu.dma_semaphore, #tpu.memory_space<semaphore_mem>>) src(%dma_wait3A_125 : memref<10000x64xf32, #tpu.memory_space<hbm>>) dst(%dma_wait3A_119 : memref<64x64xf32, #tpu.memory_space<vmem>>)
      %dma_start3A_126 = arith.constant 0 : i32
      %dma_start3A_127 = arith.constant 0 : i32
      %dma_start3A_128 = arith.constant 0 : i32
      %dma_start3A_129 = arith.constant 0 : i32
      %dma_start3A_130 = tpu.memref_slice %arg9[%dma_start3A_126, %dma_start3A_128, %dma_start3A_129] : memref<8x64x64xf32, #tpu.memory_space<vmem>> -> memref<1x64x64xf32, #tpu.memory_space<vmem>>
      %dma_start3A_131 = tpu.memref_squeeze %dma_start3A_130 : memref<1x64x64xf32, #tpu.memory_space<vmem>> -> memref<64x64xf32, #tpu.memory_space<vmem>>
      %dma_start3A_132 = arith.constant 0 : i32
      %dma_start3A_133 = tpu.memref_slice %arg8[%dma_start3A_127, %dma_start3A_132] : memref<40x64xi32, #tpu.memory_space<vmem>> -> memref<1x64xi32, #tpu.memory_space<vmem>>
      %dma_start3A_134 = tpu.memref_squeeze %dma_start3A_133 : memref<1x64xi32, #tpu.memory_space<vmem>> -> memref<64xi32, #tpu.memory_space<vmem>>
      %dma_start3A_135 = arith.constant 0 : i32
      %dma_start3A_136 = arith.constant 0 : i32
      %dma_start3A_137 = tpu.memref_slice %arg10[%dma_start3A_135, %dma_start3A_136] : memref<10112x64xf32, #tpu.memory_space<vmem_shared>> -> memref<10112x64xf32, #tpu.memory_space<vmem_shared>>
      tpu.enqueue_indirect_dma source(%dma_start3A_131 : memref<64x64xf32, #tpu.memory_space<vmem>>) target(%dma_start3A_137 : memref<10112x64xf32, #tpu.memory_space<vmem_shared>>) offsets(%dma_start3A_134 : memref<64xi32, #tpu.memory_space<vmem>>) semaphore(%arg19 : memref<!tpu.dma_semaphore, #tpu.memory_space<semaphore_mem>>) {add = true}
      %dma_wait3A_138 = arith.constant 0 : i32
      %dma_wait3A_139 = arith.constant 1 : i32
      %dma_wait3A_140 = arith.constant 0 : i32
      %dma_wait3A_141 = arith.constant 0 : i32
      %dma_wait3A_142 = tpu.memref_slice %arg9[%dma_wait3A_139, %dma_wait3A_140, %dma_wait3A_141] : memref<8x64x64xf32, #tpu.memory_space<vmem>> -> memref<1x64x64xf32, #tpu.memory_space<vmem>>
      %dma_wait3A_143 = tpu.memref_squeeze %dma_wait3A_142 : memref<1x64x64xf32, #tpu.memory_space<vmem>> -> memref<64x64xf32, #tpu.memory_space<vmem>>
      %dma_wait3A_144 = arith.constant 0 : i32
      %dma_wait3A_145 = tpu.memref_slice %arg7[%dma_wait3A_138, %dma_wait3A_144] : memref<40x64xi32, #tpu.memory_space<vmem>> -> memref<1x64xi32, #tpu.memory_space<vmem>>
      %dma_wait3A_146 = tpu.memref_squeeze %dma_wait3A_145 : memref<1x64xi32, #tpu.memory_space<vmem>> -> memref<64xi32, #tpu.memory_space<vmem>>
      %dma_wait3A_147 = arith.constant 0 : i32
      %dma_wait3A_148 = arith.constant 0 : i32
      %dma_wait3A_149 = tpu.memref_slice %arg2[%dma_wait3A_147, %dma_wait3A_148] : memref<10000x64xf32, #tpu.memory_space<hbm>> -> memref<10000x64xf32, #tpu.memory_space<hbm>>
      tpu.wait_indirect_dma semaphore(%arg12 : memref<!tpu.dma_semaphore, #tpu.memory_space<semaphore_mem>>) src(%dma_wait3A_149 : memref<10000x64xf32, #tpu.memory_space<hbm>>) dst(%dma_wait3A_143 : memref<64x64xf32, #tpu.memory_space<vmem>>)
      %dma_start3A_150 = arith.constant 1 : i32
      %dma_start3A_151 = arith.constant 1 : i32
      %dma_start3A_152 = arith.constant 0 : i32
      %dma_start3A_153 = arith.constant 0 : i32
      %dma_start3A_154 = tpu.memref_slice %arg9[%dma_start3A_150, %dma_start3A_152, %dma_start3A_153] : memref<8x64x64xf32, #tpu.memory_space<vmem>> -> memref<1x64x64xf32, #tpu.memory_space<vmem>>
      %dma_start3A_155 = tpu.memref_squeeze %dma_start3A_154 : memref<1x64x64xf32, #tpu.memory_space<vmem>> -> memref<64x64xf32, #tpu.memory_space<vmem>>
      %dma_start3A_156 = arith.constant 0 : i32
      %dma_start3A_157 = tpu.memref_slice %arg8[%dma_start3A_151, %dma_start3A_156] : memref<40x64xi32, #tpu.memory_space<vmem>> -> memref<1x64xi32, #tpu.memory_space<vmem>>
      %dma_start3A_158 = tpu.memref_squeeze %dma_start3A_157 : memref<1x64xi32, #tpu.memory_space<vmem>> -> memref<64xi32, #tpu.memory_space<vmem>>
      %dma_start3A_159 = arith.constant 0 : i32
      %dma_start3A_160 = arith.constant 0 : i32
      %dma_start3A_161 = tpu.memref_slice %arg10[%dma_start3A_159, %dma_start3A_160] : memref<10112x64xf32, #tpu.memory_space<vmem_shared>> -> memref<10112x64xf32, #tpu.memory_space<vmem_shared>>
      tpu.enqueue_indirect_dma source(%dma_start3A_155 : memref<64x64xf32, #tpu.memory_space<vmem>>) target(%dma_start3A_161 : memref<10112x64xf32, #tpu.memory_space<vmem_shared>>) offsets(%dma_start3A_158 : memref<64xi32, #tpu.memory_space<vmem>>) semaphore(%arg20 : memref<!tpu.dma_semaphore, #tpu.memory_space<semaphore_mem>>) {add = true}
      %dma_wait3A_162 = arith.constant 0 : i32
      %dma_wait3A_163 = arith.constant 2 : i32
      %dma_wait3A_164 = arith.constant 0 : i32
      %dma_wait3A_165 = arith.constant 0 : i32
      %dma_wait3A_166 = tpu.memref_slice %arg9[%dma_wait3A_163, %dma_wait3A_164, %dma_wait3A_165] : memref<8x64x64xf32, #tpu.memory_space<vmem>> -> memref<1x64x64xf32, #tpu.memory_space<vmem>>
      %dma_wait3A_167 = tpu.memref_squeeze %dma_wait3A_166 : memref<1x64x64xf32, #tpu.memory_space<vmem>> -> memref<64x64xf32, #tpu.memory_space<vmem>>
      %dma_wait3A_168 = arith.constant 0 : i32
      %dma_wait3A_169 = tpu.memref_slice %arg7[%dma_wait3A_162, %dma_wait3A_168] : memref<40x64xi32, #tpu.memory_space<vmem>> -> memref<1x64xi32, #tpu.memory_space<vmem>>
      %dma_wait3A_170 = tpu.memref_squeeze %dma_wait3A_169 : memref<1x64xi32, #tpu.memory_space<vmem>> -> memref<64xi32, #tpu.memory_space<vmem>>
      %dma_wait3A_171 = arith.constant 0 : i32
      %dma_wait3A_172 = arith.constant 0 : i32
      %dma_wait3A_173 = tpu.memref_slice %arg2[%dma_wait3A_171, %dma_wait3A_172] : memref<10000x64xf32, #tpu.memory_space<hbm>> -> memref<10000x64xf32, #tpu.memory_space<hbm>>
      tpu.wait_indirect_dma semaphore(%arg13 : memref<!tpu.dma_semaphore, #tpu.memory_space<semaphore_mem>>) src(%dma_wait3A_173 : memref<10000x64xf32, #tpu.memory_space<hbm>>) dst(%dma_wait3A_167 : memref<64x64xf32, #tpu.memory_space<vmem>>)
      %dma_start3A_174 = arith.constant 2 : i32
      %dma_start3A_175 = arith.constant 2 : i32
      %dma_start3A_176 = arith.constant 0 : i32
      %dma_start3A_177 = arith.constant 0 : i32
      %dma_start3A_178 = tpu.memref_slice %arg9[%dma_start3A_174, %dma_start3A_176, %dma_start3A_177] : memref<8x64x64xf32, #tpu.memory_space<vmem>> -> memref<1x64x64xf32, #tpu.memory_space<vmem>>
      %dma_start3A_179 = tpu.memref_squeeze %dma_start3A_178 : memref<1x64x64xf32, #tpu.memory_space<vmem>> -> memref<64x64xf32, #tpu.memory_space<vmem>>
      %dma_start3A_180 = arith.constant 0 : i32
      %dma_start3A_181 = tpu.memref_slice %arg8[%dma_start3A_175, %dma_start3A_180] : memref<40x64xi32, #tpu.memory_space<vmem>> -> memref<1x64xi32, #tpu.memory_space<vmem>>
      %dma_start3A_182 = tpu.memref_squeeze %dma_start3A_181 : memref<1x64xi32, #tpu.memory_space<vmem>> -> memref<64xi32, #tpu.memory_space<vmem>>
      %dma_start3A_183 = arith.constant 0 : i32
      %dma_start3A_184 = arith.constant 0 : i32
      %dma_start3A_185 = tpu.memref_slice %arg10[%dma_start3A_183, %dma_start3A_184] : memref<10112x64xf32, #tpu.memory_space<vmem_shared>> -> memref<10112x64xf32, #tpu.memory_space<vmem_shared>>
      tpu.enqueue_indirect_dma source(%dma_start3A_179 : memref<64x64xf32, #tpu.memory_space<vmem>>) target(%dma_start3A_185 : memref<10112x64xf32, #tpu.memory_space<vmem_shared>>) offsets(%dma_start3A_182 : memref<64xi32, #tpu.memory_space<vmem>>) semaphore(%arg21 : memref<!tpu.dma_semaphore, #tpu.memory_space<semaphore_mem>>) {add = true}
      %dma_wait3A_186 = arith.constant 0 : i32
      %dma_wait3A_187 = arith.constant 3 : i32
      %dma_wait3A_188 = arith.constant 0 : i32
      %dma_wait3A_189 = arith.constant 0 : i32
      %dma_wait3A_190 = tpu.memref_slice %arg9[%dma_wait3A_187, %dma_wait3A_188, %dma_wait3A_189] : memref<8x64x64xf32, #tpu.memory_space<vmem>> -> memref<1x64x64xf32, #tpu.memory_space<vmem>>
      %dma_wait3A_191 = tpu.memref_squeeze %dma_wait3A_190 : memref<1x64x64xf32, #tpu.memory_space<vmem>> -> memref<64x64xf32, #tpu.memory_space<vmem>>
      %dma_wait3A_192 = arith.constant 0 : i32
      %dma_wait3A_193 = tpu.memref_slice %arg7[%dma_wait3A_186, %dma_wait3A_192] : memref<40x64xi32, #tpu.memory_space<vmem>> -> memref<1x64xi32, #tpu.memory_space<vmem>>
      %dma_wait3A_194 = tpu.memref_squeeze %dma_wait3A_193 : memref<1x64xi32, #tpu.memory_space<vmem>> -> memref<64xi32, #tpu.memory_space<vmem>>
      %dma_wait3A_195 = arith.constant 0 : i32
      %dma_wait3A_196 = arith.constant 0 : i32
      %dma_wait3A_197 = tpu.memref_slice %arg2[%dma_wait3A_195, %dma_wait3A_196] : memref<10000x64xf32, #tpu.memory_space<hbm>> -> memref<10000x64xf32, #tpu.memory_space<hbm>>
      tpu.wait_indirect_dma semaphore(%arg14 : memref<!tpu.dma_semaphore, #tpu.memory_space<semaphore_mem>>) src(%dma_wait3A_197 : memref<10000x64xf32, #tpu.memory_space<hbm>>) dst(%dma_wait3A_191 : memref<64x64xf32, #tpu.memory_space<vmem>>)
      %dma_start3A_198 = arith.constant 3 : i32
      %dma_start3A_199 = arith.constant 3 : i32
      %dma_start3A_200 = arith.constant 0 : i32
      %dma_start3A_201 = arith.constant 0 : i32
      %dma_start3A_202 = tpu.memref_slice %arg9[%dma_start3A_198, %dma_start3A_200, %dma_start3A_201] : memref<8x64x64xf32, #tpu.memory_space<vmem>> -> memref<1x64x64xf32, #tpu.memory_space<vmem>>
      %dma_start3A_203 = tpu.memref_squeeze %dma_start3A_202 : memref<1x64x64xf32, #tpu.memory_space<vmem>> -> memref<64x64xf32, #tpu.memory_space<vmem>>
      %dma_start3A_204 = arith.constant 0 : i32
      %dma_start3A_205 = tpu.memref_slice %arg8[%dma_start3A_199, %dma_start3A_204] : memref<40x64xi32, #tpu.memory_space<vmem>> -> memref<1x64xi32, #tpu.memory_space<vmem>>
      %dma_start3A_206 = tpu.memref_squeeze %dma_start3A_205 : memref<1x64xi32, #tpu.memory_space<vmem>> -> memref<64xi32, #tpu.memory_space<vmem>>
      %dma_start3A_207 = arith.constant 0 : i32
      %dma_start3A_208 = arith.constant 0 : i32
      %dma_start3A_209 = tpu.memref_slice %arg10[%dma_start3A_207, %dma_start3A_208] : memref<10112x64xf32, #tpu.memory_space<vmem_shared>> -> memref<10112x64xf32, #tpu.memory_space<vmem_shared>>
      tpu.enqueue_indirect_dma source(%dma_start3A_203 : memref<64x64xf32, #tpu.memory_space<vmem>>) target(%dma_start3A_209 : memref<10112x64xf32, #tpu.memory_space<vmem_shared>>) offsets(%dma_start3A_206 : memref<64xi32, #tpu.memory_space<vmem>>) semaphore(%arg22 : memref<!tpu.dma_semaphore, #tpu.memory_space<semaphore_mem>>) {add = true}
      %dma_wait3A_210 = arith.constant 0 : i32
      %dma_wait3A_211 = arith.constant 4 : i32
      %dma_wait3A_212 = arith.constant 0 : i32
      %dma_wait3A_213 = arith.constant 0 : i32
      %dma_wait3A_214 = tpu.memref_slice %arg9[%dma_wait3A_211, %dma_wait3A_212, %dma_wait3A_213] : memref<8x64x64xf32, #tpu.memory_space<vmem>> -> memref<1x64x64xf32, #tpu.memory_space<vmem>>
      %dma_wait3A_215 = tpu.memref_squeeze %dma_wait3A_214 : memref<1x64x64xf32, #tpu.memory_space<vmem>> -> memref<64x64xf32, #tpu.memory_space<vmem>>
      %dma_wait3A_216 = arith.constant 0 : i32
      %dma_wait3A_217 = tpu.memref_slice %arg7[%dma_wait3A_210, %dma_wait3A_216] : memref<40x64xi32, #tpu.memory_space<vmem>> -> memref<1x64xi32, #tpu.memory_space<vmem>>
      %dma_wait3A_218 = tpu.memref_squeeze %dma_wait3A_217 : memref<1x64xi32, #tpu.memory_space<vmem>> -> memref<64xi32, #tpu.memory_space<vmem>>
      %dma_wait3A_219 = arith.constant 0 : i32
      %dma_wait3A_220 = arith.constant 0 : i32
      %dma_wait3A_221 = tpu.memref_slice %arg2[%dma_wait3A_219, %dma_wait3A_220] : memref<10000x64xf32, #tpu.memory_space<hbm>> -> memref<10000x64xf32, #tpu.memory_space<hbm>>
      tpu.wait_indirect_dma semaphore(%arg15 : memref<!tpu.dma_semaphore, #tpu.memory_space<semaphore_mem>>) src(%dma_wait3A_221 : memref<10000x64xf32, #tpu.memory_space<hbm>>) dst(%dma_wait3A_215 : memref<64x64xf32, #tpu.memory_space<vmem>>)
      %dma_start3A_222 = arith.constant 4 : i32
      %dma_start3A_223 = arith.constant 4 : i32
      %dma_start3A_224 = arith.constant 0 : i32
      %dma_start3A_225 = arith.constant 0 : i32
      %dma_start3A_226 = tpu.memref_slice %arg9[%dma_start3A_222, %dma_start3A_224, %dma_start3A_225] : memref<8x64x64xf32, #tpu.memory_space<vmem>> -> memref<1x64x64xf32, #tpu.memory_space<vmem>>
      %dma_start3A_227 = tpu.memref_squeeze %dma_start3A_226 : memref<1x64x64xf32, #tpu.memory_space<vmem>> -> memref<64x64xf32, #tpu.memory_space<vmem>>
      %dma_start3A_228 = arith.constant 0 : i32
      %dma_start3A_229 = tpu.memref_slice %arg8[%dma_start3A_223, %dma_start3A_228] : memref<40x64xi32, #tpu.memory_space<vmem>> -> memref<1x64xi32, #tpu.memory_space<vmem>>
      %dma_start3A_230 = tpu.memref_squeeze %dma_start3A_229 : memref<1x64xi32, #tpu.memory_space<vmem>> -> memref<64xi32, #tpu.memory_space<vmem>>
      %dma_start3A_231 = arith.constant 0 : i32
      %dma_start3A_232 = arith.constant 0 : i32
      %dma_start3A_233 = tpu.memref_slice %arg10[%dma_start3A_231, %dma_start3A_232] : memref<10112x64xf32, #tpu.memory_space<vmem_shared>> -> memref<10112x64xf32, #tpu.memory_space<vmem_shared>>
      tpu.enqueue_indirect_dma source(%dma_start3A_227 : memref<64x64xf32, #tpu.memory_space<vmem>>) target(%dma_start3A_233 : memref<10112x64xf32, #tpu.memory_space<vmem_shared>>) offsets(%dma_start3A_230 : memref<64xi32, #tpu.memory_space<vmem>>) semaphore(%arg23 : memref<!tpu.dma_semaphore, #tpu.memory_space<semaphore_mem>>) {add = true}
      %dma_wait3A_234 = arith.constant 0 : i32
      %dma_wait3A_235 = arith.constant 5 : i32
      %dma_wait3A_236 = arith.constant 0 : i32
      %dma_wait3A_237 = arith.constant 0 : i32
      %dma_wait3A_238 = tpu.memref_slice %arg9[%dma_wait3A_235, %dma_wait3A_236, %dma_wait3A_237] : memref<8x64x64xf32, #tpu.memory_space<vmem>> -> memref<1x64x64xf32, #tpu.memory_space<vmem>>
      %dma_wait3A_239 = tpu.memref_squeeze %dma_wait3A_238 : memref<1x64x64xf32, #tpu.memory_space<vmem>> -> memref<64x64xf32, #tpu.memory_space<vmem>>
      %dma_wait3A_240 = arith.constant 0 : i32
      %dma_wait3A_241 = tpu.memref_slice %arg7[%dma_wait3A_234, %dma_wait3A_240] : memref<40x64xi32, #tpu.memory_space<vmem>> -> memref<1x64xi32, #tpu.memory_space<vmem>>
      %dma_wait3A_242 = tpu.memref_squeeze %dma_wait3A_241 : memref<1x64xi32, #tpu.memory_space<vmem>> -> memref<64xi32, #tpu.memory_space<vmem>>
      %dma_wait3A_243 = arith.constant 0 : i32
      %dma_wait3A_244 = arith.constant 0 : i32
      %dma_wait3A_245 = tpu.memref_slice %arg2[%dma_wait3A_243, %dma_wait3A_244] : memref<10000x64xf32, #tpu.memory_space<hbm>> -> memref<10000x64xf32, #tpu.memory_space<hbm>>
      tpu.wait_indirect_dma semaphore(%arg16 : memref<!tpu.dma_semaphore, #tpu.memory_space<semaphore_mem>>) src(%dma_wait3A_245 : memref<10000x64xf32, #tpu.memory_space<hbm>>) dst(%dma_wait3A_239 : memref<64x64xf32, #tpu.memory_space<vmem>>)
      %dma_start3A_246 = arith.constant 5 : i32
      %dma_start3A_247 = arith.constant 5 : i32
      %dma_start3A_248 = arith.constant 0 : i32
      %dma_start3A_249 = arith.constant 0 : i32
      %dma_start3A_250 = tpu.memref_slice %arg9[%dma_start3A_246, %dma_start3A_248, %dma_start3A_249] : memref<8x64x64xf32, #tpu.memory_space<vmem>> -> memref<1x64x64xf32, #tpu.memory_space<vmem>>
      %dma_start3A_251 = tpu.memref_squeeze %dma_start3A_250 : memref<1x64x64xf32, #tpu.memory_space<vmem>> -> memref<64x64xf32, #tpu.memory_space<vmem>>
      %dma_start3A_252 = arith.constant 0 : i32
      %dma_start3A_253 = tpu.memref_slice %arg8[%dma_start3A_247, %dma_start3A_252] : memref<40x64xi32, #tpu.memory_space<vmem>> -> memref<1x64xi32, #tpu.memory_space<vmem>>
      %dma_start3A_254 = tpu.memref_squeeze %dma_start3A_253 : memref<1x64xi32, #tpu.memory_space<vmem>> -> memref<64xi32, #tpu.memory_space<vmem>>
      %dma_start3A_255 = arith.constant 0 : i32
      %dma_start3A_256 = arith.constant 0 : i32
      %dma_start3A_257 = tpu.memref_slice %arg10[%dma_start3A_255, %dma_start3A_256] : memref<10112x64xf32, #tpu.memory_space<vmem_shared>> -> memref<10112x64xf32, #tpu.memory_space<vmem_shared>>
      tpu.enqueue_indirect_dma source(%dma_start3A_251 : memref<64x64xf32, #tpu.memory_space<vmem>>) target(%dma_start3A_257 : memref<10112x64xf32, #tpu.memory_space<vmem_shared>>) offsets(%dma_start3A_254 : memref<64xi32, #tpu.memory_space<vmem>>) semaphore(%arg24 : memref<!tpu.dma_semaphore, #tpu.memory_space<semaphore_mem>>) {add = true}
      %dma_wait3A_258 = arith.constant 0 : i32
      %dma_wait3A_259 = arith.constant 6 : i32
      %dma_wait3A_260 = arith.constant 0 : i32
      %dma_wait3A_261 = arith.constant 0 : i32
      %dma_wait3A_262 = tpu.memref_slice %arg9[%dma_wait3A_259, %dma_wait3A_260, %dma_wait3A_261] : memref<8x64x64xf32, #tpu.memory_space<vmem>> -> memref<1x64x64xf32, #tpu.memory_space<vmem>>
      %dma_wait3A_263 = tpu.memref_squeeze %dma_wait3A_262 : memref<1x64x64xf32, #tpu.memory_space<vmem>> -> memref<64x64xf32, #tpu.memory_space<vmem>>
      %dma_wait3A_264 = arith.constant 0 : i32
      %dma_wait3A_265 = tpu.memref_slice %arg7[%dma_wait3A_258, %dma_wait3A_264] : memref<40x64xi32, #tpu.memory_space<vmem>> -> memref<1x64xi32, #tpu.memory_space<vmem>>
      %dma_wait3A_266 = tpu.memref_squeeze %dma_wait3A_265 : memref<1x64xi32, #tpu.memory_space<vmem>> -> memref<64xi32, #tpu.memory_space<vmem>>
      %dma_wait3A_267 = arith.constant 0 : i32
      %dma_wait3A_268 = arith.constant 0 : i32
      %dma_wait3A_269 = tpu.memref_slice %arg2[%dma_wait3A_267, %dma_wait3A_268] : memref<10000x64xf32, #tpu.memory_space<hbm>> -> memref<10000x64xf32, #tpu.memory_space<hbm>>
      tpu.wait_indirect_dma semaphore(%arg17 : memref<!tpu.dma_semaphore, #tpu.memory_space<semaphore_mem>>) src(%dma_wait3A_269 : memref<10000x64xf32, #tpu.memory_space<hbm>>) dst(%dma_wait3A_263 : memref<64x64xf32, #tpu.memory_space<vmem>>)
      %dma_start3A_270 = arith.constant 6 : i32
      %dma_start3A_271 = arith.constant 6 : i32
      %dma_start3A_272 = arith.constant 0 : i32
      %dma_start3A_273 = arith.constant 0 : i32
      %dma_start3A_274 = tpu.memref_slice %arg9[%dma_start3A_270, %dma_start3A_272, %dma_start3A_273] : memref<8x64x64xf32, #tpu.memory_space<vmem>> -> memref<1x64x64xf32, #tpu.memory_space<vmem>>
      %dma_start3A_275 = tpu.memref_squeeze %dma_start3A_274 : memref<1x64x64xf32, #tpu.memory_space<vmem>> -> memref<64x64xf32, #tpu.memory_space<vmem>>
      %dma_start3A_276 = arith.constant 0 : i32
      %dma_start3A_277 = tpu.memref_slice %arg8[%dma_start3A_271, %dma_start3A_276] : memref<40x64xi32, #tpu.memory_space<vmem>> -> memref<1x64xi32, #tpu.memory_space<vmem>>
      %dma_start3A_278 = tpu.memref_squeeze %dma_start3A_277 : memref<1x64xi32, #tpu.memory_space<vmem>> -> memref<64xi32, #tpu.memory_space<vmem>>
      %dma_start3A_279 = arith.constant 0 : i32
      %dma_start3A_280 = arith.constant 0 : i32
      %dma_start3A_281 = tpu.memref_slice %arg10[%dma_start3A_279, %dma_start3A_280] : memref<10112x64xf32, #tpu.memory_space<vmem_shared>> -> memref<10112x64xf32, #tpu.memory_space<vmem_shared>>
      tpu.enqueue_indirect_dma source(%dma_start3A_275 : memref<64x64xf32, #tpu.memory_space<vmem>>) target(%dma_start3A_281 : memref<10112x64xf32, #tpu.memory_space<vmem_shared>>) offsets(%dma_start3A_278 : memref<64xi32, #tpu.memory_space<vmem>>) semaphore(%arg25 : memref<!tpu.dma_semaphore, #tpu.memory_space<semaphore_mem>>) {add = true}
      %dma_wait3A_282 = arith.constant 0 : i32
      %dma_wait3A_283 = arith.constant 7 : i32
      %dma_wait3A_284 = arith.constant 0 : i32
      %dma_wait3A_285 = arith.constant 0 : i32
      %dma_wait3A_286 = tpu.memref_slice %arg9[%dma_wait3A_283, %dma_wait3A_284, %dma_wait3A_285] : memref<8x64x64xf32, #tpu.memory_space<vmem>> -> memref<1x64x64xf32, #tpu.memory_space<vmem>>
      %dma_wait3A_287 = tpu.memref_squeeze %dma_wait3A_286 : memref<1x64x64xf32, #tpu.memory_space<vmem>> -> memref<64x64xf32, #tpu.memory_space<vmem>>
      %dma_wait3A_288 = arith.constant 0 : i32
      %dma_wait3A_289 = tpu.memref_slice %arg7[%dma_wait3A_282, %dma_wait3A_288] : memref<40x64xi32, #tpu.memory_space<vmem>> -> memref<1x64xi32, #tpu.memory_space<vmem>>
      %dma_wait3A_290 = tpu.memref_squeeze %dma_wait3A_289 : memref<1x64xi32, #tpu.memory_space<vmem>> -> memref<64xi32, #tpu.memory_space<vmem>>
      %dma_wait3A_291 = arith.constant 0 : i32
      %dma_wait3A_292 = arith.constant 0 : i32
      %dma_wait3A_293 = tpu.memref_slice %arg2[%dma_wait3A_291, %dma_wait3A_292] : memref<10000x64xf32, #tpu.memory_space<hbm>> -> memref<10000x64xf32, #tpu.memory_space<hbm>>
      tpu.wait_indirect_dma semaphore(%arg18 : memref<!tpu.dma_semaphore, #tpu.memory_space<semaphore_mem>>) src(%dma_wait3A_293 : memref<10000x64xf32, #tpu.memory_space<hbm>>) dst(%dma_wait3A_287 : memref<64x64xf32, #tpu.memory_space<vmem>>)
      %dma_start3A_294 = arith.constant 7 : i32
      %dma_start3A_295 = arith.constant 7 : i32
      %dma_start3A_296 = arith.constant 0 : i32
      %dma_start3A_297 = arith.constant 0 : i32
      %dma_start3A_298 = tpu.memref_slice %arg9[%dma_start3A_294, %dma_start3A_296, %dma_start3A_297] : memref<8x64x64xf32, #tpu.memory_space<vmem>> -> memref<1x64x64xf32, #tpu.memory_space<vmem>>
      %dma_start3A_299 = tpu.memref_squeeze %dma_start3A_298 : memref<1x64x64xf32, #tpu.memory_space<vmem>> -> memref<64x64xf32, #tpu.memory_space<vmem>>
      %dma_start3A_300 = arith.constant 0 : i32
      %dma_start3A_301 = tpu.memref_slice %arg8[%dma_start3A_295, %dma_start3A_300] : memref<40x64xi32, #tpu.memory_space<vmem>> -> memref<1x64xi32, #tpu.memory_space<vmem>>
      %dma_start3A_302 = tpu.memref_squeeze %dma_start3A_301 : memref<1x64xi32, #tpu.memory_space<vmem>> -> memref<64xi32, #tpu.memory_space<vmem>>
      %dma_start3A_303 = arith.constant 0 : i32
      %dma_start3A_304 = arith.constant 0 : i32
      %dma_start3A_305 = tpu.memref_slice %arg10[%dma_start3A_303, %dma_start3A_304] : memref<10112x64xf32, #tpu.memory_space<vmem_shared>> -> memref<10112x64xf32, #tpu.memory_space<vmem_shared>>
      tpu.enqueue_indirect_dma source(%dma_start3A_299 : memref<64x64xf32, #tpu.memory_space<vmem>>) target(%dma_start3A_305 : memref<10112x64xf32, #tpu.memory_space<vmem_shared>>) offsets(%dma_start3A_302 : memref<64xi32, #tpu.memory_space<vmem>>) semaphore(%arg26 : memref<!tpu.dma_semaphore, #tpu.memory_space<semaphore_mem>>) {add = true}
      %scan3A_306 = arith.constant 0 : i32
      %scan3A_307 = arith.constant 1 : i32
      %scan3A_308 = arith.constant 4 : i32
      %scan3A_309 = arith.addi %scan3A_307, %scan3A_308 : i32
      %scan3A_310 = arith.constant 1 : i32
      scf.for %scan3A_408 = %scan3A_307 to %scan3A_309 step %scan3A_310  : i32 {
        %mul3A_409 = arith.constant 8 : i32
        %mul3A_410 = arith.muli %scan3A_408, %mul3A_409 : i32
        %dma_wait3A_411 = arith.constant 0 : i32
        %dma_wait3A_412 = arith.constant 0 : i32
        %dma_wait3A_413 = arith.constant 0 : i32
        %dma_wait3A_414 = arith.constant 0 : i32
        %dma_wait3A_415 = tpu.memref_slice %arg9[%dma_wait3A_411, %dma_wait3A_413, %dma_wait3A_414] : memref<8x64x64xf32, #tpu.memory_space<vmem>> -> memref<1x64x64xf32, #tpu.memory_space<vmem>>
        %dma_wait3A_416 = tpu.memref_squeeze %dma_wait3A_415 : memref<1x64x64xf32, #tpu.memory_space<vmem>> -> memref<64x64xf32, #tpu.memory_space<vmem>>
        %dma_wait3A_417 = arith.constant 0 : i32
        %dma_wait3A_418 = tpu.memref_slice %arg8[%dma_wait3A_412, %dma_wait3A_417] : memref<40x64xi32, #tpu.memory_space<vmem>> -> memref<1x64xi32, #tpu.memory_space<vmem>>
        %dma_wait3A_419 = tpu.memref_squeeze %dma_wait3A_418 : memref<1x64xi32, #tpu.memory_space<vmem>> -> memref<64xi32, #tpu.memory_space<vmem>>
        %dma_wait3A_420 = arith.constant 0 : i32
        %dma_wait3A_421 = arith.constant 0 : i32
        %dma_wait3A_422 = tpu.memref_slice %arg10[%dma_wait3A_420, %dma_wait3A_421] : memref<10112x64xf32, #tpu.memory_space<vmem_shared>> -> memref<10112x64xf32, #tpu.memory_space<vmem_shared>>
        tpu.wait_indirect_dma semaphore(%arg19 : memref<!tpu.dma_semaphore, #tpu.memory_space<semaphore_mem>>) src(%dma_wait3A_416 : memref<64x64xf32, #tpu.memory_space<vmem>>) dst(%dma_wait3A_422 : memref<10112x64xf32, #tpu.memory_space<vmem_shared>>)
        %add3A_423 = arith.constant 0 : i32
        %add3A_424 = arith.addi %mul3A_410, %add3A_423 : i32
        %dma_start3A_425 = arith.constant 0 : i32
        %dma_start3A_426 = arith.constant 0 : i32
        %dma_start3A_427 = arith.constant 0 : i32
        %dma_start3A_428 = tpu.memref_slice %arg9[%dma_start3A_425, %dma_start3A_426, %dma_start3A_427] : memref<8x64x64xf32, #tpu.memory_space<vmem>> -> memref<1x64x64xf32, #tpu.memory_space<vmem>>
        %dma_start3A_429 = tpu.memref_squeeze %dma_start3A_428 : memref<1x64x64xf32, #tpu.memory_space<vmem>> -> memref<64x64xf32, #tpu.memory_space<vmem>>
        %dma_start3A_430 = arith.constant 0 : i32
        %dma_start3A_431 = tpu.memref_slice %arg7[%add3A_424, %dma_start3A_430] : memref<40x64xi32, #tpu.memory_space<vmem>> -> memref<1x64xi32, #tpu.memory_space<vmem>>
        %dma_start3A_432 = tpu.memref_squeeze %dma_start3A_431 : memref<1x64xi32, #tpu.memory_space<vmem>> -> memref<64xi32, #tpu.memory_space<vmem>>
        %dma_start3A_433 = arith.constant 0 : i32
        %dma_start3A_434 = arith.constant 0 : i32
        %dma_start3A_435 = tpu.memref_slice %arg2[%dma_start3A_433, %dma_start3A_434] : memref<10000x64xf32, #tpu.memory_space<hbm>> -> memref<10000x64xf32, #tpu.memory_space<hbm>>
        tpu.enqueue_indirect_dma source(%dma_start3A_435 : memref<10000x64xf32, #tpu.memory_space<hbm>>) target(%dma_start3A_429 : memref<64x64xf32, #tpu.memory_space<vmem>>) offsets(%dma_start3A_432 : memref<64xi32, #tpu.memory_space<vmem>>) semaphore(%arg11 : memref<!tpu.dma_semaphore, #tpu.memory_space<semaphore_mem>>)
        %dma_wait3A_436 = arith.constant 1 : i32
        %dma_wait3A_437 = arith.constant 0 : i32
        %dma_wait3A_438 = arith.constant 0 : i32
        %dma_wait3A_439 = arith.constant 0 : i32
        %dma_wait3A_440 = tpu.memref_slice %arg9[%dma_wait3A_436, %dma_wait3A_438, %dma_wait3A_439] : memref<8x64x64xf32, #tpu.memory_space<vmem>> -> memref<1x64x64xf32, #tpu.memory_space<vmem>>
        %dma_wait3A_441 = tpu.memref_squeeze %dma_wait3A_440 : memref<1x64x64xf32, #tpu.memory_space<vmem>> -> memref<64x64xf32, #tpu.memory_space<vmem>>
        %dma_wait3A_442 = arith.constant 0 : i32
        %dma_wait3A_443 = tpu.memref_slice %arg8[%dma_wait3A_437, %dma_wait3A_442] : memref<40x64xi32, #tpu.memory_space<vmem>> -> memref<1x64xi32, #tpu.memory_space<vmem>>
        %dma_wait3A_444 = tpu.memref_squeeze %dma_wait3A_443 : memref<1x64xi32, #tpu.memory_space<vmem>> -> memref<64xi32, #tpu.memory_space<vmem>>
        %dma_wait3A_445 = arith.constant 0 : i32
        %dma_wait3A_446 = arith.constant 0 : i32
        %dma_wait3A_447 = tpu.memref_slice %arg10[%dma_wait3A_445, %dma_wait3A_446] : memref<10112x64xf32, #tpu.memory_space<vmem_shared>> -> memref<10112x64xf32, #tpu.memory_space<vmem_shared>>
        tpu.wait_indirect_dma semaphore(%arg20 : memref<!tpu.dma_semaphore, #tpu.memory_space<semaphore_mem>>) src(%dma_wait3A_441 : memref<64x64xf32, #tpu.memory_space<vmem>>) dst(%dma_wait3A_447 : memref<10112x64xf32, #tpu.memory_space<vmem_shared>>)
        %add3A_448 = arith.constant 1 : i32
        %add3A_449 = arith.addi %mul3A_410, %add3A_448 : i32
        %dma_start3A_450 = arith.constant 1 : i32
        %dma_start3A_451 = arith.constant 0 : i32
        %dma_start3A_452 = arith.constant 0 : i32
        %dma_start3A_453 = tpu.memref_slice %arg9[%dma_start3A_450, %dma_start3A_451, %dma_start3A_452] : memref<8x64x64xf32, #tpu.memory_space<vmem>> -> memref<1x64x64xf32, #tpu.memory_space<vmem>>
        %dma_start3A_454 = tpu.memref_squeeze %dma_start3A_453 : memref<1x64x64xf32, #tpu.memory_space<vmem>> -> memref<64x64xf32, #tpu.memory_space<vmem>>
        %dma_start3A_455 = arith.constant 0 : i32
        %dma_start3A_456 = tpu.memref_slice %arg7[%add3A_449, %dma_start3A_455] : memref<40x64xi32, #tpu.memory_space<vmem>> -> memref<1x64xi32, #tpu.memory_space<vmem>>
        %dma_start3A_457 = tpu.memref_squeeze %dma_start3A_456 : memref<1x64xi32, #tpu.memory_space<vmem>> -> memref<64xi32, #tpu.memory_space<vmem>>
        %dma_start3A_458 = arith.constant 0 : i32
        %dma_start3A_459 = arith.constant 0 : i32
        %dma_start3A_460 = tpu.memref_slice %arg2[%dma_start3A_458, %dma_start3A_459] : memref<10000x64xf32, #tpu.memory_space<hbm>> -> memref<10000x64xf32, #tpu.memory_space<hbm>>
        tpu.enqueue_indirect_dma source(%dma_start3A_460 : memref<10000x64xf32, #tpu.memory_space<hbm>>) target(%dma_start3A_454 : memref<64x64xf32, #tpu.memory_space<vmem>>) offsets(%dma_start3A_457 : memref<64xi32, #tpu.memory_space<vmem>>) semaphore(%arg12 : memref<!tpu.dma_semaphore, #tpu.memory_space<semaphore_mem>>)
        %dma_wait3A_461 = arith.constant 2 : i32
        %dma_wait3A_462 = arith.constant 0 : i32
        %dma_wait3A_463 = arith.constant 0 : i32
        %dma_wait3A_464 = arith.constant 0 : i32
        %dma_wait3A_465 = tpu.memref_slice %arg9[%dma_wait3A_461, %dma_wait3A_463, %dma_wait3A_464] : memref<8x64x64xf32, #tpu.memory_space<vmem>> -> memref<1x64x64xf32, #tpu.memory_space<vmem>>
        %dma_wait3A_466 = tpu.memref_squeeze %dma_wait3A_465 : memref<1x64x64xf32, #tpu.memory_space<vmem>> -> memref<64x64xf32, #tpu.memory_space<vmem>>
        %dma_wait3A_467 = arith.constant 0 : i32
        %dma_wait3A_468 = tpu.memref_slice %arg8[%dma_wait3A_462, %dma_wait3A_467] : memref<40x64xi32, #tpu.memory_space<vmem>> -> memref<1x64xi32, #tpu.memory_space<vmem>>
        %dma_wait3A_469 = tpu.memref_squeeze %dma_wait3A_468 : memref<1x64xi32, #tpu.memory_space<vmem>> -> memref<64xi32, #tpu.memory_space<vmem>>
        %dma_wait3A_470 = arith.constant 0 : i32
        %dma_wait3A_471 = arith.constant 0 : i32
        %dma_wait3A_472 = tpu.memref_slice %arg10[%dma_wait3A_470, %dma_wait3A_471] : memref<10112x64xf32, #tpu.memory_space<vmem_shared>> -> memref<10112x64xf32, #tpu.memory_space<vmem_shared>>
        tpu.wait_indirect_dma semaphore(%arg21 : memref<!tpu.dma_semaphore, #tpu.memory_space<semaphore_mem>>) src(%dma_wait3A_466 : memref<64x64xf32, #tpu.memory_space<vmem>>) dst(%dma_wait3A_472 : memref<10112x64xf32, #tpu.memory_space<vmem_shared>>)
        %add3A_473 = arith.constant 2 : i32
        %add3A_474 = arith.addi %mul3A_410, %add3A_473 : i32
        %dma_start3A_475 = arith.constant 2 : i32
        %dma_start3A_476 = arith.constant 0 : i32
        %dma_start3A_477 = arith.constant 0 : i32
        %dma_start3A_478 = tpu.memref_slice %arg9[%dma_start3A_475, %dma_start3A_476, %dma_start3A_477] : memref<8x64x64xf32, #tpu.memory_space<vmem>> -> memref<1x64x64xf32, #tpu.memory_space<vmem>>
        %dma_start3A_479 = tpu.memref_squeeze %dma_start3A_478 : memref<1x64x64xf32, #tpu.memory_space<vmem>> -> memref<64x64xf32, #tpu.memory_space<vmem>>
        %dma_start3A_480 = arith.constant 0 : i32
        %dma_start3A_481 = tpu.memref_slice %arg7[%add3A_474, %dma_start3A_480] : memref<40x64xi32, #tpu.memory_space<vmem>> -> memref<1x64xi32, #tpu.memory_space<vmem>>
        %dma_start3A_482 = tpu.memref_squeeze %dma_start3A_481 : memref<1x64xi32, #tpu.memory_space<vmem>> -> memref<64xi32, #tpu.memory_space<vmem>>
        %dma_start3A_483 = arith.constant 0 : i32
        %dma_start3A_484 = arith.constant 0 : i32
        %dma_start3A_485 = tpu.memref_slice %arg2[%dma_start3A_483, %dma_start3A_484] : memref<10000x64xf32, #tpu.memory_space<hbm>> -> memref<10000x64xf32, #tpu.memory_space<hbm>>
        tpu.enqueue_indirect_dma source(%dma_start3A_485 : memref<10000x64xf32, #tpu.memory_space<hbm>>) target(%dma_start3A_479 : memref<64x64xf32, #tpu.memory_space<vmem>>) offsets(%dma_start3A_482 : memref<64xi32, #tpu.memory_space<vmem>>) semaphore(%arg13 : memref<!tpu.dma_semaphore, #tpu.memory_space<semaphore_mem>>)
        %dma_wait3A_486 = arith.constant 3 : i32
        %dma_wait3A_487 = arith.constant 0 : i32
        %dma_wait3A_488 = arith.constant 0 : i32
        %dma_wait3A_489 = arith.constant 0 : i32
        %dma_wait3A_490 = tpu.memref_slice %arg9[%dma_wait3A_486, %dma_wait3A_488, %dma_wait3A_489] : memref<8x64x64xf32, #tpu.memory_space<vmem>> -> memref<1x64x64xf32, #tpu.memory_space<vmem>>
        %dma_wait3A_491 = tpu.memref_squeeze %dma_wait3A_490 : memref<1x64x64xf32, #tpu.memory_space<vmem>> -> memref<64x64xf32, #tpu.memory_space<vmem>>
        %dma_wait3A_492 = arith.constant 0 : i32
        %dma_wait3A_493 = tpu.memref_slice %arg8[%dma_wait3A_487, %dma_wait3A_492] : memref<40x64xi32, #tpu.memory_space<vmem>> -> memref<1x64xi32, #tpu.memory_space<vmem>>
        %dma_wait3A_494 = tpu.memref_squeeze %dma_wait3A_493 : memref<1x64xi32, #tpu.memory_space<vmem>> -> memref<64xi32, #tpu.memory_space<vmem>>
        %dma_wait3A_495 = arith.constant 0 : i32
        %dma_wait3A_496 = arith.constant 0 : i32
        %dma_wait3A_497 = tpu.memref_slice %arg10[%dma_wait3A_495, %dma_wait3A_496] : memref<10112x64xf32, #tpu.memory_space<vmem_shared>> -> memref<10112x64xf32, #tpu.memory_space<vmem_shared>>
        tpu.wait_indirect_dma semaphore(%arg22 : memref<!tpu.dma_semaphore, #tpu.memory_space<semaphore_mem>>) src(%dma_wait3A_491 : memref<64x64xf32, #tpu.memory_space<vmem>>) dst(%dma_wait3A_497 : memref<10112x64xf32, #tpu.memory_space<vmem_shared>>)
        %add3A_498 = arith.constant 3 : i32
        %add3A_499 = arith.addi %mul3A_410, %add3A_498 : i32
        %dma_start3A_500 = arith.constant 3 : i32
        %dma_start3A_501 = arith.constant 0 : i32
        %dma_start3A_502 = arith.constant 0 : i32
        %dma_start3A_503 = tpu.memref_slice %arg9[%dma_start3A_500, %dma_start3A_501, %dma_start3A_502] : memref<8x64x64xf32, #tpu.memory_space<vmem>> -> memref<1x64x64xf32, #tpu.memory_space<vmem>>
        %dma_start3A_504 = tpu.memref_squeeze %dma_start3A_503 : memref<1x64x64xf32, #tpu.memory_space<vmem>> -> memref<64x64xf32, #tpu.memory_space<vmem>>
        %dma_start3A_505 = arith.constant 0 : i32
        %dma_start3A_506 = tpu.memref_slice %arg7[%add3A_499, %dma_start3A_505] : memref<40x64xi32, #tpu.memory_space<vmem>> -> memref<1x64xi32, #tpu.memory_space<vmem>>
        %dma_start3A_507 = tpu.memref_squeeze %dma_start3A_506 : memref<1x64xi32, #tpu.memory_space<vmem>> -> memref<64xi32, #tpu.memory_space<vmem>>
        %dma_start3A_508 = arith.constant 0 : i32
        %dma_start3A_509 = arith.constant 0 : i32
        %dma_start3A_510 = tpu.memref_slice %arg2[%dma_start3A_508, %dma_start3A_509] : memref<10000x64xf32, #tpu.memory_space<hbm>> -> memref<10000x64xf32, #tpu.memory_space<hbm>>
        tpu.enqueue_indirect_dma source(%dma_start3A_510 : memref<10000x64xf32, #tpu.memory_space<hbm>>) target(%dma_start3A_504 : memref<64x64xf32, #tpu.memory_space<vmem>>) offsets(%dma_start3A_507 : memref<64xi32, #tpu.memory_space<vmem>>) semaphore(%arg14 : memref<!tpu.dma_semaphore, #tpu.memory_space<semaphore_mem>>)
        %dma_wait3A_511 = arith.constant 4 : i32
        %dma_wait3A_512 = arith.constant 0 : i32
        %dma_wait3A_513 = arith.constant 0 : i32
        %dma_wait3A_514 = arith.constant 0 : i32
        %dma_wait3A_515 = tpu.memref_slice %arg9[%dma_wait3A_511, %dma_wait3A_513, %dma_wait3A_514] : memref<8x64x64xf32, #tpu.memory_space<vmem>> -> memref<1x64x64xf32, #tpu.memory_space<vmem>>
        %dma_wait3A_516 = tpu.memref_squeeze %dma_wait3A_515 : memref<1x64x64xf32, #tpu.memory_space<vmem>> -> memref<64x64xf32, #tpu.memory_space<vmem>>
        %dma_wait3A_517 = arith.constant 0 : i32
        %dma_wait3A_518 = tpu.memref_slice %arg8[%dma_wait3A_512, %dma_wait3A_517] : memref<40x64xi32, #tpu.memory_space<vmem>> -> memref<1x64xi32, #tpu.memory_space<vmem>>
        %dma_wait3A_519 = tpu.memref_squeeze %dma_wait3A_518 : memref<1x64xi32, #tpu.memory_space<vmem>> -> memref<64xi32, #tpu.memory_space<vmem>>
        %dma_wait3A_520 = arith.constant 0 : i32
        %dma_wait3A_521 = arith.constant 0 : i32
        %dma_wait3A_522 = tpu.memref_slice %arg10[%dma_wait3A_520, %dma_wait3A_521] : memref<10112x64xf32, #tpu.memory_space<vmem_shared>> -> memref<10112x64xf32, #tpu.memory_space<vmem_shared>>
        tpu.wait_indirect_dma semaphore(%arg23 : memref<!tpu.dma_semaphore, #tpu.memory_space<semaphore_mem>>) src(%dma_wait3A_516 : memref<64x64xf32, #tpu.memory_space<vmem>>) dst(%dma_wait3A_522 : memref<10112x64xf32, #tpu.memory_space<vmem_shared>>)
        %add3A_523 = arith.constant 4 : i32
        %add3A_524 = arith.addi %mul3A_410, %add3A_523 : i32
        %dma_start3A_525 = arith.constant 4 : i32
        %dma_start3A_526 = arith.constant 0 : i32
        %dma_start3A_527 = arith.constant 0 : i32
        %dma_start3A_528 = tpu.memref_slice %arg9[%dma_start3A_525, %dma_start3A_526, %dma_start3A_527] : memref<8x64x64xf32, #tpu.memory_space<vmem>> -> memref<1x64x64xf32, #tpu.memory_space<vmem>>
        %dma_start3A_529 = tpu.memref_squeeze %dma_start3A_528 : memref<1x64x64xf32, #tpu.memory_space<vmem>> -> memref<64x64xf32, #tpu.memory_space<vmem>>
        %dma_start3A_530 = arith.constant 0 : i32
        %dma_start3A_531 = tpu.memref_slice %arg7[%add3A_524, %dma_start3A_530] : memref<40x64xi32, #tpu.memory_space<vmem>> -> memref<1x64xi32, #tpu.memory_space<vmem>>
        %dma_start3A_532 = tpu.memref_squeeze %dma_start3A_531 : memref<1x64xi32, #tpu.memory_space<vmem>> -> memref<64xi32, #tpu.memory_space<vmem>>
        %dma_start3A_533 = arith.constant 0 : i32
        %dma_start3A_534 = arith.constant 0 : i32
        %dma_start3A_535 = tpu.memref_slice %arg2[%dma_start3A_533, %dma_start3A_534] : memref<10000x64xf32, #tpu.memory_space<hbm>> -> memref<10000x64xf32, #tpu.memory_space<hbm>>
        tpu.enqueue_indirect_dma source(%dma_start3A_535 : memref<10000x64xf32, #tpu.memory_space<hbm>>) target(%dma_start3A_529 : memref<64x64xf32, #tpu.memory_space<vmem>>) offsets(%dma_start3A_532 : memref<64xi32, #tpu.memory_space<vmem>>) semaphore(%arg15 : memref<!tpu.dma_semaphore, #tpu.memory_space<semaphore_mem>>)
        %dma_wait3A_536 = arith.constant 5 : i32
        %dma_wait3A_537 = arith.constant 0 : i32
        %dma_wait3A_538 = arith.constant 0 : i32
        %dma_wait3A_539 = arith.constant 0 : i32
        %dma_wait3A_540 = tpu.memref_slice %arg9[%dma_wait3A_536, %dma_wait3A_538, %dma_wait3A_539] : memref<8x64x64xf32, #tpu.memory_space<vmem>> -> memref<1x64x64xf32, #tpu.memory_space<vmem>>
        %dma_wait3A_541 = tpu.memref_squeeze %dma_wait3A_540 : memref<1x64x64xf32, #tpu.memory_space<vmem>> -> memref<64x64xf32, #tpu.memory_space<vmem>>
        %dma_wait3A_542 = arith.constant 0 : i32
        %dma_wait3A_543 = tpu.memref_slice %arg8[%dma_wait3A_537, %dma_wait3A_542] : memref<40x64xi32, #tpu.memory_space<vmem>> -> memref<1x64xi32, #tpu.memory_space<vmem>>
        %dma_wait3A_544 = tpu.memref_squeeze %dma_wait3A_543 : memref<1x64xi32, #tpu.memory_space<vmem>> -> memref<64xi32, #tpu.memory_space<vmem>>
        %dma_wait3A_545 = arith.constant 0 : i32
        %dma_wait3A_546 = arith.constant 0 : i32
        %dma_wait3A_547 = tpu.memref_slice %arg10[%dma_wait3A_545, %dma_wait3A_546] : memref<10112x64xf32, #tpu.memory_space<vmem_shared>> -> memref<10112x64xf32, #tpu.memory_space<vmem_shared>>
        tpu.wait_indirect_dma semaphore(%arg24 : memref<!tpu.dma_semaphore, #tpu.memory_space<semaphore_mem>>) src(%dma_wait3A_541 : memref<64x64xf32, #tpu.memory_space<vmem>>) dst(%dma_wait3A_547 : memref<10112x64xf32, #tpu.memory_space<vmem_shared>>)
        %add3A_548 = arith.constant 5 : i32
        %add3A_549 = arith.addi %mul3A_410, %add3A_548 : i32
        %dma_start3A_550 = arith.constant 5 : i32
        %dma_start3A_551 = arith.constant 0 : i32
        %dma_start3A_552 = arith.constant 0 : i32
        %dma_start3A_553 = tpu.memref_slice %arg9[%dma_start3A_550, %dma_start3A_551, %dma_start3A_552] : memref<8x64x64xf32, #tpu.memory_space<vmem>> -> memref<1x64x64xf32, #tpu.memory_space<vmem>>
        %dma_start3A_554 = tpu.memref_squeeze %dma_start3A_553 : memref<1x64x64xf32, #tpu.memory_space<vmem>> -> memref<64x64xf32, #tpu.memory_space<vmem>>
        %dma_start3A_555 = arith.constant 0 : i32
        %dma_start3A_556 = tpu.memref_slice %arg7[%add3A_549, %dma_start3A_555] : memref<40x64xi32, #tpu.memory_space<vmem>> -> memref<1x64xi32, #tpu.memory_space<vmem>>
        %dma_start3A_557 = tpu.memref_squeeze %dma_start3A_556 : memref<1x64xi32, #tpu.memory_space<vmem>> -> memref<64xi32, #tpu.memory_space<vmem>>
        %dma_start3A_558 = arith.constant 0 : i32
        %dma_start3A_559 = arith.constant 0 : i32
        %dma_start3A_560 = tpu.memref_slice %arg2[%dma_start3A_558, %dma_start3A_559] : memref<10000x64xf32, #tpu.memory_space<hbm>> -> memref<10000x64xf32, #tpu.memory_space<hbm>>
        tpu.enqueue_indirect_dma source(%dma_start3A_560 : memref<10000x64xf32, #tpu.memory_space<hbm>>) target(%dma_start3A_554 : memref<64x64xf32, #tpu.memory_space<vmem>>) offsets(%dma_start3A_557 : memref<64xi32, #tpu.memory_space<vmem>>) semaphore(%arg16 : memref<!tpu.dma_semaphore, #tpu.memory_space<semaphore_mem>>)
        %dma_wait3A_561 = arith.constant 6 : i32
        %dma_wait3A_562 = arith.constant 0 : i32
        %dma_wait3A_563 = arith.constant 0 : i32
        %dma_wait3A_564 = arith.constant 0 : i32
        %dma_wait3A_565 = tpu.memref_slice %arg9[%dma_wait3A_561, %dma_wait3A_563, %dma_wait3A_564] : memref<8x64x64xf32, #tpu.memory_space<vmem>> -> memref<1x64x64xf32, #tpu.memory_space<vmem>>
        %dma_wait3A_566 = tpu.memref_squeeze %dma_wait3A_565 : memref<1x64x64xf32, #tpu.memory_space<vmem>> -> memref<64x64xf32, #tpu.memory_space<vmem>>
        %dma_wait3A_567 = arith.constant 0 : i32
        %dma_wait3A_568 = tpu.memref_slice %arg8[%dma_wait3A_562, %dma_wait3A_567] : memref<40x64xi32, #tpu.memory_space<vmem>> -> memref<1x64xi32, #tpu.memory_space<vmem>>
        %dma_wait3A_569 = tpu.memref_squeeze %dma_wait3A_568 : memref<1x64xi32, #tpu.memory_space<vmem>> -> memref<64xi32, #tpu.memory_space<vmem>>
        %dma_wait3A_570 = arith.constant 0 : i32
        %dma_wait3A_571 = arith.constant 0 : i32
        %dma_wait3A_572 = tpu.memref_slice %arg10[%dma_wait3A_570, %dma_wait3A_571] : memref<10112x64xf32, #tpu.memory_space<vmem_shared>> -> memref<10112x64xf32, #tpu.memory_space<vmem_shared>>
        tpu.wait_indirect_dma semaphore(%arg25 : memref<!tpu.dma_semaphore, #tpu.memory_space<semaphore_mem>>) src(%dma_wait3A_566 : memref<64x64xf32, #tpu.memory_space<vmem>>) dst(%dma_wait3A_572 : memref<10112x64xf32, #tpu.memory_space<vmem_shared>>)
        %add3A_573 = arith.constant 6 : i32
        %add3A_574 = arith.addi %mul3A_410, %add3A_573 : i32
        %dma_start3A_575 = arith.constant 6 : i32
        %dma_start3A_576 = arith.constant 0 : i32
        %dma_start3A_577 = arith.constant 0 : i32
        %dma_start3A_578 = tpu.memref_slice %arg9[%dma_start3A_575, %dma_start3A_576, %dma_start3A_577] : memref<8x64x64xf32, #tpu.memory_space<vmem>> -> memref<1x64x64xf32, #tpu.memory_space<vmem>>
        %dma_start3A_579 = tpu.memref_squeeze %dma_start3A_578 : memref<1x64x64xf32, #tpu.memory_space<vmem>> -> memref<64x64xf32, #tpu.memory_space<vmem>>
        %dma_start3A_580 = arith.constant 0 : i32
        %dma_start3A_581 = tpu.memref_slice %arg7[%add3A_574, %dma_start3A_580] : memref<40x64xi32, #tpu.memory_space<vmem>> -> memref<1x64xi32, #tpu.memory_space<vmem>>
        %dma_start3A_582 = tpu.memref_squeeze %dma_start3A_581 : memref<1x64xi32, #tpu.memory_space<vmem>> -> memref<64xi32, #tpu.memory_space<vmem>>
        %dma_start3A_583 = arith.constant 0 : i32
        %dma_start3A_584 = arith.constant 0 : i32
        %dma_start3A_585 = tpu.memref_slice %arg2[%dma_start3A_583, %dma_start3A_584] : memref<10000x64xf32, #tpu.memory_space<hbm>> -> memref<10000x64xf32, #tpu.memory_space<hbm>>
        tpu.enqueue_indirect_dma source(%dma_start3A_585 : memref<10000x64xf32, #tpu.memory_space<hbm>>) target(%dma_start3A_579 : memref<64x64xf32, #tpu.memory_space<vmem>>) offsets(%dma_start3A_582 : memref<64xi32, #tpu.memory_space<vmem>>) semaphore(%arg17 : memref<!tpu.dma_semaphore, #tpu.memory_space<semaphore_mem>>)
        %dma_wait3A_586 = arith.constant 7 : i32
        %dma_wait3A_587 = arith.constant 0 : i32
        %dma_wait3A_588 = arith.constant 0 : i32
        %dma_wait3A_589 = arith.constant 0 : i32
        %dma_wait3A_590 = tpu.memref_slice %arg9[%dma_wait3A_586, %dma_wait3A_588, %dma_wait3A_589] : memref<8x64x64xf32, #tpu.memory_space<vmem>> -> memref<1x64x64xf32, #tpu.memory_space<vmem>>
        %dma_wait3A_591 = tpu.memref_squeeze %dma_wait3A_590 : memref<1x64x64xf32, #tpu.memory_space<vmem>> -> memref<64x64xf32, #tpu.memory_space<vmem>>
        %dma_wait3A_592 = arith.constant 0 : i32
        %dma_wait3A_593 = tpu.memref_slice %arg8[%dma_wait3A_587, %dma_wait3A_592] : memref<40x64xi32, #tpu.memory_space<vmem>> -> memref<1x64xi32, #tpu.memory_space<vmem>>
        %dma_wait3A_594 = tpu.memref_squeeze %dma_wait3A_593 : memref<1x64xi32, #tpu.memory_space<vmem>> -> memref<64xi32, #tpu.memory_space<vmem>>
        %dma_wait3A_595 = arith.constant 0 : i32
        %dma_wait3A_596 = arith.constant 0 : i32
        %dma_wait3A_597 = tpu.memref_slice %arg10[%dma_wait3A_595, %dma_wait3A_596] : memref<10112x64xf32, #tpu.memory_space<vmem_shared>> -> memref<10112x64xf32, #tpu.memory_space<vmem_shared>>
        tpu.wait_indirect_dma semaphore(%arg26 : memref<!tpu.dma_semaphore, #tpu.memory_space<semaphore_mem>>) src(%dma_wait3A_591 : memref<64x64xf32, #tpu.memory_space<vmem>>) dst(%dma_wait3A_597 : memref<10112x64xf32, #tpu.memory_space<vmem_shared>>)
        %add3A_598 = arith.constant 7 : i32
        %add3A_599 = arith.addi %mul3A_410, %add3A_598 : i32
        %dma_start3A_600 = arith.constant 7 : i32
        %dma_start3A_601 = arith.constant 0 : i32
        %dma_start3A_602 = arith.constant 0 : i32
        %dma_start3A_603 = tpu.memref_slice %arg9[%dma_start3A_600, %dma_start3A_601, %dma_start3A_602] : memref<8x64x64xf32, #tpu.memory_space<vmem>> -> memref<1x64x64xf32, #tpu.memory_space<vmem>>
        %dma_start3A_604 = tpu.memref_squeeze %dma_start3A_603 : memref<1x64x64xf32, #tpu.memory_space<vmem>> -> memref<64x64xf32, #tpu.memory_space<vmem>>
        %dma_start3A_605 = arith.constant 0 : i32
        %dma_start3A_606 = tpu.memref_slice %arg7[%add3A_599, %dma_start3A_605] : memref<40x64xi32, #tpu.memory_space<vmem>> -> memref<1x64xi32, #tpu.memory_space<vmem>>
        %dma_start3A_607 = tpu.memref_squeeze %dma_start3A_606 : memref<1x64xi32, #tpu.memory_space<vmem>> -> memref<64xi32, #tpu.memory_space<vmem>>
        %dma_start3A_608 = arith.constant 0 : i32
        %dma_start3A_609 = arith.constant 0 : i32
        %dma_start3A_610 = tpu.memref_slice %arg2[%dma_start3A_608, %dma_start3A_609] : memref<10000x64xf32, #tpu.memory_space<hbm>> -> memref<10000x64xf32, #tpu.memory_space<hbm>>
        tpu.enqueue_indirect_dma source(%dma_start3A_610 : memref<10000x64xf32, #tpu.memory_space<hbm>>) target(%dma_start3A_604 : memref<64x64xf32, #tpu.memory_space<vmem>>) offsets(%dma_start3A_607 : memref<64xi32, #tpu.memory_space<vmem>>) semaphore(%arg18 : memref<!tpu.dma_semaphore, #tpu.memory_space<semaphore_mem>>)
        %dma_wait3A_611 = arith.constant 0 : i32
        %dma_wait3A_612 = arith.constant 0 : i32
        %dma_wait3A_613 = arith.constant 0 : i32
        %dma_wait3A_614 = arith.constant 0 : i32
        %dma_wait3A_615 = tpu.memref_slice %arg9[%dma_wait3A_612, %dma_wait3A_613, %dma_wait3A_614] : memref<8x64x64xf32, #tpu.memory_space<vmem>> -> memref<1x64x64xf32, #tpu.memory_space<vmem>>
        %dma_wait3A_616 = tpu.memref_squeeze %dma_wait3A_615 : memref<1x64x64xf32, #tpu.memory_space<vmem>> -> memref<64x64xf32, #tpu.memory_space<vmem>>
        %dma_wait3A_617 = arith.constant 0 : i32
        %dma_wait3A_618 = tpu.memref_slice %arg7[%dma_wait3A_611, %dma_wait3A_617] : memref<40x64xi32, #tpu.memory_space<vmem>> -> memref<1x64xi32, #tpu.memory_space<vmem>>
        %dma_wait3A_619 = tpu.memref_squeeze %dma_wait3A_618 : memref<1x64xi32, #tpu.memory_space<vmem>> -> memref<64xi32, #tpu.memory_space<vmem>>
        %dma_wait3A_620 = arith.constant 0 : i32
        %dma_wait3A_621 = arith.constant 0 : i32
        %dma_wait3A_622 = tpu.memref_slice %arg2[%dma_wait3A_620, %dma_wait3A_621] : memref<10000x64xf32, #tpu.memory_space<hbm>> -> memref<10000x64xf32, #tpu.memory_space<hbm>>
        tpu.wait_indirect_dma semaphore(%arg11 : memref<!tpu.dma_semaphore, #tpu.memory_space<semaphore_mem>>) src(%dma_wait3A_622 : memref<10000x64xf32, #tpu.memory_space<hbm>>) dst(%dma_wait3A_616 : memref<64x64xf32, #tpu.memory_space<vmem>>)
        %add3A_623 = arith.constant 0 : i32
        %add3A_624 = arith.addi %mul3A_410, %add3A_623 : i32
        %dma_start3A_625 = arith.constant 0 : i32
        %dma_start3A_626 = arith.constant 0 : i32
        %dma_start3A_627 = arith.constant 0 : i32
        %dma_start3A_628 = tpu.memref_slice %arg9[%dma_start3A_625, %dma_start3A_626, %dma_start3A_627] : memref<8x64x64xf32, #tpu.memory_space<vmem>> -> memref<1x64x64xf32, #tpu.memory_space<vmem>>
        %dma_start3A_629 = tpu.memref_squeeze %dma_start3A_628 : memref<1x64x64xf32, #tpu.memory_space<vmem>> -> memref<64x64xf32, #tpu.memory_space<vmem>>
        %dma_start3A_630 = arith.constant 0 : i32
        %dma_start3A_631 = tpu.memref_slice %arg8[%add3A_624, %dma_start3A_630] : memref<40x64xi32, #tpu.memory_space<vmem>> -> memref<1x64xi32, #tpu.memory_space<vmem>>
        %dma_start3A_632 = tpu.memref_squeeze %dma_start3A_631 : memref<1x64xi32, #tpu.memory_space<vmem>> -> memref<64xi32, #tpu.memory_space<vmem>>
        %dma_start3A_633 = arith.constant 0 : i32
        %dma_start3A_634 = arith.constant 0 : i32
        %dma_start3A_635 = tpu.memref_slice %arg10[%dma_start3A_633, %dma_start3A_634] : memref<10112x64xf32, #tpu.memory_space<vmem_shared>> -> memref<10112x64xf32, #tpu.memory_space<vmem_shared>>
        tpu.enqueue_indirect_dma source(%dma_start3A_629 : memref<64x64xf32, #tpu.memory_space<vmem>>) target(%dma_start3A_635 : memref<10112x64xf32, #tpu.memory_space<vmem_shared>>) offsets(%dma_start3A_632 : memref<64xi32, #tpu.memory_space<vmem>>) semaphore(%arg19 : memref<!tpu.dma_semaphore, #tpu.memory_space<semaphore_mem>>) {add = true}
        %dma_wait3A_636 = arith.constant 0 : i32
        %dma_wait3A_637 = arith.constant 1 : i32
        %dma_wait3A_638 = arith.constant 0 : i32
        %dma_wait3A_639 = arith.constant 0 : i32
        %dma_wait3A_640 = tpu.memref_slice %arg9[%dma_wait3A_637, %dma_wait3A_638, %dma_wait3A_639] : memref<8x64x64xf32, #tpu.memory_space<vmem>> -> memref<1x64x64xf32, #tpu.memory_space<vmem>>
        %dma_wait3A_641 = tpu.memref_squeeze %dma_wait3A_640 : memref<1x64x64xf32, #tpu.memory_space<vmem>> -> memref<64x64xf32, #tpu.memory_space<vmem>>
        %dma_wait3A_642 = arith.constant 0 : i32
        %dma_wait3A_643 = tpu.memref_slice %arg7[%dma_wait3A_636, %dma_wait3A_642] : memref<40x64xi32, #tpu.memory_space<vmem>> -> memref<1x64xi32, #tpu.memory_space<vmem>>
        %dma_wait3A_644 = tpu.memref_squeeze %dma_wait3A_643 : memref<1x64xi32, #tpu.memory_space<vmem>> -> memref<64xi32, #tpu.memory_space<vmem>>
        %dma_wait3A_645 = arith.constant 0 : i32
        %dma_wait3A_646 = arith.constant 0 : i32
        %dma_wait3A_647 = tpu.memref_slice %arg2[%dma_wait3A_645, %dma_wait3A_646] : memref<10000x64xf32, #tpu.memory_space<hbm>> -> memref<10000x64xf32, #tpu.memory_space<hbm>>
        tpu.wait_indirect_dma semaphore(%arg12 : memref<!tpu.dma_semaphore, #tpu.memory_space<semaphore_mem>>) src(%dma_wait3A_647 : memref<10000x64xf32, #tpu.memory_space<hbm>>) dst(%dma_wait3A_641 : memref<64x64xf32, #tpu.memory_space<vmem>>)
        %add3A_648 = arith.constant 1 : i32
        %add3A_649 = arith.addi %mul3A_410, %add3A_648 : i32
        %dma_start3A_650 = arith.constant 1 : i32
        %dma_start3A_651 = arith.constant 0 : i32
        %dma_start3A_652 = arith.constant 0 : i32
        %dma_start3A_653 = tpu.memref_slice %arg9[%dma_start3A_650, %dma_start3A_651, %dma_start3A_652] : memref<8x64x64xf32, #tpu.memory_space<vmem>> -> memref<1x64x64xf32, #tpu.memory_space<vmem>>
        %dma_start3A_654 = tpu.memref_squeeze %dma_start3A_653 : memref<1x64x64xf32, #tpu.memory_space<vmem>> -> memref<64x64xf32, #tpu.memory_space<vmem>>
        %dma_start3A_655 = arith.constant 0 : i32
        %dma_start3A_656 = tpu.memref_slice %arg8[%add3A_649, %dma_start3A_655] : memref<40x64xi32, #tpu.memory_space<vmem>> -> memref<1x64xi32, #tpu.memory_space<vmem>>
        %dma_start3A_657 = tpu.memref_squeeze %dma_start3A_656 : memref<1x64xi32, #tpu.memory_space<vmem>> -> memref<64xi32, #tpu.memory_space<vmem>>
        %dma_start3A_658 = arith.constant 0 : i32
        %dma_start3A_659 = arith.constant 0 : i32
        %dma_start3A_660 = tpu.memref_slice %arg10[%dma_start3A_658, %dma_start3A_659] : memref<10112x64xf32, #tpu.memory_space<vmem_shared>> -> memref<10112x64xf32, #tpu.memory_space<vmem_shared>>
        tpu.enqueue_indirect_dma source(%dma_start3A_654 : memref<64x64xf32, #tpu.memory_space<vmem>>) target(%dma_start3A_660 : memref<10112x64xf32, #tpu.memory_space<vmem_shared>>) offsets(%dma_start3A_657 : memref<64xi32, #tpu.memory_space<vmem>>) semaphore(%arg20 : memref<!tpu.dma_semaphore, #tpu.memory_space<semaphore_mem>>) {add = true}
        %dma_wait3A_661 = arith.constant 0 : i32
        %dma_wait3A_662 = arith.constant 2 : i32
        %dma_wait3A_663 = arith.constant 0 : i32
        %dma_wait3A_664 = arith.constant 0 : i32
        %dma_wait3A_665 = tpu.memref_slice %arg9[%dma_wait3A_662, %dma_wait3A_663, %dma_wait3A_664] : memref<8x64x64xf32, #tpu.memory_space<vmem>> -> memref<1x64x64xf32, #tpu.memory_space<vmem>>
        %dma_wait3A_666 = tpu.memref_squeeze %dma_wait3A_665 : memref<1x64x64xf32, #tpu.memory_space<vmem>> -> memref<64x64xf32, #tpu.memory_space<vmem>>
        %dma_wait3A_667 = arith.constant 0 : i32
        %dma_wait3A_668 = tpu.memref_slice %arg7[%dma_wait3A_661, %dma_wait3A_667] : memref<40x64xi32, #tpu.memory_space<vmem>> -> memref<1x64xi32, #tpu.memory_space<vmem>>
        %dma_wait3A_669 = tpu.memref_squeeze %dma_wait3A_668 : memref<1x64xi32, #tpu.memory_space<vmem>> -> memref<64xi32, #tpu.memory_space<vmem>>
        %dma_wait3A_670 = arith.constant 0 : i32
        %dma_wait3A_671 = arith.constant 0 : i32
        %dma_wait3A_672 = tpu.memref_slice %arg2[%dma_wait3A_670, %dma_wait3A_671] : memref<10000x64xf32, #tpu.memory_space<hbm>> -> memref<10000x64xf32, #tpu.memory_space<hbm>>
        tpu.wait_indirect_dma semaphore(%arg13 : memref<!tpu.dma_semaphore, #tpu.memory_space<semaphore_mem>>) src(%dma_wait3A_672 : memref<10000x64xf32, #tpu.memory_space<hbm>>) dst(%dma_wait3A_666 : memref<64x64xf32, #tpu.memory_space<vmem>>)
        %add3A_673 = arith.constant 2 : i32
        %add3A_674 = arith.addi %mul3A_410, %add3A_673 : i32
        %dma_start3A_675 = arith.constant 2 : i32
        %dma_start3A_676 = arith.constant 0 : i32
        %dma_start3A_677 = arith.constant 0 : i32
        %dma_start3A_678 = tpu.memref_slice %arg9[%dma_start3A_675, %dma_start3A_676, %dma_start3A_677] : memref<8x64x64xf32, #tpu.memory_space<vmem>> -> memref<1x64x64xf32, #tpu.memory_space<vmem>>
        %dma_start3A_679 = tpu.memref_squeeze %dma_start3A_678 : memref<1x64x64xf32, #tpu.memory_space<vmem>> -> memref<64x64xf32, #tpu.memory_space<vmem>>
        %dma_start3A_680 = arith.constant 0 : i32
        %dma_start3A_681 = tpu.memref_slice %arg8[%add3A_674, %dma_start3A_680] : memref<40x64xi32, #tpu.memory_space<vmem>> -> memref<1x64xi32, #tpu.memory_space<vmem>>
        %dma_start3A_682 = tpu.memref_squeeze %dma_start3A_681 : memref<1x64xi32, #tpu.memory_space<vmem>> -> memref<64xi32, #tpu.memory_space<vmem>>
        %dma_start3A_683 = arith.constant 0 : i32
        %dma_start3A_684 = arith.constant 0 : i32
        %dma_start3A_685 = tpu.memref_slice %arg10[%dma_start3A_683, %dma_start3A_684] : memref<10112x64xf32, #tpu.memory_space<vmem_shared>> -> memref<10112x64xf32, #tpu.memory_space<vmem_shared>>
        tpu.enqueue_indirect_dma source(%dma_start3A_679 : memref<64x64xf32, #tpu.memory_space<vmem>>) target(%dma_start3A_685 : memref<10112x64xf32, #tpu.memory_space<vmem_shared>>) offsets(%dma_start3A_682 : memref<64xi32, #tpu.memory_space<vmem>>) semaphore(%arg21 : memref<!tpu.dma_semaphore, #tpu.memory_space<semaphore_mem>>) {add = true}
        %dma_wait3A_686 = arith.constant 0 : i32
        %dma_wait3A_687 = arith.constant 3 : i32
        %dma_wait3A_688 = arith.constant 0 : i32
        %dma_wait3A_689 = arith.constant 0 : i32
        %dma_wait3A_690 = tpu.memref_slice %arg9[%dma_wait3A_687, %dma_wait3A_688, %dma_wait3A_689] : memref<8x64x64xf32, #tpu.memory_space<vmem>> -> memref<1x64x64xf32, #tpu.memory_space<vmem>>
        %dma_wait3A_691 = tpu.memref_squeeze %dma_wait3A_690 : memref<1x64x64xf32, #tpu.memory_space<vmem>> -> memref<64x64xf32, #tpu.memory_space<vmem>>
        %dma_wait3A_692 = arith.constant 0 : i32
        %dma_wait3A_693 = tpu.memref_slice %arg7[%dma_wait3A_686, %dma_wait3A_692] : memref<40x64xi32, #tpu.memory_space<vmem>> -> memref<1x64xi32, #tpu.memory_space<vmem>>
        %dma_wait3A_694 = tpu.memref_squeeze %dma_wait3A_693 : memref<1x64xi32, #tpu.memory_space<vmem>> -> memref<64xi32, #tpu.memory_space<vmem>>
        %dma_wait3A_695 = arith.constant 0 : i32
        %dma_wait3A_696 = arith.constant 0 : i32
        %dma_wait3A_697 = tpu.memref_slice %arg2[%dma_wait3A_695, %dma_wait3A_696] : memref<10000x64xf32, #tpu.memory_space<hbm>> -> memref<10000x64xf32, #tpu.memory_space<hbm>>
        tpu.wait_indirect_dma semaphore(%arg14 : memref<!tpu.dma_semaphore, #tpu.memory_space<semaphore_mem>>) src(%dma_wait3A_697 : memref<10000x64xf32, #tpu.memory_space<hbm>>) dst(%dma_wait3A_691 : memref<64x64xf32, #tpu.memory_space<vmem>>)
        %add3A_698 = arith.constant 3 : i32
        %add3A_699 = arith.addi %mul3A_410, %add3A_698 : i32
        %dma_start3A_700 = arith.constant 3 : i32
        %dma_start3A_701 = arith.constant 0 : i32
        %dma_start3A_702 = arith.constant 0 : i32
        %dma_start3A_703 = tpu.memref_slice %arg9[%dma_start3A_700, %dma_start3A_701, %dma_start3A_702] : memref<8x64x64xf32, #tpu.memory_space<vmem>> -> memref<1x64x64xf32, #tpu.memory_space<vmem>>
        %dma_start3A_704 = tpu.memref_squeeze %dma_start3A_703 : memref<1x64x64xf32, #tpu.memory_space<vmem>> -> memref<64x64xf32, #tpu.memory_space<vmem>>
        %dma_start3A_705 = arith.constant 0 : i32
        %dma_start3A_706 = tpu.memref_slice %arg8[%add3A_699, %dma_start3A_705] : memref<40x64xi32, #tpu.memory_space<vmem>> -> memref<1x64xi32, #tpu.memory_space<vmem>>
        %dma_start3A_707 = tpu.memref_squeeze %dma_start3A_706 : memref<1x64xi32, #tpu.memory_space<vmem>> -> memref<64xi32, #tpu.memory_space<vmem>>
        %dma_start3A_708 = arith.constant 0 : i32
        %dma_start3A_709 = arith.constant 0 : i32
        %dma_start3A_710 = tpu.memref_slice %arg10[%dma_start3A_708, %dma_start3A_709] : memref<10112x64xf32, #tpu.memory_space<vmem_shared>> -> memref<10112x64xf32, #tpu.memory_space<vmem_shared>>
        tpu.enqueue_indirect_dma source(%dma_start3A_704 : memref<64x64xf32, #tpu.memory_space<vmem>>) target(%dma_start3A_710 : memref<10112x64xf32, #tpu.memory_space<vmem_shared>>) offsets(%dma_start3A_707 : memref<64xi32, #tpu.memory_space<vmem>>) semaphore(%arg22 : memref<!tpu.dma_semaphore, #tpu.memory_space<semaphore_mem>>) {add = true}
        %dma_wait3A_711 = arith.constant 0 : i32
        %dma_wait3A_712 = arith.constant 4 : i32
        %dma_wait3A_713 = arith.constant 0 : i32
        %dma_wait3A_714 = arith.constant 0 : i32
        %dma_wait3A_715 = tpu.memref_slice %arg9[%dma_wait3A_712, %dma_wait3A_713, %dma_wait3A_714] : memref<8x64x64xf32, #tpu.memory_space<vmem>> -> memref<1x64x64xf32, #tpu.memory_space<vmem>>
        %dma_wait3A_716 = tpu.memref_squeeze %dma_wait3A_715 : memref<1x64x64xf32, #tpu.memory_space<vmem>> -> memref<64x64xf32, #tpu.memory_space<vmem>>
        %dma_wait3A_717 = arith.constant 0 : i32
        %dma_wait3A_718 = tpu.memref_slice %arg7[%dma_wait3A_711, %dma_wait3A_717] : memref<40x64xi32, #tpu.memory_space<vmem>> -> memref<1x64xi32, #tpu.memory_space<vmem>>
        %dma_wait3A_719 = tpu.memref_squeeze %dma_wait3A_718 : memref<1x64xi32, #tpu.memory_space<vmem>> -> memref<64xi32, #tpu.memory_space<vmem>>
        %dma_wait3A_720 = arith.constant 0 : i32
        %dma_wait3A_721 = arith.constant 0 : i32
        %dma_wait3A_722 = tpu.memref_slice %arg2[%dma_wait3A_720, %dma_wait3A_721] : memref<10000x64xf32, #tpu.memory_space<hbm>> -> memref<10000x64xf32, #tpu.memory_space<hbm>>
        tpu.wait_indirect_dma semaphore(%arg15 : memref<!tpu.dma_semaphore, #tpu.memory_space<semaphore_mem>>) src(%dma_wait3A_722 : memref<10000x64xf32, #tpu.memory_space<hbm>>) dst(%dma_wait3A_716 : memref<64x64xf32, #tpu.memory_space<vmem>>)
        %add3A_723 = arith.constant 4 : i32
        %add3A_724 = arith.addi %mul3A_410, %add3A_723 : i32
        %dma_start3A_725 = arith.constant 4 : i32
        %dma_start3A_726 = arith.constant 0 : i32
        %dma_start3A_727 = arith.constant 0 : i32
        %dma_start3A_728 = tpu.memref_slice %arg9[%dma_start3A_725, %dma_start3A_726, %dma_start3A_727] : memref<8x64x64xf32, #tpu.memory_space<vmem>> -> memref<1x64x64xf32, #tpu.memory_space<vmem>>
        %dma_start3A_729 = tpu.memref_squeeze %dma_start3A_728 : memref<1x64x64xf32, #tpu.memory_space<vmem>> -> memref<64x64xf32, #tpu.memory_space<vmem>>
        %dma_start3A_730 = arith.constant 0 : i32
        %dma_start3A_731 = tpu.memref_slice %arg8[%add3A_724, %dma_start3A_730] : memref<40x64xi32, #tpu.memory_space<vmem>> -> memref<1x64xi32, #tpu.memory_space<vmem>>
        %dma_start3A_732 = tpu.memref_squeeze %dma_start3A_731 : memref<1x64xi32, #tpu.memory_space<vmem>> -> memref<64xi32, #tpu.memory_space<vmem>>
        %dma_start3A_733 = arith.constant 0 : i32
        %dma_start3A_734 = arith.constant 0 : i32
        %dma_start3A_735 = tpu.memref_slice %arg10[%dma_start3A_733, %dma_start3A_734] : memref<10112x64xf32, #tpu.memory_space<vmem_shared>> -> memref<10112x64xf32, #tpu.memory_space<vmem_shared>>
        tpu.enqueue_indirect_dma source(%dma_start3A_729 : memref<64x64xf32, #tpu.memory_space<vmem>>) target(%dma_start3A_735 : memref<10112x64xf32, #tpu.memory_space<vmem_shared>>) offsets(%dma_start3A_732 : memref<64xi32, #tpu.memory_space<vmem>>) semaphore(%arg23 : memref<!tpu.dma_semaphore, #tpu.memory_space<semaphore_mem>>) {add = true}
        %dma_wait3A_736 = arith.constant 0 : i32
        %dma_wait3A_737 = arith.constant 5 : i32
        %dma_wait3A_738 = arith.constant 0 : i32
        %dma_wait3A_739 = arith.constant 0 : i32
        %dma_wait3A_740 = tpu.memref_slice %arg9[%dma_wait3A_737, %dma_wait3A_738, %dma_wait3A_739] : memref<8x64x64xf32, #tpu.memory_space<vmem>> -> memref<1x64x64xf32, #tpu.memory_space<vmem>>
        %dma_wait3A_741 = tpu.memref_squeeze %dma_wait3A_740 : memref<1x64x64xf32, #tpu.memory_space<vmem>> -> memref<64x64xf32, #tpu.memory_space<vmem>>
        %dma_wait3A_742 = arith.constant 0 : i32
        %dma_wait3A_743 = tpu.memref_slice %arg7[%dma_wait3A_736, %dma_wait3A_742] : memref<40x64xi32, #tpu.memory_space<vmem>> -> memref<1x64xi32, #tpu.memory_space<vmem>>
        %dma_wait3A_744 = tpu.memref_squeeze %dma_wait3A_743 : memref<1x64xi32, #tpu.memory_space<vmem>> -> memref<64xi32, #tpu.memory_space<vmem>>
        %dma_wait3A_745 = arith.constant 0 : i32
        %dma_wait3A_746 = arith.constant 0 : i32
        %dma_wait3A_747 = tpu.memref_slice %arg2[%dma_wait3A_745, %dma_wait3A_746] : memref<10000x64xf32, #tpu.memory_space<hbm>> -> memref<10000x64xf32, #tpu.memory_space<hbm>>
        tpu.wait_indirect_dma semaphore(%arg16 : memref<!tpu.dma_semaphore, #tpu.memory_space<semaphore_mem>>) src(%dma_wait3A_747 : memref<10000x64xf32, #tpu.memory_space<hbm>>) dst(%dma_wait3A_741 : memref<64x64xf32, #tpu.memory_space<vmem>>)
        %add3A_748 = arith.constant 5 : i32
        %add3A_749 = arith.addi %mul3A_410, %add3A_748 : i32
        %dma_start3A_750 = arith.constant 5 : i32
        %dma_start3A_751 = arith.constant 0 : i32
        %dma_start3A_752 = arith.constant 0 : i32
        %dma_start3A_753 = tpu.memref_slice %arg9[%dma_start3A_750, %dma_start3A_751, %dma_start3A_752] : memref<8x64x64xf32, #tpu.memory_space<vmem>> -> memref<1x64x64xf32, #tpu.memory_space<vmem>>
        %dma_start3A_754 = tpu.memref_squeeze %dma_start3A_753 : memref<1x64x64xf32, #tpu.memory_space<vmem>> -> memref<64x64xf32, #tpu.memory_space<vmem>>
        %dma_start3A_755 = arith.constant 0 : i32
        %dma_start3A_756 = tpu.memref_slice %arg8[%add3A_749, %dma_start3A_755] : memref<40x64xi32, #tpu.memory_space<vmem>> -> memref<1x64xi32, #tpu.memory_space<vmem>>
        %dma_start3A_757 = tpu.memref_squeeze %dma_start3A_756 : memref<1x64xi32, #tpu.memory_space<vmem>> -> memref<64xi32, #tpu.memory_space<vmem>>
        %dma_start3A_758 = arith.constant 0 : i32
        %dma_start3A_759 = arith.constant 0 : i32
        %dma_start3A_760 = tpu.memref_slice %arg10[%dma_start3A_758, %dma_start3A_759] : memref<10112x64xf32, #tpu.memory_space<vmem_shared>> -> memref<10112x64xf32, #tpu.memory_space<vmem_shared>>
        tpu.enqueue_indirect_dma source(%dma_start3A_754 : memref<64x64xf32, #tpu.memory_space<vmem>>) target(%dma_start3A_760 : memref<10112x64xf32, #tpu.memory_space<vmem_shared>>) offsets(%dma_start3A_757 : memref<64xi32, #tpu.memory_space<vmem>>) semaphore(%arg24 : memref<!tpu.dma_semaphore, #tpu.memory_space<semaphore_mem>>) {add = true}
        %dma_wait3A_761 = arith.constant 0 : i32
        %dma_wait3A_762 = arith.constant 6 : i32
        %dma_wait3A_763 = arith.constant 0 : i32
        %dma_wait3A_764 = arith.constant 0 : i32
        %dma_wait3A_765 = tpu.memref_slice %arg9[%dma_wait3A_762, %dma_wait3A_763, %dma_wait3A_764] : memref<8x64x64xf32, #tpu.memory_space<vmem>> -> memref<1x64x64xf32, #tpu.memory_space<vmem>>
        %dma_wait3A_766 = tpu.memref_squeeze %dma_wait3A_765 : memref<1x64x64xf32, #tpu.memory_space<vmem>> -> memref<64x64xf32, #tpu.memory_space<vmem>>
        %dma_wait3A_767 = arith.constant 0 : i32
        %dma_wait3A_768 = tpu.memref_slice %arg7[%dma_wait3A_761, %dma_wait3A_767] : memref<40x64xi32, #tpu.memory_space<vmem>> -> memref<1x64xi32, #tpu.memory_space<vmem>>
        %dma_wait3A_769 = tpu.memref_squeeze %dma_wait3A_768 : memref<1x64xi32, #tpu.memory_space<vmem>> -> memref<64xi32, #tpu.memory_space<vmem>>
        %dma_wait3A_770 = arith.constant 0 : i32
        %dma_wait3A_771 = arith.constant 0 : i32
        %dma_wait3A_772 = tpu.memref_slice %arg2[%dma_wait3A_770, %dma_wait3A_771] : memref<10000x64xf32, #tpu.memory_space<hbm>> -> memref<10000x64xf32, #tpu.memory_space<hbm>>
        tpu.wait_indirect_dma semaphore(%arg17 : memref<!tpu.dma_semaphore, #tpu.memory_space<semaphore_mem>>) src(%dma_wait3A_772 : memref<10000x64xf32, #tpu.memory_space<hbm>>) dst(%dma_wait3A_766 : memref<64x64xf32, #tpu.memory_space<vmem>>)
        %add3A_773 = arith.constant 6 : i32
        %add3A_774 = arith.addi %mul3A_410, %add3A_773 : i32
        %dma_start3A_775 = arith.constant 6 : i32
        %dma_start3A_776 = arith.constant 0 : i32
        %dma_start3A_777 = arith.constant 0 : i32
        %dma_start3A_778 = tpu.memref_slice %arg9[%dma_start3A_775, %dma_start3A_776, %dma_start3A_777] : memref<8x64x64xf32, #tpu.memory_space<vmem>> -> memref<1x64x64xf32, #tpu.memory_space<vmem>>
        %dma_start3A_779 = tpu.memref_squeeze %dma_start3A_778 : memref<1x64x64xf32, #tpu.memory_space<vmem>> -> memref<64x64xf32, #tpu.memory_space<vmem>>
        %dma_start3A_780 = arith.constant 0 : i32
        %dma_start3A_781 = tpu.memref_slice %arg8[%add3A_774, %dma_start3A_780] : memref<40x64xi32, #tpu.memory_space<vmem>> -> memref<1x64xi32, #tpu.memory_space<vmem>>
        %dma_start3A_782 = tpu.memref_squeeze %dma_start3A_781 : memref<1x64xi32, #tpu.memory_space<vmem>> -> memref<64xi32, #tpu.memory_space<vmem>>
        %dma_start3A_783 = arith.constant 0 : i32
        %dma_start3A_784 = arith.constant 0 : i32
        %dma_start3A_785 = tpu.memref_slice %arg10[%dma_start3A_783, %dma_start3A_784] : memref<10112x64xf32, #tpu.memory_space<vmem_shared>> -> memref<10112x64xf32, #tpu.memory_space<vmem_shared>>
        tpu.enqueue_indirect_dma source(%dma_start3A_779 : memref<64x64xf32, #tpu.memory_space<vmem>>) target(%dma_start3A_785 : memref<10112x64xf32, #tpu.memory_space<vmem_shared>>) offsets(%dma_start3A_782 : memref<64xi32, #tpu.memory_space<vmem>>) semaphore(%arg25 : memref<!tpu.dma_semaphore, #tpu.memory_space<semaphore_mem>>) {add = true}
        %dma_wait3A_786 = arith.constant 0 : i32
        %dma_wait3A_787 = arith.constant 7 : i32
        %dma_wait3A_788 = arith.constant 0 : i32
        %dma_wait3A_789 = arith.constant 0 : i32
        %dma_wait3A_790 = tpu.memref_slice %arg9[%dma_wait3A_787, %dma_wait3A_788, %dma_wait3A_789] : memref<8x64x64xf32, #tpu.memory_space<vmem>> -> memref<1x64x64xf32, #tpu.memory_space<vmem>>
        %dma_wait3A_791 = tpu.memref_squeeze %dma_wait3A_790 : memref<1x64x64xf32, #tpu.memory_space<vmem>> -> memref<64x64xf32, #tpu.memory_space<vmem>>
        %dma_wait3A_792 = arith.constant 0 : i32
        %dma_wait3A_793 = tpu.memref_slice %arg7[%dma_wait3A_786, %dma_wait3A_792] : memref<40x64xi32, #tpu.memory_space<vmem>> -> memref<1x64xi32, #tpu.memory_space<vmem>>
        %dma_wait3A_794 = tpu.memref_squeeze %dma_wait3A_793 : memref<1x64xi32, #tpu.memory_space<vmem>> -> memref<64xi32, #tpu.memory_space<vmem>>
        %dma_wait3A_795 = arith.constant 0 : i32
        %dma_wait3A_796 = arith.constant 0 : i32
        %dma_wait3A_797 = tpu.memref_slice %arg2[%dma_wait3A_795, %dma_wait3A_796] : memref<10000x64xf32, #tpu.memory_space<hbm>> -> memref<10000x64xf32, #tpu.memory_space<hbm>>
        tpu.wait_indirect_dma semaphore(%arg18 : memref<!tpu.dma_semaphore, #tpu.memory_space<semaphore_mem>>) src(%dma_wait3A_797 : memref<10000x64xf32, #tpu.memory_space<hbm>>) dst(%dma_wait3A_791 : memref<64x64xf32, #tpu.memory_space<vmem>>)
        %add3A_798 = arith.constant 7 : i32
        %add3A_799 = arith.addi %mul3A_410, %add3A_798 : i32
        %dma_start3A_800 = arith.constant 7 : i32
        %dma_start3A_801 = arith.constant 0 : i32
        %dma_start3A_802 = arith.constant 0 : i32
        %dma_start3A_803 = tpu.memref_slice %arg9[%dma_start3A_800, %dma_start3A_801, %dma_start3A_802] : memref<8x64x64xf32, #tpu.memory_space<vmem>> -> memref<1x64x64xf32, #tpu.memory_space<vmem>>
        %dma_start3A_804 = tpu.memref_squeeze %dma_start3A_803 : memref<1x64x64xf32, #tpu.memory_space<vmem>> -> memref<64x64xf32, #tpu.memory_space<vmem>>
        %dma_start3A_805 = arith.constant 0 : i32
        %dma_start3A_806 = tpu.memref_slice %arg8[%add3A_799, %dma_start3A_805] : memref<40x64xi32, #tpu.memory_space<vmem>> -> memref<1x64xi32, #tpu.memory_space<vmem>>
        %dma_start3A_807 = tpu.memref_squeeze %dma_start3A_806 : memref<1x64xi32, #tpu.memory_space<vmem>> -> memref<64xi32, #tpu.memory_space<vmem>>
        %dma_start3A_808 = arith.constant 0 : i32
        %dma_start3A_809 = arith.constant 0 : i32
        %dma_start3A_810 = tpu.memref_slice %arg10[%dma_start3A_808, %dma_start3A_809] : memref<10112x64xf32, #tpu.memory_space<vmem_shared>> -> memref<10112x64xf32, #tpu.memory_space<vmem_shared>>
        tpu.enqueue_indirect_dma source(%dma_start3A_804 : memref<64x64xf32, #tpu.memory_space<vmem>>) target(%dma_start3A_810 : memref<10112x64xf32, #tpu.memory_space<vmem_shared>>) offsets(%dma_start3A_807 : memref<64xi32, #tpu.memory_space<vmem>>) semaphore(%arg26 : memref<!tpu.dma_semaphore, #tpu.memory_space<semaphore_mem>>) {add = true}
      }
      %scan3A_311 = arith.constant 4 : i32
      %dma_wait3A_312 = arith.constant 0 : i32
      %dma_wait3A_313 = arith.constant 0 : i32
      %dma_wait3A_314 = arith.constant 0 : i32
      %dma_wait3A_315 = arith.constant 0 : i32
      %dma_wait3A_316 = tpu.memref_slice %arg9[%dma_wait3A_312, %dma_wait3A_314, %dma_wait3A_315] : memref<8x64x64xf32, #tpu.memory_space<vmem>> -> memref<1x64x64xf32, #tpu.memory_space<vmem>>
      %dma_wait3A_317 = tpu.memref_squeeze %dma_wait3A_316 : memref<1x64x64xf32, #tpu.memory_space<vmem>> -> memref<64x64xf32, #tpu.memory_space<vmem>>
      %dma_wait3A_318 = arith.constant 0 : i32
      %dma_wait3A_319 = tpu.memref_slice %arg8[%dma_wait3A_313, %dma_wait3A_318] : memref<40x64xi32, #tpu.memory_space<vmem>> -> memref<1x64xi32, #tpu.memory_space<vmem>>
      %dma_wait3A_320 = tpu.memref_squeeze %dma_wait3A_319 : memref<1x64xi32, #tpu.memory_space<vmem>> -> memref<64xi32, #tpu.memory_space<vmem>>
      %dma_wait3A_321 = arith.constant 0 : i32
      %dma_wait3A_322 = arith.constant 0 : i32
      %dma_wait3A_323 = tpu.memref_slice %arg10[%dma_wait3A_321, %dma_wait3A_322] : memref<10112x64xf32, #tpu.memory_space<vmem_shared>> -> memref<10112x64xf32, #tpu.memory_space<vmem_shared>>
      tpu.wait_indirect_dma semaphore(%arg19 : memref<!tpu.dma_semaphore, #tpu.memory_space<semaphore_mem>>) src(%dma_wait3A_317 : memref<64x64xf32, #tpu.memory_space<vmem>>) dst(%dma_wait3A_323 : memref<10112x64xf32, #tpu.memory_space<vmem_shared>>)
      %dma_wait3A_324 = arith.constant 1 : i32
      %dma_wait3A_325 = arith.constant 0 : i32
      %dma_wait3A_326 = arith.constant 0 : i32
      %dma_wait3A_327 = arith.constant 0 : i32
      %dma_wait3A_328 = tpu.memref_slice %arg9[%dma_wait3A_324, %dma_wait3A_326, %dma_wait3A_327] : memref<8x64x64xf32, #tpu.memory_space<vmem>> -> memref<1x64x64xf32, #tpu.memory_space<vmem>>
      %dma_wait3A_329 = tpu.memref_squeeze %dma_wait3A_328 : memref<1x64x64xf32, #tpu.memory_space<vmem>> -> memref<64x64xf32, #tpu.memory_space<vmem>>
      %dma_wait3A_330 = arith.constant 0 : i32
      %dma_wait3A_331 = tpu.memref_slice %arg8[%dma_wait3A_325, %dma_wait3A_330] : memref<40x64xi32, #tpu.memory_space<vmem>> -> memref<1x64xi32, #tpu.memory_space<vmem>>
      %dma_wait3A_332 = tpu.memref_squeeze %dma_wait3A_331 : memref<1x64xi32, #tpu.memory_space<vmem>> -> memref<64xi32, #tpu.memory_space<vmem>>
      %dma_wait3A_333 = arith.constant 0 : i32
      %dma_wait3A_334 = arith.constant 0 : i32
      %dma_wait3A_335 = tpu.memref_slice %arg10[%dma_wait3A_333, %dma_wait3A_334] : memref<10112x64xf32, #tpu.memory_space<vmem_shared>> -> memref<10112x64xf32, #tpu.memory_space<vmem_shared>>
      tpu.wait_indirect_dma semaphore(%arg20 : memref<!tpu.dma_semaphore, #tpu.memory_space<semaphore_mem>>) src(%dma_wait3A_329 : memref<64x64xf32, #tpu.memory_space<vmem>>) dst(%dma_wait3A_335 : memref<10112x64xf32, #tpu.memory_space<vmem_shared>>)
      %dma_wait3A_336 = arith.constant 2 : i32
      %dma_wait3A_337 = arith.constant 0 : i32
      %dma_wait3A_338 = arith.constant 0 : i32
      %dma_wait3A_339 = arith.constant 0 : i32
      %dma_wait3A_340 = tpu.memref_slice %arg9[%dma_wait3A_336, %dma_wait3A_338, %dma_wait3A_339] : memref<8x64x64xf32, #tpu.memory_space<vmem>> -> memref<1x64x64xf32, #tpu.memory_space<vmem>>
      %dma_wait3A_341 = tpu.memref_squeeze %dma_wait3A_340 : memref<1x64x64xf32, #tpu.memory_space<vmem>> -> memref<64x64xf32, #tpu.memory_space<vmem>>
      %dma_wait3A_342 = arith.constant 0 : i32
      %dma_wait3A_343 = tpu.memref_slice %arg8[%dma_wait3A_337, %dma_wait3A_342] : memref<40x64xi32, #tpu.memory_space<vmem>> -> memref<1x64xi32, #tpu.memory_space<vmem>>
      %dma_wait3A_344 = tpu.memref_squeeze %dma_wait3A_343 : memref<1x64xi32, #tpu.memory_space<vmem>> -> memref<64xi32, #tpu.memory_space<vmem>>
      %dma_wait3A_345 = arith.constant 0 : i32
      %dma_wait3A_346 = arith.constant 0 : i32
      %dma_wait3A_347 = tpu.memref_slice %arg10[%dma_wait3A_345, %dma_wait3A_346] : memref<10112x64xf32, #tpu.memory_space<vmem_shared>> -> memref<10112x64xf32, #tpu.memory_space<vmem_shared>>
      tpu.wait_indirect_dma semaphore(%arg21 : memref<!tpu.dma_semaphore, #tpu.memory_space<semaphore_mem>>) src(%dma_wait3A_341 : memref<64x64xf32, #tpu.memory_space<vmem>>) dst(%dma_wait3A_347 : memref<10112x64xf32, #tpu.memory_space<vmem_shared>>)
      %dma_wait3A_348 = arith.constant 3 : i32
      %dma_wait3A_349 = arith.constant 0 : i32
      %dma_wait3A_350 = arith.constant 0 : i32
      %dma_wait3A_351 = arith.constant 0 : i32
      %dma_wait3A_352 = tpu.memref_slice %arg9[%dma_wait3A_348, %dma_wait3A_350, %dma_wait3A_351] : memref<8x64x64xf32, #tpu.memory_space<vmem>> -> memref<1x64x64xf32, #tpu.memory_space<vmem>>
      %dma_wait3A_353 = tpu.memref_squeeze %dma_wait3A_352 : memref<1x64x64xf32, #tpu.memory_space<vmem>> -> memref<64x64xf32, #tpu.memory_space<vmem>>
      %dma_wait3A_354 = arith.constant 0 : i32
      %dma_wait3A_355 = tpu.memref_slice %arg8[%dma_wait3A_349, %dma_wait3A_354] : memref<40x64xi32, #tpu.memory_space<vmem>> -> memref<1x64xi32, #tpu.memory_space<vmem>>
      %dma_wait3A_356 = tpu.memref_squeeze %dma_wait3A_355 : memref<1x64xi32, #tpu.memory_space<vmem>> -> memref<64xi32, #tpu.memory_space<vmem>>
      %dma_wait3A_357 = arith.constant 0 : i32
      %dma_wait3A_358 = arith.constant 0 : i32
      %dma_wait3A_359 = tpu.memref_slice %arg10[%dma_wait3A_357, %dma_wait3A_358] : memref<10112x64xf32, #tpu.memory_space<vmem_shared>> -> memref<10112x64xf32, #tpu.memory_space<vmem_shared>>
      tpu.wait_indirect_dma semaphore(%arg22 : memref<!tpu.dma_semaphore, #tpu.memory_space<semaphore_mem>>) src(%dma_wait3A_353 : memref<64x64xf32, #tpu.memory_space<vmem>>) dst(%dma_wait3A_359 : memref<10112x64xf32, #tpu.memory_space<vmem_shared>>)
      %dma_wait3A_360 = arith.constant 4 : i32
      %dma_wait3A_361 = arith.constant 0 : i32
      %dma_wait3A_362 = arith.constant 0 : i32
      %dma_wait3A_363 = arith.constant 0 : i32
      %dma_wait3A_364 = tpu.memref_slice %arg9[%dma_wait3A_360, %dma_wait3A_362, %dma_wait3A_363] : memref<8x64x64xf32, #tpu.memory_space<vmem>> -> memref<1x64x64xf32, #tpu.memory_space<vmem>>
      %dma_wait3A_365 = tpu.memref_squeeze %dma_wait3A_364 : memref<1x64x64xf32, #tpu.memory_space<vmem>> -> memref<64x64xf32, #tpu.memory_space<vmem>>
      %dma_wait3A_366 = arith.constant 0 : i32
      %dma_wait3A_367 = tpu.memref_slice %arg8[%dma_wait3A_361, %dma_wait3A_366] : memref<40x64xi32, #tpu.memory_space<vmem>> -> memref<1x64xi32, #tpu.memory_space<vmem>>
      %dma_wait3A_368 = tpu.memref_squeeze %dma_wait3A_367 : memref<1x64xi32, #tpu.memory_space<vmem>> -> memref<64xi32, #tpu.memory_space<vmem>>
      %dma_wait3A_369 = arith.constant 0 : i32
      %dma_wait3A_370 = arith.constant 0 : i32
      %dma_wait3A_371 = tpu.memref_slice %arg10[%dma_wait3A_369, %dma_wait3A_370] : memref<10112x64xf32, #tpu.memory_space<vmem_shared>> -> memref<10112x64xf32, #tpu.memory_space<vmem_shared>>
      tpu.wait_indirect_dma semaphore(%arg23 : memref<!tpu.dma_semaphore, #tpu.memory_space<semaphore_mem>>) src(%dma_wait3A_365 : memref<64x64xf32, #tpu.memory_space<vmem>>) dst(%dma_wait3A_371 : memref<10112x64xf32, #tpu.memory_space<vmem_shared>>)
      %dma_wait3A_372 = arith.constant 5 : i32
      %dma_wait3A_373 = arith.constant 0 : i32
      %dma_wait3A_374 = arith.constant 0 : i32
      %dma_wait3A_375 = arith.constant 0 : i32
      %dma_wait3A_376 = tpu.memref_slice %arg9[%dma_wait3A_372, %dma_wait3A_374, %dma_wait3A_375] : memref<8x64x64xf32, #tpu.memory_space<vmem>> -> memref<1x64x64xf32, #tpu.memory_space<vmem>>
      %dma_wait3A_377 = tpu.memref_squeeze %dma_wait3A_376 : memref<1x64x64xf32, #tpu.memory_space<vmem>> -> memref<64x64xf32, #tpu.memory_space<vmem>>
      %dma_wait3A_378 = arith.constant 0 : i32
      %dma_wait3A_379 = tpu.memref_slice %arg8[%dma_wait3A_373, %dma_wait3A_378] : memref<40x64xi32, #tpu.memory_space<vmem>> -> memref<1x64xi32, #tpu.memory_space<vmem>>
      %dma_wait3A_380 = tpu.memref_squeeze %dma_wait3A_379 : memref<1x64xi32, #tpu.memory_space<vmem>> -> memref<64xi32, #tpu.memory_space<vmem>>
      %dma_wait3A_381 = arith.constant 0 : i32
      %dma_wait3A_382 = arith.constant 0 : i32
      %dma_wait3A_383 = tpu.memref_slice %arg10[%dma_wait3A_381, %dma_wait3A_382] : memref<10112x64xf32, #tpu.memory_space<vmem_shared>> -> memref<10112x64xf32, #tpu.memory_space<vmem_shared>>
      tpu.wait_indirect_dma semaphore(%arg24 : memref<!tpu.dma_semaphore, #tpu.memory_space<semaphore_mem>>) src(%dma_wait3A_377 : memref<64x64xf32, #tpu.memory_space<vmem>>) dst(%dma_wait3A_383 : memref<10112x64xf32, #tpu.memory_space<vmem_shared>>)
      %dma_wait3A_384 = arith.constant 6 : i32
      %dma_wait3A_385 = arith.constant 0 : i32
      %dma_wait3A_386 = arith.constant 0 : i32
      %dma_wait3A_387 = arith.constant 0 : i32
      %dma_wait3A_388 = tpu.memref_slice %arg9[%dma_wait3A_384, %dma_wait3A_386, %dma_wait3A_387] : memref<8x64x64xf32, #tpu.memory_space<vmem>> -> memref<1x64x64xf32, #tpu.memory_space<vmem>>
      %dma_wait3A_389 = tpu.memref_squeeze %dma_wait3A_388 : memref<1x64x64xf32, #tpu.memory_space<vmem>> -> memref<64x64xf32, #tpu.memory_space<vmem>>
      %dma_wait3A_390 = arith.constant 0 : i32
      %dma_wait3A_391 = tpu.memref_slice %arg8[%dma_wait3A_385, %dma_wait3A_390] : memref<40x64xi32, #tpu.memory_space<vmem>> -> memref<1x64xi32, #tpu.memory_space<vmem>>
      %dma_wait3A_392 = tpu.memref_squeeze %dma_wait3A_391 : memref<1x64xi32, #tpu.memory_space<vmem>> -> memref<64xi32, #tpu.memory_space<vmem>>
      %dma_wait3A_393 = arith.constant 0 : i32
      %dma_wait3A_394 = arith.constant 0 : i32
      %dma_wait3A_395 = tpu.memref_slice %arg10[%dma_wait3A_393, %dma_wait3A_394] : memref<10112x64xf32, #tpu.memory_space<vmem_shared>> -> memref<10112x64xf32, #tpu.memory_space<vmem_shared>>
      tpu.wait_indirect_dma semaphore(%arg25 : memref<!tpu.dma_semaphore, #tpu.memory_space<semaphore_mem>>) src(%dma_wait3A_389 : memref<64x64xf32, #tpu.memory_space<vmem>>) dst(%dma_wait3A_395 : memref<10112x64xf32, #tpu.memory_space<vmem_shared>>)
      %dma_wait3A_396 = arith.constant 7 : i32
      %dma_wait3A_397 = arith.constant 0 : i32
      %dma_wait3A_398 = arith.constant 0 : i32
      %dma_wait3A_399 = arith.constant 0 : i32
      %dma_wait3A_400 = tpu.memref_slice %arg9[%dma_wait3A_396, %dma_wait3A_398, %dma_wait3A_399] : memref<8x64x64xf32, #tpu.memory_space<vmem>> -> memref<1x64x64xf32, #tpu.memory_space<vmem>>
      %dma_wait3A_401 = tpu.memref_squeeze %dma_wait3A_400 : memref<1x64x64xf32, #tpu.memory_space<vmem>> -> memref<64x64xf32, #tpu.memory_space<vmem>>
      %dma_wait3A_402 = arith.constant 0 : i32
      %dma_wait3A_403 = tpu.memref_slice %arg8[%dma_wait3A_397, %dma_wait3A_402] : memref<40x64xi32, #tpu.memory_space<vmem>> -> memref<1x64xi32, #tpu.memory_space<vmem>>
      %dma_wait3A_404 = tpu.memref_squeeze %dma_wait3A_403 : memref<1x64xi32, #tpu.memory_space<vmem>> -> memref<64xi32, #tpu.memory_space<vmem>>
      %dma_wait3A_405 = arith.constant 0 : i32
      %dma_wait3A_406 = arith.constant 0 : i32
      %dma_wait3A_407 = tpu.memref_slice %arg10[%dma_wait3A_405, %dma_wait3A_406] : memref<10112x64xf32, #tpu.memory_space<vmem_shared>> -> memref<10112x64xf32, #tpu.memory_space<vmem_shared>>
      tpu.wait_indirect_dma semaphore(%arg26 : memref<!tpu.dma_semaphore, #tpu.memory_space<semaphore_mem>>) src(%dma_wait3A_401 : memref<64x64xf32, #tpu.memory_space<vmem>>) dst(%dma_wait3A_407 : memref<10112x64xf32, #tpu.memory_space<vmem_shared>>)
    }
    %scan3A_7 = arith.constant 8 : i32
    %barrier3A_8 = arith.constant 0 : index
    tpu.barrier barrier_id(%barrier3A_8)
    %lt3A = arith.constant 15 : i32
    %lt3A_9 = arith.cmpi slt, %arg1, %lt3A : i32
    %convert_element_type3A = arith.extui %lt3A_9 : i1 to i32
    %cond3A = arith.constant 0 : i32
    %cond3A_10 = arith.cmpi ne, %convert_element_type3A, %cond3A : i32
    scf.if %cond3A_10 {
      %mul3A_15 = arith.constant 624 : i32
      %mul3A_16 = arith.muli %arg1, %mul3A_15 : i32
      %mul3A_17 = arith.constant 10000 : i32
      %mul3A_18 = arith.muli %arg0, %mul3A_17 : i32
      %mul3A_19 = arith.constant 624 : i32
      %mul3A_20 = arith.muli %arg1, %mul3A_19 : i32
      %add3A_21 = arith.addi %mul3A_18, %mul3A_20 : i32
      "tpu.region"() ({
        %run_scoped3A = tpu.sem_alloc : memref<!tpu.dma_semaphore, #tpu.memory_space<semaphore_mem>>
        %dma_start3A = arith.constant 0 : i32
        %dma_start3A_22 = tpu.memref_slice %arg6[%add3A_21, %dma_start3A] : memref<20000x64xf32, #tpu.memory_space<hbm>> -> memref<624x64xf32, #tpu.memory_space<hbm>>
        %dma_start3A_23 = arith.constant 0 : i32
        %dma_start3A_24 = tpu.memref_slice %arg10[%mul3A_16, %dma_start3A_23] : memref<10112x64xf32, #tpu.memory_space<vmem_shared>> -> memref<624x64xf32, #tpu.memory_space<vmem_shared>>
        tpu.enqueue_dma source(%dma_start3A_24 : memref<624x64xf32, #tpu.memory_space<vmem_shared>>) target(%dma_start3A_22 : memref<624x64xf32, #tpu.memory_space<hbm>>) target_semaphore(%run_scoped3A : memref<!tpu.dma_semaphore, #tpu.memory_space<semaphore_mem>>)
        %dma_wait3A = arith.constant 0 : i32
        %dma_wait3A_25 = tpu.memref_slice %arg6[%add3A_21, %dma_wait3A] : memref<20000x64xf32, #tpu.memory_space<hbm>> -> memref<624x64xf32, #tpu.memory_space<hbm>>
        %dma_wait3A_26 = arith.constant 0 : i32
        %dma_wait3A_27 = tpu.memref_slice %arg10[%mul3A_16, %dma_wait3A_26] : memref<10112x64xf32, #tpu.memory_space<vmem_shared>> -> memref<624x64xf32, #tpu.memory_space<vmem_shared>>
        tpu.wait_dma2 semaphore(%run_scoped3A : memref<!tpu.dma_semaphore, #tpu.memory_space<semaphore_mem>>) src(%dma_wait3A_27 : memref<624x64xf32, #tpu.memory_space<vmem_shared>>) dst(%dma_wait3A_25 : memref<624x64xf32, #tpu.memory_space<hbm>>)
        tpu.yield
      }) : () -> ()
    } else {
    }
    %eq3A = arith.constant 15 : i32
    %eq3A_11 = arith.cmpi eq, %arg1, %eq3A : i32
    %convert_element_type3A_12 = arith.extui %eq3A_11 : i1 to i32
    %cond3A_13 = arith.constant 0 : i32
    %cond3A_14 = arith.cmpi ne, %convert_element_type3A_12, %cond3A_13 : i32
    scf.if %cond3A_14 {
      %mul3A_15 = arith.constant 10000 : i32
      %mul3A_16 = arith.muli %arg0, %mul3A_15 : i32
      %add3A_17 = arith.constant 9360 : i32
      %add3A_18 = arith.addi %mul3A_16, %add3A_17 : i32
      "tpu.region"() ({
        %run_scoped3A = tpu.sem_alloc : memref<!tpu.dma_semaphore, #tpu.memory_space<semaphore_mem>>
        %dma_start3A = arith.constant 0 : i32
        %dma_start3A_19 = tpu.memref_slice %arg6[%add3A_18, %dma_start3A] : memref<20000x64xf32, #tpu.memory_space<hbm>> -> memref<640x64xf32, #tpu.memory_space<hbm>>
        %dma_start3A_20 = arith.constant 9360 : i32
        %dma_start3A_21 = arith.constant 0 : i32
        %dma_start3A_22 = tpu.memref_slice %arg10[%dma_start3A_20, %dma_start3A_21] : memref<10112x64xf32, #tpu.memory_space<vmem_shared>> -> memref<640x64xf32, #tpu.memory_space<vmem_shared>>
        tpu.enqueue_dma source(%dma_start3A_22 : memref<640x64xf32, #tpu.memory_space<vmem_shared>>) target(%dma_start3A_19 : memref<640x64xf32, #tpu.memory_space<hbm>>) target_semaphore(%run_scoped3A : memref<!tpu.dma_semaphore, #tpu.memory_space<semaphore_mem>>)
        %dma_wait3A = arith.constant 0 : i32
        %dma_wait3A_23 = tpu.memref_slice %arg6[%add3A_18, %dma_wait3A] : memref<20000x64xf32, #tpu.memory_space<hbm>> -> memref<640x64xf32, #tpu.memory_space<hbm>>
        %dma_wait3A_24 = arith.constant 9360 : i32
        %dma_wait3A_25 = arith.constant 0 : i32
        %dma_wait3A_26 = tpu.memref_slice %arg10[%dma_wait3A_24, %dma_wait3A_25] : memref<10112x64xf32, #tpu.memory_space<vmem_shared>> -> memref<640x64xf32, #tpu.memory_space<vmem_shared>>
        tpu.wait_dma2 semaphore(%run_scoped3A : memref<!tpu.dma_semaphore, #tpu.memory_space<semaphore_mem>>) src(%dma_wait3A_26 : memref<640x64xf32, #tpu.memory_space<vmem_shared>>) dst(%dma_wait3A_23 : memref<640x64xf32, #tpu.memory_space<hbm>>)
        tpu.yield
      }) : () -> ()
    } else {
    }
    return
  }
}

#map = affine_map<(d0, d1) -> (0, 0)>
#map1 = affine_map<(d0, d1) -> (0, 0, 0)>
module attributes {stable_mosaic.version = 14 : i64} {
  func.func @_sc_conv_body(%arg0: i32, %arg1: i32, %arg2: memref<10000x64xf32, #tpu.memory_space<hbm>>, %arg3: memref<32x320x64xi32, #tpu.memory_space<hbm>>, %arg4: memref<32x320x64xi32, #tpu.memory_space<hbm>>, %arg5: memref<632x64xf32, #tpu.memory_space<hbm>>, %arg6: memref<20000x64xf32, #tpu.memory_space<hbm>>, %arg7: memref<40x64xi32, #tpu.memory_space<vmem>>, %arg8: memref<40x64xi32, #tpu.memory_space<vmem>>, %arg9: memref<8x64x64xf32, #tpu.memory_space<vmem>>, %arg10: memref<10112x64xf32, #tpu.memory_space<vmem_shared>>, %arg11: memref<!tpu.dma_semaphore, #tpu.memory_space<semaphore_mem>>, %arg12: memref<!tpu.dma_semaphore, #tpu.memory_space<semaphore_mem>>, %arg13: memref<!tpu.dma_semaphore, #tpu.memory_space<semaphore_mem>>, %arg14: memref<!tpu.dma_semaphore, #tpu.memory_space<semaphore_mem>>, %arg15: memref<!tpu.dma_semaphore, #tpu.memory_space<semaphore_mem>>, %arg16: memref<!tpu.dma_semaphore, #tpu.memory_space<semaphore_mem>>, %arg17: memref<!tpu.dma_semaphore, #tpu.memory_space<semaphore_mem>>, %arg18: memref<!tpu.dma_semaphore, #tpu.memory_space<semaphore_mem>>, %arg19: memref<!tpu.dma_semaphore, #tpu.memory_space<semaphore_mem>>, %arg20: memref<!tpu.dma_semaphore, #tpu.memory_space<semaphore_mem>>, %arg21: memref<!tpu.dma_semaphore, #tpu.memory_space<semaphore_mem>>, %arg22: memref<!tpu.dma_semaphore, #tpu.memory_space<semaphore_mem>>, %arg23: memref<!tpu.dma_semaphore, #tpu.memory_space<semaphore_mem>>, %arg24: memref<!tpu.dma_semaphore, #tpu.memory_space<semaphore_mem>>, %arg25: memref<!tpu.dma_semaphore, #tpu.memory_space<semaphore_mem>>, %arg26: memref<!tpu.dma_semaphore, #tpu.memory_space<semaphore_mem>>) attributes {dimension_semantics = [#tpu.dimension_semantics<core_parallel>, #tpu.dimension_semantics<subcore_parallel>], iteration_bounds = array<i64: 2, 16>, scalar_prefetch = 0 : i64, scratch_operands = 20 : i64, tpu.core_type = #tpu.core_type<sc_vector_subcore>, window_params = [{transform_indices = #map}, {transform_indices = #map1}, {transform_indices = #map1}, {transform_indices = #map}, {transform_indices = #map}]} {
    %mul3A = arith.constant 632 : i32
    %mul3A_0 = arith.muli %arg1, %mul3A : i32
    "tpu.region"() ({
      %run_scoped3A = tpu.sem_alloc : memref<!tpu.dma_semaphore, #tpu.memory_space<semaphore_mem>>
      %dma_start3A = arith.constant 0 : i32
      %dma_start3A_15 = tpu.memref_slice %arg10[%mul3A_0, %dma_start3A] : memref<10112x64xf32, #tpu.memory_space<vmem_shared>> -> memref<632x64xf32, #tpu.memory_space<vmem_shared>>
      tpu.enqueue_dma source(%arg5 : memref<632x64xf32, #tpu.memory_space<hbm>>) target(%dma_start3A_15 : memref<632x64xf32, #tpu.memory_space<vmem_shared>>) target_semaphore(%run_scoped3A : memref<!tpu.dma_semaphore, #tpu.memory_space<semaphore_mem>>)
      %dma_wait3A = arith.constant 0 : i32
      %dma_wait3A_16 = tpu.memref_slice %arg10[%mul3A_0, %dma_wait3A] : memref<10112x64xf32, #tpu.memory_space<vmem_shared>> -> memref<632x64xf32, #tpu.memory_space<vmem_shared>>
      tpu.wait_dma2 semaphore(%run_scoped3A : memref<!tpu.dma_semaphore, #tpu.memory_space<semaphore_mem>>) src(%arg5 : memref<632x64xf32, #tpu.memory_space<hbm>>) dst(%dma_wait3A_16 : memref<632x64xf32, #tpu.memory_space<vmem_shared>>)
      tpu.yield
    }) : () -> ()
    %barrier3A = arith.constant 0 : index
    tpu.barrier barrier_id(%barrier3A)
    %mul3A_1 = arith.constant 16 : i32
    %mul3A_2 = arith.muli %arg0, %mul3A_1 : i32
    %add3A = arith.addi %mul3A_2, %arg1 : i32
    %scan3A = arith.constant 0 : i32
    %scan3A_3 = arith.constant 0 : i32
    %scan3A_4 = arith.constant 8 : i32
    %scan3A_5 = arith.addi %scan3A_3, %scan3A_4 : i32
    %scan3A_6 = arith.constant 1 : i32
    scf.for %scan3A_15 = %scan3A_3 to %scan3A_5 step %scan3A_6  : i32 {
      %mul3A_16 = arith.constant 40 : i32
      %mul3A_17 = arith.muli %scan3A_15, %mul3A_16 : i32
      "tpu.region"() ({
        %run_scoped3A = tpu.sem_alloc : memref<!tpu.dma_semaphore, #tpu.memory_space<semaphore_mem>>
        %dma_start3A_408 = arith.constant 0 : i32
        %dma_start3A_409 = tpu.memref_slice %arg3[%add3A, %mul3A_17, %dma_start3A_408] : memref<32x320x64xi32, #tpu.memory_space<hbm>> -> memref<1x40x64xi32, #tpu.memory_space<hbm>>
        %dma_start3A_410 = tpu.memref_squeeze %dma_start3A_409 : memref<1x40x64xi32, #tpu.memory_space<hbm>> -> memref<40x64xi32, #tpu.memory_space<hbm>>
        %dma_start3A_411 = arith.constant 0 : i32
        %dma_start3A_412 = tpu.memref_slice %arg3[%add3A, %mul3A_17, %dma_start3A_411] : memref<32x320x64xi32, #tpu.memory_space<hbm>> -> memref<1x40x64xi32, #tpu.memory_space<hbm>>
        %dma_start3A_413 = tpu.memref_squeeze %dma_start3A_412 : memref<1x40x64xi32, #tpu.memory_space<hbm>> -> memref<40x64xi32, #tpu.memory_space<hbm>>
        tpu.enqueue_dma source(%dma_start3A_413 : memref<40x64xi32, #tpu.memory_space<hbm>>) target(%arg7 : memref<40x64xi32, #tpu.memory_space<vmem>>) target_semaphore(%run_scoped3A : memref<!tpu.dma_semaphore, #tpu.memory_space<semaphore_mem>>)
        %dma_wait3A_414 = arith.constant 0 : i32
        %dma_wait3A_415 = tpu.memref_slice %arg3[%add3A, %mul3A_17, %dma_wait3A_414] : memref<32x320x64xi32, #tpu.memory_space<hbm>> -> memref<1x40x64xi32, #tpu.memory_space<hbm>>
        %dma_wait3A_416 = tpu.memref_squeeze %dma_wait3A_415 : memref<1x40x64xi32, #tpu.memory_space<hbm>> -> memref<40x64xi32, #tpu.memory_space<hbm>>
        %dma_wait3A_417 = arith.constant 0 : i32
        %dma_wait3A_418 = tpu.memref_slice %arg3[%add3A, %mul3A_17, %dma_wait3A_417] : memref<32x320x64xi32, #tpu.memory_space<hbm>> -> memref<1x40x64xi32, #tpu.memory_space<hbm>>
        %dma_wait3A_419 = tpu.memref_squeeze %dma_wait3A_418 : memref<1x40x64xi32, #tpu.memory_space<hbm>> -> memref<40x64xi32, #tpu.memory_space<hbm>>
        tpu.wait_dma2 semaphore(%run_scoped3A : memref<!tpu.dma_semaphore, #tpu.memory_space<semaphore_mem>>) src(%dma_wait3A_419 : memref<40x64xi32, #tpu.memory_space<hbm>>) dst(%arg7 : memref<40x64xi32, #tpu.memory_space<vmem>>)
        tpu.yield
      }) : () -> ()
      %mul3A_18 = arith.constant 40 : i32
      %mul3A_19 = arith.muli %scan3A_15, %mul3A_18 : i32
      "tpu.region"() ({
        %run_scoped3A = tpu.sem_alloc : memref<!tpu.dma_semaphore, #tpu.memory_space<semaphore_mem>>
        %dma_start3A_408 = arith.constant 0 : i32
        %dma_start3A_409 = tpu.memref_slice %arg4[%add3A, %mul3A_19, %dma_start3A_408] : memref<32x320x64xi32, #tpu.memory_space<hbm>> -> memref<1x40x64xi32, #tpu.memory_space<hbm>>
        %dma_start3A_410 = tpu.memref_squeeze %dma_start3A_409 : memref<1x40x64xi32, #tpu.memory_space<hbm>> -> memref<40x64xi32, #tpu.memory_space<hbm>>
        %dma_start3A_411 = arith.constant 0 : i32
        %dma_start3A_412 = tpu.memref_slice %arg4[%add3A, %mul3A_19, %dma_start3A_411] : memref<32x320x64xi32, #tpu.memory_space<hbm>> -> memref<1x40x64xi32, #tpu.memory_space<hbm>>
        %dma_start3A_413 = tpu.memref_squeeze %dma_start3A_412 : memref<1x40x64xi32, #tpu.memory_space<hbm>> -> memref<40x64xi32, #tpu.memory_space<hbm>>
        tpu.enqueue_dma source(%dma_start3A_413 : memref<40x64xi32, #tpu.memory_space<hbm>>) target(%arg8 : memref<40x64xi32, #tpu.memory_space<vmem>>) target_semaphore(%run_scoped3A : memref<!tpu.dma_semaphore, #tpu.memory_space<semaphore_mem>>)
        %dma_wait3A_414 = arith.constant 0 : i32
        %dma_wait3A_415 = tpu.memref_slice %arg4[%add3A, %mul3A_19, %dma_wait3A_414] : memref<32x320x64xi32, #tpu.memory_space<hbm>> -> memref<1x40x64xi32, #tpu.memory_space<hbm>>
        %dma_wait3A_416 = tpu.memref_squeeze %dma_wait3A_415 : memref<1x40x64xi32, #tpu.memory_space<hbm>> -> memref<40x64xi32, #tpu.memory_space<hbm>>
        %dma_wait3A_417 = arith.constant 0 : i32
        %dma_wait3A_418 = tpu.memref_slice %arg4[%add3A, %mul3A_19, %dma_wait3A_417] : memref<32x320x64xi32, #tpu.memory_space<hbm>> -> memref<1x40x64xi32, #tpu.memory_space<hbm>>
        %dma_wait3A_419 = tpu.memref_squeeze %dma_wait3A_418 : memref<1x40x64xi32, #tpu.memory_space<hbm>> -> memref<40x64xi32, #tpu.memory_space<hbm>>
        tpu.wait_dma2 semaphore(%run_scoped3A : memref<!tpu.dma_semaphore, #tpu.memory_space<semaphore_mem>>) src(%dma_wait3A_419 : memref<40x64xi32, #tpu.memory_space<hbm>>) dst(%arg8 : memref<40x64xi32, #tpu.memory_space<vmem>>)
        tpu.yield
      }) : () -> ()
      %dma_start3A = arith.constant 0 : i32
      %dma_start3A_20 = arith.constant 0 : i32
      %dma_start3A_21 = arith.constant 0 : i32
      %dma_start3A_22 = arith.constant 0 : i32
      %dma_start3A_23 = tpu.memref_slice %arg9[%dma_start3A_20, %dma_start3A_21, %dma_start3A_22] : memref<8x64x64xf32, #tpu.memory_space<vmem>> -> memref<1x64x64xf32, #tpu.memory_space<vmem>>
      %dma_start3A_24 = tpu.memref_squeeze %dma_start3A_23 : memref<1x64x64xf32, #tpu.memory_space<vmem>> -> memref<64x64xf32, #tpu.memory_space<vmem>>
      %dma_start3A_25 = arith.constant 0 : i32
      %dma_start3A_26 = tpu.memref_slice %arg7[%dma_start3A, %dma_start3A_25] : memref<40x64xi32, #tpu.memory_space<vmem>> -> memref<1x64xi32, #tpu.memory_space<vmem>>
      %dma_start3A_27 = tpu.memref_squeeze %dma_start3A_26 : memref<1x64xi32, #tpu.memory_space<vmem>> -> memref<64xi32, #tpu.memory_space<vmem>>
      %dma_start3A_28 = arith.constant 0 : i32
      %dma_start3A_29 = arith.constant 0 : i32
      %dma_start3A_30 = tpu.memref_slice %arg2[%dma_start3A_28, %dma_start3A_29] : memref<10000x64xf32, #tpu.memory_space<hbm>> -> memref<10000x64xf32, #tpu.memory_space<hbm>>
      tpu.enqueue_indirect_dma source(%dma_start3A_30 : memref<10000x64xf32, #tpu.memory_space<hbm>>) target(%dma_start3A_24 : memref<64x64xf32, #tpu.memory_space<vmem>>) offsets(%dma_start3A_27 : memref<64xi32, #tpu.memory_space<vmem>>) semaphore(%arg11 : memref<!tpu.dma_semaphore, #tpu.memory_space<semaphore_mem>>)
      %dma_start3A_31 = arith.constant 1 : i32
      %dma_start3A_32 = arith.constant 1 : i32
      %dma_start3A_33 = arith.constant 0 : i32
      %dma_start3A_34 = arith.constant 0 : i32
      %dma_start3A_35 = tpu.memref_slice %arg9[%dma_start3A_32, %dma_start3A_33, %dma_start3A_34] : memref<8x64x64xf32, #tpu.memory_space<vmem>> -> memref<1x64x64xf32, #tpu.memory_space<vmem>>
      %dma_start3A_36 = tpu.memref_squeeze %dma_start3A_35 : memref<1x64x64xf32, #tpu.memory_space<vmem>> -> memref<64x64xf32, #tpu.memory_space<vmem>>
      %dma_start3A_37 = arith.constant 0 : i32
      %dma_start3A_38 = tpu.memref_slice %arg7[%dma_start3A_31, %dma_start3A_37] : memref<40x64xi32, #tpu.memory_space<vmem>> -> memref<1x64xi32, #tpu.memory_space<vmem>>
      %dma_start3A_39 = tpu.memref_squeeze %dma_start3A_38 : memref<1x64xi32, #tpu.memory_space<vmem>> -> memref<64xi32, #tpu.memory_space<vmem>>
      %dma_start3A_40 = arith.constant 0 : i32
      %dma_start3A_41 = arith.constant 0 : i32
      %dma_start3A_42 = tpu.memref_slice %arg2[%dma_start3A_40, %dma_start3A_41] : memref<10000x64xf32, #tpu.memory_space<hbm>> -> memref<10000x64xf32, #tpu.memory_space<hbm>>
      tpu.enqueue_indirect_dma source(%dma_start3A_42 : memref<10000x64xf32, #tpu.memory_space<hbm>>) target(%dma_start3A_36 : memref<64x64xf32, #tpu.memory_space<vmem>>) offsets(%dma_start3A_39 : memref<64xi32, #tpu.memory_space<vmem>>) semaphore(%arg12 : memref<!tpu.dma_semaphore, #tpu.memory_space<semaphore_mem>>)
      %dma_start3A_43 = arith.constant 2 : i32
      %dma_start3A_44 = arith.constant 2 : i32
      %dma_start3A_45 = arith.constant 0 : i32
      %dma_start3A_46 = arith.constant 0 : i32
      %dma_start3A_47 = tpu.memref_slice %arg9[%dma_start3A_44, %dma_start3A_45, %dma_start3A_46] : memref<8x64x64xf32, #tpu.memory_space<vmem>> -> memref<1x64x64xf32, #tpu.memory_space<vmem>>
      %dma_start3A_48 = tpu.memref_squeeze %dma_start3A_47 : memref<1x64x64xf32, #tpu.memory_space<vmem>> -> memref<64x64xf32, #tpu.memory_space<vmem>>
      %dma_start3A_49 = arith.constant 0 : i32
      %dma_start3A_50 = tpu.memref_slice %arg7[%dma_start3A_43, %dma_start3A_49] : memref<40x64xi32, #tpu.memory_space<vmem>> -> memref<1x64xi32, #tpu.memory_space<vmem>>
      %dma_start3A_51 = tpu.memref_squeeze %dma_start3A_50 : memref<1x64xi32, #tpu.memory_space<vmem>> -> memref<64xi32, #tpu.memory_space<vmem>>
      %dma_start3A_52 = arith.constant 0 : i32
      %dma_start3A_53 = arith.constant 0 : i32
      %dma_start3A_54 = tpu.memref_slice %arg2[%dma_start3A_52, %dma_start3A_53] : memref<10000x64xf32, #tpu.memory_space<hbm>> -> memref<10000x64xf32, #tpu.memory_space<hbm>>
      tpu.enqueue_indirect_dma source(%dma_start3A_54 : memref<10000x64xf32, #tpu.memory_space<hbm>>) target(%dma_start3A_48 : memref<64x64xf32, #tpu.memory_space<vmem>>) offsets(%dma_start3A_51 : memref<64xi32, #tpu.memory_space<vmem>>) semaphore(%arg13 : memref<!tpu.dma_semaphore, #tpu.memory_space<semaphore_mem>>)
      %dma_start3A_55 = arith.constant 3 : i32
      %dma_start3A_56 = arith.constant 3 : i32
      %dma_start3A_57 = arith.constant 0 : i32
      %dma_start3A_58 = arith.constant 0 : i32
      %dma_start3A_59 = tpu.memref_slice %arg9[%dma_start3A_56, %dma_start3A_57, %dma_start3A_58] : memref<8x64x64xf32, #tpu.memory_space<vmem>> -> memref<1x64x64xf32, #tpu.memory_space<vmem>>
      %dma_start3A_60 = tpu.memref_squeeze %dma_start3A_59 : memref<1x64x64xf32, #tpu.memory_space<vmem>> -> memref<64x64xf32, #tpu.memory_space<vmem>>
      %dma_start3A_61 = arith.constant 0 : i32
      %dma_start3A_62 = tpu.memref_slice %arg7[%dma_start3A_55, %dma_start3A_61] : memref<40x64xi32, #tpu.memory_space<vmem>> -> memref<1x64xi32, #tpu.memory_space<vmem>>
      %dma_start3A_63 = tpu.memref_squeeze %dma_start3A_62 : memref<1x64xi32, #tpu.memory_space<vmem>> -> memref<64xi32, #tpu.memory_space<vmem>>
      %dma_start3A_64 = arith.constant 0 : i32
      %dma_start3A_65 = arith.constant 0 : i32
      %dma_start3A_66 = tpu.memref_slice %arg2[%dma_start3A_64, %dma_start3A_65] : memref<10000x64xf32, #tpu.memory_space<hbm>> -> memref<10000x64xf32, #tpu.memory_space<hbm>>
      tpu.enqueue_indirect_dma source(%dma_start3A_66 : memref<10000x64xf32, #tpu.memory_space<hbm>>) target(%dma_start3A_60 : memref<64x64xf32, #tpu.memory_space<vmem>>) offsets(%dma_start3A_63 : memref<64xi32, #tpu.memory_space<vmem>>) semaphore(%arg14 : memref<!tpu.dma_semaphore, #tpu.memory_space<semaphore_mem>>)
      %dma_start3A_67 = arith.constant 4 : i32
      %dma_start3A_68 = arith.constant 4 : i32
      %dma_start3A_69 = arith.constant 0 : i32
      %dma_start3A_70 = arith.constant 0 : i32
      %dma_start3A_71 = tpu.memref_slice %arg9[%dma_start3A_68, %dma_start3A_69, %dma_start3A_70] : memref<8x64x64xf32, #tpu.memory_space<vmem>> -> memref<1x64x64xf32, #tpu.memory_space<vmem>>
      %dma_start3A_72 = tpu.memref_squeeze %dma_start3A_71 : memref<1x64x64xf32, #tpu.memory_space<vmem>> -> memref<64x64xf32, #tpu.memory_space<vmem>>
      %dma_start3A_73 = arith.constant 0 : i32
      %dma_start3A_74 = tpu.memref_slice %arg7[%dma_start3A_67, %dma_start3A_73] : memref<40x64xi32, #tpu.memory_space<vmem>> -> memref<1x64xi32, #tpu.memory_space<vmem>>
      %dma_start3A_75 = tpu.memref_squeeze %dma_start3A_74 : memref<1x64xi32, #tpu.memory_space<vmem>> -> memref<64xi32, #tpu.memory_space<vmem>>
      %dma_start3A_76 = arith.constant 0 : i32
      %dma_start3A_77 = arith.constant 0 : i32
      %dma_start3A_78 = tpu.memref_slice %arg2[%dma_start3A_76, %dma_start3A_77] : memref<10000x64xf32, #tpu.memory_space<hbm>> -> memref<10000x64xf32, #tpu.memory_space<hbm>>
      tpu.enqueue_indirect_dma source(%dma_start3A_78 : memref<10000x64xf32, #tpu.memory_space<hbm>>) target(%dma_start3A_72 : memref<64x64xf32, #tpu.memory_space<vmem>>) offsets(%dma_start3A_75 : memref<64xi32, #tpu.memory_space<vmem>>) semaphore(%arg15 : memref<!tpu.dma_semaphore, #tpu.memory_space<semaphore_mem>>)
      %dma_start3A_79 = arith.constant 5 : i32
      %dma_start3A_80 = arith.constant 5 : i32
      %dma_start3A_81 = arith.constant 0 : i32
      %dma_start3A_82 = arith.constant 0 : i32
      %dma_start3A_83 = tpu.memref_slice %arg9[%dma_start3A_80, %dma_start3A_81, %dma_start3A_82] : memref<8x64x64xf32, #tpu.memory_space<vmem>> -> memref<1x64x64xf32, #tpu.memory_space<vmem>>
      %dma_start3A_84 = tpu.memref_squeeze %dma_start3A_83 : memref<1x64x64xf32, #tpu.memory_space<vmem>> -> memref<64x64xf32, #tpu.memory_space<vmem>>
      %dma_start3A_85 = arith.constant 0 : i32
      %dma_start3A_86 = tpu.memref_slice %arg7[%dma_start3A_79, %dma_start3A_85] : memref<40x64xi32, #tpu.memory_space<vmem>> -> memref<1x64xi32, #tpu.memory_space<vmem>>
      %dma_start3A_87 = tpu.memref_squeeze %dma_start3A_86 : memref<1x64xi32, #tpu.memory_space<vmem>> -> memref<64xi32, #tpu.memory_space<vmem>>
      %dma_start3A_88 = arith.constant 0 : i32
      %dma_start3A_89 = arith.constant 0 : i32
      %dma_start3A_90 = tpu.memref_slice %arg2[%dma_start3A_88, %dma_start3A_89] : memref<10000x64xf32, #tpu.memory_space<hbm>> -> memref<10000x64xf32, #tpu.memory_space<hbm>>
      tpu.enqueue_indirect_dma source(%dma_start3A_90 : memref<10000x64xf32, #tpu.memory_space<hbm>>) target(%dma_start3A_84 : memref<64x64xf32, #tpu.memory_space<vmem>>) offsets(%dma_start3A_87 : memref<64xi32, #tpu.memory_space<vmem>>) semaphore(%arg16 : memref<!tpu.dma_semaphore, #tpu.memory_space<semaphore_mem>>)
      %dma_start3A_91 = arith.constant 6 : i32
      %dma_start3A_92 = arith.constant 6 : i32
      %dma_start3A_93 = arith.constant 0 : i32
      %dma_start3A_94 = arith.constant 0 : i32
      %dma_start3A_95 = tpu.memref_slice %arg9[%dma_start3A_92, %dma_start3A_93, %dma_start3A_94] : memref<8x64x64xf32, #tpu.memory_space<vmem>> -> memref<1x64x64xf32, #tpu.memory_space<vmem>>
      %dma_start3A_96 = tpu.memref_squeeze %dma_start3A_95 : memref<1x64x64xf32, #tpu.memory_space<vmem>> -> memref<64x64xf32, #tpu.memory_space<vmem>>
      %dma_start3A_97 = arith.constant 0 : i32
      %dma_start3A_98 = tpu.memref_slice %arg7[%dma_start3A_91, %dma_start3A_97] : memref<40x64xi32, #tpu.memory_space<vmem>> -> memref<1x64xi32, #tpu.memory_space<vmem>>
      %dma_start3A_99 = tpu.memref_squeeze %dma_start3A_98 : memref<1x64xi32, #tpu.memory_space<vmem>> -> memref<64xi32, #tpu.memory_space<vmem>>
      %dma_start3A_100 = arith.constant 0 : i32
      %dma_start3A_101 = arith.constant 0 : i32
      %dma_start3A_102 = tpu.memref_slice %arg2[%dma_start3A_100, %dma_start3A_101] : memref<10000x64xf32, #tpu.memory_space<hbm>> -> memref<10000x64xf32, #tpu.memory_space<hbm>>
      tpu.enqueue_indirect_dma source(%dma_start3A_102 : memref<10000x64xf32, #tpu.memory_space<hbm>>) target(%dma_start3A_96 : memref<64x64xf32, #tpu.memory_space<vmem>>) offsets(%dma_start3A_99 : memref<64xi32, #tpu.memory_space<vmem>>) semaphore(%arg17 : memref<!tpu.dma_semaphore, #tpu.memory_space<semaphore_mem>>)
      %dma_start3A_103 = arith.constant 7 : i32
      %dma_start3A_104 = arith.constant 7 : i32
      %dma_start3A_105 = arith.constant 0 : i32
      %dma_start3A_106 = arith.constant 0 : i32
      %dma_start3A_107 = tpu.memref_slice %arg9[%dma_start3A_104, %dma_start3A_105, %dma_start3A_106] : memref<8x64x64xf32, #tpu.memory_space<vmem>> -> memref<1x64x64xf32, #tpu.memory_space<vmem>>
      %dma_start3A_108 = tpu.memref_squeeze %dma_start3A_107 : memref<1x64x64xf32, #tpu.memory_space<vmem>> -> memref<64x64xf32, #tpu.memory_space<vmem>>
      %dma_start3A_109 = arith.constant 0 : i32
      %dma_start3A_110 = tpu.memref_slice %arg7[%dma_start3A_103, %dma_start3A_109] : memref<40x64xi32, #tpu.memory_space<vmem>> -> memref<1x64xi32, #tpu.memory_space<vmem>>
      %dma_start3A_111 = tpu.memref_squeeze %dma_start3A_110 : memref<1x64xi32, #tpu.memory_space<vmem>> -> memref<64xi32, #tpu.memory_space<vmem>>
      %dma_start3A_112 = arith.constant 0 : i32
      %dma_start3A_113 = arith.constant 0 : i32
      %dma_start3A_114 = tpu.memref_slice %arg2[%dma_start3A_112, %dma_start3A_113] : memref<10000x64xf32, #tpu.memory_space<hbm>> -> memref<10000x64xf32, #tpu.memory_space<hbm>>
      tpu.enqueue_indirect_dma source(%dma_start3A_114 : memref<10000x64xf32, #tpu.memory_space<hbm>>) target(%dma_start3A_108 : memref<64x64xf32, #tpu.memory_space<vmem>>) offsets(%dma_start3A_111 : memref<64xi32, #tpu.memory_space<vmem>>) semaphore(%arg18 : memref<!tpu.dma_semaphore, #tpu.memory_space<semaphore_mem>>)
      %dma_wait3A = arith.constant 0 : i32
      %dma_wait3A_115 = arith.constant 0 : i32
      %dma_wait3A_116 = arith.constant 0 : i32
      %dma_wait3A_117 = arith.constant 0 : i32
      %dma_wait3A_118 = tpu.memref_slice %arg9[%dma_wait3A_115, %dma_wait3A_116, %dma_wait3A_117] : memref<8x64x64xf32, #tpu.memory_space<vmem>> -> memref<1x64x64xf32, #tpu.memory_space<vmem>>
      %dma_wait3A_119 = tpu.memref_squeeze %dma_wait3A_118 : memref<1x64x64xf32, #tpu.memory_space<vmem>> -> memref<64x64xf32, #tpu.memory_space<vmem>>
      %dma_wait3A_120 = arith.constant 0 : i32
      %dma_wait3A_121 = tpu.memref_slice %arg7[%dma_wait3A, %dma_wait3A_120] : memref<40x64xi32, #tpu.memory_space<vmem>> -> memref<1x64xi32, #tpu.memory_space<vmem>>
      %dma_wait3A_122 = tpu.memref_squeeze %dma_wait3A_121 : memref<1x64xi32, #tpu.memory_space<vmem>> -> memref<64xi32, #tpu.memory_space<vmem>>
      %dma_wait3A_123 = arith.constant 0 : i32
      %dma_wait3A_124 = arith.constant 0 : i32
      %dma_wait3A_125 = tpu.memref_slice %arg2[%dma_wait3A_123, %dma_wait3A_124] : memref<10000x64xf32, #tpu.memory_space<hbm>> -> memref<10000x64xf32, #tpu.memory_space<hbm>>
      tpu.wait_indirect_dma semaphore(%arg11 : memref<!tpu.dma_semaphore, #tpu.memory_space<semaphore_mem>>) src(%dma_wait3A_125 : memref<10000x64xf32, #tpu.memory_space<hbm>>) dst(%dma_wait3A_119 : memref<64x64xf32, #tpu.memory_space<vmem>>)
      %dma_start3A_126 = arith.constant 0 : i32
      %dma_start3A_127 = arith.constant 0 : i32
      %dma_start3A_128 = arith.constant 0 : i32
      %dma_start3A_129 = arith.constant 0 : i32
      %dma_start3A_130 = tpu.memref_slice %arg9[%dma_start3A_126, %dma_start3A_128, %dma_start3A_129] : memref<8x64x64xf32, #tpu.memory_space<vmem>> -> memref<1x64x64xf32, #tpu.memory_space<vmem>>
      %dma_start3A_131 = tpu.memref_squeeze %dma_start3A_130 : memref<1x64x64xf32, #tpu.memory_space<vmem>> -> memref<64x64xf32, #tpu.memory_space<vmem>>
      %dma_start3A_132 = arith.constant 0 : i32
      %dma_start3A_133 = tpu.memref_slice %arg8[%dma_start3A_127, %dma_start3A_132] : memref<40x64xi32, #tpu.memory_space<vmem>> -> memref<1x64xi32, #tpu.memory_space<vmem>>
      %dma_start3A_134 = tpu.memref_squeeze %dma_start3A_133 : memref<1x64xi32, #tpu.memory_space<vmem>> -> memref<64xi32, #tpu.memory_space<vmem>>
      %dma_start3A_135 = arith.constant 0 : i32
      %dma_start3A_136 = arith.constant 0 : i32
      %dma_start3A_137 = tpu.memref_slice %arg10[%dma_start3A_135, %dma_start3A_136] : memref<10112x64xf32, #tpu.memory_space<vmem_shared>> -> memref<10112x64xf32, #tpu.memory_space<vmem_shared>>
      tpu.enqueue_indirect_dma source(%dma_start3A_131 : memref<64x64xf32, #tpu.memory_space<vmem>>) target(%dma_start3A_137 : memref<10112x64xf32, #tpu.memory_space<vmem_shared>>) offsets(%dma_start3A_134 : memref<64xi32, #tpu.memory_space<vmem>>) semaphore(%arg19 : memref<!tpu.dma_semaphore, #tpu.memory_space<semaphore_mem>>) {add = true}
      %dma_wait3A_138 = arith.constant 0 : i32
      %dma_wait3A_139 = arith.constant 1 : i32
      %dma_wait3A_140 = arith.constant 0 : i32
      %dma_wait3A_141 = arith.constant 0 : i32
      %dma_wait3A_142 = tpu.memref_slice %arg9[%dma_wait3A_139, %dma_wait3A_140, %dma_wait3A_141] : memref<8x64x64xf32, #tpu.memory_space<vmem>> -> memref<1x64x64xf32, #tpu.memory_space<vmem>>
      %dma_wait3A_143 = tpu.memref_squeeze %dma_wait3A_142 : memref<1x64x64xf32, #tpu.memory_space<vmem>> -> memref<64x64xf32, #tpu.memory_space<vmem>>
      %dma_wait3A_144 = arith.constant 0 : i32
      %dma_wait3A_145 = tpu.memref_slice %arg7[%dma_wait3A_138, %dma_wait3A_144] : memref<40x64xi32, #tpu.memory_space<vmem>> -> memref<1x64xi32, #tpu.memory_space<vmem>>
      %dma_wait3A_146 = tpu.memref_squeeze %dma_wait3A_145 : memref<1x64xi32, #tpu.memory_space<vmem>> -> memref<64xi32, #tpu.memory_space<vmem>>
      %dma_wait3A_147 = arith.constant 0 : i32
      %dma_wait3A_148 = arith.constant 0 : i32
      %dma_wait3A_149 = tpu.memref_slice %arg2[%dma_wait3A_147, %dma_wait3A_148] : memref<10000x64xf32, #tpu.memory_space<hbm>> -> memref<10000x64xf32, #tpu.memory_space<hbm>>
      tpu.wait_indirect_dma semaphore(%arg12 : memref<!tpu.dma_semaphore, #tpu.memory_space<semaphore_mem>>) src(%dma_wait3A_149 : memref<10000x64xf32, #tpu.memory_space<hbm>>) dst(%dma_wait3A_143 : memref<64x64xf32, #tpu.memory_space<vmem>>)
      %dma_start3A_150 = arith.constant 1 : i32
      %dma_start3A_151 = arith.constant 1 : i32
      %dma_start3A_152 = arith.constant 0 : i32
      %dma_start3A_153 = arith.constant 0 : i32
      %dma_start3A_154 = tpu.memref_slice %arg9[%dma_start3A_150, %dma_start3A_152, %dma_start3A_153] : memref<8x64x64xf32, #tpu.memory_space<vmem>> -> memref<1x64x64xf32, #tpu.memory_space<vmem>>
      %dma_start3A_155 = tpu.memref_squeeze %dma_start3A_154 : memref<1x64x64xf32, #tpu.memory_space<vmem>> -> memref<64x64xf32, #tpu.memory_space<vmem>>
      %dma_start3A_156 = arith.constant 0 : i32
      %dma_start3A_157 = tpu.memref_slice %arg8[%dma_start3A_151, %dma_start3A_156] : memref<40x64xi32, #tpu.memory_space<vmem>> -> memref<1x64xi32, #tpu.memory_space<vmem>>
      %dma_start3A_158 = tpu.memref_squeeze %dma_start3A_157 : memref<1x64xi32, #tpu.memory_space<vmem>> -> memref<64xi32, #tpu.memory_space<vmem>>
      %dma_start3A_159 = arith.constant 0 : i32
      %dma_start3A_160 = arith.constant 0 : i32
      %dma_start3A_161 = tpu.memref_slice %arg10[%dma_start3A_159, %dma_start3A_160] : memref<10112x64xf32, #tpu.memory_space<vmem_shared>> -> memref<10112x64xf32, #tpu.memory_space<vmem_shared>>
      tpu.enqueue_indirect_dma source(%dma_start3A_155 : memref<64x64xf32, #tpu.memory_space<vmem>>) target(%dma_start3A_161 : memref<10112x64xf32, #tpu.memory_space<vmem_shared>>) offsets(%dma_start3A_158 : memref<64xi32, #tpu.memory_space<vmem>>) semaphore(%arg20 : memref<!tpu.dma_semaphore, #tpu.memory_space<semaphore_mem>>) {add = true}
      %dma_wait3A_162 = arith.constant 0 : i32
      %dma_wait3A_163 = arith.constant 2 : i32
      %dma_wait3A_164 = arith.constant 0 : i32
      %dma_wait3A_165 = arith.constant 0 : i32
      %dma_wait3A_166 = tpu.memref_slice %arg9[%dma_wait3A_163, %dma_wait3A_164, %dma_wait3A_165] : memref<8x64x64xf32, #tpu.memory_space<vmem>> -> memref<1x64x64xf32, #tpu.memory_space<vmem>>
      %dma_wait3A_167 = tpu.memref_squeeze %dma_wait3A_166 : memref<1x64x64xf32, #tpu.memory_space<vmem>> -> memref<64x64xf32, #tpu.memory_space<vmem>>
      %dma_wait3A_168 = arith.constant 0 : i32
      %dma_wait3A_169 = tpu.memref_slice %arg7[%dma_wait3A_162, %dma_wait3A_168] : memref<40x64xi32, #tpu.memory_space<vmem>> -> memref<1x64xi32, #tpu.memory_space<vmem>>
      %dma_wait3A_170 = tpu.memref_squeeze %dma_wait3A_169 : memref<1x64xi32, #tpu.memory_space<vmem>> -> memref<64xi32, #tpu.memory_space<vmem>>
      %dma_wait3A_171 = arith.constant 0 : i32
      %dma_wait3A_172 = arith.constant 0 : i32
      %dma_wait3A_173 = tpu.memref_slice %arg2[%dma_wait3A_171, %dma_wait3A_172] : memref<10000x64xf32, #tpu.memory_space<hbm>> -> memref<10000x64xf32, #tpu.memory_space<hbm>>
      tpu.wait_indirect_dma semaphore(%arg13 : memref<!tpu.dma_semaphore, #tpu.memory_space<semaphore_mem>>) src(%dma_wait3A_173 : memref<10000x64xf32, #tpu.memory_space<hbm>>) dst(%dma_wait3A_167 : memref<64x64xf32, #tpu.memory_space<vmem>>)
      %dma_start3A_174 = arith.constant 2 : i32
      %dma_start3A_175 = arith.constant 2 : i32
      %dma_start3A_176 = arith.constant 0 : i32
      %dma_start3A_177 = arith.constant 0 : i32
      %dma_start3A_178 = tpu.memref_slice %arg9[%dma_start3A_174, %dma_start3A_176, %dma_start3A_177] : memref<8x64x64xf32, #tpu.memory_space<vmem>> -> memref<1x64x64xf32, #tpu.memory_space<vmem>>
      %dma_start3A_179 = tpu.memref_squeeze %dma_start3A_178 : memref<1x64x64xf32, #tpu.memory_space<vmem>> -> memref<64x64xf32, #tpu.memory_space<vmem>>
      %dma_start3A_180 = arith.constant 0 : i32
      %dma_start3A_181 = tpu.memref_slice %arg8[%dma_start3A_175, %dma_start3A_180] : memref<40x64xi32, #tpu.memory_space<vmem>> -> memref<1x64xi32, #tpu.memory_space<vmem>>
      %dma_start3A_182 = tpu.memref_squeeze %dma_start3A_181 : memref<1x64xi32, #tpu.memory_space<vmem>> -> memref<64xi32, #tpu.memory_space<vmem>>
      %dma_start3A_183 = arith.constant 0 : i32
      %dma_start3A_184 = arith.constant 0 : i32
      %dma_start3A_185 = tpu.memref_slice %arg10[%dma_start3A_183, %dma_start3A_184] : memref<10112x64xf32, #tpu.memory_space<vmem_shared>> -> memref<10112x64xf32, #tpu.memory_space<vmem_shared>>
      tpu.enqueue_indirect_dma source(%dma_start3A_179 : memref<64x64xf32, #tpu.memory_space<vmem>>) target(%dma_start3A_185 : memref<10112x64xf32, #tpu.memory_space<vmem_shared>>) offsets(%dma_start3A_182 : memref<64xi32, #tpu.memory_space<vmem>>) semaphore(%arg21 : memref<!tpu.dma_semaphore, #tpu.memory_space<semaphore_mem>>) {add = true}
      %dma_wait3A_186 = arith.constant 0 : i32
      %dma_wait3A_187 = arith.constant 3 : i32
      %dma_wait3A_188 = arith.constant 0 : i32
      %dma_wait3A_189 = arith.constant 0 : i32
      %dma_wait3A_190 = tpu.memref_slice %arg9[%dma_wait3A_187, %dma_wait3A_188, %dma_wait3A_189] : memref<8x64x64xf32, #tpu.memory_space<vmem>> -> memref<1x64x64xf32, #tpu.memory_space<vmem>>
      %dma_wait3A_191 = tpu.memref_squeeze %dma_wait3A_190 : memref<1x64x64xf32, #tpu.memory_space<vmem>> -> memref<64x64xf32, #tpu.memory_space<vmem>>
      %dma_wait3A_192 = arith.constant 0 : i32
      %dma_wait3A_193 = tpu.memref_slice %arg7[%dma_wait3A_186, %dma_wait3A_192] : memref<40x64xi32, #tpu.memory_space<vmem>> -> memref<1x64xi32, #tpu.memory_space<vmem>>
      %dma_wait3A_194 = tpu.memref_squeeze %dma_wait3A_193 : memref<1x64xi32, #tpu.memory_space<vmem>> -> memref<64xi32, #tpu.memory_space<vmem>>
      %dma_wait3A_195 = arith.constant 0 : i32
      %dma_wait3A_196 = arith.constant 0 : i32
      %dma_wait3A_197 = tpu.memref_slice %arg2[%dma_wait3A_195, %dma_wait3A_196] : memref<10000x64xf32, #tpu.memory_space<hbm>> -> memref<10000x64xf32, #tpu.memory_space<hbm>>
      tpu.wait_indirect_dma semaphore(%arg14 : memref<!tpu.dma_semaphore, #tpu.memory_space<semaphore_mem>>) src(%dma_wait3A_197 : memref<10000x64xf32, #tpu.memory_space<hbm>>) dst(%dma_wait3A_191 : memref<64x64xf32, #tpu.memory_space<vmem>>)
      %dma_start3A_198 = arith.constant 3 : i32
      %dma_start3A_199 = arith.constant 3 : i32
      %dma_start3A_200 = arith.constant 0 : i32
      %dma_start3A_201 = arith.constant 0 : i32
      %dma_start3A_202 = tpu.memref_slice %arg9[%dma_start3A_198, %dma_start3A_200, %dma_start3A_201] : memref<8x64x64xf32, #tpu.memory_space<vmem>> -> memref<1x64x64xf32, #tpu.memory_space<vmem>>
      %dma_start3A_203 = tpu.memref_squeeze %dma_start3A_202 : memref<1x64x64xf32, #tpu.memory_space<vmem>> -> memref<64x64xf32, #tpu.memory_space<vmem>>
      %dma_start3A_204 = arith.constant 0 : i32
      %dma_start3A_205 = tpu.memref_slice %arg8[%dma_start3A_199, %dma_start3A_204] : memref<40x64xi32, #tpu.memory_space<vmem>> -> memref<1x64xi32, #tpu.memory_space<vmem>>
      %dma_start3A_206 = tpu.memref_squeeze %dma_start3A_205 : memref<1x64xi32, #tpu.memory_space<vmem>> -> memref<64xi32, #tpu.memory_space<vmem>>
      %dma_start3A_207 = arith.constant 0 : i32
      %dma_start3A_208 = arith.constant 0 : i32
      %dma_start3A_209 = tpu.memref_slice %arg10[%dma_start3A_207, %dma_start3A_208] : memref<10112x64xf32, #tpu.memory_space<vmem_shared>> -> memref<10112x64xf32, #tpu.memory_space<vmem_shared>>
      tpu.enqueue_indirect_dma source(%dma_start3A_203 : memref<64x64xf32, #tpu.memory_space<vmem>>) target(%dma_start3A_209 : memref<10112x64xf32, #tpu.memory_space<vmem_shared>>) offsets(%dma_start3A_206 : memref<64xi32, #tpu.memory_space<vmem>>) semaphore(%arg22 : memref<!tpu.dma_semaphore, #tpu.memory_space<semaphore_mem>>) {add = true}
      %dma_wait3A_210 = arith.constant 0 : i32
      %dma_wait3A_211 = arith.constant 4 : i32
      %dma_wait3A_212 = arith.constant 0 : i32
      %dma_wait3A_213 = arith.constant 0 : i32
      %dma_wait3A_214 = tpu.memref_slice %arg9[%dma_wait3A_211, %dma_wait3A_212, %dma_wait3A_213] : memref<8x64x64xf32, #tpu.memory_space<vmem>> -> memref<1x64x64xf32, #tpu.memory_space<vmem>>
      %dma_wait3A_215 = tpu.memref_squeeze %dma_wait3A_214 : memref<1x64x64xf32, #tpu.memory_space<vmem>> -> memref<64x64xf32, #tpu.memory_space<vmem>>
      %dma_wait3A_216 = arith.constant 0 : i32
      %dma_wait3A_217 = tpu.memref_slice %arg7[%dma_wait3A_210, %dma_wait3A_216] : memref<40x64xi32, #tpu.memory_space<vmem>> -> memref<1x64xi32, #tpu.memory_space<vmem>>
      %dma_wait3A_218 = tpu.memref_squeeze %dma_wait3A_217 : memref<1x64xi32, #tpu.memory_space<vmem>> -> memref<64xi32, #tpu.memory_space<vmem>>
      %dma_wait3A_219 = arith.constant 0 : i32
      %dma_wait3A_220 = arith.constant 0 : i32
      %dma_wait3A_221 = tpu.memref_slice %arg2[%dma_wait3A_219, %dma_wait3A_220] : memref<10000x64xf32, #tpu.memory_space<hbm>> -> memref<10000x64xf32, #tpu.memory_space<hbm>>
      tpu.wait_indirect_dma semaphore(%arg15 : memref<!tpu.dma_semaphore, #tpu.memory_space<semaphore_mem>>) src(%dma_wait3A_221 : memref<10000x64xf32, #tpu.memory_space<hbm>>) dst(%dma_wait3A_215 : memref<64x64xf32, #tpu.memory_space<vmem>>)
      %dma_start3A_222 = arith.constant 4 : i32
      %dma_start3A_223 = arith.constant 4 : i32
      %dma_start3A_224 = arith.constant 0 : i32
      %dma_start3A_225 = arith.constant 0 : i32
      %dma_start3A_226 = tpu.memref_slice %arg9[%dma_start3A_222, %dma_start3A_224, %dma_start3A_225] : memref<8x64x64xf32, #tpu.memory_space<vmem>> -> memref<1x64x64xf32, #tpu.memory_space<vmem>>
      %dma_start3A_227 = tpu.memref_squeeze %dma_start3A_226 : memref<1x64x64xf32, #tpu.memory_space<vmem>> -> memref<64x64xf32, #tpu.memory_space<vmem>>
      %dma_start3A_228 = arith.constant 0 : i32
      %dma_start3A_229 = tpu.memref_slice %arg8[%dma_start3A_223, %dma_start3A_228] : memref<40x64xi32, #tpu.memory_space<vmem>> -> memref<1x64xi32, #tpu.memory_space<vmem>>
      %dma_start3A_230 = tpu.memref_squeeze %dma_start3A_229 : memref<1x64xi32, #tpu.memory_space<vmem>> -> memref<64xi32, #tpu.memory_space<vmem>>
      %dma_start3A_231 = arith.constant 0 : i32
      %dma_start3A_232 = arith.constant 0 : i32
      %dma_start3A_233 = tpu.memref_slice %arg10[%dma_start3A_231, %dma_start3A_232] : memref<10112x64xf32, #tpu.memory_space<vmem_shared>> -> memref<10112x64xf32, #tpu.memory_space<vmem_shared>>
      tpu.enqueue_indirect_dma source(%dma_start3A_227 : memref<64x64xf32, #tpu.memory_space<vmem>>) target(%dma_start3A_233 : memref<10112x64xf32, #tpu.memory_space<vmem_shared>>) offsets(%dma_start3A_230 : memref<64xi32, #tpu.memory_space<vmem>>) semaphore(%arg23 : memref<!tpu.dma_semaphore, #tpu.memory_space<semaphore_mem>>) {add = true}
      %dma_wait3A_234 = arith.constant 0 : i32
      %dma_wait3A_235 = arith.constant 5 : i32
      %dma_wait3A_236 = arith.constant 0 : i32
      %dma_wait3A_237 = arith.constant 0 : i32
      %dma_wait3A_238 = tpu.memref_slice %arg9[%dma_wait3A_235, %dma_wait3A_236, %dma_wait3A_237] : memref<8x64x64xf32, #tpu.memory_space<vmem>> -> memref<1x64x64xf32, #tpu.memory_space<vmem>>
      %dma_wait3A_239 = tpu.memref_squeeze %dma_wait3A_238 : memref<1x64x64xf32, #tpu.memory_space<vmem>> -> memref<64x64xf32, #tpu.memory_space<vmem>>
      %dma_wait3A_240 = arith.constant 0 : i32
      %dma_wait3A_241 = tpu.memref_slice %arg7[%dma_wait3A_234, %dma_wait3A_240] : memref<40x64xi32, #tpu.memory_space<vmem>> -> memref<1x64xi32, #tpu.memory_space<vmem>>
      %dma_wait3A_242 = tpu.memref_squeeze %dma_wait3A_241 : memref<1x64xi32, #tpu.memory_space<vmem>> -> memref<64xi32, #tpu.memory_space<vmem>>
      %dma_wait3A_243 = arith.constant 0 : i32
      %dma_wait3A_244 = arith.constant 0 : i32
      %dma_wait3A_245 = tpu.memref_slice %arg2[%dma_wait3A_243, %dma_wait3A_244] : memref<10000x64xf32, #tpu.memory_space<hbm>> -> memref<10000x64xf32, #tpu.memory_space<hbm>>
      tpu.wait_indirect_dma semaphore(%arg16 : memref<!tpu.dma_semaphore, #tpu.memory_space<semaphore_mem>>) src(%dma_wait3A_245 : memref<10000x64xf32, #tpu.memory_space<hbm>>) dst(%dma_wait3A_239 : memref<64x64xf32, #tpu.memory_space<vmem>>)
      %dma_start3A_246 = arith.constant 5 : i32
      %dma_start3A_247 = arith.constant 5 : i32
      %dma_start3A_248 = arith.constant 0 : i32
      %dma_start3A_249 = arith.constant 0 : i32
      %dma_start3A_250 = tpu.memref_slice %arg9[%dma_start3A_246, %dma_start3A_248, %dma_start3A_249] : memref<8x64x64xf32, #tpu.memory_space<vmem>> -> memref<1x64x64xf32, #tpu.memory_space<vmem>>
      %dma_start3A_251 = tpu.memref_squeeze %dma_start3A_250 : memref<1x64x64xf32, #tpu.memory_space<vmem>> -> memref<64x64xf32, #tpu.memory_space<vmem>>
      %dma_start3A_252 = arith.constant 0 : i32
      %dma_start3A_253 = tpu.memref_slice %arg8[%dma_start3A_247, %dma_start3A_252] : memref<40x64xi32, #tpu.memory_space<vmem>> -> memref<1x64xi32, #tpu.memory_space<vmem>>
      %dma_start3A_254 = tpu.memref_squeeze %dma_start3A_253 : memref<1x64xi32, #tpu.memory_space<vmem>> -> memref<64xi32, #tpu.memory_space<vmem>>
      %dma_start3A_255 = arith.constant 0 : i32
      %dma_start3A_256 = arith.constant 0 : i32
      %dma_start3A_257 = tpu.memref_slice %arg10[%dma_start3A_255, %dma_start3A_256] : memref<10112x64xf32, #tpu.memory_space<vmem_shared>> -> memref<10112x64xf32, #tpu.memory_space<vmem_shared>>
      tpu.enqueue_indirect_dma source(%dma_start3A_251 : memref<64x64xf32, #tpu.memory_space<vmem>>) target(%dma_start3A_257 : memref<10112x64xf32, #tpu.memory_space<vmem_shared>>) offsets(%dma_start3A_254 : memref<64xi32, #tpu.memory_space<vmem>>) semaphore(%arg24 : memref<!tpu.dma_semaphore, #tpu.memory_space<semaphore_mem>>) {add = true}
      %dma_wait3A_258 = arith.constant 0 : i32
      %dma_wait3A_259 = arith.constant 6 : i32
      %dma_wait3A_260 = arith.constant 0 : i32
      %dma_wait3A_261 = arith.constant 0 : i32
      %dma_wait3A_262 = tpu.memref_slice %arg9[%dma_wait3A_259, %dma_wait3A_260, %dma_wait3A_261] : memref<8x64x64xf32, #tpu.memory_space<vmem>> -> memref<1x64x64xf32, #tpu.memory_space<vmem>>
      %dma_wait3A_263 = tpu.memref_squeeze %dma_wait3A_262 : memref<1x64x64xf32, #tpu.memory_space<vmem>> -> memref<64x64xf32, #tpu.memory_space<vmem>>
      %dma_wait3A_264 = arith.constant 0 : i32
      %dma_wait3A_265 = tpu.memref_slice %arg7[%dma_wait3A_258, %dma_wait3A_264] : memref<40x64xi32, #tpu.memory_space<vmem>> -> memref<1x64xi32, #tpu.memory_space<vmem>>
      %dma_wait3A_266 = tpu.memref_squeeze %dma_wait3A_265 : memref<1x64xi32, #tpu.memory_space<vmem>> -> memref<64xi32, #tpu.memory_space<vmem>>
      %dma_wait3A_267 = arith.constant 0 : i32
      %dma_wait3A_268 = arith.constant 0 : i32
      %dma_wait3A_269 = tpu.memref_slice %arg2[%dma_wait3A_267, %dma_wait3A_268] : memref<10000x64xf32, #tpu.memory_space<hbm>> -> memref<10000x64xf32, #tpu.memory_space<hbm>>
      tpu.wait_indirect_dma semaphore(%arg17 : memref<!tpu.dma_semaphore, #tpu.memory_space<semaphore_mem>>) src(%dma_wait3A_269 : memref<10000x64xf32, #tpu.memory_space<hbm>>) dst(%dma_wait3A_263 : memref<64x64xf32, #tpu.memory_space<vmem>>)
      %dma_start3A_270 = arith.constant 6 : i32
      %dma_start3A_271 = arith.constant 6 : i32
      %dma_start3A_272 = arith.constant 0 : i32
      %dma_start3A_273 = arith.constant 0 : i32
      %dma_start3A_274 = tpu.memref_slice %arg9[%dma_start3A_270, %dma_start3A_272, %dma_start3A_273] : memref<8x64x64xf32, #tpu.memory_space<vmem>> -> memref<1x64x64xf32, #tpu.memory_space<vmem>>
      %dma_start3A_275 = tpu.memref_squeeze %dma_start3A_274 : memref<1x64x64xf32, #tpu.memory_space<vmem>> -> memref<64x64xf32, #tpu.memory_space<vmem>>
      %dma_start3A_276 = arith.constant 0 : i32
      %dma_start3A_277 = tpu.memref_slice %arg8[%dma_start3A_271, %dma_start3A_276] : memref<40x64xi32, #tpu.memory_space<vmem>> -> memref<1x64xi32, #tpu.memory_space<vmem>>
      %dma_start3A_278 = tpu.memref_squeeze %dma_start3A_277 : memref<1x64xi32, #tpu.memory_space<vmem>> -> memref<64xi32, #tpu.memory_space<vmem>>
      %dma_start3A_279 = arith.constant 0 : i32
      %dma_start3A_280 = arith.constant 0 : i32
      %dma_start3A_281 = tpu.memref_slice %arg10[%dma_start3A_279, %dma_start3A_280] : memref<10112x64xf32, #tpu.memory_space<vmem_shared>> -> memref<10112x64xf32, #tpu.memory_space<vmem_shared>>
      tpu.enqueue_indirect_dma source(%dma_start3A_275 : memref<64x64xf32, #tpu.memory_space<vmem>>) target(%dma_start3A_281 : memref<10112x64xf32, #tpu.memory_space<vmem_shared>>) offsets(%dma_start3A_278 : memref<64xi32, #tpu.memory_space<vmem>>) semaphore(%arg25 : memref<!tpu.dma_semaphore, #tpu.memory_space<semaphore_mem>>) {add = true}
      %dma_wait3A_282 = arith.constant 0 : i32
      %dma_wait3A_283 = arith.constant 7 : i32
      %dma_wait3A_284 = arith.constant 0 : i32
      %dma_wait3A_285 = arith.constant 0 : i32
      %dma_wait3A_286 = tpu.memref_slice %arg9[%dma_wait3A_283, %dma_wait3A_284, %dma_wait3A_285] : memref<8x64x64xf32, #tpu.memory_space<vmem>> -> memref<1x64x64xf32, #tpu.memory_space<vmem>>
      %dma_wait3A_287 = tpu.memref_squeeze %dma_wait3A_286 : memref<1x64x64xf32, #tpu.memory_space<vmem>> -> memref<64x64xf32, #tpu.memory_space<vmem>>
      %dma_wait3A_288 = arith.constant 0 : i32
      %dma_wait3A_289 = tpu.memref_slice %arg7[%dma_wait3A_282, %dma_wait3A_288] : memref<40x64xi32, #tpu.memory_space<vmem>> -> memref<1x64xi32, #tpu.memory_space<vmem>>
      %dma_wait3A_290 = tpu.memref_squeeze %dma_wait3A_289 : memref<1x64xi32, #tpu.memory_space<vmem>> -> memref<64xi32, #tpu.memory_space<vmem>>
      %dma_wait3A_291 = arith.constant 0 : i32
      %dma_wait3A_292 = arith.constant 0 : i32
      %dma_wait3A_293 = tpu.memref_slice %arg2[%dma_wait3A_291, %dma_wait3A_292] : memref<10000x64xf32, #tpu.memory_space<hbm>> -> memref<10000x64xf32, #tpu.memory_space<hbm>>
      tpu.wait_indirect_dma semaphore(%arg18 : memref<!tpu.dma_semaphore, #tpu.memory_space<semaphore_mem>>) src(%dma_wait3A_293 : memref<10000x64xf32, #tpu.memory_space<hbm>>) dst(%dma_wait3A_287 : memref<64x64xf32, #tpu.memory_space<vmem>>)
      %dma_start3A_294 = arith.constant 7 : i32
      %dma_start3A_295 = arith.constant 7 : i32
      %dma_start3A_296 = arith.constant 0 : i32
      %dma_start3A_297 = arith.constant 0 : i32
      %dma_start3A_298 = tpu.memref_slice %arg9[%dma_start3A_294, %dma_start3A_296, %dma_start3A_297] : memref<8x64x64xf32, #tpu.memory_space<vmem>> -> memref<1x64x64xf32, #tpu.memory_space<vmem>>
      %dma_start3A_299 = tpu.memref_squeeze %dma_start3A_298 : memref<1x64x64xf32, #tpu.memory_space<vmem>> -> memref<64x64xf32, #tpu.memory_space<vmem>>
      %dma_start3A_300 = arith.constant 0 : i32
      %dma_start3A_301 = tpu.memref_slice %arg8[%dma_start3A_295, %dma_start3A_300] : memref<40x64xi32, #tpu.memory_space<vmem>> -> memref<1x64xi32, #tpu.memory_space<vmem>>
      %dma_start3A_302 = tpu.memref_squeeze %dma_start3A_301 : memref<1x64xi32, #tpu.memory_space<vmem>> -> memref<64xi32, #tpu.memory_space<vmem>>
      %dma_start3A_303 = arith.constant 0 : i32
      %dma_start3A_304 = arith.constant 0 : i32
      %dma_start3A_305 = tpu.memref_slice %arg10[%dma_start3A_303, %dma_start3A_304] : memref<10112x64xf32, #tpu.memory_space<vmem_shared>> -> memref<10112x64xf32, #tpu.memory_space<vmem_shared>>
      tpu.enqueue_indirect_dma source(%dma_start3A_299 : memref<64x64xf32, #tpu.memory_space<vmem>>) target(%dma_start3A_305 : memref<10112x64xf32, #tpu.memory_space<vmem_shared>>) offsets(%dma_start3A_302 : memref<64xi32, #tpu.memory_space<vmem>>) semaphore(%arg26 : memref<!tpu.dma_semaphore, #tpu.memory_space<semaphore_mem>>) {add = true}
      %scan3A_306 = arith.constant 0 : i32
      %scan3A_307 = arith.constant 1 : i32
      %scan3A_308 = arith.constant 4 : i32
      %scan3A_309 = arith.addi %scan3A_307, %scan3A_308 : i32
      %scan3A_310 = arith.constant 1 : i32
      scf.for %scan3A_408 = %scan3A_307 to %scan3A_309 step %scan3A_310  : i32 {
        %mul3A_409 = arith.constant 8 : i32
        %mul3A_410 = arith.muli %scan3A_408, %mul3A_409 : i32
        %dma_wait3A_411 = arith.constant 0 : i32
        %dma_wait3A_412 = arith.constant 0 : i32
        %dma_wait3A_413 = arith.constant 0 : i32
        %dma_wait3A_414 = arith.constant 0 : i32
        %dma_wait3A_415 = tpu.memref_slice %arg9[%dma_wait3A_411, %dma_wait3A_413, %dma_wait3A_414] : memref<8x64x64xf32, #tpu.memory_space<vmem>> -> memref<1x64x64xf32, #tpu.memory_space<vmem>>
        %dma_wait3A_416 = tpu.memref_squeeze %dma_wait3A_415 : memref<1x64x64xf32, #tpu.memory_space<vmem>> -> memref<64x64xf32, #tpu.memory_space<vmem>>
        %dma_wait3A_417 = arith.constant 0 : i32
        %dma_wait3A_418 = tpu.memref_slice %arg8[%dma_wait3A_412, %dma_wait3A_417] : memref<40x64xi32, #tpu.memory_space<vmem>> -> memref<1x64xi32, #tpu.memory_space<vmem>>
        %dma_wait3A_419 = tpu.memref_squeeze %dma_wait3A_418 : memref<1x64xi32, #tpu.memory_space<vmem>> -> memref<64xi32, #tpu.memory_space<vmem>>
        %dma_wait3A_420 = arith.constant 0 : i32
        %dma_wait3A_421 = arith.constant 0 : i32
        %dma_wait3A_422 = tpu.memref_slice %arg10[%dma_wait3A_420, %dma_wait3A_421] : memref<10112x64xf32, #tpu.memory_space<vmem_shared>> -> memref<10112x64xf32, #tpu.memory_space<vmem_shared>>
        tpu.wait_indirect_dma semaphore(%arg19 : memref<!tpu.dma_semaphore, #tpu.memory_space<semaphore_mem>>) src(%dma_wait3A_416 : memref<64x64xf32, #tpu.memory_space<vmem>>) dst(%dma_wait3A_422 : memref<10112x64xf32, #tpu.memory_space<vmem_shared>>)
        %add3A_423 = arith.constant 0 : i32
        %add3A_424 = arith.addi %mul3A_410, %add3A_423 : i32
        %dma_start3A_425 = arith.constant 0 : i32
        %dma_start3A_426 = arith.constant 0 : i32
        %dma_start3A_427 = arith.constant 0 : i32
        %dma_start3A_428 = tpu.memref_slice %arg9[%dma_start3A_425, %dma_start3A_426, %dma_start3A_427] : memref<8x64x64xf32, #tpu.memory_space<vmem>> -> memref<1x64x64xf32, #tpu.memory_space<vmem>>
        %dma_start3A_429 = tpu.memref_squeeze %dma_start3A_428 : memref<1x64x64xf32, #tpu.memory_space<vmem>> -> memref<64x64xf32, #tpu.memory_space<vmem>>
        %dma_start3A_430 = arith.constant 0 : i32
        %dma_start3A_431 = tpu.memref_slice %arg7[%add3A_424, %dma_start3A_430] : memref<40x64xi32, #tpu.memory_space<vmem>> -> memref<1x64xi32, #tpu.memory_space<vmem>>
        %dma_start3A_432 = tpu.memref_squeeze %dma_start3A_431 : memref<1x64xi32, #tpu.memory_space<vmem>> -> memref<64xi32, #tpu.memory_space<vmem>>
        %dma_start3A_433 = arith.constant 0 : i32
        %dma_start3A_434 = arith.constant 0 : i32
        %dma_start3A_435 = tpu.memref_slice %arg2[%dma_start3A_433, %dma_start3A_434] : memref<10000x64xf32, #tpu.memory_space<hbm>> -> memref<10000x64xf32, #tpu.memory_space<hbm>>
        tpu.enqueue_indirect_dma source(%dma_start3A_435 : memref<10000x64xf32, #tpu.memory_space<hbm>>) target(%dma_start3A_429 : memref<64x64xf32, #tpu.memory_space<vmem>>) offsets(%dma_start3A_432 : memref<64xi32, #tpu.memory_space<vmem>>) semaphore(%arg11 : memref<!tpu.dma_semaphore, #tpu.memory_space<semaphore_mem>>)
        %dma_wait3A_436 = arith.constant 1 : i32
        %dma_wait3A_437 = arith.constant 0 : i32
        %dma_wait3A_438 = arith.constant 0 : i32
        %dma_wait3A_439 = arith.constant 0 : i32
        %dma_wait3A_440 = tpu.memref_slice %arg9[%dma_wait3A_436, %dma_wait3A_438, %dma_wait3A_439] : memref<8x64x64xf32, #tpu.memory_space<vmem>> -> memref<1x64x64xf32, #tpu.memory_space<vmem>>
        %dma_wait3A_441 = tpu.memref_squeeze %dma_wait3A_440 : memref<1x64x64xf32, #tpu.memory_space<vmem>> -> memref<64x64xf32, #tpu.memory_space<vmem>>
        %dma_wait3A_442 = arith.constant 0 : i32
        %dma_wait3A_443 = tpu.memref_slice %arg8[%dma_wait3A_437, %dma_wait3A_442] : memref<40x64xi32, #tpu.memory_space<vmem>> -> memref<1x64xi32, #tpu.memory_space<vmem>>
        %dma_wait3A_444 = tpu.memref_squeeze %dma_wait3A_443 : memref<1x64xi32, #tpu.memory_space<vmem>> -> memref<64xi32, #tpu.memory_space<vmem>>
        %dma_wait3A_445 = arith.constant 0 : i32
        %dma_wait3A_446 = arith.constant 0 : i32
        %dma_wait3A_447 = tpu.memref_slice %arg10[%dma_wait3A_445, %dma_wait3A_446] : memref<10112x64xf32, #tpu.memory_space<vmem_shared>> -> memref<10112x64xf32, #tpu.memory_space<vmem_shared>>
        tpu.wait_indirect_dma semaphore(%arg20 : memref<!tpu.dma_semaphore, #tpu.memory_space<semaphore_mem>>) src(%dma_wait3A_441 : memref<64x64xf32, #tpu.memory_space<vmem>>) dst(%dma_wait3A_447 : memref<10112x64xf32, #tpu.memory_space<vmem_shared>>)
        %add3A_448 = arith.constant 1 : i32
        %add3A_449 = arith.addi %mul3A_410, %add3A_448 : i32
        %dma_start3A_450 = arith.constant 1 : i32
        %dma_start3A_451 = arith.constant 0 : i32
        %dma_start3A_452 = arith.constant 0 : i32
        %dma_start3A_453 = tpu.memref_slice %arg9[%dma_start3A_450, %dma_start3A_451, %dma_start3A_452] : memref<8x64x64xf32, #tpu.memory_space<vmem>> -> memref<1x64x64xf32, #tpu.memory_space<vmem>>
        %dma_start3A_454 = tpu.memref_squeeze %dma_start3A_453 : memref<1x64x64xf32, #tpu.memory_space<vmem>> -> memref<64x64xf32, #tpu.memory_space<vmem>>
        %dma_start3A_455 = arith.constant 0 : i32
        %dma_start3A_456 = tpu.memref_slice %arg7[%add3A_449, %dma_start3A_455] : memref<40x64xi32, #tpu.memory_space<vmem>> -> memref<1x64xi32, #tpu.memory_space<vmem>>
        %dma_start3A_457 = tpu.memref_squeeze %dma_start3A_456 : memref<1x64xi32, #tpu.memory_space<vmem>> -> memref<64xi32, #tpu.memory_space<vmem>>
        %dma_start3A_458 = arith.constant 0 : i32
        %dma_start3A_459 = arith.constant 0 : i32
        %dma_start3A_460 = tpu.memref_slice %arg2[%dma_start3A_458, %dma_start3A_459] : memref<10000x64xf32, #tpu.memory_space<hbm>> -> memref<10000x64xf32, #tpu.memory_space<hbm>>
        tpu.enqueue_indirect_dma source(%dma_start3A_460 : memref<10000x64xf32, #tpu.memory_space<hbm>>) target(%dma_start3A_454 : memref<64x64xf32, #tpu.memory_space<vmem>>) offsets(%dma_start3A_457 : memref<64xi32, #tpu.memory_space<vmem>>) semaphore(%arg12 : memref<!tpu.dma_semaphore, #tpu.memory_space<semaphore_mem>>)
        %dma_wait3A_461 = arith.constant 2 : i32
        %dma_wait3A_462 = arith.constant 0 : i32
        %dma_wait3A_463 = arith.constant 0 : i32
        %dma_wait3A_464 = arith.constant 0 : i32
        %dma_wait3A_465 = tpu.memref_slice %arg9[%dma_wait3A_461, %dma_wait3A_463, %dma_wait3A_464] : memref<8x64x64xf32, #tpu.memory_space<vmem>> -> memref<1x64x64xf32, #tpu.memory_space<vmem>>
        %dma_wait3A_466 = tpu.memref_squeeze %dma_wait3A_465 : memref<1x64x64xf32, #tpu.memory_space<vmem>> -> memref<64x64xf32, #tpu.memory_space<vmem>>
        %dma_wait3A_467 = arith.constant 0 : i32
        %dma_wait3A_468 = tpu.memref_slice %arg8[%dma_wait3A_462, %dma_wait3A_467] : memref<40x64xi32, #tpu.memory_space<vmem>> -> memref<1x64xi32, #tpu.memory_space<vmem>>
        %dma_wait3A_469 = tpu.memref_squeeze %dma_wait3A_468 : memref<1x64xi32, #tpu.memory_space<vmem>> -> memref<64xi32, #tpu.memory_space<vmem>>
        %dma_wait3A_470 = arith.constant 0 : i32
        %dma_wait3A_471 = arith.constant 0 : i32
        %dma_wait3A_472 = tpu.memref_slice %arg10[%dma_wait3A_470, %dma_wait3A_471] : memref<10112x64xf32, #tpu.memory_space<vmem_shared>> -> memref<10112x64xf32, #tpu.memory_space<vmem_shared>>
        tpu.wait_indirect_dma semaphore(%arg21 : memref<!tpu.dma_semaphore, #tpu.memory_space<semaphore_mem>>) src(%dma_wait3A_466 : memref<64x64xf32, #tpu.memory_space<vmem>>) dst(%dma_wait3A_472 : memref<10112x64xf32, #tpu.memory_space<vmem_shared>>)
        %add3A_473 = arith.constant 2 : i32
        %add3A_474 = arith.addi %mul3A_410, %add3A_473 : i32
        %dma_start3A_475 = arith.constant 2 : i32
        %dma_start3A_476 = arith.constant 0 : i32
        %dma_start3A_477 = arith.constant 0 : i32
        %dma_start3A_478 = tpu.memref_slice %arg9[%dma_start3A_475, %dma_start3A_476, %dma_start3A_477] : memref<8x64x64xf32, #tpu.memory_space<vmem>> -> memref<1x64x64xf32, #tpu.memory_space<vmem>>
        %dma_start3A_479 = tpu.memref_squeeze %dma_start3A_478 : memref<1x64x64xf32, #tpu.memory_space<vmem>> -> memref<64x64xf32, #tpu.memory_space<vmem>>
        %dma_start3A_480 = arith.constant 0 : i32
        %dma_start3A_481 = tpu.memref_slice %arg7[%add3A_474, %dma_start3A_480] : memref<40x64xi32, #tpu.memory_space<vmem>> -> memref<1x64xi32, #tpu.memory_space<vmem>>
        %dma_start3A_482 = tpu.memref_squeeze %dma_start3A_481 : memref<1x64xi32, #tpu.memory_space<vmem>> -> memref<64xi32, #tpu.memory_space<vmem>>
        %dma_start3A_483 = arith.constant 0 : i32
        %dma_start3A_484 = arith.constant 0 : i32
        %dma_start3A_485 = tpu.memref_slice %arg2[%dma_start3A_483, %dma_start3A_484] : memref<10000x64xf32, #tpu.memory_space<hbm>> -> memref<10000x64xf32, #tpu.memory_space<hbm>>
        tpu.enqueue_indirect_dma source(%dma_start3A_485 : memref<10000x64xf32, #tpu.memory_space<hbm>>) target(%dma_start3A_479 : memref<64x64xf32, #tpu.memory_space<vmem>>) offsets(%dma_start3A_482 : memref<64xi32, #tpu.memory_space<vmem>>) semaphore(%arg13 : memref<!tpu.dma_semaphore, #tpu.memory_space<semaphore_mem>>)
        %dma_wait3A_486 = arith.constant 3 : i32
        %dma_wait3A_487 = arith.constant 0 : i32
        %dma_wait3A_488 = arith.constant 0 : i32
        %dma_wait3A_489 = arith.constant 0 : i32
        %dma_wait3A_490 = tpu.memref_slice %arg9[%dma_wait3A_486, %dma_wait3A_488, %dma_wait3A_489] : memref<8x64x64xf32, #tpu.memory_space<vmem>> -> memref<1x64x64xf32, #tpu.memory_space<vmem>>
        %dma_wait3A_491 = tpu.memref_squeeze %dma_wait3A_490 : memref<1x64x64xf32, #tpu.memory_space<vmem>> -> memref<64x64xf32, #tpu.memory_space<vmem>>
        %dma_wait3A_492 = arith.constant 0 : i32
        %dma_wait3A_493 = tpu.memref_slice %arg8[%dma_wait3A_487, %dma_wait3A_492] : memref<40x64xi32, #tpu.memory_space<vmem>> -> memref<1x64xi32, #tpu.memory_space<vmem>>
        %dma_wait3A_494 = tpu.memref_squeeze %dma_wait3A_493 : memref<1x64xi32, #tpu.memory_space<vmem>> -> memref<64xi32, #tpu.memory_space<vmem>>
        %dma_wait3A_495 = arith.constant 0 : i32
        %dma_wait3A_496 = arith.constant 0 : i32
        %dma_wait3A_497 = tpu.memref_slice %arg10[%dma_wait3A_495, %dma_wait3A_496] : memref<10112x64xf32, #tpu.memory_space<vmem_shared>> -> memref<10112x64xf32, #tpu.memory_space<vmem_shared>>
        tpu.wait_indirect_dma semaphore(%arg22 : memref<!tpu.dma_semaphore, #tpu.memory_space<semaphore_mem>>) src(%dma_wait3A_491 : memref<64x64xf32, #tpu.memory_space<vmem>>) dst(%dma_wait3A_497 : memref<10112x64xf32, #tpu.memory_space<vmem_shared>>)
        %add3A_498 = arith.constant 3 : i32
        %add3A_499 = arith.addi %mul3A_410, %add3A_498 : i32
        %dma_start3A_500 = arith.constant 3 : i32
        %dma_start3A_501 = arith.constant 0 : i32
        %dma_start3A_502 = arith.constant 0 : i32
        %dma_start3A_503 = tpu.memref_slice %arg9[%dma_start3A_500, %dma_start3A_501, %dma_start3A_502] : memref<8x64x64xf32, #tpu.memory_space<vmem>> -> memref<1x64x64xf32, #tpu.memory_space<vmem>>
        %dma_start3A_504 = tpu.memref_squeeze %dma_start3A_503 : memref<1x64x64xf32, #tpu.memory_space<vmem>> -> memref<64x64xf32, #tpu.memory_space<vmem>>
        %dma_start3A_505 = arith.constant 0 : i32
        %dma_start3A_506 = tpu.memref_slice %arg7[%add3A_499, %dma_start3A_505] : memref<40x64xi32, #tpu.memory_space<vmem>> -> memref<1x64xi32, #tpu.memory_space<vmem>>
        %dma_start3A_507 = tpu.memref_squeeze %dma_start3A_506 : memref<1x64xi32, #tpu.memory_space<vmem>> -> memref<64xi32, #tpu.memory_space<vmem>>
        %dma_start3A_508 = arith.constant 0 : i32
        %dma_start3A_509 = arith.constant 0 : i32
        %dma_start3A_510 = tpu.memref_slice %arg2[%dma_start3A_508, %dma_start3A_509] : memref<10000x64xf32, #tpu.memory_space<hbm>> -> memref<10000x64xf32, #tpu.memory_space<hbm>>
        tpu.enqueue_indirect_dma source(%dma_start3A_510 : memref<10000x64xf32, #tpu.memory_space<hbm>>) target(%dma_start3A_504 : memref<64x64xf32, #tpu.memory_space<vmem>>) offsets(%dma_start3A_507 : memref<64xi32, #tpu.memory_space<vmem>>) semaphore(%arg14 : memref<!tpu.dma_semaphore, #tpu.memory_space<semaphore_mem>>)
        %dma_wait3A_511 = arith.constant 4 : i32
        %dma_wait3A_512 = arith.constant 0 : i32
        %dma_wait3A_513 = arith.constant 0 : i32
        %dma_wait3A_514 = arith.constant 0 : i32
        %dma_wait3A_515 = tpu.memref_slice %arg9[%dma_wait3A_511, %dma_wait3A_513, %dma_wait3A_514] : memref<8x64x64xf32, #tpu.memory_space<vmem>> -> memref<1x64x64xf32, #tpu.memory_space<vmem>>
        %dma_wait3A_516 = tpu.memref_squeeze %dma_wait3A_515 : memref<1x64x64xf32, #tpu.memory_space<vmem>> -> memref<64x64xf32, #tpu.memory_space<vmem>>
        %dma_wait3A_517 = arith.constant 0 : i32
        %dma_wait3A_518 = tpu.memref_slice %arg8[%dma_wait3A_512, %dma_wait3A_517] : memref<40x64xi32, #tpu.memory_space<vmem>> -> memref<1x64xi32, #tpu.memory_space<vmem>>
        %dma_wait3A_519 = tpu.memref_squeeze %dma_wait3A_518 : memref<1x64xi32, #tpu.memory_space<vmem>> -> memref<64xi32, #tpu.memory_space<vmem>>
        %dma_wait3A_520 = arith.constant 0 : i32
        %dma_wait3A_521 = arith.constant 0 : i32
        %dma_wait3A_522 = tpu.memref_slice %arg10[%dma_wait3A_520, %dma_wait3A_521] : memref<10112x64xf32, #tpu.memory_space<vmem_shared>> -> memref<10112x64xf32, #tpu.memory_space<vmem_shared>>
        tpu.wait_indirect_dma semaphore(%arg23 : memref<!tpu.dma_semaphore, #tpu.memory_space<semaphore_mem>>) src(%dma_wait3A_516 : memref<64x64xf32, #tpu.memory_space<vmem>>) dst(%dma_wait3A_522 : memref<10112x64xf32, #tpu.memory_space<vmem_shared>>)
        %add3A_523 = arith.constant 4 : i32
        %add3A_524 = arith.addi %mul3A_410, %add3A_523 : i32
        %dma_start3A_525 = arith.constant 4 : i32
        %dma_start3A_526 = arith.constant 0 : i32
        %dma_start3A_527 = arith.constant 0 : i32
        %dma_start3A_528 = tpu.memref_slice %arg9[%dma_start3A_525, %dma_start3A_526, %dma_start3A_527] : memref<8x64x64xf32, #tpu.memory_space<vmem>> -> memref<1x64x64xf32, #tpu.memory_space<vmem>>
        %dma_start3A_529 = tpu.memref_squeeze %dma_start3A_528 : memref<1x64x64xf32, #tpu.memory_space<vmem>> -> memref<64x64xf32, #tpu.memory_space<vmem>>
        %dma_start3A_530 = arith.constant 0 : i32
        %dma_start3A_531 = tpu.memref_slice %arg7[%add3A_524, %dma_start3A_530] : memref<40x64xi32, #tpu.memory_space<vmem>> -> memref<1x64xi32, #tpu.memory_space<vmem>>
        %dma_start3A_532 = tpu.memref_squeeze %dma_start3A_531 : memref<1x64xi32, #tpu.memory_space<vmem>> -> memref<64xi32, #tpu.memory_space<vmem>>
        %dma_start3A_533 = arith.constant 0 : i32
        %dma_start3A_534 = arith.constant 0 : i32
        %dma_start3A_535 = tpu.memref_slice %arg2[%dma_start3A_533, %dma_start3A_534] : memref<10000x64xf32, #tpu.memory_space<hbm>> -> memref<10000x64xf32, #tpu.memory_space<hbm>>
        tpu.enqueue_indirect_dma source(%dma_start3A_535 : memref<10000x64xf32, #tpu.memory_space<hbm>>) target(%dma_start3A_529 : memref<64x64xf32, #tpu.memory_space<vmem>>) offsets(%dma_start3A_532 : memref<64xi32, #tpu.memory_space<vmem>>) semaphore(%arg15 : memref<!tpu.dma_semaphore, #tpu.memory_space<semaphore_mem>>)
        %dma_wait3A_536 = arith.constant 5 : i32
        %dma_wait3A_537 = arith.constant 0 : i32
        %dma_wait3A_538 = arith.constant 0 : i32
        %dma_wait3A_539 = arith.constant 0 : i32
        %dma_wait3A_540 = tpu.memref_slice %arg9[%dma_wait3A_536, %dma_wait3A_538, %dma_wait3A_539] : memref<8x64x64xf32, #tpu.memory_space<vmem>> -> memref<1x64x64xf32, #tpu.memory_space<vmem>>
        %dma_wait3A_541 = tpu.memref_squeeze %dma_wait3A_540 : memref<1x64x64xf32, #tpu.memory_space<vmem>> -> memref<64x64xf32, #tpu.memory_space<vmem>>
        %dma_wait3A_542 = arith.constant 0 : i32
        %dma_wait3A_543 = tpu.memref_slice %arg8[%dma_wait3A_537, %dma_wait3A_542] : memref<40x64xi32, #tpu.memory_space<vmem>> -> memref<1x64xi32, #tpu.memory_space<vmem>>
        %dma_wait3A_544 = tpu.memref_squeeze %dma_wait3A_543 : memref<1x64xi32, #tpu.memory_space<vmem>> -> memref<64xi32, #tpu.memory_space<vmem>>
        %dma_wait3A_545 = arith.constant 0 : i32
        %dma_wait3A_546 = arith.constant 0 : i32
        %dma_wait3A_547 = tpu.memref_slice %arg10[%dma_wait3A_545, %dma_wait3A_546] : memref<10112x64xf32, #tpu.memory_space<vmem_shared>> -> memref<10112x64xf32, #tpu.memory_space<vmem_shared>>
        tpu.wait_indirect_dma semaphore(%arg24 : memref<!tpu.dma_semaphore, #tpu.memory_space<semaphore_mem>>) src(%dma_wait3A_541 : memref<64x64xf32, #tpu.memory_space<vmem>>) dst(%dma_wait3A_547 : memref<10112x64xf32, #tpu.memory_space<vmem_shared>>)
        %add3A_548 = arith.constant 5 : i32
        %add3A_549 = arith.addi %mul3A_410, %add3A_548 : i32
        %dma_start3A_550 = arith.constant 5 : i32
        %dma_start3A_551 = arith.constant 0 : i32
        %dma_start3A_552 = arith.constant 0 : i32
        %dma_start3A_553 = tpu.memref_slice %arg9[%dma_start3A_550, %dma_start3A_551, %dma_start3A_552] : memref<8x64x64xf32, #tpu.memory_space<vmem>> -> memref<1x64x64xf32, #tpu.memory_space<vmem>>
        %dma_start3A_554 = tpu.memref_squeeze %dma_start3A_553 : memref<1x64x64xf32, #tpu.memory_space<vmem>> -> memref<64x64xf32, #tpu.memory_space<vmem>>
        %dma_start3A_555 = arith.constant 0 : i32
        %dma_start3A_556 = tpu.memref_slice %arg7[%add3A_549, %dma_start3A_555] : memref<40x64xi32, #tpu.memory_space<vmem>> -> memref<1x64xi32, #tpu.memory_space<vmem>>
        %dma_start3A_557 = tpu.memref_squeeze %dma_start3A_556 : memref<1x64xi32, #tpu.memory_space<vmem>> -> memref<64xi32, #tpu.memory_space<vmem>>
        %dma_start3A_558 = arith.constant 0 : i32
        %dma_start3A_559 = arith.constant 0 : i32
        %dma_start3A_560 = tpu.memref_slice %arg2[%dma_start3A_558, %dma_start3A_559] : memref<10000x64xf32, #tpu.memory_space<hbm>> -> memref<10000x64xf32, #tpu.memory_space<hbm>>
        tpu.enqueue_indirect_dma source(%dma_start3A_560 : memref<10000x64xf32, #tpu.memory_space<hbm>>) target(%dma_start3A_554 : memref<64x64xf32, #tpu.memory_space<vmem>>) offsets(%dma_start3A_557 : memref<64xi32, #tpu.memory_space<vmem>>) semaphore(%arg16 : memref<!tpu.dma_semaphore, #tpu.memory_space<semaphore_mem>>)
        %dma_wait3A_561 = arith.constant 6 : i32
        %dma_wait3A_562 = arith.constant 0 : i32
        %dma_wait3A_563 = arith.constant 0 : i32
        %dma_wait3A_564 = arith.constant 0 : i32
        %dma_wait3A_565 = tpu.memref_slice %arg9[%dma_wait3A_561, %dma_wait3A_563, %dma_wait3A_564] : memref<8x64x64xf32, #tpu.memory_space<vmem>> -> memref<1x64x64xf32, #tpu.memory_space<vmem>>
        %dma_wait3A_566 = tpu.memref_squeeze %dma_wait3A_565 : memref<1x64x64xf32, #tpu.memory_space<vmem>> -> memref<64x64xf32, #tpu.memory_space<vmem>>
        %dma_wait3A_567 = arith.constant 0 : i32
        %dma_wait3A_568 = tpu.memref_slice %arg8[%dma_wait3A_562, %dma_wait3A_567] : memref<40x64xi32, #tpu.memory_space<vmem>> -> memref<1x64xi32, #tpu.memory_space<vmem>>
        %dma_wait3A_569 = tpu.memref_squeeze %dma_wait3A_568 : memref<1x64xi32, #tpu.memory_space<vmem>> -> memref<64xi32, #tpu.memory_space<vmem>>
        %dma_wait3A_570 = arith.constant 0 : i32
        %dma_wait3A_571 = arith.constant 0 : i32
        %dma_wait3A_572 = tpu.memref_slice %arg10[%dma_wait3A_570, %dma_wait3A_571] : memref<10112x64xf32, #tpu.memory_space<vmem_shared>> -> memref<10112x64xf32, #tpu.memory_space<vmem_shared>>
        tpu.wait_indirect_dma semaphore(%arg25 : memref<!tpu.dma_semaphore, #tpu.memory_space<semaphore_mem>>) src(%dma_wait3A_566 : memref<64x64xf32, #tpu.memory_space<vmem>>) dst(%dma_wait3A_572 : memref<10112x64xf32, #tpu.memory_space<vmem_shared>>)
        %add3A_573 = arith.constant 6 : i32
        %add3A_574 = arith.addi %mul3A_410, %add3A_573 : i32
        %dma_start3A_575 = arith.constant 6 : i32
        %dma_start3A_576 = arith.constant 0 : i32
        %dma_start3A_577 = arith.constant 0 : i32
        %dma_start3A_578 = tpu.memref_slice %arg9[%dma_start3A_575, %dma_start3A_576, %dma_start3A_577] : memref<8x64x64xf32, #tpu.memory_space<vmem>> -> memref<1x64x64xf32, #tpu.memory_space<vmem>>
        %dma_start3A_579 = tpu.memref_squeeze %dma_start3A_578 : memref<1x64x64xf32, #tpu.memory_space<vmem>> -> memref<64x64xf32, #tpu.memory_space<vmem>>
        %dma_start3A_580 = arith.constant 0 : i32
        %dma_start3A_581 = tpu.memref_slice %arg7[%add3A_574, %dma_start3A_580] : memref<40x64xi32, #tpu.memory_space<vmem>> -> memref<1x64xi32, #tpu.memory_space<vmem>>
        %dma_start3A_582 = tpu.memref_squeeze %dma_start3A_581 : memref<1x64xi32, #tpu.memory_space<vmem>> -> memref<64xi32, #tpu.memory_space<vmem>>
        %dma_start3A_583 = arith.constant 0 : i32
        %dma_start3A_584 = arith.constant 0 : i32
        %dma_start3A_585 = tpu.memref_slice %arg2[%dma_start3A_583, %dma_start3A_584] : memref<10000x64xf32, #tpu.memory_space<hbm>> -> memref<10000x64xf32, #tpu.memory_space<hbm>>
        tpu.enqueue_indirect_dma source(%dma_start3A_585 : memref<10000x64xf32, #tpu.memory_space<hbm>>) target(%dma_start3A_579 : memref<64x64xf32, #tpu.memory_space<vmem>>) offsets(%dma_start3A_582 : memref<64xi32, #tpu.memory_space<vmem>>) semaphore(%arg17 : memref<!tpu.dma_semaphore, #tpu.memory_space<semaphore_mem>>)
        %dma_wait3A_586 = arith.constant 7 : i32
        %dma_wait3A_587 = arith.constant 0 : i32
        %dma_wait3A_588 = arith.constant 0 : i32
        %dma_wait3A_589 = arith.constant 0 : i32
        %dma_wait3A_590 = tpu.memref_slice %arg9[%dma_wait3A_586, %dma_wait3A_588, %dma_wait3A_589] : memref<8x64x64xf32, #tpu.memory_space<vmem>> -> memref<1x64x64xf32, #tpu.memory_space<vmem>>
        %dma_wait3A_591 = tpu.memref_squeeze %dma_wait3A_590 : memref<1x64x64xf32, #tpu.memory_space<vmem>> -> memref<64x64xf32, #tpu.memory_space<vmem>>
        %dma_wait3A_592 = arith.constant 0 : i32
        %dma_wait3A_593 = tpu.memref_slice %arg8[%dma_wait3A_587, %dma_wait3A_592] : memref<40x64xi32, #tpu.memory_space<vmem>> -> memref<1x64xi32, #tpu.memory_space<vmem>>
        %dma_wait3A_594 = tpu.memref_squeeze %dma_wait3A_593 : memref<1x64xi32, #tpu.memory_space<vmem>> -> memref<64xi32, #tpu.memory_space<vmem>>
        %dma_wait3A_595 = arith.constant 0 : i32
        %dma_wait3A_596 = arith.constant 0 : i32
        %dma_wait3A_597 = tpu.memref_slice %arg10[%dma_wait3A_595, %dma_wait3A_596] : memref<10112x64xf32, #tpu.memory_space<vmem_shared>> -> memref<10112x64xf32, #tpu.memory_space<vmem_shared>>
        tpu.wait_indirect_dma semaphore(%arg26 : memref<!tpu.dma_semaphore, #tpu.memory_space<semaphore_mem>>) src(%dma_wait3A_591 : memref<64x64xf32, #tpu.memory_space<vmem>>) dst(%dma_wait3A_597 : memref<10112x64xf32, #tpu.memory_space<vmem_shared>>)
        %add3A_598 = arith.constant 7 : i32
        %add3A_599 = arith.addi %mul3A_410, %add3A_598 : i32
        %dma_start3A_600 = arith.constant 7 : i32
        %dma_start3A_601 = arith.constant 0 : i32
        %dma_start3A_602 = arith.constant 0 : i32
        %dma_start3A_603 = tpu.memref_slice %arg9[%dma_start3A_600, %dma_start3A_601, %dma_start3A_602] : memref<8x64x64xf32, #tpu.memory_space<vmem>> -> memref<1x64x64xf32, #tpu.memory_space<vmem>>
        %dma_start3A_604 = tpu.memref_squeeze %dma_start3A_603 : memref<1x64x64xf32, #tpu.memory_space<vmem>> -> memref<64x64xf32, #tpu.memory_space<vmem>>
        %dma_start3A_605 = arith.constant 0 : i32
        %dma_start3A_606 = tpu.memref_slice %arg7[%add3A_599, %dma_start3A_605] : memref<40x64xi32, #tpu.memory_space<vmem>> -> memref<1x64xi32, #tpu.memory_space<vmem>>
        %dma_start3A_607 = tpu.memref_squeeze %dma_start3A_606 : memref<1x64xi32, #tpu.memory_space<vmem>> -> memref<64xi32, #tpu.memory_space<vmem>>
        %dma_start3A_608 = arith.constant 0 : i32
        %dma_start3A_609 = arith.constant 0 : i32
        %dma_start3A_610 = tpu.memref_slice %arg2[%dma_start3A_608, %dma_start3A_609] : memref<10000x64xf32, #tpu.memory_space<hbm>> -> memref<10000x64xf32, #tpu.memory_space<hbm>>
        tpu.enqueue_indirect_dma source(%dma_start3A_610 : memref<10000x64xf32, #tpu.memory_space<hbm>>) target(%dma_start3A_604 : memref<64x64xf32, #tpu.memory_space<vmem>>) offsets(%dma_start3A_607 : memref<64xi32, #tpu.memory_space<vmem>>) semaphore(%arg18 : memref<!tpu.dma_semaphore, #tpu.memory_space<semaphore_mem>>)
        %dma_wait3A_611 = arith.constant 0 : i32
        %dma_wait3A_612 = arith.constant 0 : i32
        %dma_wait3A_613 = arith.constant 0 : i32
        %dma_wait3A_614 = arith.constant 0 : i32
        %dma_wait3A_615 = tpu.memref_slice %arg9[%dma_wait3A_612, %dma_wait3A_613, %dma_wait3A_614] : memref<8x64x64xf32, #tpu.memory_space<vmem>> -> memref<1x64x64xf32, #tpu.memory_space<vmem>>
        %dma_wait3A_616 = tpu.memref_squeeze %dma_wait3A_615 : memref<1x64x64xf32, #tpu.memory_space<vmem>> -> memref<64x64xf32, #tpu.memory_space<vmem>>
        %dma_wait3A_617 = arith.constant 0 : i32
        %dma_wait3A_618 = tpu.memref_slice %arg7[%dma_wait3A_611, %dma_wait3A_617] : memref<40x64xi32, #tpu.memory_space<vmem>> -> memref<1x64xi32, #tpu.memory_space<vmem>>
        %dma_wait3A_619 = tpu.memref_squeeze %dma_wait3A_618 : memref<1x64xi32, #tpu.memory_space<vmem>> -> memref<64xi32, #tpu.memory_space<vmem>>
        %dma_wait3A_620 = arith.constant 0 : i32
        %dma_wait3A_621 = arith.constant 0 : i32
        %dma_wait3A_622 = tpu.memref_slice %arg2[%dma_wait3A_620, %dma_wait3A_621] : memref<10000x64xf32, #tpu.memory_space<hbm>> -> memref<10000x64xf32, #tpu.memory_space<hbm>>
        tpu.wait_indirect_dma semaphore(%arg11 : memref<!tpu.dma_semaphore, #tpu.memory_space<semaphore_mem>>) src(%dma_wait3A_622 : memref<10000x64xf32, #tpu.memory_space<hbm>>) dst(%dma_wait3A_616 : memref<64x64xf32, #tpu.memory_space<vmem>>)
        %add3A_623 = arith.constant 0 : i32
        %add3A_624 = arith.addi %mul3A_410, %add3A_623 : i32
        %dma_start3A_625 = arith.constant 0 : i32
        %dma_start3A_626 = arith.constant 0 : i32
        %dma_start3A_627 = arith.constant 0 : i32
        %dma_start3A_628 = tpu.memref_slice %arg9[%dma_start3A_625, %dma_start3A_626, %dma_start3A_627] : memref<8x64x64xf32, #tpu.memory_space<vmem>> -> memref<1x64x64xf32, #tpu.memory_space<vmem>>
        %dma_start3A_629 = tpu.memref_squeeze %dma_start3A_628 : memref<1x64x64xf32, #tpu.memory_space<vmem>> -> memref<64x64xf32, #tpu.memory_space<vmem>>
        %dma_start3A_630 = arith.constant 0 : i32
        %dma_start3A_631 = tpu.memref_slice %arg8[%add3A_624, %dma_start3A_630] : memref<40x64xi32, #tpu.memory_space<vmem>> -> memref<1x64xi32, #tpu.memory_space<vmem>>
        %dma_start3A_632 = tpu.memref_squeeze %dma_start3A_631 : memref<1x64xi32, #tpu.memory_space<vmem>> -> memref<64xi32, #tpu.memory_space<vmem>>
        %dma_start3A_633 = arith.constant 0 : i32
        %dma_start3A_634 = arith.constant 0 : i32
        %dma_start3A_635 = tpu.memref_slice %arg10[%dma_start3A_633, %dma_start3A_634] : memref<10112x64xf32, #tpu.memory_space<vmem_shared>> -> memref<10112x64xf32, #tpu.memory_space<vmem_shared>>
        tpu.enqueue_indirect_dma source(%dma_start3A_629 : memref<64x64xf32, #tpu.memory_space<vmem>>) target(%dma_start3A_635 : memref<10112x64xf32, #tpu.memory_space<vmem_shared>>) offsets(%dma_start3A_632 : memref<64xi32, #tpu.memory_space<vmem>>) semaphore(%arg19 : memref<!tpu.dma_semaphore, #tpu.memory_space<semaphore_mem>>) {add = true}
        %dma_wait3A_636 = arith.constant 0 : i32
        %dma_wait3A_637 = arith.constant 1 : i32
        %dma_wait3A_638 = arith.constant 0 : i32
        %dma_wait3A_639 = arith.constant 0 : i32
        %dma_wait3A_640 = tpu.memref_slice %arg9[%dma_wait3A_637, %dma_wait3A_638, %dma_wait3A_639] : memref<8x64x64xf32, #tpu.memory_space<vmem>> -> memref<1x64x64xf32, #tpu.memory_space<vmem>>
        %dma_wait3A_641 = tpu.memref_squeeze %dma_wait3A_640 : memref<1x64x64xf32, #tpu.memory_space<vmem>> -> memref<64x64xf32, #tpu.memory_space<vmem>>
        %dma_wait3A_642 = arith.constant 0 : i32
        %dma_wait3A_643 = tpu.memref_slice %arg7[%dma_wait3A_636, %dma_wait3A_642] : memref<40x64xi32, #tpu.memory_space<vmem>> -> memref<1x64xi32, #tpu.memory_space<vmem>>
        %dma_wait3A_644 = tpu.memref_squeeze %dma_wait3A_643 : memref<1x64xi32, #tpu.memory_space<vmem>> -> memref<64xi32, #tpu.memory_space<vmem>>
        %dma_wait3A_645 = arith.constant 0 : i32
        %dma_wait3A_646 = arith.constant 0 : i32
        %dma_wait3A_647 = tpu.memref_slice %arg2[%dma_wait3A_645, %dma_wait3A_646] : memref<10000x64xf32, #tpu.memory_space<hbm>> -> memref<10000x64xf32, #tpu.memory_space<hbm>>
        tpu.wait_indirect_dma semaphore(%arg12 : memref<!tpu.dma_semaphore, #tpu.memory_space<semaphore_mem>>) src(%dma_wait3A_647 : memref<10000x64xf32, #tpu.memory_space<hbm>>) dst(%dma_wait3A_641 : memref<64x64xf32, #tpu.memory_space<vmem>>)
        %add3A_648 = arith.constant 1 : i32
        %add3A_649 = arith.addi %mul3A_410, %add3A_648 : i32
        %dma_start3A_650 = arith.constant 1 : i32
        %dma_start3A_651 = arith.constant 0 : i32
        %dma_start3A_652 = arith.constant 0 : i32
        %dma_start3A_653 = tpu.memref_slice %arg9[%dma_start3A_650, %dma_start3A_651, %dma_start3A_652] : memref<8x64x64xf32, #tpu.memory_space<vmem>> -> memref<1x64x64xf32, #tpu.memory_space<vmem>>
        %dma_start3A_654 = tpu.memref_squeeze %dma_start3A_653 : memref<1x64x64xf32, #tpu.memory_space<vmem>> -> memref<64x64xf32, #tpu.memory_space<vmem>>
        %dma_start3A_655 = arith.constant 0 : i32
        %dma_start3A_656 = tpu.memref_slice %arg8[%add3A_649, %dma_start3A_655] : memref<40x64xi32, #tpu.memory_space<vmem>> -> memref<1x64xi32, #tpu.memory_space<vmem>>
        %dma_start3A_657 = tpu.memref_squeeze %dma_start3A_656 : memref<1x64xi32, #tpu.memory_space<vmem>> -> memref<64xi32, #tpu.memory_space<vmem>>
        %dma_start3A_658 = arith.constant 0 : i32
        %dma_start3A_659 = arith.constant 0 : i32
        %dma_start3A_660 = tpu.memref_slice %arg10[%dma_start3A_658, %dma_start3A_659] : memref<10112x64xf32, #tpu.memory_space<vmem_shared>> -> memref<10112x64xf32, #tpu.memory_space<vmem_shared>>
        tpu.enqueue_indirect_dma source(%dma_start3A_654 : memref<64x64xf32, #tpu.memory_space<vmem>>) target(%dma_start3A_660 : memref<10112x64xf32, #tpu.memory_space<vmem_shared>>) offsets(%dma_start3A_657 : memref<64xi32, #tpu.memory_space<vmem>>) semaphore(%arg20 : memref<!tpu.dma_semaphore, #tpu.memory_space<semaphore_mem>>) {add = true}
        %dma_wait3A_661 = arith.constant 0 : i32
        %dma_wait3A_662 = arith.constant 2 : i32
        %dma_wait3A_663 = arith.constant 0 : i32
        %dma_wait3A_664 = arith.constant 0 : i32
        %dma_wait3A_665 = tpu.memref_slice %arg9[%dma_wait3A_662, %dma_wait3A_663, %dma_wait3A_664] : memref<8x64x64xf32, #tpu.memory_space<vmem>> -> memref<1x64x64xf32, #tpu.memory_space<vmem>>
        %dma_wait3A_666 = tpu.memref_squeeze %dma_wait3A_665 : memref<1x64x64xf32, #tpu.memory_space<vmem>> -> memref<64x64xf32, #tpu.memory_space<vmem>>
        %dma_wait3A_667 = arith.constant 0 : i32
        %dma_wait3A_668 = tpu.memref_slice %arg7[%dma_wait3A_661, %dma_wait3A_667] : memref<40x64xi32, #tpu.memory_space<vmem>> -> memref<1x64xi32, #tpu.memory_space<vmem>>
        %dma_wait3A_669 = tpu.memref_squeeze %dma_wait3A_668 : memref<1x64xi32, #tpu.memory_space<vmem>> -> memref<64xi32, #tpu.memory_space<vmem>>
        %dma_wait3A_670 = arith.constant 0 : i32
        %dma_wait3A_671 = arith.constant 0 : i32
        %dma_wait3A_672 = tpu.memref_slice %arg2[%dma_wait3A_670, %dma_wait3A_671] : memref<10000x64xf32, #tpu.memory_space<hbm>> -> memref<10000x64xf32, #tpu.memory_space<hbm>>
        tpu.wait_indirect_dma semaphore(%arg13 : memref<!tpu.dma_semaphore, #tpu.memory_space<semaphore_mem>>) src(%dma_wait3A_672 : memref<10000x64xf32, #tpu.memory_space<hbm>>) dst(%dma_wait3A_666 : memref<64x64xf32, #tpu.memory_space<vmem>>)
        %add3A_673 = arith.constant 2 : i32
        %add3A_674 = arith.addi %mul3A_410, %add3A_673 : i32
        %dma_start3A_675 = arith.constant 2 : i32
        %dma_start3A_676 = arith.constant 0 : i32
        %dma_start3A_677 = arith.constant 0 : i32
        %dma_start3A_678 = tpu.memref_slice %arg9[%dma_start3A_675, %dma_start3A_676, %dma_start3A_677] : memref<8x64x64xf32, #tpu.memory_space<vmem>> -> memref<1x64x64xf32, #tpu.memory_space<vmem>>
        %dma_start3A_679 = tpu.memref_squeeze %dma_start3A_678 : memref<1x64x64xf32, #tpu.memory_space<vmem>> -> memref<64x64xf32, #tpu.memory_space<vmem>>
        %dma_start3A_680 = arith.constant 0 : i32
        %dma_start3A_681 = tpu.memref_slice %arg8[%add3A_674, %dma_start3A_680] : memref<40x64xi32, #tpu.memory_space<vmem>> -> memref<1x64xi32, #tpu.memory_space<vmem>>
        %dma_start3A_682 = tpu.memref_squeeze %dma_start3A_681 : memref<1x64xi32, #tpu.memory_space<vmem>> -> memref<64xi32, #tpu.memory_space<vmem>>
        %dma_start3A_683 = arith.constant 0 : i32
        %dma_start3A_684 = arith.constant 0 : i32
        %dma_start3A_685 = tpu.memref_slice %arg10[%dma_start3A_683, %dma_start3A_684] : memref<10112x64xf32, #tpu.memory_space<vmem_shared>> -> memref<10112x64xf32, #tpu.memory_space<vmem_shared>>
        tpu.enqueue_indirect_dma source(%dma_start3A_679 : memref<64x64xf32, #tpu.memory_space<vmem>>) target(%dma_start3A_685 : memref<10112x64xf32, #tpu.memory_space<vmem_shared>>) offsets(%dma_start3A_682 : memref<64xi32, #tpu.memory_space<vmem>>) semaphore(%arg21 : memref<!tpu.dma_semaphore, #tpu.memory_space<semaphore_mem>>) {add = true}
        %dma_wait3A_686 = arith.constant 0 : i32
        %dma_wait3A_687 = arith.constant 3 : i32
        %dma_wait3A_688 = arith.constant 0 : i32
        %dma_wait3A_689 = arith.constant 0 : i32
        %dma_wait3A_690 = tpu.memref_slice %arg9[%dma_wait3A_687, %dma_wait3A_688, %dma_wait3A_689] : memref<8x64x64xf32, #tpu.memory_space<vmem>> -> memref<1x64x64xf32, #tpu.memory_space<vmem>>
        %dma_wait3A_691 = tpu.memref_squeeze %dma_wait3A_690 : memref<1x64x64xf32, #tpu.memory_space<vmem>> -> memref<64x64xf32, #tpu.memory_space<vmem>>
        %dma_wait3A_692 = arith.constant 0 : i32
        %dma_wait3A_693 = tpu.memref_slice %arg7[%dma_wait3A_686, %dma_wait3A_692] : memref<40x64xi32, #tpu.memory_space<vmem>> -> memref<1x64xi32, #tpu.memory_space<vmem>>
        %dma_wait3A_694 = tpu.memref_squeeze %dma_wait3A_693 : memref<1x64xi32, #tpu.memory_space<vmem>> -> memref<64xi32, #tpu.memory_space<vmem>>
        %dma_wait3A_695 = arith.constant 0 : i32
        %dma_wait3A_696 = arith.constant 0 : i32
        %dma_wait3A_697 = tpu.memref_slice %arg2[%dma_wait3A_695, %dma_wait3A_696] : memref<10000x64xf32, #tpu.memory_space<hbm>> -> memref<10000x64xf32, #tpu.memory_space<hbm>>
        tpu.wait_indirect_dma semaphore(%arg14 : memref<!tpu.dma_semaphore, #tpu.memory_space<semaphore_mem>>) src(%dma_wait3A_697 : memref<10000x64xf32, #tpu.memory_space<hbm>>) dst(%dma_wait3A_691 : memref<64x64xf32, #tpu.memory_space<vmem>>)
        %add3A_698 = arith.constant 3 : i32
        %add3A_699 = arith.addi %mul3A_410, %add3A_698 : i32
        %dma_start3A_700 = arith.constant 3 : i32
        %dma_start3A_701 = arith.constant 0 : i32
        %dma_start3A_702 = arith.constant 0 : i32
        %dma_start3A_703 = tpu.memref_slice %arg9[%dma_start3A_700, %dma_start3A_701, %dma_start3A_702] : memref<8x64x64xf32, #tpu.memory_space<vmem>> -> memref<1x64x64xf32, #tpu.memory_space<vmem>>
        %dma_start3A_704 = tpu.memref_squeeze %dma_start3A_703 : memref<1x64x64xf32, #tpu.memory_space<vmem>> -> memref<64x64xf32, #tpu.memory_space<vmem>>
        %dma_start3A_705 = arith.constant 0 : i32
        %dma_start3A_706 = tpu.memref_slice %arg8[%add3A_699, %dma_start3A_705] : memref<40x64xi32, #tpu.memory_space<vmem>> -> memref<1x64xi32, #tpu.memory_space<vmem>>
        %dma_start3A_707 = tpu.memref_squeeze %dma_start3A_706 : memref<1x64xi32, #tpu.memory_space<vmem>> -> memref<64xi32, #tpu.memory_space<vmem>>
        %dma_start3A_708 = arith.constant 0 : i32
        %dma_start3A_709 = arith.constant 0 : i32
        %dma_start3A_710 = tpu.memref_slice %arg10[%dma_start3A_708, %dma_start3A_709] : memref<10112x64xf32, #tpu.memory_space<vmem_shared>> -> memref<10112x64xf32, #tpu.memory_space<vmem_shared>>
        tpu.enqueue_indirect_dma source(%dma_start3A_704 : memref<64x64xf32, #tpu.memory_space<vmem>>) target(%dma_start3A_710 : memref<10112x64xf32, #tpu.memory_space<vmem_shared>>) offsets(%dma_start3A_707 : memref<64xi32, #tpu.memory_space<vmem>>) semaphore(%arg22 : memref<!tpu.dma_semaphore, #tpu.memory_space<semaphore_mem>>) {add = true}
        %dma_wait3A_711 = arith.constant 0 : i32
        %dma_wait3A_712 = arith.constant 4 : i32
        %dma_wait3A_713 = arith.constant 0 : i32
        %dma_wait3A_714 = arith.constant 0 : i32
        %dma_wait3A_715 = tpu.memref_slice %arg9[%dma_wait3A_712, %dma_wait3A_713, %dma_wait3A_714] : memref<8x64x64xf32, #tpu.memory_space<vmem>> -> memref<1x64x64xf32, #tpu.memory_space<vmem>>
        %dma_wait3A_716 = tpu.memref_squeeze %dma_wait3A_715 : memref<1x64x64xf32, #tpu.memory_space<vmem>> -> memref<64x64xf32, #tpu.memory_space<vmem>>
        %dma_wait3A_717 = arith.constant 0 : i32
        %dma_wait3A_718 = tpu.memref_slice %arg7[%dma_wait3A_711, %dma_wait3A_717] : memref<40x64xi32, #tpu.memory_space<vmem>> -> memref<1x64xi32, #tpu.memory_space<vmem>>
        %dma_wait3A_719 = tpu.memref_squeeze %dma_wait3A_718 : memref<1x64xi32, #tpu.memory_space<vmem>> -> memref<64xi32, #tpu.memory_space<vmem>>
        %dma_wait3A_720 = arith.constant 0 : i32
        %dma_wait3A_721 = arith.constant 0 : i32
        %dma_wait3A_722 = tpu.memref_slice %arg2[%dma_wait3A_720, %dma_wait3A_721] : memref<10000x64xf32, #tpu.memory_space<hbm>> -> memref<10000x64xf32, #tpu.memory_space<hbm>>
        tpu.wait_indirect_dma semaphore(%arg15 : memref<!tpu.dma_semaphore, #tpu.memory_space<semaphore_mem>>) src(%dma_wait3A_722 : memref<10000x64xf32, #tpu.memory_space<hbm>>) dst(%dma_wait3A_716 : memref<64x64xf32, #tpu.memory_space<vmem>>)
        %add3A_723 = arith.constant 4 : i32
        %add3A_724 = arith.addi %mul3A_410, %add3A_723 : i32
        %dma_start3A_725 = arith.constant 4 : i32
        %dma_start3A_726 = arith.constant 0 : i32
        %dma_start3A_727 = arith.constant 0 : i32
        %dma_start3A_728 = tpu.memref_slice %arg9[%dma_start3A_725, %dma_start3A_726, %dma_start3A_727] : memref<8x64x64xf32, #tpu.memory_space<vmem>> -> memref<1x64x64xf32, #tpu.memory_space<vmem>>
        %dma_start3A_729 = tpu.memref_squeeze %dma_start3A_728 : memref<1x64x64xf32, #tpu.memory_space<vmem>> -> memref<64x64xf32, #tpu.memory_space<vmem>>
        %dma_start3A_730 = arith.constant 0 : i32
        %dma_start3A_731 = tpu.memref_slice %arg8[%add3A_724, %dma_start3A_730] : memref<40x64xi32, #tpu.memory_space<vmem>> -> memref<1x64xi32, #tpu.memory_space<vmem>>
        %dma_start3A_732 = tpu.memref_squeeze %dma_start3A_731 : memref<1x64xi32, #tpu.memory_space<vmem>> -> memref<64xi32, #tpu.memory_space<vmem>>
        %dma_start3A_733 = arith.constant 0 : i32
        %dma_start3A_734 = arith.constant 0 : i32
        %dma_start3A_735 = tpu.memref_slice %arg10[%dma_start3A_733, %dma_start3A_734] : memref<10112x64xf32, #tpu.memory_space<vmem_shared>> -> memref<10112x64xf32, #tpu.memory_space<vmem_shared>>
        tpu.enqueue_indirect_dma source(%dma_start3A_729 : memref<64x64xf32, #tpu.memory_space<vmem>>) target(%dma_start3A_735 : memref<10112x64xf32, #tpu.memory_space<vmem_shared>>) offsets(%dma_start3A_732 : memref<64xi32, #tpu.memory_space<vmem>>) semaphore(%arg23 : memref<!tpu.dma_semaphore, #tpu.memory_space<semaphore_mem>>) {add = true}
        %dma_wait3A_736 = arith.constant 0 : i32
        %dma_wait3A_737 = arith.constant 5 : i32
        %dma_wait3A_738 = arith.constant 0 : i32
        %dma_wait3A_739 = arith.constant 0 : i32
        %dma_wait3A_740 = tpu.memref_slice %arg9[%dma_wait3A_737, %dma_wait3A_738, %dma_wait3A_739] : memref<8x64x64xf32, #tpu.memory_space<vmem>> -> memref<1x64x64xf32, #tpu.memory_space<vmem>>
        %dma_wait3A_741 = tpu.memref_squeeze %dma_wait3A_740 : memref<1x64x64xf32, #tpu.memory_space<vmem>> -> memref<64x64xf32, #tpu.memory_space<vmem>>
        %dma_wait3A_742 = arith.constant 0 : i32
        %dma_wait3A_743 = tpu.memref_slice %arg7[%dma_wait3A_736, %dma_wait3A_742] : memref<40x64xi32, #tpu.memory_space<vmem>> -> memref<1x64xi32, #tpu.memory_space<vmem>>
        %dma_wait3A_744 = tpu.memref_squeeze %dma_wait3A_743 : memref<1x64xi32, #tpu.memory_space<vmem>> -> memref<64xi32, #tpu.memory_space<vmem>>
        %dma_wait3A_745 = arith.constant 0 : i32
        %dma_wait3A_746 = arith.constant 0 : i32
        %dma_wait3A_747 = tpu.memref_slice %arg2[%dma_wait3A_745, %dma_wait3A_746] : memref<10000x64xf32, #tpu.memory_space<hbm>> -> memref<10000x64xf32, #tpu.memory_space<hbm>>
        tpu.wait_indirect_dma semaphore(%arg16 : memref<!tpu.dma_semaphore, #tpu.memory_space<semaphore_mem>>) src(%dma_wait3A_747 : memref<10000x64xf32, #tpu.memory_space<hbm>>) dst(%dma_wait3A_741 : memref<64x64xf32, #tpu.memory_space<vmem>>)
        %add3A_748 = arith.constant 5 : i32
        %add3A_749 = arith.addi %mul3A_410, %add3A_748 : i32
        %dma_start3A_750 = arith.constant 5 : i32
        %dma_start3A_751 = arith.constant 0 : i32
        %dma_start3A_752 = arith.constant 0 : i32
        %dma_start3A_753 = tpu.memref_slice %arg9[%dma_start3A_750, %dma_start3A_751, %dma_start3A_752] : memref<8x64x64xf32, #tpu.memory_space<vmem>> -> memref<1x64x64xf32, #tpu.memory_space<vmem>>
        %dma_start3A_754 = tpu.memref_squeeze %dma_start3A_753 : memref<1x64x64xf32, #tpu.memory_space<vmem>> -> memref<64x64xf32, #tpu.memory_space<vmem>>
        %dma_start3A_755 = arith.constant 0 : i32
        %dma_start3A_756 = tpu.memref_slice %arg8[%add3A_749, %dma_start3A_755] : memref<40x64xi32, #tpu.memory_space<vmem>> -> memref<1x64xi32, #tpu.memory_space<vmem>>
        %dma_start3A_757 = tpu.memref_squeeze %dma_start3A_756 : memref<1x64xi32, #tpu.memory_space<vmem>> -> memref<64xi32, #tpu.memory_space<vmem>>
        %dma_start3A_758 = arith.constant 0 : i32
        %dma_start3A_759 = arith.constant 0 : i32
        %dma_start3A_760 = tpu.memref_slice %arg10[%dma_start3A_758, %dma_start3A_759] : memref<10112x64xf32, #tpu.memory_space<vmem_shared>> -> memref<10112x64xf32, #tpu.memory_space<vmem_shared>>
        tpu.enqueue_indirect_dma source(%dma_start3A_754 : memref<64x64xf32, #tpu.memory_space<vmem>>) target(%dma_start3A_760 : memref<10112x64xf32, #tpu.memory_space<vmem_shared>>) offsets(%dma_start3A_757 : memref<64xi32, #tpu.memory_space<vmem>>) semaphore(%arg24 : memref<!tpu.dma_semaphore, #tpu.memory_space<semaphore_mem>>) {add = true}
        %dma_wait3A_761 = arith.constant 0 : i32
        %dma_wait3A_762 = arith.constant 6 : i32
        %dma_wait3A_763 = arith.constant 0 : i32
        %dma_wait3A_764 = arith.constant 0 : i32
        %dma_wait3A_765 = tpu.memref_slice %arg9[%dma_wait3A_762, %dma_wait3A_763, %dma_wait3A_764] : memref<8x64x64xf32, #tpu.memory_space<vmem>> -> memref<1x64x64xf32, #tpu.memory_space<vmem>>
        %dma_wait3A_766 = tpu.memref_squeeze %dma_wait3A_765 : memref<1x64x64xf32, #tpu.memory_space<vmem>> -> memref<64x64xf32, #tpu.memory_space<vmem>>
        %dma_wait3A_767 = arith.constant 0 : i32
        %dma_wait3A_768 = tpu.memref_slice %arg7[%dma_wait3A_761, %dma_wait3A_767] : memref<40x64xi32, #tpu.memory_space<vmem>> -> memref<1x64xi32, #tpu.memory_space<vmem>>
        %dma_wait3A_769 = tpu.memref_squeeze %dma_wait3A_768 : memref<1x64xi32, #tpu.memory_space<vmem>> -> memref<64xi32, #tpu.memory_space<vmem>>
        %dma_wait3A_770 = arith.constant 0 : i32
        %dma_wait3A_771 = arith.constant 0 : i32
        %dma_wait3A_772 = tpu.memref_slice %arg2[%dma_wait3A_770, %dma_wait3A_771] : memref<10000x64xf32, #tpu.memory_space<hbm>> -> memref<10000x64xf32, #tpu.memory_space<hbm>>
        tpu.wait_indirect_dma semaphore(%arg17 : memref<!tpu.dma_semaphore, #tpu.memory_space<semaphore_mem>>) src(%dma_wait3A_772 : memref<10000x64xf32, #tpu.memory_space<hbm>>) dst(%dma_wait3A_766 : memref<64x64xf32, #tpu.memory_space<vmem>>)
        %add3A_773 = arith.constant 6 : i32
        %add3A_774 = arith.addi %mul3A_410, %add3A_773 : i32
        %dma_start3A_775 = arith.constant 6 : i32
        %dma_start3A_776 = arith.constant 0 : i32
        %dma_start3A_777 = arith.constant 0 : i32
        %dma_start3A_778 = tpu.memref_slice %arg9[%dma_start3A_775, %dma_start3A_776, %dma_start3A_777] : memref<8x64x64xf32, #tpu.memory_space<vmem>> -> memref<1x64x64xf32, #tpu.memory_space<vmem>>
        %dma_start3A_779 = tpu.memref_squeeze %dma_start3A_778 : memref<1x64x64xf32, #tpu.memory_space<vmem>> -> memref<64x64xf32, #tpu.memory_space<vmem>>
        %dma_start3A_780 = arith.constant 0 : i32
        %dma_start3A_781 = tpu.memref_slice %arg8[%add3A_774, %dma_start3A_780] : memref<40x64xi32, #tpu.memory_space<vmem>> -> memref<1x64xi32, #tpu.memory_space<vmem>>
        %dma_start3A_782 = tpu.memref_squeeze %dma_start3A_781 : memref<1x64xi32, #tpu.memory_space<vmem>> -> memref<64xi32, #tpu.memory_space<vmem>>
        %dma_start3A_783 = arith.constant 0 : i32
        %dma_start3A_784 = arith.constant 0 : i32
        %dma_start3A_785 = tpu.memref_slice %arg10[%dma_start3A_783, %dma_start3A_784] : memref<10112x64xf32, #tpu.memory_space<vmem_shared>> -> memref<10112x64xf32, #tpu.memory_space<vmem_shared>>
        tpu.enqueue_indirect_dma source(%dma_start3A_779 : memref<64x64xf32, #tpu.memory_space<vmem>>) target(%dma_start3A_785 : memref<10112x64xf32, #tpu.memory_space<vmem_shared>>) offsets(%dma_start3A_782 : memref<64xi32, #tpu.memory_space<vmem>>) semaphore(%arg25 : memref<!tpu.dma_semaphore, #tpu.memory_space<semaphore_mem>>) {add = true}
        %dma_wait3A_786 = arith.constant 0 : i32
        %dma_wait3A_787 = arith.constant 7 : i32
        %dma_wait3A_788 = arith.constant 0 : i32
        %dma_wait3A_789 = arith.constant 0 : i32
        %dma_wait3A_790 = tpu.memref_slice %arg9[%dma_wait3A_787, %dma_wait3A_788, %dma_wait3A_789] : memref<8x64x64xf32, #tpu.memory_space<vmem>> -> memref<1x64x64xf32, #tpu.memory_space<vmem>>
        %dma_wait3A_791 = tpu.memref_squeeze %dma_wait3A_790 : memref<1x64x64xf32, #tpu.memory_space<vmem>> -> memref<64x64xf32, #tpu.memory_space<vmem>>
        %dma_wait3A_792 = arith.constant 0 : i32
        %dma_wait3A_793 = tpu.memref_slice %arg7[%dma_wait3A_786, %dma_wait3A_792] : memref<40x64xi32, #tpu.memory_space<vmem>> -> memref<1x64xi32, #tpu.memory_space<vmem>>
        %dma_wait3A_794 = tpu.memref_squeeze %dma_wait3A_793 : memref<1x64xi32, #tpu.memory_space<vmem>> -> memref<64xi32, #tpu.memory_space<vmem>>
        %dma_wait3A_795 = arith.constant 0 : i32
        %dma_wait3A_796 = arith.constant 0 : i32
        %dma_wait3A_797 = tpu.memref_slice %arg2[%dma_wait3A_795, %dma_wait3A_796] : memref<10000x64xf32, #tpu.memory_space<hbm>> -> memref<10000x64xf32, #tpu.memory_space<hbm>>
        tpu.wait_indirect_dma semaphore(%arg18 : memref<!tpu.dma_semaphore, #tpu.memory_space<semaphore_mem>>) src(%dma_wait3A_797 : memref<10000x64xf32, #tpu.memory_space<hbm>>) dst(%dma_wait3A_791 : memref<64x64xf32, #tpu.memory_space<vmem>>)
        %add3A_798 = arith.constant 7 : i32
        %add3A_799 = arith.addi %mul3A_410, %add3A_798 : i32
        %dma_start3A_800 = arith.constant 7 : i32
        %dma_start3A_801 = arith.constant 0 : i32
        %dma_start3A_802 = arith.constant 0 : i32
        %dma_start3A_803 = tpu.memref_slice %arg9[%dma_start3A_800, %dma_start3A_801, %dma_start3A_802] : memref<8x64x64xf32, #tpu.memory_space<vmem>> -> memref<1x64x64xf32, #tpu.memory_space<vmem>>
        %dma_start3A_804 = tpu.memref_squeeze %dma_start3A_803 : memref<1x64x64xf32, #tpu.memory_space<vmem>> -> memref<64x64xf32, #tpu.memory_space<vmem>>
        %dma_start3A_805 = arith.constant 0 : i32
        %dma_start3A_806 = tpu.memref_slice %arg8[%add3A_799, %dma_start3A_805] : memref<40x64xi32, #tpu.memory_space<vmem>> -> memref<1x64xi32, #tpu.memory_space<vmem>>
        %dma_start3A_807 = tpu.memref_squeeze %dma_start3A_806 : memref<1x64xi32, #tpu.memory_space<vmem>> -> memref<64xi32, #tpu.memory_space<vmem>>
        %dma_start3A_808 = arith.constant 0 : i32
        %dma_start3A_809 = arith.constant 0 : i32
        %dma_start3A_810 = tpu.memref_slice %arg10[%dma_start3A_808, %dma_start3A_809] : memref<10112x64xf32, #tpu.memory_space<vmem_shared>> -> memref<10112x64xf32, #tpu.memory_space<vmem_shared>>
        tpu.enqueue_indirect_dma source(%dma_start3A_804 : memref<64x64xf32, #tpu.memory_space<vmem>>) target(%dma_start3A_810 : memref<10112x64xf32, #tpu.memory_space<vmem_shared>>) offsets(%dma_start3A_807 : memref<64xi32, #tpu.memory_space<vmem>>) semaphore(%arg26 : memref<!tpu.dma_semaphore, #tpu.memory_space<semaphore_mem>>) {add = true}
      }
      %scan3A_311 = arith.constant 4 : i32
      %dma_wait3A_312 = arith.constant 0 : i32
      %dma_wait3A_313 = arith.constant 0 : i32
      %dma_wait3A_314 = arith.constant 0 : i32
      %dma_wait3A_315 = arith.constant 0 : i32
      %dma_wait3A_316 = tpu.memref_slice %arg9[%dma_wait3A_312, %dma_wait3A_314, %dma_wait3A_315] : memref<8x64x64xf32, #tpu.memory_space<vmem>> -> memref<1x64x64xf32, #tpu.memory_space<vmem>>
      %dma_wait3A_317 = tpu.memref_squeeze %dma_wait3A_316 : memref<1x64x64xf32, #tpu.memory_space<vmem>> -> memref<64x64xf32, #tpu.memory_space<vmem>>
      %dma_wait3A_318 = arith.constant 0 : i32
      %dma_wait3A_319 = tpu.memref_slice %arg8[%dma_wait3A_313, %dma_wait3A_318] : memref<40x64xi32, #tpu.memory_space<vmem>> -> memref<1x64xi32, #tpu.memory_space<vmem>>
      %dma_wait3A_320 = tpu.memref_squeeze %dma_wait3A_319 : memref<1x64xi32, #tpu.memory_space<vmem>> -> memref<64xi32, #tpu.memory_space<vmem>>
      %dma_wait3A_321 = arith.constant 0 : i32
      %dma_wait3A_322 = arith.constant 0 : i32
      %dma_wait3A_323 = tpu.memref_slice %arg10[%dma_wait3A_321, %dma_wait3A_322] : memref<10112x64xf32, #tpu.memory_space<vmem_shared>> -> memref<10112x64xf32, #tpu.memory_space<vmem_shared>>
      tpu.wait_indirect_dma semaphore(%arg19 : memref<!tpu.dma_semaphore, #tpu.memory_space<semaphore_mem>>) src(%dma_wait3A_317 : memref<64x64xf32, #tpu.memory_space<vmem>>) dst(%dma_wait3A_323 : memref<10112x64xf32, #tpu.memory_space<vmem_shared>>)
      %dma_wait3A_324 = arith.constant 1 : i32
      %dma_wait3A_325 = arith.constant 0 : i32
      %dma_wait3A_326 = arith.constant 0 : i32
      %dma_wait3A_327 = arith.constant 0 : i32
      %dma_wait3A_328 = tpu.memref_slice %arg9[%dma_wait3A_324, %dma_wait3A_326, %dma_wait3A_327] : memref<8x64x64xf32, #tpu.memory_space<vmem>> -> memref<1x64x64xf32, #tpu.memory_space<vmem>>
      %dma_wait3A_329 = tpu.memref_squeeze %dma_wait3A_328 : memref<1x64x64xf32, #tpu.memory_space<vmem>> -> memref<64x64xf32, #tpu.memory_space<vmem>>
      %dma_wait3A_330 = arith.constant 0 : i32
      %dma_wait3A_331 = tpu.memref_slice %arg8[%dma_wait3A_325, %dma_wait3A_330] : memref<40x64xi32, #tpu.memory_space<vmem>> -> memref<1x64xi32, #tpu.memory_space<vmem>>
      %dma_wait3A_332 = tpu.memref_squeeze %dma_wait3A_331 : memref<1x64xi32, #tpu.memory_space<vmem>> -> memref<64xi32, #tpu.memory_space<vmem>>
      %dma_wait3A_333 = arith.constant 0 : i32
      %dma_wait3A_334 = arith.constant 0 : i32
      %dma_wait3A_335 = tpu.memref_slice %arg10[%dma_wait3A_333, %dma_wait3A_334] : memref<10112x64xf32, #tpu.memory_space<vmem_shared>> -> memref<10112x64xf32, #tpu.memory_space<vmem_shared>>
      tpu.wait_indirect_dma semaphore(%arg20 : memref<!tpu.dma_semaphore, #tpu.memory_space<semaphore_mem>>) src(%dma_wait3A_329 : memref<64x64xf32, #tpu.memory_space<vmem>>) dst(%dma_wait3A_335 : memref<10112x64xf32, #tpu.memory_space<vmem_shared>>)
      %dma_wait3A_336 = arith.constant 2 : i32
      %dma_wait3A_337 = arith.constant 0 : i32
      %dma_wait3A_338 = arith.constant 0 : i32
      %dma_wait3A_339 = arith.constant 0 : i32
      %dma_wait3A_340 = tpu.memref_slice %arg9[%dma_wait3A_336, %dma_wait3A_338, %dma_wait3A_339] : memref<8x64x64xf32, #tpu.memory_space<vmem>> -> memref<1x64x64xf32, #tpu.memory_space<vmem>>
      %dma_wait3A_341 = tpu.memref_squeeze %dma_wait3A_340 : memref<1x64x64xf32, #tpu.memory_space<vmem>> -> memref<64x64xf32, #tpu.memory_space<vmem>>
      %dma_wait3A_342 = arith.constant 0 : i32
      %dma_wait3A_343 = tpu.memref_slice %arg8[%dma_wait3A_337, %dma_wait3A_342] : memref<40x64xi32, #tpu.memory_space<vmem>> -> memref<1x64xi32, #tpu.memory_space<vmem>>
      %dma_wait3A_344 = tpu.memref_squeeze %dma_wait3A_343 : memref<1x64xi32, #tpu.memory_space<vmem>> -> memref<64xi32, #tpu.memory_space<vmem>>
      %dma_wait3A_345 = arith.constant 0 : i32
      %dma_wait3A_346 = arith.constant 0 : i32
      %dma_wait3A_347 = tpu.memref_slice %arg10[%dma_wait3A_345, %dma_wait3A_346] : memref<10112x64xf32, #tpu.memory_space<vmem_shared>> -> memref<10112x64xf32, #tpu.memory_space<vmem_shared>>
      tpu.wait_indirect_dma semaphore(%arg21 : memref<!tpu.dma_semaphore, #tpu.memory_space<semaphore_mem>>) src(%dma_wait3A_341 : memref<64x64xf32, #tpu.memory_space<vmem>>) dst(%dma_wait3A_347 : memref<10112x64xf32, #tpu.memory_space<vmem_shared>>)
      %dma_wait3A_348 = arith.constant 3 : i32
      %dma_wait3A_349 = arith.constant 0 : i32
      %dma_wait3A_350 = arith.constant 0 : i32
      %dma_wait3A_351 = arith.constant 0 : i32
      %dma_wait3A_352 = tpu.memref_slice %arg9[%dma_wait3A_348, %dma_wait3A_350, %dma_wait3A_351] : memref<8x64x64xf32, #tpu.memory_space<vmem>> -> memref<1x64x64xf32, #tpu.memory_space<vmem>>
      %dma_wait3A_353 = tpu.memref_squeeze %dma_wait3A_352 : memref<1x64x64xf32, #tpu.memory_space<vmem>> -> memref<64x64xf32, #tpu.memory_space<vmem>>
      %dma_wait3A_354 = arith.constant 0 : i32
      %dma_wait3A_355 = tpu.memref_slice %arg8[%dma_wait3A_349, %dma_wait3A_354] : memref<40x64xi32, #tpu.memory_space<vmem>> -> memref<1x64xi32, #tpu.memory_space<vmem>>
      %dma_wait3A_356 = tpu.memref_squeeze %dma_wait3A_355 : memref<1x64xi32, #tpu.memory_space<vmem>> -> memref<64xi32, #tpu.memory_space<vmem>>
      %dma_wait3A_357 = arith.constant 0 : i32
      %dma_wait3A_358 = arith.constant 0 : i32
      %dma_wait3A_359 = tpu.memref_slice %arg10[%dma_wait3A_357, %dma_wait3A_358] : memref<10112x64xf32, #tpu.memory_space<vmem_shared>> -> memref<10112x64xf32, #tpu.memory_space<vmem_shared>>
      tpu.wait_indirect_dma semaphore(%arg22 : memref<!tpu.dma_semaphore, #tpu.memory_space<semaphore_mem>>) src(%dma_wait3A_353 : memref<64x64xf32, #tpu.memory_space<vmem>>) dst(%dma_wait3A_359 : memref<10112x64xf32, #tpu.memory_space<vmem_shared>>)
      %dma_wait3A_360 = arith.constant 4 : i32
      %dma_wait3A_361 = arith.constant 0 : i32
      %dma_wait3A_362 = arith.constant 0 : i32
      %dma_wait3A_363 = arith.constant 0 : i32
      %dma_wait3A_364 = tpu.memref_slice %arg9[%dma_wait3A_360, %dma_wait3A_362, %dma_wait3A_363] : memref<8x64x64xf32, #tpu.memory_space<vmem>> -> memref<1x64x64xf32, #tpu.memory_space<vmem>>
      %dma_wait3A_365 = tpu.memref_squeeze %dma_wait3A_364 : memref<1x64x64xf32, #tpu.memory_space<vmem>> -> memref<64x64xf32, #tpu.memory_space<vmem>>
      %dma_wait3A_366 = arith.constant 0 : i32
      %dma_wait3A_367 = tpu.memref_slice %arg8[%dma_wait3A_361, %dma_wait3A_366] : memref<40x64xi32, #tpu.memory_space<vmem>> -> memref<1x64xi32, #tpu.memory_space<vmem>>
      %dma_wait3A_368 = tpu.memref_squeeze %dma_wait3A_367 : memref<1x64xi32, #tpu.memory_space<vmem>> -> memref<64xi32, #tpu.memory_space<vmem>>
      %dma_wait3A_369 = arith.constant 0 : i32
      %dma_wait3A_370 = arith.constant 0 : i32
      %dma_wait3A_371 = tpu.memref_slice %arg10[%dma_wait3A_369, %dma_wait3A_370] : memref<10112x64xf32, #tpu.memory_space<vmem_shared>> -> memref<10112x64xf32, #tpu.memory_space<vmem_shared>>
      tpu.wait_indirect_dma semaphore(%arg23 : memref<!tpu.dma_semaphore, #tpu.memory_space<semaphore_mem>>) src(%dma_wait3A_365 : memref<64x64xf32, #tpu.memory_space<vmem>>) dst(%dma_wait3A_371 : memref<10112x64xf32, #tpu.memory_space<vmem_shared>>)
      %dma_wait3A_372 = arith.constant 5 : i32
      %dma_wait3A_373 = arith.constant 0 : i32
      %dma_wait3A_374 = arith.constant 0 : i32
      %dma_wait3A_375 = arith.constant 0 : i32
      %dma_wait3A_376 = tpu.memref_slice %arg9[%dma_wait3A_372, %dma_wait3A_374, %dma_wait3A_375] : memref<8x64x64xf32, #tpu.memory_space<vmem>> -> memref<1x64x64xf32, #tpu.memory_space<vmem>>
      %dma_wait3A_377 = tpu.memref_squeeze %dma_wait3A_376 : memref<1x64x64xf32, #tpu.memory_space<vmem>> -> memref<64x64xf32, #tpu.memory_space<vmem>>
      %dma_wait3A_378 = arith.constant 0 : i32
      %dma_wait3A_379 = tpu.memref_slice %arg8[%dma_wait3A_373, %dma_wait3A_378] : memref<40x64xi32, #tpu.memory_space<vmem>> -> memref<1x64xi32, #tpu.memory_space<vmem>>
      %dma_wait3A_380 = tpu.memref_squeeze %dma_wait3A_379 : memref<1x64xi32, #tpu.memory_space<vmem>> -> memref<64xi32, #tpu.memory_space<vmem>>
      %dma_wait3A_381 = arith.constant 0 : i32
      %dma_wait3A_382 = arith.constant 0 : i32
      %dma_wait3A_383 = tpu.memref_slice %arg10[%dma_wait3A_381, %dma_wait3A_382] : memref<10112x64xf32, #tpu.memory_space<vmem_shared>> -> memref<10112x64xf32, #tpu.memory_space<vmem_shared>>
      tpu.wait_indirect_dma semaphore(%arg24 : memref<!tpu.dma_semaphore, #tpu.memory_space<semaphore_mem>>) src(%dma_wait3A_377 : memref<64x64xf32, #tpu.memory_space<vmem>>) dst(%dma_wait3A_383 : memref<10112x64xf32, #tpu.memory_space<vmem_shared>>)
      %dma_wait3A_384 = arith.constant 6 : i32
      %dma_wait3A_385 = arith.constant 0 : i32
      %dma_wait3A_386 = arith.constant 0 : i32
      %dma_wait3A_387 = arith.constant 0 : i32
      %dma_wait3A_388 = tpu.memref_slice %arg9[%dma_wait3A_384, %dma_wait3A_386, %dma_wait3A_387] : memref<8x64x64xf32, #tpu.memory_space<vmem>> -> memref<1x64x64xf32, #tpu.memory_space<vmem>>
      %dma_wait3A_389 = tpu.memref_squeeze %dma_wait3A_388 : memref<1x64x64xf32, #tpu.memory_space<vmem>> -> memref<64x64xf32, #tpu.memory_space<vmem>>
      %dma_wait3A_390 = arith.constant 0 : i32
      %dma_wait3A_391 = tpu.memref_slice %arg8[%dma_wait3A_385, %dma_wait3A_390] : memref<40x64xi32, #tpu.memory_space<vmem>> -> memref<1x64xi32, #tpu.memory_space<vmem>>
      %dma_wait3A_392 = tpu.memref_squeeze %dma_wait3A_391 : memref<1x64xi32, #tpu.memory_space<vmem>> -> memref<64xi32, #tpu.memory_space<vmem>>
      %dma_wait3A_393 = arith.constant 0 : i32
      %dma_wait3A_394 = arith.constant 0 : i32
      %dma_wait3A_395 = tpu.memref_slice %arg10[%dma_wait3A_393, %dma_wait3A_394] : memref<10112x64xf32, #tpu.memory_space<vmem_shared>> -> memref<10112x64xf32, #tpu.memory_space<vmem_shared>>
      tpu.wait_indirect_dma semaphore(%arg25 : memref<!tpu.dma_semaphore, #tpu.memory_space<semaphore_mem>>) src(%dma_wait3A_389 : memref<64x64xf32, #tpu.memory_space<vmem>>) dst(%dma_wait3A_395 : memref<10112x64xf32, #tpu.memory_space<vmem_shared>>)
      %dma_wait3A_396 = arith.constant 7 : i32
      %dma_wait3A_397 = arith.constant 0 : i32
      %dma_wait3A_398 = arith.constant 0 : i32
      %dma_wait3A_399 = arith.constant 0 : i32
      %dma_wait3A_400 = tpu.memref_slice %arg9[%dma_wait3A_396, %dma_wait3A_398, %dma_wait3A_399] : memref<8x64x64xf32, #tpu.memory_space<vmem>> -> memref<1x64x64xf32, #tpu.memory_space<vmem>>
      %dma_wait3A_401 = tpu.memref_squeeze %dma_wait3A_400 : memref<1x64x64xf32, #tpu.memory_space<vmem>> -> memref<64x64xf32, #tpu.memory_space<vmem>>
      %dma_wait3A_402 = arith.constant 0 : i32
      %dma_wait3A_403 = tpu.memref_slice %arg8[%dma_wait3A_397, %dma_wait3A_402] : memref<40x64xi32, #tpu.memory_space<vmem>> -> memref<1x64xi32, #tpu.memory_space<vmem>>
      %dma_wait3A_404 = tpu.memref_squeeze %dma_wait3A_403 : memref<1x64xi32, #tpu.memory_space<vmem>> -> memref<64xi32, #tpu.memory_space<vmem>>
      %dma_wait3A_405 = arith.constant 0 : i32
      %dma_wait3A_406 = arith.constant 0 : i32
      %dma_wait3A_407 = tpu.memref_slice %arg10[%dma_wait3A_405, %dma_wait3A_406] : memref<10112x64xf32, #tpu.memory_space<vmem_shared>> -> memref<10112x64xf32, #tpu.memory_space<vmem_shared>>
      tpu.wait_indirect_dma semaphore(%arg26 : memref<!tpu.dma_semaphore, #tpu.memory_space<semaphore_mem>>) src(%dma_wait3A_401 : memref<64x64xf32, #tpu.memory_space<vmem>>) dst(%dma_wait3A_407 : memref<10112x64xf32, #tpu.memory_space<vmem_shared>>)
    }
    %scan3A_7 = arith.constant 8 : i32
    %barrier3A_8 = arith.constant 0 : index
    tpu.barrier barrier_id(%barrier3A_8)
    %lt3A = arith.constant 15 : i32
    %lt3A_9 = arith.cmpi slt, %arg1, %lt3A : i32
    %convert_element_type3A = arith.extui %lt3A_9 : i1 to i32
    %cond3A = arith.constant 0 : i32
    %cond3A_10 = arith.cmpi ne, %convert_element_type3A, %cond3A : i32
    scf.if %cond3A_10 {
      %mul3A_15 = arith.constant 624 : i32
      %mul3A_16 = arith.muli %arg1, %mul3A_15 : i32
      %mul3A_17 = arith.constant 10000 : i32
      %mul3A_18 = arith.muli %arg0, %mul3A_17 : i32
      %mul3A_19 = arith.constant 624 : i32
      %mul3A_20 = arith.muli %arg1, %mul3A_19 : i32
      %add3A_21 = arith.addi %mul3A_18, %mul3A_20 : i32
      "tpu.region"() ({
        %run_scoped3A = tpu.sem_alloc : memref<!tpu.dma_semaphore, #tpu.memory_space<semaphore_mem>>
        %dma_start3A = arith.constant 0 : i32
        %dma_start3A_22 = tpu.memref_slice %arg6[%add3A_21, %dma_start3A] : memref<20000x64xf32, #tpu.memory_space<hbm>> -> memref<624x64xf32, #tpu.memory_space<hbm>>
        %dma_start3A_23 = arith.constant 0 : i32
        %dma_start3A_24 = tpu.memref_slice %arg10[%mul3A_16, %dma_start3A_23] : memref<10112x64xf32, #tpu.memory_space<vmem_shared>> -> memref<624x64xf32, #tpu.memory_space<vmem_shared>>
        tpu.enqueue_dma source(%dma_start3A_24 : memref<624x64xf32, #tpu.memory_space<vmem_shared>>) target(%dma_start3A_22 : memref<624x64xf32, #tpu.memory_space<hbm>>) target_semaphore(%run_scoped3A : memref<!tpu.dma_semaphore, #tpu.memory_space<semaphore_mem>>)
        %dma_wait3A = arith.constant 0 : i32
        %dma_wait3A_25 = tpu.memref_slice %arg6[%add3A_21, %dma_wait3A] : memref<20000x64xf32, #tpu.memory_space<hbm>> -> memref<624x64xf32, #tpu.memory_space<hbm>>
        %dma_wait3A_26 = arith.constant 0 : i32
        %dma_wait3A_27 = tpu.memref_slice %arg10[%mul3A_16, %dma_wait3A_26] : memref<10112x64xf32, #tpu.memory_space<vmem_shared>> -> memref<624x64xf32, #tpu.memory_space<vmem_shared>>
        tpu.wait_dma2 semaphore(%run_scoped3A : memref<!tpu.dma_semaphore, #tpu.memory_space<semaphore_mem>>) src(%dma_wait3A_27 : memref<624x64xf32, #tpu.memory_space<vmem_shared>>) dst(%dma_wait3A_25 : memref<624x64xf32, #tpu.memory_space<hbm>>)
        tpu.yield
      }) : () -> ()
    } else {
    }
    %eq3A = arith.constant 15 : i32
    %eq3A_11 = arith.cmpi eq, %arg1, %eq3A : i32
    %convert_element_type3A_12 = arith.extui %eq3A_11 : i1 to i32
    %cond3A_13 = arith.constant 0 : i32
    %cond3A_14 = arith.cmpi ne, %convert_element_type3A_12, %cond3A_13 : i32
    scf.if %cond3A_14 {
      %mul3A_15 = arith.constant 10000 : i32
      %mul3A_16 = arith.muli %arg0, %mul3A_15 : i32
      %add3A_17 = arith.constant 9360 : i32
      %add3A_18 = arith.addi %mul3A_16, %add3A_17 : i32
      "tpu.region"() ({
        %run_scoped3A = tpu.sem_alloc : memref<!tpu.dma_semaphore, #tpu.memory_space<semaphore_mem>>
        %dma_start3A = arith.constant 0 : i32
        %dma_start3A_19 = tpu.memref_slice %arg6[%add3A_18, %dma_start3A] : memref<20000x64xf32, #tpu.memory_space<hbm>> -> memref<640x64xf32, #tpu.memory_space<hbm>>
        %dma_start3A_20 = arith.constant 9360 : i32
        %dma_start3A_21 = arith.constant 0 : i32
        %dma_start3A_22 = tpu.memref_slice %arg10[%dma_start3A_20, %dma_start3A_21] : memref<10112x64xf32, #tpu.memory_space<vmem_shared>> -> memref<640x64xf32, #tpu.memory_space<vmem_shared>>
        tpu.enqueue_dma source(%dma_start3A_22 : memref<640x64xf32, #tpu.memory_space<vmem_shared>>) target(%dma_start3A_19 : memref<640x64xf32, #tpu.memory_space<hbm>>) target_semaphore(%run_scoped3A : memref<!tpu.dma_semaphore, #tpu.memory_space<semaphore_mem>>)
        %dma_wait3A = arith.constant 0 : i32
        %dma_wait3A_23 = tpu.memref_slice %arg6[%add3A_18, %dma_wait3A] : memref<20000x64xf32, #tpu.memory_space<hbm>> -> memref<640x64xf32, #tpu.memory_space<hbm>>
        %dma_wait3A_24 = arith.constant 9360 : i32
        %dma_wait3A_25 = arith.constant 0 : i32
        %dma_wait3A_26 = tpu.memref_slice %arg10[%dma_wait3A_24, %dma_wait3A_25] : memref<10112x64xf32, #tpu.memory_space<vmem_shared>> -> memref<640x64xf32, #tpu.memory_space<vmem_shared>>
        tpu.wait_dma2 semaphore(%run_scoped3A : memref<!tpu.dma_semaphore, #tpu.memory_space<semaphore_mem>>) src(%dma_wait3A_26 : memref<640x64xf32, #tpu.memory_space<vmem_shared>>) dst(%dma_wait3A_23 : memref<640x64xf32, #tpu.memory_space<hbm>>)
        tpu.yield
      }) : () -> ()
    } else {
    }
    return
  }
}

module attributes {stable_mosaic.version = 14 : i64} {
  func.func @_tc_a_body(%arg0: i32, %arg1: memref<1000x256xf32, #tpu.memory_space<vmem>>, %arg2: memref<1000x128xf32, #tpu.memory_space<vmem>>, %arg3: memref<256x128xf32, #tpu.memory_space<vmem>>, %arg4: memref<1x256xf32, #tpu.memory_space<vmem>>, %arg5: memref<256x256xf32, #tpu.memory_space<vmem>>, %arg6: memref<64x256xf32, #tpu.memory_space<vmem>>, %arg7: memref<1x64xf32, #tpu.memory_space<vmem>>, %arg8: memref<1000x64xf32, #tpu.memory_space<vmem>>, %arg9: memref<1000x128xf32, #tpu.memory_space<vmem>>, %arg10: memref<1000x128xf32, #tpu.memory_space<vmem>>, %arg11: memref<1000x64xf32, #tpu.memory_space<vmem>>) attributes {dimension_semantics = [#tpu.dimension_semantics<arbitrary>], iteration_bounds = array<i64: 10>, scalar_prefetch = 0 : i64, scratch_operands = 0 : i64, tpu.core_type = #tpu.core_type<tc>, window_params = [{transform_indices = @transform_0, window_bounds = array<i64: 1000, 256>}, {transform_indices = @transform_1, window_bounds = array<i64: 1000, 128>}, {pipeline_mode = #tpu.pipeline_mode<synchronous>, transform_indices = @transform_2, window_bounds = array<i64: 256, 128>}, {pipeline_mode = #tpu.pipeline_mode<synchronous>, transform_indices = @transform_3, window_bounds = array<i64: 1, 256>}, {pipeline_mode = #tpu.pipeline_mode<synchronous>, transform_indices = @transform_4, window_bounds = array<i64: 256, 256>}, {pipeline_mode = #tpu.pipeline_mode<synchronous>, transform_indices = @transform_5, window_bounds = array<i64: 64, 256>}, {pipeline_mode = #tpu.pipeline_mode<synchronous>, transform_indices = @transform_6, window_bounds = array<i64: 1, 64>}, {transform_indices = @transform_7, window_bounds = array<i64: 1000, 64>}, {transform_indices = @transform_8, window_bounds = array<i64: 1000, 128>}, {transform_indices = @transform_9, window_bounds = array<i64: 1000, 128>}, {transform_indices = @transform_10, window_bounds = array<i64: 1000, 64>}]} {
    %get3A = arith.constant 0 : index
    %get3A_0 = arith.constant 0 : index
    %get3A_1 = vector.load %arg2[%get3A, %get3A_0] : memref<1000x128xf32, #tpu.memory_space<vmem>>, vector<1000x128xf32>
    %get3A_2 = arith.constant 0 : index
    %get3A_3 = arith.constant 0 : index
    %get3A_4 = vector.load %arg3[%get3A_2, %get3A_3] : memref<256x128xf32, #tpu.memory_space<vmem>>, vector<256x128xf32>
    %transpose3A = tpu.transpose %get3A_4, [1, 0] : vector<256x128xf32> -> vector<128x256xf32>
    %dot_general3A = arith.constant dense<0.000000e+00> : vector<1000x256xf32>
    %dot_general3A_5 = tpu.matmul %get3A_1, %transpose3A, %dot_general3A {dimension_numbers = #tpu.dot_dimension_numbers<[1], [0], [0], [1], [0, 0, 1, 1], [], []>, transpose_lhs_hint = false} : vector<1000x128xf32>, vector<128x256xf32>, vector<1000x256xf32> -> vector<1000x256xf32>
    %get3A_6 = arith.constant 0 : index
    %get3A_7 = arith.constant 0 : index
    %get3A_8 = vector.load %arg4[%get3A_6, %get3A_7] : memref<1x256xf32, #tpu.memory_space<vmem>>, vector<1x256xf32>
    %add3A = vector.broadcast %get3A_8 : vector<1x256xf32> to vector<1000x256xf32>
    %add3A_9 = arith.addf %dot_general3A_5, %add3A : vector<1000x256xf32>
    %lt3A = arith.constant 2 : i32
    %lt3A_10 = arith.cmpi slt, %arg0, %lt3A : i32
    %get3A_11 = arith.constant 0 : index
    %get3A_12 = arith.constant 0 : index
    %get3A_13 = vector.load %arg1[%get3A_11, %get3A_12] : memref<1000x256xf32, #tpu.memory_space<vmem>>, vector<1000x256xf32>
    %select_n3A = arith.select %lt3A_10, %get3A_13, %add3A_9 : vector<1000x256xf32>
    %mul3A = arith.mulf %select_n3A, %select_n3A : vector<1000x256xf32>
    %reduce_sum3A = arith.constant dense<0.000000e+00> : vector<1000xf32>
    %reduce_sum3A_14 = vector.multi_reduction <add>, %mul3A, %reduce_sum3A [1] : vector<1000x256xf32> to vector<1000xf32>
    %broadcast_in_dim3A = vector.shape_cast %reduce_sum3A_14 : vector<1000xf32> to vector<1000x1xf32>
    %sqrt3A = math.sqrt %broadcast_in_dim3A : vector<1000x1xf32>
    %max3A = arith.constant 9.99999996E-13 : f32
    %max3A_15 = vector.broadcast %max3A : f32 to vector<1000x1xf32>
    %max3A_16 = arith.maximumf %sqrt3A, %max3A_15 : vector<1000x1xf32>
    %div3A = vector.broadcast %max3A_16 : vector<1000x1xf32> to vector<1000x256xf32>
    %div3A_17 = arith.divf %select_n3A, %div3A : vector<1000x256xf32>
    %get3A_18 = arith.constant 0 : index
    %get3A_19 = arith.constant 0 : index
    %get3A_20 = vector.load %arg5[%get3A_18, %get3A_19] : memref<256x256xf32, #tpu.memory_space<vmem>>, vector<256x256xf32>
    %dot_general3A_21 = arith.constant dense<0.000000e+00> : vector<1000x256xf32>
    %dot_general3A_22 = tpu.matmul %div3A_17, %get3A_20, %dot_general3A_21 {dimension_numbers = #tpu.dot_dimension_numbers<[1], [0], [0], [1], [0, 0, 1, 1], [], []>, transpose_lhs_hint = false} : vector<1000x256xf32>, vector<256x256xf32>, vector<1000x256xf32> -> vector<1000x256xf32>
    %slice3A = vector.extract_strided_slice %dot_general3A_22 {offsets = [0, 0], sizes = [1000, 128], strides = [1, 1]} : vector<1000x256xf32> to vector<1000x128xf32>
    %swap3A = arith.constant 0 : index
    %swap3A_23 = arith.constant 0 : index
    %swap3A_24 = vector.load %arg9[%swap3A, %swap3A_23] : memref<1000x128xf32, #tpu.memory_space<vmem>>, vector<1000x128xf32>
    tpu.vector_store %arg9[%swap3A, %swap3A_23], %slice3A {strides = array<i32>} : memref<1000x128xf32, #tpu.memory_space<vmem>>, vector<1000x128xf32>,
    %slice3A_25 = vector.extract_strided_slice %dot_general3A_22 {offsets = [0, 128], sizes = [1000, 128], strides = [1, 1]} : vector<1000x256xf32> to vector<1000x128xf32>
    %swap3A_26 = arith.constant 0 : index
    %swap3A_27 = arith.constant 0 : index
    %swap3A_28 = vector.load %arg10[%swap3A_26, %swap3A_27] : memref<1000x128xf32, #tpu.memory_space<vmem>>, vector<1000x128xf32>
    tpu.vector_store %arg10[%swap3A_26, %swap3A_27], %slice3A_25 {strides = array<i32>} : memref<1000x128xf32, #tpu.memory_space<vmem>>, vector<1000x128xf32>,
    %get3A_29 = arith.constant 0 : index
    %get3A_30 = arith.constant 0 : index
    %get3A_31 = vector.load %arg6[%get3A_29, %get3A_30] : memref<64x256xf32, #tpu.memory_space<vmem>>, vector<64x256xf32>
    %transpose3A_32 = tpu.transpose %get3A_31, [1, 0] : vector<64x256xf32> -> vector<256x64xf32>
    %dot_general3A_33 = arith.constant dense<0.000000e+00> : vector<1000x64xf32>
    %dot_general3A_34 = tpu.matmul %div3A_17, %transpose3A_32, %dot_general3A_33 {dimension_numbers = #tpu.dot_dimension_numbers<[1], [0], [0], [1], [0, 0, 1, 1], [], []>, transpose_lhs_hint = false} : vector<1000x256xf32>, vector<256x64xf32>, vector<1000x64xf32> -> vector<1000x64xf32>
    %get3A_35 = arith.constant 0 : index
    %get3A_36 = arith.constant 0 : index
    %get3A_37 = vector.load %arg7[%get3A_35, %get3A_36] : memref<1x64xf32, #tpu.memory_space<vmem>>, vector<1x64xf32>
    %add3A_38 = vector.broadcast %get3A_37 : vector<1x64xf32> to vector<1000x64xf32>
    %add3A_39 = arith.addf %dot_general3A_34, %add3A_38 : vector<1000x64xf32>
    %jit3A = arith.constant 0.00999999977 : f32
    %ge3A = arith.constant 0.000000e+00 : f32
    %ge3A_40 = vector.broadcast %ge3A : f32 to vector<1000x64xf32>
    %ge3A_41 = arith.cmpf oge, %add3A_39, %ge3A_40 : vector<1000x64xf32>
    %mul3A_42 = vector.broadcast %jit3A : f32 to vector<1000x64xf32>
    %mul3A_43 = arith.mulf %mul3A_42, %add3A_39 : vector<1000x64xf32>
    %select_n3A_44 = arith.select %ge3A_41, %add3A_39, %mul3A_43 : vector<1000x64xi1>, vector<1000x64xf32>
    %get3A_45 = arith.constant 0 : index
    %get3A_46 = arith.constant 0 : index
    %get3A_47 = vector.load %arg8[%get3A_45, %get3A_46] : memref<1000x64xf32, #tpu.memory_space<vmem>>, vector<1000x64xf32>
    %add3A_48 = arith.addf %select_n3A_44, %get3A_47 : vector<1000x64xf32>
    %swap3A_49 = arith.constant 0 : index
    %swap3A_50 = arith.constant 0 : index
    %swap3A_51 = vector.load %arg11[%swap3A_49, %swap3A_50] : memref<1000x64xf32, #tpu.memory_space<vmem>>, vector<1000x64xf32>
    tpu.vector_store %arg11[%swap3A_49, %swap3A_50], %add3A_48 {strides = array<i32>} : memref<1000x64xf32, #tpu.memory_space<vmem>>, vector<1000x64xf32>,
    return
  }
  func.func @transform_0(%arg0: i32) -> (i32, i32) {
    %min3A = arith.constant 1 : i32
    %min3A_0 = arith.minsi %arg0, %min3A : i32
    %c0_i32 = arith.constant 0 : i32
    %c0_i32_1 = arith.constant 0 : i32
    return %min3A_0, %c0_i32 : i32, i32
  }
  func.func @transform_1(%arg0: i32) -> (i32, i32) {
    %sub3A = arith.constant 2 : i32
    %sub3A_0 = arith.subi %arg0, %sub3A : i32
    %max3A = arith.constant 0 : i32
    %max3A_1 = arith.maxsi %sub3A_0, %max3A : i32
    %c0_i32 = arith.constant 0 : i32
    %c0_i32_2 = arith.constant 0 : i32
    return %max3A_1, %c0_i32 : i32, i32
  }
  func.func @transform_2(%arg0: i32) -> (i32, i32) {
    %c0_i32 = arith.constant 0 : i32
    %c0_i32_0 = arith.constant 0 : i32
    %c0_i32_1 = arith.constant 0 : i32
    return %c0_i32, %c0_i32_0 : i32, i32
  }
  func.func @transform_3(%arg0: i32) -> (i32, i32) {
    %c0_i32 = arith.constant 0 : i32
    %c0_i32_0 = arith.constant 0 : i32
    %c0_i32_1 = arith.constant 0 : i32
    return %c0_i32, %c0_i32_0 : i32, i32
  }
  func.func @transform_4(%arg0: i32) -> (i32, i32) {
    %c0_i32 = arith.constant 0 : i32
    %c0_i32_0 = arith.constant 0 : i32
    %c0_i32_1 = arith.constant 0 : i32
    return %c0_i32, %c0_i32_0 : i32, i32
  }
  func.func @transform_5(%arg0: i32) -> (i32, i32) {
    %c0_i32 = arith.constant 0 : i32
    %c0_i32_0 = arith.constant 0 : i32
    %c0_i32_1 = arith.constant 0 : i32
    return %c0_i32, %c0_i32_0 : i32, i32
  }
  func.func @transform_6(%arg0: i32) -> (i32, i32) {
    %c0_i32 = arith.constant 0 : i32
    %c0_i32_0 = arith.constant 0 : i32
    %c0_i32_1 = arith.constant 0 : i32
    return %c0_i32, %c0_i32_0 : i32, i32
  }
  func.func @transform_7(%arg0: i32) -> (i32, i32) {
    %c0_i32 = arith.constant 0 : i32
    %c0_i32_0 = arith.constant 0 : i32
    return %arg0, %c0_i32 : i32, i32
  }
  func.func @transform_8(%arg0: i32) -> (i32, i32) {
    %c0_i32 = arith.constant 0 : i32
    %c0_i32_0 = arith.constant 0 : i32
    return %arg0, %c0_i32 : i32, i32
  }
  func.func @transform_9(%arg0: i32) -> (i32, i32) {
    %c0_i32 = arith.constant 0 : i32
    %c0_i32_0 = arith.constant 0 : i32
    return %arg0, %c0_i32 : i32, i32
  }
  func.func @transform_10(%arg0: i32) -> (i32, i32) {
    %c0_i32 = arith.constant 0 : i32
    %c0_i32_0 = arith.constant 0 : i32
    return %arg0, %c0_i32 : i32, i32
  }
}

module attributes {stable_mosaic.version = 14 : i64} {
  func.func @_tc_b_body(%arg0: i32, %arg1: memref<2x1000x128xf32, #tpu.memory_space<vmem>>, %arg2: memref<1000x64xf32, #tpu.memory_space<vmem>>, %arg3: memref<64x256xf32, #tpu.memory_space<vmem>>, %arg4: memref<1x64xf32, #tpu.memory_space<vmem>>, %arg5: memref<64x64xf32, #tpu.memory_space<vmem>>, %arg6: memref<64x64xf32, #tpu.memory_space<vmem>>, %arg7: memref<1x64xf32, #tpu.memory_space<vmem>>, %arg8: memref<1000x64xf32, #tpu.memory_space<vmem>>, %arg9: memref<1000x64xf32, #tpu.memory_space<vmem>>, %arg10: memref<1000x64xf32, #tpu.memory_space<vmem>>) attributes {dimension_semantics = [#tpu.dimension_semantics<arbitrary>], iteration_bounds = array<i64: 10>, scalar_prefetch = 0 : i64, scratch_operands = 0 : i64, tpu.core_type = #tpu.core_type<tc>, window_params = [{transform_indices = @transform_0, window_bounds = array<i64: 2, 1000, 128>}, {transform_indices = @transform_1, window_bounds = array<i64: 1000, 64>}, {pipeline_mode = #tpu.pipeline_mode<synchronous>, transform_indices = @transform_2, window_bounds = array<i64: 64, 256>}, {pipeline_mode = #tpu.pipeline_mode<synchronous>, transform_indices = @transform_3, window_bounds = array<i64: 1, 64>}, {pipeline_mode = #tpu.pipeline_mode<synchronous>, transform_indices = @transform_4, window_bounds = array<i64: 64, 64>}, {pipeline_mode = #tpu.pipeline_mode<synchronous>, transform_indices = @transform_5, window_bounds = array<i64: 64, 64>}, {pipeline_mode = #tpu.pipeline_mode<synchronous>, transform_indices = @transform_6, window_bounds = array<i64: 1, 64>}, {transform_indices = @transform_7, window_bounds = array<i64: 1000, 64>}, {transform_indices = @transform_8, window_bounds = array<i64: 1000, 64>}, {transform_indices = @transform_9, window_bounds = array<i64: 1000, 64>}]} {
    %get3A = arith.constant 0 : index
    %get3A_0 = arith.constant 0 : index
    %get3A_1 = arith.constant 0 : index
    %get3A_2 = vector.load %arg1[%get3A, %get3A_0, %get3A_1] : memref<2x1000x128xf32, #tpu.memory_space<vmem>>, vector<1x1000x128xf32>
    %get3A_3 = vector.shape_cast %get3A_2 : vector<1x1000x128xf32> to vector<1000x128xf32>
    %get3A_4 = arith.constant 1 : index
    %get3A_5 = arith.constant 0 : index
    %get3A_6 = arith.constant 0 : index
    %get3A_7 = vector.load %arg1[%get3A_4, %get3A_5, %get3A_6] : memref<2x1000x128xf32, #tpu.memory_space<vmem>>, vector<1x1000x128xf32>
    %get3A_8 = vector.shape_cast %get3A_7 : vector<1x1000x128xf32> to vector<1000x128xf32>
    %concatenate3A = tpu.concatenate %get3A_3, %get3A_8 in 1 : vector<1000x128xf32>, vector<1000x128xf32> -> vector<1000x256xf32>
    %jit3A = arith.constant 0.00999999977 : f32
    %ge3A = arith.constant 0.000000e+00 : f32
    %ge3A_9 = vector.broadcast %ge3A : f32 to vector<1000x256xf32>
    %ge3A_10 = arith.cmpf oge, %concatenate3A, %ge3A_9 : vector<1000x256xf32>
    %mul3A = vector.broadcast %jit3A : f32 to vector<1000x256xf32>
    %mul3A_11 = arith.mulf %mul3A, %concatenate3A : vector<1000x256xf32>
    %select_n3A = arith.select %ge3A_10, %concatenate3A, %mul3A_11 : vector<1000x256xi1>, vector<1000x256xf32>
    %get3A_12 = arith.constant 0 : index
    %get3A_13 = arith.constant 0 : index
    %get3A_14 = vector.load %arg3[%get3A_12, %get3A_13] : memref<64x256xf32, #tpu.memory_space<vmem>>, vector<64x256xf32>
    %transpose3A = tpu.transpose %get3A_14, [1, 0] : vector<64x256xf32> -> vector<256x64xf32>
    %dot_general3A = arith.constant dense<0.000000e+00> : vector<1000x64xf32>
    %dot_general3A_15 = tpu.matmul %select_n3A, %transpose3A, %dot_general3A {dimension_numbers = #tpu.dot_dimension_numbers<[1], [0], [0], [1], [0, 0, 1, 1], [], []>, transpose_lhs_hint = false} : vector<1000x256xf32>, vector<256x64xf32>, vector<1000x64xf32> -> vector<1000x64xf32>
    %get3A_16 = arith.constant 0 : index
    %get3A_17 = arith.constant 0 : index
    %get3A_18 = vector.load %arg4[%get3A_16, %get3A_17] : memref<1x64xf32, #tpu.memory_space<vmem>>, vector<1x64xf32>
    %add3A = vector.broadcast %get3A_18 : vector<1x64xf32> to vector<1000x64xf32>
    %add3A_19 = arith.addf %dot_general3A_15, %add3A : vector<1000x64xf32>
    %get3A_20 = arith.constant 0 : index
    %get3A_21 = arith.constant 0 : index
    %get3A_22 = vector.load %arg2[%get3A_20, %get3A_21] : memref<1000x64xf32, #tpu.memory_space<vmem>>, vector<1000x64xf32>
    %add3A_23 = arith.addf %add3A_19, %get3A_22 : vector<1000x64xf32>
    %jit3A_24 = arith.constant 0.00999999977 : f32
    %ge3A_25 = arith.constant 0.000000e+00 : f32
    %ge3A_26 = vector.broadcast %ge3A_25 : f32 to vector<1000x64xf32>
    %ge3A_27 = arith.cmpf oge, %add3A_23, %ge3A_26 : vector<1000x64xf32>
    %mul3A_28 = vector.broadcast %jit3A_24 : f32 to vector<1000x64xf32>
    %mul3A_29 = arith.mulf %mul3A_28, %add3A_23 : vector<1000x64xf32>
    %select_n3A_30 = arith.select %ge3A_27, %add3A_23, %mul3A_29 : vector<1000x64xi1>, vector<1000x64xf32>
    %get3A_31 = arith.constant 0 : index
    %get3A_32 = arith.constant 0 : index
    %get3A_33 = vector.load %arg5[%get3A_31, %get3A_32] : memref<64x64xf32, #tpu.memory_space<vmem>>, vector<64x64xf32>
    %dot_general3A_34 = arith.constant dense<0.000000e+00> : vector<1000x64xf32>
    %dot_general3A_35 = tpu.matmul %select_n3A_30, %get3A_33, %dot_general3A_34 {dimension_numbers = #tpu.dot_dimension_numbers<[1], [0], [0], [1], [0, 0, 1, 1], [], []>, transpose_lhs_hint = false} : vector<1000x64xf32>, vector<64x64xf32>, vector<1000x64xf32> -> vector<1000x64xf32>
    %swap3A = arith.constant 0 : index
    %swap3A_36 = arith.constant 0 : index
    %swap3A_37 = vector.load %arg9[%swap3A, %swap3A_36] : memref<1000x64xf32, #tpu.memory_space<vmem>>, vector<1000x64xf32>
    tpu.vector_store %arg9[%swap3A, %swap3A_36], %dot_general3A_35 {strides = array<i32>} : memref<1000x64xf32, #tpu.memory_space<vmem>>, vector<1000x64xf32>,
    %get3A_38 = arith.constant 0 : index
    %get3A_39 = arith.constant 0 : index
    %get3A_40 = vector.load %arg6[%get3A_38, %get3A_39] : memref<64x64xf32, #tpu.memory_space<vmem>>, vector<64x64xf32>
    %transpose3A_41 = tpu.transpose %get3A_40, [1, 0] : vector<64x64xf32> -> vector<64x64xf32>
    %dot_general3A_42 = arith.constant dense<0.000000e+00> : vector<1000x64xf32>
    %dot_general3A_43 = tpu.matmul %select_n3A_30, %transpose3A_41, %dot_general3A_42 {dimension_numbers = #tpu.dot_dimension_numbers<[1], [0], [0], [1], [0, 0, 1, 1], [], []>, transpose_lhs_hint = false} : vector<1000x64xf32>, vector<64x64xf32>, vector<1000x64xf32> -> vector<1000x64xf32>
    %get3A_44 = arith.constant 0 : index
    %get3A_45 = arith.constant 0 : index
    %get3A_46 = vector.load %arg7[%get3A_44, %get3A_45] : memref<1x64xf32, #tpu.memory_space<vmem>>, vector<1x64xf32>
    %add3A_47 = vector.broadcast %get3A_46 : vector<1x64xf32> to vector<1000x64xf32>
    %add3A_48 = arith.addf %dot_general3A_43, %add3A_47 : vector<1000x64xf32>
    %jit3A_49 = arith.constant 0.00999999977 : f32
    %ge3A_50 = arith.constant 0.000000e+00 : f32
    %ge3A_51 = vector.broadcast %ge3A_50 : f32 to vector<1000x64xf32>
    %ge3A_52 = arith.cmpf oge, %add3A_48, %ge3A_51 : vector<1000x64xf32>
    %mul3A_53 = vector.broadcast %jit3A_49 : f32 to vector<1000x64xf32>
    %mul3A_54 = arith.mulf %mul3A_53, %add3A_48 : vector<1000x64xf32>
    %select_n3A_55 = arith.select %ge3A_52, %add3A_48, %mul3A_54 : vector<1000x64xi1>, vector<1000x64xf32>
    %get3A_56 = arith.constant 0 : index
    %get3A_57 = arith.constant 0 : index
    %get3A_58 = vector.load %arg8[%get3A_56, %get3A_57] : memref<1000x64xf32, #tpu.memory_space<vmem>>, vector<1000x64xf32>
    %add3A_59 = arith.addf %select_n3A_55, %get3A_58 : vector<1000x64xf32>
    %swap3A_60 = arith.constant 0 : index
    %swap3A_61 = arith.constant 0 : index
    %swap3A_62 = vector.load %arg10[%swap3A_60, %swap3A_61] : memref<1000x64xf32, #tpu.memory_space<vmem>>, vector<1000x64xf32>
    tpu.vector_store %arg10[%swap3A_60, %swap3A_61], %add3A_59 {strides = array<i32>} : memref<1000x64xf32, #tpu.memory_space<vmem>>, vector<1000x64xf32>,
    return
  }
  func.func @transform_0(%arg0: i32) -> (i32, i32, i32) {
    %c0_i32 = arith.constant 0 : i32
    %c0_i32_0 = arith.constant 0 : i32
    %c0_i32_1 = arith.constant 0 : i32
    return %c0_i32, %arg0, %c0_i32_0 : i32, i32, i32
  }
  func.func @transform_1(%arg0: i32) -> (i32, i32) {
    %c0_i32 = arith.constant 0 : i32
    %c0_i32_0 = arith.constant 0 : i32
    return %arg0, %c0_i32 : i32, i32
  }
  func.func @transform_2(%arg0: i32) -> (i32, i32) {
    %c0_i32 = arith.constant 0 : i32
    %c0_i32_0 = arith.constant 0 : i32
    %c0_i32_1 = arith.constant 0 : i32
    return %c0_i32, %c0_i32_0 : i32, i32
  }
  func.func @transform_3(%arg0: i32) -> (i32, i32) {
    %c0_i32 = arith.constant 0 : i32
    %c0_i32_0 = arith.constant 0 : i32
    %c0_i32_1 = arith.constant 0 : i32
    return %c0_i32, %c0_i32_0 : i32, i32
  }
  func.func @transform_4(%arg0: i32) -> (i32, i32) {
    %c0_i32 = arith.constant 0 : i32
    %c0_i32_0 = arith.constant 0 : i32
    %c0_i32_1 = arith.constant 0 : i32
    return %c0_i32, %c0_i32_0 : i32, i32
  }
  func.func @transform_5(%arg0: i32) -> (i32, i32) {
    %c0_i32 = arith.constant 0 : i32
    %c0_i32_0 = arith.constant 0 : i32
    %c0_i32_1 = arith.constant 0 : i32
    return %c0_i32, %c0_i32_0 : i32, i32
  }
  func.func @transform_6(%arg0: i32) -> (i32, i32) {
    %c0_i32 = arith.constant 0 : i32
    %c0_i32_0 = arith.constant 0 : i32
    %c0_i32_1 = arith.constant 0 : i32
    return %c0_i32, %c0_i32_0 : i32, i32
  }
  func.func @transform_7(%arg0: i32) -> (i32, i32) {
    %c0_i32 = arith.constant 0 : i32
    %c0_i32_0 = arith.constant 0 : i32
    return %arg0, %c0_i32 : i32, i32
  }
  func.func @transform_8(%arg0: i32) -> (i32, i32) {
    %c0_i32 = arith.constant 0 : i32
    %c0_i32_0 = arith.constant 0 : i32
    return %arg0, %c0_i32 : i32, i32
  }
  func.func @transform_9(%arg0: i32) -> (i32, i32) {
    %c0_i32 = arith.constant 0 : i32
    %c0_i32_0 = arith.constant 0 : i32
    return %arg0, %c0_i32 : i32, i32
  }
}

module attributes {stable_mosaic.version = 14 : i64} {
  func.func @_tc_c_body(%arg0: i32, %arg1: memref<2x1000x64xf32, #tpu.memory_space<vmem>>, %arg2: memref<1000x64xf32, #tpu.memory_space<vmem>>, %arg3: memref<64x64xf32, #tpu.memory_space<vmem>>, %arg4: memref<1x64xf32, #tpu.memory_space<vmem>>, %arg5: memref<64x64xf32, #tpu.memory_space<vmem>>, %arg6: memref<64x64xf32, #tpu.memory_space<vmem>>, %arg7: memref<1x64xf32, #tpu.memory_space<vmem>>, %arg8: memref<1000x64xf32, #tpu.memory_space<vmem>>, %arg9: memref<1000x64xf32, #tpu.memory_space<vmem>>, %arg10: memref<1000x64xf32, #tpu.memory_space<vmem>>) attributes {dimension_semantics = [#tpu.dimension_semantics<arbitrary>], iteration_bounds = array<i64: 10>, scalar_prefetch = 0 : i64, scratch_operands = 0 : i64, tpu.core_type = #tpu.core_type<tc>, window_params = [{transform_indices = @transform_0, window_bounds = array<i64: 2, 1000, 64>}, {transform_indices = @transform_1, window_bounds = array<i64: 1000, 64>}, {pipeline_mode = #tpu.pipeline_mode<synchronous>, transform_indices = @transform_2, window_bounds = array<i64: 64, 64>}, {pipeline_mode = #tpu.pipeline_mode<synchronous>, transform_indices = @transform_3, window_bounds = array<i64: 1, 64>}, {pipeline_mode = #tpu.pipeline_mode<synchronous>, transform_indices = @transform_4, window_bounds = array<i64: 64, 64>}, {pipeline_mode = #tpu.pipeline_mode<synchronous>, transform_indices = @transform_5, window_bounds = array<i64: 64, 64>}, {pipeline_mode = #tpu.pipeline_mode<synchronous>, transform_indices = @transform_6, window_bounds = array<i64: 1, 64>}, {transform_indices = @transform_7, window_bounds = array<i64: 1000, 64>}, {transform_indices = @transform_8, window_bounds = array<i64: 1000, 64>}, {transform_indices = @transform_9, window_bounds = array<i64: 1000, 64>}]} {
    %get3A = arith.constant 0 : index
    %get3A_0 = arith.constant 0 : index
    %get3A_1 = arith.constant 0 : index
    %get3A_2 = vector.load %arg1[%get3A, %get3A_0, %get3A_1] : memref<2x1000x64xf32, #tpu.memory_space<vmem>>, vector<1x1000x64xf32>
    %get3A_3 = vector.shape_cast %get3A_2 : vector<1x1000x64xf32> to vector<1000x64xf32>
    %get3A_4 = arith.constant 1 : index
    %get3A_5 = arith.constant 0 : index
    %get3A_6 = arith.constant 0 : index
    %get3A_7 = vector.load %arg1[%get3A_4, %get3A_5, %get3A_6] : memref<2x1000x64xf32, #tpu.memory_space<vmem>>, vector<1x1000x64xf32>
    %get3A_8 = vector.shape_cast %get3A_7 : vector<1x1000x64xf32> to vector<1000x64xf32>
    %add3A = arith.addf %get3A_3, %get3A_8 : vector<1000x64xf32>
    %jit3A = arith.constant 0.00999999977 : f32
    %ge3A = arith.constant 0.000000e+00 : f32
    %ge3A_9 = vector.broadcast %ge3A : f32 to vector<1000x64xf32>
    %ge3A_10 = arith.cmpf oge, %add3A, %ge3A_9 : vector<1000x64xf32>
    %mul3A = vector.broadcast %jit3A : f32 to vector<1000x64xf32>
    %mul3A_11 = arith.mulf %mul3A, %add3A : vector<1000x64xf32>
    %select_n3A = arith.select %ge3A_10, %add3A, %mul3A_11 : vector<1000x64xi1>, vector<1000x64xf32>
    %get3A_12 = arith.constant 0 : index
    %get3A_13 = arith.constant 0 : index
    %get3A_14 = vector.load %arg3[%get3A_12, %get3A_13] : memref<64x64xf32, #tpu.memory_space<vmem>>, vector<64x64xf32>
    %transpose3A = tpu.transpose %get3A_14, [1, 0] : vector<64x64xf32> -> vector<64x64xf32>
    %dot_general3A = arith.constant dense<0.000000e+00> : vector<1000x64xf32>
    %dot_general3A_15 = tpu.matmul %select_n3A, %transpose3A, %dot_general3A {dimension_numbers = #tpu.dot_dimension_numbers<[1], [0], [0], [1], [0, 0, 1, 1], [], []>, transpose_lhs_hint = false} : vector<1000x64xf32>, vector<64x64xf32>, vector<1000x64xf32> -> vector<1000x64xf32>
    %get3A_16 = arith.constant 0 : index
    %get3A_17 = arith.constant 0 : index
    %get3A_18 = vector.load %arg4[%get3A_16, %get3A_17] : memref<1x64xf32, #tpu.memory_space<vmem>>, vector<1x64xf32>
    %add3A_19 = vector.broadcast %get3A_18 : vector<1x64xf32> to vector<1000x64xf32>
    %add3A_20 = arith.addf %dot_general3A_15, %add3A_19 : vector<1000x64xf32>
    %get3A_21 = arith.constant 0 : index
    %get3A_22 = arith.constant 0 : index
    %get3A_23 = vector.load %arg2[%get3A_21, %get3A_22] : memref<1000x64xf32, #tpu.memory_space<vmem>>, vector<1000x64xf32>
    %add3A_24 = arith.addf %add3A_20, %get3A_23 : vector<1000x64xf32>
    %jit3A_25 = arith.constant 0.00999999977 : f32
    %ge3A_26 = arith.constant 0.000000e+00 : f32
    %ge3A_27 = vector.broadcast %ge3A_26 : f32 to vector<1000x64xf32>
    %ge3A_28 = arith.cmpf oge, %add3A_24, %ge3A_27 : vector<1000x64xf32>
    %mul3A_29 = vector.broadcast %jit3A_25 : f32 to vector<1000x64xf32>
    %mul3A_30 = arith.mulf %mul3A_29, %add3A_24 : vector<1000x64xf32>
    %select_n3A_31 = arith.select %ge3A_28, %add3A_24, %mul3A_30 : vector<1000x64xi1>, vector<1000x64xf32>
    %get3A_32 = arith.constant 0 : index
    %get3A_33 = arith.constant 0 : index
    %get3A_34 = vector.load %arg5[%get3A_32, %get3A_33] : memref<64x64xf32, #tpu.memory_space<vmem>>, vector<64x64xf32>
    %dot_general3A_35 = arith.constant dense<0.000000e+00> : vector<1000x64xf32>
    %dot_general3A_36 = tpu.matmul %select_n3A_31, %get3A_34, %dot_general3A_35 {dimension_numbers = #tpu.dot_dimension_numbers<[1], [0], [0], [1], [0, 0, 1, 1], [], []>, transpose_lhs_hint = false} : vector<1000x64xf32>, vector<64x64xf32>, vector<1000x64xf32> -> vector<1000x64xf32>
    %swap3A = arith.constant 0 : index
    %swap3A_37 = arith.constant 0 : index
    %swap3A_38 = vector.load %arg9[%swap3A, %swap3A_37] : memref<1000x64xf32, #tpu.memory_space<vmem>>, vector<1000x64xf32>
    tpu.vector_store %arg9[%swap3A, %swap3A_37], %dot_general3A_36 {strides = array<i32>} : memref<1000x64xf32, #tpu.memory_space<vmem>>, vector<1000x64xf32>,
    %get3A_39 = arith.constant 0 : index
    %get3A_40 = arith.constant 0 : index
    %get3A_41 = vector.load %arg6[%get3A_39, %get3A_40] : memref<64x64xf32, #tpu.memory_space<vmem>>, vector<64x64xf32>
    %transpose3A_42 = tpu.transpose %get3A_41, [1, 0] : vector<64x64xf32> -> vector<64x64xf32>
    %dot_general3A_43 = arith.constant dense<0.000000e+00> : vector<1000x64xf32>
    %dot_general3A_44 = tpu.matmul %select_n3A_31, %transpose3A_42, %dot_general3A_43 {dimension_numbers = #tpu.dot_dimension_numbers<[1], [0], [0], [1], [0, 0, 1, 1], [], []>, transpose_lhs_hint = false} : vector<1000x64xf32>, vector<64x64xf32>, vector<1000x64xf32> -> vector<1000x64xf32>
    %get3A_45 = arith.constant 0 : index
    %get3A_46 = arith.constant 0 : index
    %get3A_47 = vector.load %arg7[%get3A_45, %get3A_46] : memref<1x64xf32, #tpu.memory_space<vmem>>, vector<1x64xf32>
    %add3A_48 = vector.broadcast %get3A_47 : vector<1x64xf32> to vector<1000x64xf32>
    %add3A_49 = arith.addf %dot_general3A_44, %add3A_48 : vector<1000x64xf32>
    %jit3A_50 = arith.constant 0.00999999977 : f32
    %ge3A_51 = arith.constant 0.000000e+00 : f32
    %ge3A_52 = vector.broadcast %ge3A_51 : f32 to vector<1000x64xf32>
    %ge3A_53 = arith.cmpf oge, %add3A_49, %ge3A_52 : vector<1000x64xf32>
    %mul3A_54 = vector.broadcast %jit3A_50 : f32 to vector<1000x64xf32>
    %mul3A_55 = arith.mulf %mul3A_54, %add3A_49 : vector<1000x64xf32>
    %select_n3A_56 = arith.select %ge3A_53, %add3A_49, %mul3A_55 : vector<1000x64xi1>, vector<1000x64xf32>
    %get3A_57 = arith.constant 0 : index
    %get3A_58 = arith.constant 0 : index
    %get3A_59 = vector.load %arg8[%get3A_57, %get3A_58] : memref<1000x64xf32, #tpu.memory_space<vmem>>, vector<1000x64xf32>
    %add3A_60 = arith.addf %select_n3A_56, %get3A_59 : vector<1000x64xf32>
    %swap3A_61 = arith.constant 0 : index
    %swap3A_62 = arith.constant 0 : index
    %swap3A_63 = vector.load %arg10[%swap3A_61, %swap3A_62] : memref<1000x64xf32, #tpu.memory_space<vmem>>, vector<1000x64xf32>
    tpu.vector_store %arg10[%swap3A_61, %swap3A_62], %add3A_60 {strides = array<i32>} : memref<1000x64xf32, #tpu.memory_space<vmem>>, vector<1000x64xf32>,
    return
  }
  func.func @transform_0(%arg0: i32) -> (i32, i32, i32) {
    %c0_i32 = arith.constant 0 : i32
    %c0_i32_0 = arith.constant 0 : i32
    %c0_i32_1 = arith.constant 0 : i32
    return %c0_i32, %arg0, %c0_i32_0 : i32, i32, i32
  }
  func.func @transform_1(%arg0: i32) -> (i32, i32) {
    %c0_i32 = arith.constant 0 : i32
    %c0_i32_0 = arith.constant 0 : i32
    return %arg0, %c0_i32 : i32, i32
  }
  func.func @transform_2(%arg0: i32) -> (i32, i32) {
    %c0_i32 = arith.constant 0 : i32
    %c0_i32_0 = arith.constant 0 : i32
    %c0_i32_1 = arith.constant 0 : i32
    return %c0_i32, %c0_i32_0 : i32, i32
  }
  func.func @transform_3(%arg0: i32) -> (i32, i32) {
    %c0_i32 = arith.constant 0 : i32
    %c0_i32_0 = arith.constant 0 : i32
    %c0_i32_1 = arith.constant 0 : i32
    return %c0_i32, %c0_i32_0 : i32, i32
  }
  func.func @transform_4(%arg0: i32) -> (i32, i32) {
    %c0_i32 = arith.constant 0 : i32
    %c0_i32_0 = arith.constant 0 : i32
    %c0_i32_1 = arith.constant 0 : i32
    return %c0_i32, %c0_i32_0 : i32, i32
  }
  func.func @transform_5(%arg0: i32) -> (i32, i32) {
    %c0_i32 = arith.constant 0 : i32
    %c0_i32_0 = arith.constant 0 : i32
    %c0_i32_1 = arith.constant 0 : i32
    return %c0_i32, %c0_i32_0 : i32, i32
  }
  func.func @transform_6(%arg0: i32) -> (i32, i32) {
    %c0_i32 = arith.constant 0 : i32
    %c0_i32_0 = arith.constant 0 : i32
    %c0_i32_1 = arith.constant 0 : i32
    return %c0_i32, %c0_i32_0 : i32, i32
  }
  func.func @transform_7(%arg0: i32) -> (i32, i32) {
    %c0_i32 = arith.constant 0 : i32
    %c0_i32_0 = arith.constant 0 : i32
    return %arg0, %c0_i32 : i32, i32
  }
  func.func @transform_8(%arg0: i32) -> (i32, i32) {
    %c0_i32 = arith.constant 0 : i32
    %c0_i32_0 = arith.constant 0 : i32
    return %arg0, %c0_i32 : i32, i32
  }
  func.func @transform_9(%arg0: i32) -> (i32, i32) {
    %c0_i32 = arith.constant 0 : i32
    %c0_i32_0 = arith.constant 0 : i32
    return %arg0, %c0_i32 : i32, i32
  }
}

module attributes {stable_mosaic.version = 14 : i64} {
  func.func @_tc_d_body(%arg0: i32, %arg1: memref<2x1000x64xf32, #tpu.memory_space<vmem>>, %arg2: memref<1000x64xf32, #tpu.memory_space<vmem>>, %arg3: memref<64x64xf32, #tpu.memory_space<vmem>>, %arg4: memref<1x64xf32, #tpu.memory_space<vmem>>, %arg5: memref<1000x64xf32, #tpu.memory_space<vmem>>) attributes {dimension_semantics = [#tpu.dimension_semantics<arbitrary>], iteration_bounds = array<i64: 10>, scalar_prefetch = 0 : i64, scratch_operands = 0 : i64, tpu.core_type = #tpu.core_type<tc>, window_params = [{transform_indices = @transform_0, window_bounds = array<i64: 2, 1000, 64>}, {transform_indices = @transform_1, window_bounds = array<i64: 1000, 64>}, {pipeline_mode = #tpu.pipeline_mode<synchronous>, transform_indices = @transform_2, window_bounds = array<i64: 64, 64>}, {pipeline_mode = #tpu.pipeline_mode<synchronous>, transform_indices = @transform_3, window_bounds = array<i64: 1, 64>}, {transform_indices = @transform_4, window_bounds = array<i64: 1000, 64>}]} {
    %get3A = arith.constant 0 : index
    %get3A_0 = arith.constant 0 : index
    %get3A_1 = arith.constant 0 : index
    %get3A_2 = vector.load %arg1[%get3A, %get3A_0, %get3A_1] : memref<2x1000x64xf32, #tpu.memory_space<vmem>>, vector<1x1000x64xf32>
    %get3A_3 = vector.shape_cast %get3A_2 : vector<1x1000x64xf32> to vector<1000x64xf32>
    %get3A_4 = arith.constant 1 : index
    %get3A_5 = arith.constant 0 : index
    %get3A_6 = arith.constant 0 : index
    %get3A_7 = vector.load %arg1[%get3A_4, %get3A_5, %get3A_6] : memref<2x1000x64xf32, #tpu.memory_space<vmem>>, vector<1x1000x64xf32>
    %get3A_8 = vector.shape_cast %get3A_7 : vector<1x1000x64xf32> to vector<1000x64xf32>
    %add3A = arith.addf %get3A_3, %get3A_8 : vector<1000x64xf32>
    %jit3A = arith.constant 0.00999999977 : f32
    %ge3A = arith.constant 0.000000e+00 : f32
    %ge3A_9 = vector.broadcast %ge3A : f32 to vector<1000x64xf32>
    %ge3A_10 = arith.cmpf oge, %add3A, %ge3A_9 : vector<1000x64xf32>
    %mul3A = vector.broadcast %jit3A : f32 to vector<1000x64xf32>
    %mul3A_11 = arith.mulf %mul3A, %add3A : vector<1000x64xf32>
    %select_n3A = arith.select %ge3A_10, %add3A, %mul3A_11 : vector<1000x64xi1>, vector<1000x64xf32>
    %get3A_12 = arith.constant 0 : index
    %get3A_13 = arith.constant 0 : index
    %get3A_14 = vector.load %arg3[%get3A_12, %get3A_13] : memref<64x64xf32, #tpu.memory_space<vmem>>, vector<64x64xf32>
    %transpose3A = tpu.transpose %get3A_14, [1, 0] : vector<64x64xf32> -> vector<64x64xf32>
    %dot_general3A = arith.constant dense<0.000000e+00> : vector<1000x64xf32>
    %dot_general3A_15 = tpu.matmul %select_n3A, %transpose3A, %dot_general3A {dimension_numbers = #tpu.dot_dimension_numbers<[1], [0], [0], [1], [0, 0, 1, 1], [], []>, transpose_lhs_hint = false} : vector<1000x64xf32>, vector<64x64xf32>, vector<1000x64xf32> -> vector<1000x64xf32>
    %get3A_16 = arith.constant 0 : index
    %get3A_17 = arith.constant 0 : index
    %get3A_18 = vector.load %arg4[%get3A_16, %get3A_17] : memref<1x64xf32, #tpu.memory_space<vmem>>, vector<1x64xf32>
    %add3A_19 = vector.broadcast %get3A_18 : vector<1x64xf32> to vector<1000x64xf32>
    %add3A_20 = arith.addf %dot_general3A_15, %add3A_19 : vector<1000x64xf32>
    %get3A_21 = arith.constant 0 : index
    %get3A_22 = arith.constant 0 : index
    %get3A_23 = vector.load %arg2[%get3A_21, %get3A_22] : memref<1000x64xf32, #tpu.memory_space<vmem>>, vector<1000x64xf32>
    %add3A_24 = arith.addf %add3A_20, %get3A_23 : vector<1000x64xf32>
    %jit3A_25 = arith.constant 0.00999999977 : f32
    %ge3A_26 = arith.constant 0.000000e+00 : f32
    %ge3A_27 = vector.broadcast %ge3A_26 : f32 to vector<1000x64xf32>
    %ge3A_28 = arith.cmpf oge, %add3A_24, %ge3A_27 : vector<1000x64xf32>
    %mul3A_29 = vector.broadcast %jit3A_25 : f32 to vector<1000x64xf32>
    %mul3A_30 = arith.mulf %mul3A_29, %add3A_24 : vector<1000x64xf32>
    %select_n3A_31 = arith.select %ge3A_28, %add3A_24, %mul3A_30 : vector<1000x64xi1>, vector<1000x64xf32>
    %swap3A = arith.constant 0 : index
    %swap3A_32 = arith.constant 0 : index
    %swap3A_33 = vector.load %arg5[%swap3A, %swap3A_32] : memref<1000x64xf32, #tpu.memory_space<vmem>>, vector<1000x64xf32>
    tpu.vector_store %arg5[%swap3A, %swap3A_32], %select_n3A_31 {strides = array<i32>} : memref<1000x64xf32, #tpu.memory_space<vmem>>, vector<1000x64xf32>,
    return
  }
  func.func @transform_0(%arg0: i32) -> (i32, i32, i32) {
    %c0_i32 = arith.constant 0 : i32
    %c0_i32_0 = arith.constant 0 : i32
    %c0_i32_1 = arith.constant 0 : i32
    return %c0_i32, %arg0, %c0_i32_0 : i32, i32, i32
  }
  func.func @transform_1(%arg0: i32) -> (i32, i32) {
    %c0_i32 = arith.constant 0 : i32
    %c0_i32_0 = arith.constant 0 : i32
    return %arg0, %c0_i32 : i32, i32
  }
  func.func @transform_2(%arg0: i32) -> (i32, i32) {
    %c0_i32 = arith.constant 0 : i32
    %c0_i32_0 = arith.constant 0 : i32
    %c0_i32_1 = arith.constant 0 : i32
    return %c0_i32, %c0_i32_0 : i32, i32
  }
  func.func @transform_3(%arg0: i32) -> (i32, i32) {
    %c0_i32 = arith.constant 0 : i32
    %c0_i32_0 = arith.constant 0 : i32
    %c0_i32_1 = arith.constant 0 : i32
    return %c0_i32, %c0_i32_0 : i32, i32
  }
  func.func @transform_4(%arg0: i32) -> (i32, i32) {
    %c0_i32 = arith.constant 0 : i32
    %c0_i32_0 = arith.constant 0 : i32
    return %arg0, %c0_i32 : i32, i32
  }
}

</mosaic_0001>

<sc_bundles>
// kernel: kernel.12.cloned.1.call-start
scs
__scs_entry_jumppad:
0x0: {  	(pc) =	sbr.rel $0x88, $3  }
0x1: {  	(tag) =	ssettag $0x0;
	lr =	simm.s32 $0x1  }
0x2: {  	[smem:$0x3F8C] =	sst lr;
	_ =	strace $0xD0000000  }
0x3: {  	_ = 	snop  }
0x4: {  	_ = 	snop  }
0x5: {  	_ = 	snop  }
0x6: {  	_ = 	snop  }
0x7: {  	_ = 	snop  }
__scs_overlays_trampoline_lowered:
0x8: {  	[smem:$0x3F9B] =	sst s0  }
0x9: {  	[smem:$0x3F9C] =	sst s1  }
0xa: {  	[smem:$0x3F9D] =	sst s2  }
0xb: {  	[smem:$0x3F9E] =	sst s3  }
0xc: {  	[smem:$0x3F9F] =	sst s4  }
0xd: {  	[smem:$0x3FA0] =	sst s5  }
0xe: {  	[smem:$0x3FA1] =	sst s6  }
0xf: {  	[smem:$0x3FA2] =	sst s7  }
0x10: {  	[smem:$0x3FA3] =	sst s8  }
0x11: {  	[smem:$0x3FA4] =	sst s9;
	s0 =	simm.s32 @!p0 $0x0  }
0x12: {  	s1 =	sld [smem:$0x3F8A];
	s0 =	simm.s32 @p0 $0x1  }
0x13: {  	[smem:$0x3FA5] =	sst s0;
	s0 =	simm.s32 @!p1 $0x0  }
0x14: {  	s2 =	sld [smem:$0x3F89];
	s0 =	simm.s32 @p1 $0x1  }
0x15: {  	[smem:$0x3FA6] =	sst s0;
	s0 =	simm.s32 @!p2 $0x0  }
0x16: {  	s3 =	sld [smem:$0x3FDB];
	s0 =	simm.s32 @p2 $0x1  }
0x17: {  	s4 =	simm.s32 $0x1BF5;
	[smem:$0x3FA8] =	sst s0  }
0x18: {  	s0 =	sld [smem:$0x3F8B];
	_ =	swait.ge [sflag:s4], $0x0  }
0x19: {  	s7 =	sld [smem:$0x3F8C]  }
0x1a: {  	s8 =	sadd.s32 $0xFFFFE003, lr  }
0x1b: {  	s9 =	sadd.s32 $0xFFFFFEF7, lr;
	s5 =	simm.s32 $0xFFFFFFFF;
	p2 =	slt.u32 s8, $0xFFFFF086  }
0x1c: {  	p1 =	slt.u32 s9, $0xF7A;
	s5 =	simm.s32 @!p2 $0x0  }
0x1d: {  	s5 =	simm.s32 @p1 $0x1;
	p0 =	seq.s32 s7, s2  }
0x1e: {  	s7 =	smul.u32 @!p0 $0xF7A, s2;
	p2 =	seq.s32 @!p0 s5, $0x0  }
0x1f: {  	s9 =	smul.u32 $0xF7A, s1;
	s8 =	simm.s32 @!p0 $0x1BF5;
	p2 =	por !p2, p0  }
0x20: {  	[sflag:s8] =	ssyncset.s32 @!p0 $0xFFFFF086;
	s6 =	sadd.s32 @!p0 s3, s7;
	s7 =	simm.s32 @!p0 $0x108  }
0x21: {  	s3 =	sadd.s32 s3, s9;
	s6 =	sadd.s32 @!p0 $0x88, s6;
	s7 =	simm.s32 @p2 $0x1082  }
0x22: {  	[simem:s7], [sflag:s8] =	dma.local @!p0 [hbm:s6], $0xF7A  }
0x23: {  	s9 =	sor.u32 $0xD0000000, s2;
	s6 =	simm.s32 $0x108;
	_ =	swait.ge @!p0 [sflag:s8], $0x0  }
0x24: {  	s3 =	sadd.s32 $0x88, s3;
	s6 =	simm.s32 @!p1 $0x1082;
	[sflag:s4] =	ssyncset.s32 $0xFFFFF086  }
0x25: {  	[simem:s6], [sflag:s4] =	dma.local [hbm:s3], $0xF7A  }
0x26: {  	[smem:$0x3F8C] =	sst s1;
	(tag) =	ssettag s2;
	_ =	strace s9  }
0x27: {  	s1 =	sld [smem:$0x3F9C]  }
0x28: {  	s2 =	sld [smem:$0x3F9D]  }
0x29: {  	s4 =	sld [smem:$0x3F9F]  }
0x2a: {  	p0 =	seq.s32 s5, $0x0;
	s5 =	sld [smem:$0x3FA0]  }
0x2b: {  	s6 =	sld [smem:$0x3FA1]  }
0x2c: {  	s7 =	sld [smem:$0x3FA2]  }
0x2d: {  	s3 =	simm.s32 $0x108;
	s8 =	sld [smem:$0x3FA3]  }
0x2e: {  	s3 =	simm.s32 @!p0 $0x1082;
	s9 =	sld [smem:$0x3FA4]  }
0x2f: {  	lr =	sadd.s32 s0, s3;
	s0 =	sld [smem:$0x3F9B]  }
0x30: {  	s3 =	sld [smem:$0x3F9E]  }
0x31: {  	[smem:$0x3FA7] =	sst s10  }
0x32: {  	s10 =	sld [smem:$0x3FA5];
	_ =	sdelay $0x3  }
0x33: {  	p0 =	seq.s32 s10, $0x1;
	s10 =	sld [smem:$0x3FA7];
	_ =	sdelay $0x3  }
0x34: {  	[smem:$0x3FA7] =	sst s10  }
0x35: {  	s10 =	sld [smem:$0x3FA6];
	_ =	sdelay $0x3  }
0x36: {  	p1 =	seq.s32 s10, $0x1;
	s10 =	sld [smem:$0x3FA7];
	_ =	sdelay $0x3  }
0x37: {  	[smem:$0x3FA7] =	sst s10  }
0x38: {  	s10 =	sld [smem:$0x3FA8]  }
0x39: {  	_ = 	snop;
	(pc) =	sbr.ind lr, $3  }
0x3a: {  	_ = 	snop  }
0x3b: {  	_ = 	snop  }
0x3c: {  	p2 =	seq.s32 s10, $0x1;
	s10 =	sld [smem:$0x3FA7]  }
0x3d: {  	_ =	shalt  }
0x3e: {  	_ =	shalt  }
0x3f: {  	_ =	shalt  }
0x40: {  	_ =	shalt  }
0x41: {  	_ =	shalt  }
0x42: {  	_ =	shalt  }
0x43: {  	_ =	shalt  }
0x44: {  	_ =	shalt  }
0x45: {  	_ =	shalt  }
0x46: {  	_ =	shalt  }
0x47: {  	_ =	shalt  }
0x48: {  	_ =	shalt  }
0x49: {  	_ =	shalt  }
0x4a: {  	_ =	shalt  }
0x4b: {  	_ =	shalt  }
0x4c: {  	_ =	shalt  }
0x4d: {  	_ =	shalt  }
0x4e: {  	_ =	shalt  }
0x4f: {  	_ =	shalt  }
0x50: {  	_ =	shalt  }
0x51: {  	_ =	shalt  }
0x52: {  	_ =	shalt  }
0x53: {  	_ =	shalt  }
0x54: {  	_ =	shalt  }
0x55: {  	_ =	shalt  }
0x56: {  	_ =	shalt  }
0x57: {  	_ =	shalt  }
0x58: {  	_ =	shalt  }
0x59: {  	_ =	shalt  }
0x5a: {  	_ =	shalt  }
0x5b: {  	_ =	shalt  }
0x5c: {  	_ =	shalt  }
0x5d: {  	_ =	shalt  }
0x5e: {  	_ =	shalt  }
0x5f: {  	_ =	shalt  }
0x60: {  	_ =	shalt  }
0x61: {  	_ =	shalt  }
0x62: {  	_ =	shalt  }
0x63: {  	_ =	shalt  }
0x64: {  	_ =	shalt  }
0x65: {  	_ =	shalt  }
0x66: {  	_ =	shalt  }
0x67: {  	_ =	shalt  }
0x68: {  	_ =	shalt  }
0x69: {  	_ =	shalt  }
0x6a: {  	_ =	shalt  }
0x6b: {  	_ =	shalt  }
0x6c: {  	_ =	shalt  }
0x6d: {  	_ =	shalt  }
0x6e: {  	_ =	shalt  }
0x6f: {  	_ =	shalt  }
0x70: {  	_ =	shalt  }
0x71: {  	_ =	shalt  }
0x72: {  	_ =	shalt  }
0x73: {  	_ =	shalt  }
0x74: {  	_ =	shalt  }
0x75: {  	_ =	shalt  }
0x76: {  	_ =	shalt  }
0x77: {  	_ =	shalt  }
0x78: {  	_ =	shalt  }
0x79: {  	_ =	shalt  }
0x7a: {  	_ =	shalt  }
0x7b: {  	_ =	shalt  }
0x7c: {  	_ =	shalt  }
0x7d: {  	_ =	shalt  }
0x7e: {  	_ =	shalt  }
0x7f: {  	_ =	shalt  }
0x80: {  	_ =	shalt  }
0x81: {  	_ =	shalt  }
0x82: {  	_ =	shalt  }
0x83: {  	_ =	shalt  }
0x84: {  	_ =	shalt  }
0x85: {  	_ =	shalt  }
0x86: {  	_ =	shalt  }
0x87: {  	_ =	shalt  }
.Lfunc_end0:
.L_simem_size_0:
called_computation.1_lowered:
.L_overlay_start_0:
0x88: {  	s2 =	sld [smem:$0x3FD9]  }
0x89: {  	s3 =	sld [smem:$0x3FFE];
	_ =	sdelay $0x1  }
0x8a: {  	s1 =	srdreg.scid  }
0x8b: {  	s0 =	sand.u32 $0x1, s1  }
0x8c: {  	s17 =	sshll.u32 s0, $0xA;
	s2 =	sadd.s32 s3, s2  }
0x8d: {  	s2 =	sadd.s32 s2, s17  }
0x8e: {  	[smem:$0x3FB3] =	sst s2  }
0x8f: {  	_ = 	snop  }
0x90: {  	s2 =	sld [smem:$0x3FD0];
	(tm) =	ssettm $0x1  }
0x91: {  	s18 =	sld [smem:$0x3FFB];
	_ =	sdelay $0x3  }
0x92: {  	_ =	strace s18  }
0x93: {  	s3 =	sld [smem:$0x3FFC];
	_ =	sdelay $0x3  }
0x94: {  	_ =	strace s3  }
0x95: {  	s3 =	sld [smem:$0x3FFD];
	_ =	sdelay $0x3  }
0x96: {  	_ =	strace s3  }
0x97: {  	_ =	strace $0x8FFFFFFF  }
0x98: {  	s19 =	sld [smem:$0x3FDB];
	_ =	sdelay $0x1  }
0x99: {  	s4 =	simm.s32 $_scs_section_size  }
0x9a: {  	s5 =	simm.s32 $_size__tile_overlayer_lowered;
	s6 =	simm.s32 $_tile_overlayer_lowered  }
0x9b: {  	s22 =	simm.s32 $0x1BFF;
	s21 =	sshll.u32 s6, $0x1;
	s3 =	sadd.s32 s4, s19  }
0x9c: {  	s7 =	simm.s32 $0x0;
	s20 =	sshll.u32 s5, $0x1;
	s5 =	sadd.s32 s21, s3  }
0x9d: {  	[timem:s7], [sflag:s22] =	dma.local [hbm:s5], s20  }
0x9e: {  	_ =	swait.ge [sflag:s22], s20  }
0x9f: {  	s4 =	ssub.s32 $0x0, s20;
	[sflag:s22] =	ssyncset.done $0x0  }
0xa0: {  	[sflag:s22] =	ssyncadd.s32 s4;
	_ =	sdelay $0x1  }
0xa1: {  	s23 =	simm.s32 $0x1B8B  }
0xa2: {  	_ =	swait.ge [sflag:s23], $0x1  }
0xa3: {  	[sflag:s23] =	ssyncset.done $0x0  }
0xa4: {  	s25 =	simm.s32 $0x1B8E;
	s24 =	sld [smem:$0x3FFE];
	[sflag:s23] =	ssyncadd.s32 $0xFFFFFFFF  }
0xa5: {  	s26 =	simm.s32 $execute0_lowered;
	[smem:$0x3FD2] =	sst s25  }
0xa6: {  	s5 =	sshll.u32 s26, $0x1;
	_ =	strace $0x80000049;
	[dreg:$0x1] =	wrdreg $0xFFFFFFFF  }
0xa7: {  	s28 =	simm.s32 $_size_execute0_lowered;
	s3 =	sadd.s32 s3, s5;
	[dreg:$0x0] =	wrdreg $0x0  }
0xa8: {  	s5 =	sshll.u32 s28, $0x1;
	[dreg:$0x2] =	wrdreg s3  }
0xa9: {  	[dreg:$0x3] =	wrdreg s5  }
0xaa: {  	[dreg:$0x4] =	wrdreg $0xC0  }
0xab: {  	_ =	task [dreg:s7], $0x5FFFF  }
0xac: {  	[dreg:$0x1] =	wrdreg $0xFFFFFFFF  }
0xad: {  	[dreg:$0x0] =	wrdreg $0x60  }
0xae: {  	[dreg:$0x2] =	wrdreg s2  }
0xaf: {  	[dreg:$0x3] =	wrdreg s24  }
0xb0: {  	[dreg:$0x4] =	wrdreg $0x94000  }
0xb1: {  	[dreg:$0x5] =	wrdreg $0x9  }
0xb2: {  	_ =	task.clear_ibuf [dreg:s7], $0x6FFFF;
	_ =	strace $0x90000049  }
0xb3: {  	s29 =	simm.s32 $0x9;
	_ =	strace $0x8000004B  }
0xb4: {  	_ =	swait.ge [sflag:s29], $0x1  }
0xb5: {  	[sflag:s29] =	ssyncadd.s32 $0xFFFFFFFF  }
0xb6: {  	_ =	strace $0x9000004B  }
0xb7: {  	_ =	sfence  }
0xb8: {  	s30 =	sld [smem:$0x0];
	_ =	sdelay $0x2  }
0xb9: {  	s31 =	sshll.u32 s1, $0xD;
	s1 =	sshrl.u32 s1, $0x2  }
0xba: {  	s3 =	sand.u32 $0x4000, s31;
	s1 =	sadd.s32 s1, s30  }
0xbb: {  	s0 =	sor.u32 s3, s0;
	s1 =	sshll.u32 s1, $0x11  }
0xbc: {  	s0 =	sor.u32 s1, s0  }
0xbd: {  	s0 =	sadd.s32 $0x8F2B, s0  }
0xbe: {  	[sflag:s0] =	ssyncadd.remote.s32 $0x1  }
0xbf: {  	_ =	sfence.sel $0xFFFF  }
0xc0: {  	[dreg:$0x0] =	wrdreg $0xFFFFFFFF;
	(pc) =	sbr.abs _section_cstart, $3  }
0xc1: {  	[dreg:$0x1] =	wrdreg $0xFFFFFFFF  }
0xc2: {  	_ =	task.clear_ibuf [dreg:s7], $0x2FFFF;
	_ =	strace $0x9FFFFFFF  }
0xc3: {  	(tm) =	ssettm $0x7FFFFFFF  }
tec
execute0_lowered:
.L_overlay_start_1:
0x0: {  	(tag) =	ssettag $0x1  }
0x1: {  	s1 =	rddreg [dreg:$0x0]  }
0x2: {  	s0 =	rddreg [dreg:$0x1]  }
0x3: {  	s2 =	rddreg [dreg:$0x2];
	s14 =	simm.s32 $0x0;
	s20 =	srdreg.scid  }
0x4: {  	s10 =	stileid.u32;
	s16 =	simm.s32 $0x40;
	s17 =	simm.s32 $0x1400  }
0x5: {  	s18 =	simm.s32 $0x2400;
	s29 =	simm.s32 $0x6400;
	s31 =	simm.s32 $0x7400  }
0x6: {  	s12 =	simm.s32 $0x3;
	s19 =	simm.s32 $0x6;
	s30 =	simm.s32 $0x8  }
0x7: {  	s11 =	simm.s32 $0x9;
	s13 =	simm.s32 $0xA;
	s28 =	simm.s32 $0xE  }
0x8: {  	[smem:$0x7FF] =	sst s14;
	s3 =	sadd.s32 $0x3F400, s0;
	s4 =	sadd.s32 $0x2B400, s0  }
0x9: {  	s21 =	smul.u32 $0x27800, s10;
	s5 =	sadd.s32 $0x4200, s0;
	s0 =	sadd.s32 $0x53400, s0  }
0xa: {  	s23 =	smul.u32 $0x1380, s10;
	_ =	strace $0x8000004A;
	[dreg:$0x5] =	wrdreg s3  }
0xb: {  	s8 =	sshll.u32 s10, $0x6;
	s25 =	smul.u32 $0x27000, s10;
	[dreg:$0x6] =	wrdreg s4  }
0xc: {  	p0 =	seq.s32 s10, $0xF;
	s3 =	sand.u32 $0x1, s20;
	[dreg:$0x7] =	wrdreg s5  }
0xd: {  	s15 =	sor.u32 $0x1C11, s8;
	s20 =	simm.s32 $0x3400;
	s22 =	ssub.s32 $0x2, s3  }
0xe: {  	s4 =	sshrl.u32 s21, $0x2;
	s7 =	smul.u32 $0x13880, s3;
	s9 =	sshll.u32 s3, $0x4  }
0xf: {  	s3 =	smul.u32 $0x9C400, s3;
	s26 =	sshrl.u32 s25, $0x2;
	s25 =	simm.s32 $0xB  }
0x10: {  	s21 =	simm.s32 $0xD;
	[dreg:$0x8] =	wrdreg s15;
	s6 =	sshrl.u32 s22, $0x1  }
0x11: {  	s4 =	sadd.s32 s4, s2;
	s24 =	sor.u32 s10, s9;
	s10 =	simm.s32 $0x2  }
0x12: {  	s5 =	ssub.s32 s22, s6;
	s8 =	smul.u32 $0x5000, s24;
	s6 =	sadd.s32 s23, s7  }
0x13: {  	s3 =	sshrl.u32 s3, $0x3;
	s4 =	sshrl.u32 s4, $0x3;
	s22 =	simm.s32 $0x4400  }
0x14: {  	s7 =	simm.s32 $0x1;
	s24 =	simm.s32 $0x4;
	s23 =	simm.s32 $0x7  }
0x15: {  	s6 =	sadd.s32 s0, s6;
	s0 =	sadd.s32 s0, s3;
	[dreg:$0xd] =	wrdreg s4  }
0x16: {  	s3 =	sadd.s32 s26, s2;
	s5 =	smax.u32 s5, $0x1;
	[dreg:$0x9] =	wrdreg s8  }
0x17: {  	s26 =	simm.s32 $0x5400;
	[dreg:$0xa] =	wrdreg s6;
	s0 =	sadd.s32 $0x12480, s0  }
0x18: {  	s4 =	simm.s32 $0x8400;
	[dreg:$0xb] =	wrdreg s0;
	s0 =	sadd.s32 $0x92400, s2  }
0x19: {  	[dreg:$0xc] =	wrdreg s5;
	s8 =	simm.s32 $0x5;
	s0 =	sshrl.u32 @p0 s0, $0x3  }
0x1a: {  	s5 =	simm.s32 $0x10;
	[dreg:$0xe] =	wrdreg s0;
	s0 =	sshrl.u32 @!p0 s3, $0x3  }
0x1b: {  	s3 =	simm.s32 $0xC;
	[dreg:$0xf] =	wrdreg s0;
	s0 =	simm.s32 $0xF  }
.LBB2_1:
0x1c: {  	[dreg:$0x4] =	wrdreg s14  }
0x1d: {  	s6 =	rddreg [dreg:$0x7]  }
0x1e: {  	s9 =	rddreg [dreg:$0xd]  }
0x1f: {  	[spmem:s9], [sflag:s15] =	dma.local [hbm:s6], $0x13C0  }
0x20: {  	s15 =	simm.s32 $0x11  }
0x21: {  	_ =	swait.ge [sflag:s15], $0x13C0  }
0x22: {  	[sflag:s15] =	ssyncset.done $0x0  }
0x23: {  	[sflag:s15] =	ssyncadd.s32 $0xFFFFEC40  }
0x24: {  	s6 =	simm.s32 $0x0;
	[bflag:$0x0] =	sbarrier.arrive $0xFFFF  }
.LBB2_2:
0x25: {  	s9 =	smul.u32 $0xA00, s6  }
0x26: {  	s14 =	rddreg [dreg:$0x9]  }
0x27: {  	[dreg:$0x10] =	wrdreg s6;
	s9 =	sadd.s32 s14, s9  }
0x28: {  	s6 =	rddreg [dreg:$0x5];
	s9 =	sshrl.u32 s9, $0x3  }
0x29: {  	s14 =	simm.s32 $0x0;
	s15 =	sadd.s32 s6, s9;
	s6 =	simm.s32 $0x11  }
0x2a: {  	[tilespmem:s14], [sflag:$0x11] =	stream.linear.gather [hbm4b:s15+s14], $0xA00, $0x38;
	[tilespmem:$0x13200] =	vst v63  }
0x2b: {  	_ =	swait.ge [sflag:s6], $0xA00  }
0x2c: {  	[sflag:s6] =	ssyncset.done $0x0;
	s15 =	rddreg [dreg:$0x6]  }
0x2d: {  	[sflag:s6] =	ssyncadd.s32 $0xFFFFF600;
	s9 =	sadd.s32 s15, s9;
	s15 =	simm.s32 $0xA00  }
0x2e: {  	[tilespmem:s15], [sflag:$0x11] =	stream.linear.gather [hbm4b:s9+s14], $0xA00, $0x38;
	[tilespmem:$0x13200] =	vst v63  }
0x2f: {  	_ =	swait.ge [sflag:s6], $0xA00  }
0x30: {  	[sflag:s6] =	ssyncset.done $0x0  }
0x31: {  	[sflag:s6] =	ssyncadd.s32 $0xFFFFF600  }
0x32: {  	[tilespmem:s17], [sflag:$0x1] =	stream.indirect.gather [hbm4b:s1+s16], $0x40, s14, s16, $0xb8;
	[tilespmem:$0x13200] =	vst v63  }
0x33: {  	_ = 	snop  }
0x34: {  	[tilespmem:s18], [sflag:$0x2] =	stream.indirect.gather [hbm4b:s1+s16], $0x40, s16, s16, $0xb8;
	[tilespmem:$0x13200] =	vst v63  }
0x35: {  	s9 =	simm.s32 $0x80  }
0x36: {  	[tilespmem:s20], [sflag:$0x3] =	stream.indirect.gather [hbm4b:s1+s16], $0x40, s9, s16, $0xb8;
	[tilespmem:$0x13200] =	vst v63  }
0x37: {  	s14 =	simm.s32 $0xC0  }
0x38: {  	[tilespmem:s22], [sflag:$0x4] =	stream.indirect.gather [hbm4b:s1+s16], $0x40, s14, s16, $0xb8;
	[tilespmem:$0x13200] =	vst v63  }
0x39: {  	s9 =	simm.s32 $0x100  }
0x3a: {  	[tilespmem:s26], [sflag:$0x5] =	stream.indirect.gather [hbm4b:s1+s16], $0x40, s9, s16, $0xb8;
	[tilespmem:$0x13200] =	vst v63  }
0x3b: {  	s14 =	simm.s32 $0x140  }
0x3c: {  	[tilespmem:s29], [sflag:$0x6] =	stream.indirect.gather [hbm4b:s1+s16], $0x40, s14, s16, $0xb8;
	[tilespmem:$0x13200] =	vst v63  }
0x3d: {  	s9 =	simm.s32 $0x180  }
0x3e: {  	[tilespmem:s31], [sflag:$0x7] =	stream.indirect.gather [hbm4b:s1+s16], $0x40, s9, s16, $0xb8;
	[tilespmem:$0x13200] =	vst v63  }
0x3f: {  	s14 =	simm.s32 $0x1C0  }
0x40: {  	[tilespmem:s4], [sflag:$0x8] =	stream.indirect.gather [hbm4b:s1+s16], $0x40, s14, s16, $0xb8;
	[tilespmem:$0x13200] =	vst v63  }
0x41: {  	_ =	swait.ge [sflag:s7], $0x1000  }
0x42: {  	[sflag:s7] =	ssyncset.done $0x0  }
0x43: {  	[sflag:s7] =	ssyncadd.s32 $0xFFFFF000  }
0x44: {  	[spmem:s2] =	stream.indirect.scatter.add.f32 [tilespmem:s17], [sflag:$0x9], $0x40, s15, s16, $0xb8;
	[tilespmem:$0x13200] =	vst v63  }
0x45: {  	_ =	swait.ge [sflag:s10], $0x1000  }
0x46: {  	[sflag:s10] =	ssyncset.done $0x0  }
0x47: {  	s15 =	simm.s32 $0xA40;
	[sflag:s10] =	ssyncadd.s32 $0xFFFFF000  }
0x48: {  	[spmem:s2] =	stream.indirect.scatter.add.f32 [tilespmem:s18], [sflag:$0xA], $0x40, s15, s16, $0xb8;
	[tilespmem:$0x13200] =	vst v63  }
0x49: {  	_ =	swait.ge [sflag:s12], $0x1000  }
0x4a: {  	[sflag:s12] =	ssyncset.done $0x0  }
0x4b: {  	s9 =	simm.s32 $0xA80;
	[sflag:s12] =	ssyncadd.s32 $0xFFFFF000  }
0x4c: {  	[spmem:s2] =	stream.indirect.scatter.add.f32 [tilespmem:s20], [sflag:$0xB], $0x40, s9, s16, $0xb8;
	[tilespmem:$0x13200] =	vst v63  }
0x4d: {  	_ =	swait.ge [sflag:s24], $0x1000  }
0x4e: {  	[sflag:s24] =	ssyncset.done $0x0  }
0x4f: {  	s14 =	simm.s32 $0xAC0;
	[sflag:s24] =	ssyncadd.s32 $0xFFFFF000  }
0x50: {  	[spmem:s2] =	stream.indirect.scatter.add.f32 [tilespmem:s22], [sflag:$0xC], $0x40, s14, s16, $0xb8;
	[tilespmem:$0x13200] =	vst v63  }
0x51: {  	_ =	swait.ge [sflag:s8], $0x1000  }
0x52: {  	[sflag:s8] =	ssyncset.done $0x0  }
0x53: {  	s15 =	simm.s32 $0xB00;
	[sflag:s8] =	ssyncadd.s32 $0xFFFFF000  }
0x54: {  	[spmem:s2] =	stream.indirect.scatter.add.f32 [tilespmem:s26], [sflag:$0xD], $0x40, s15, s16, $0xb8;
	[tilespmem:$0x13200] =	vst v63  }
0x55: {  	_ =	swait.ge [sflag:s19], $0x1000  }
0x56: {  	[sflag:s19] =	ssyncset.done $0x0  }
0x57: {  	s9 =	simm.s32 $0xB40;
	[sflag:s19] =	ssyncadd.s32 $0xFFFFF000  }
0x58: {  	[spmem:s2] =	stream.indirect.scatter.add.f32 [tilespmem:s29], [sflag:$0xE], $0x40, s9, s16, $0xb8;
	[tilespmem:$0x13200] =	vst v63  }
0x59: {  	_ =	swait.ge [sflag:s23], $0x1000  }
0x5a: {  	[sflag:s23] =	ssyncset.done $0x0  }
0x5b: {  	s14 =	simm.s32 $0xB80;
	[sflag:s23] =	ssyncadd.s32 $0xFFFFF000  }
0x5c: {  	[spmem:s2] =	stream.indirect.scatter.add.f32 [tilespmem:s31], [sflag:$0xF], $0x40, s14, s16, $0xb8;
	[tilespmem:$0x13200] =	vst v63  }
0x5d: {  	_ =	swait.ge [sflag:s30], $0x1000  }
0x5e: {  	[sflag:s30] =	ssyncset.done $0x0  }
0x5f: {  	s15 =	simm.s32 $0xBC0;
	[sflag:s30] =	ssyncadd.s32 $0xFFFFF000  }
0x60: {  	[spmem:s2] =	stream.indirect.scatter.add.f32 [tilespmem:s4], [sflag:$0x10], $0x40, s15, s16, $0xb8;
	[tilespmem:$0x13200] =	vst v63  }
0x61: {  	_ =	swait.ge [sflag:s11], $0x1000  }
0x62: {  	[sflag:s11] =	ssyncset.done $0x0  }
0x63: {  	s6 =	simm.s32 $0x200;
	[sflag:s11] =	ssyncadd.s32 $0xFFFFF000  }
0x64: {  	[tilespmem:s17], [sflag:$0x1] =	stream.indirect.gather [hbm4b:s1+s16], $0x40, s6, s16, $0xb8;
	[tilespmem:$0x13200] =	vst v63  }
0x65: {  	_ =	swait.ge [sflag:s13], $0x1000  }
0x66: {  	[sflag:s13] =	ssyncset.done $0x0  }
0x67: {  	s14 =	simm.s32 $0x240;
	[sflag:s13] =	ssyncadd.s32 $0xFFFFF000  }
0x68: {  	[tilespmem:s18], [sflag:$0x2] =	stream.indirect.gather [hbm4b:s1+s16], $0x40, s14, s16, $0xb8;
	[tilespmem:$0x13200] =	vst v63  }
0x69: {  	_ =	swait.ge [sflag:s25], $0x1000  }
0x6a: {  	[sflag:s25] =	ssyncset.done $0x0  }
0x6b: {  	s15 =	simm.s32 $0x280;
	[sflag:s25] =	ssyncadd.s32 $0xFFFFF000  }
0x6c: {  	[tilespmem:s20], [sflag:$0x3] =	stream.indirect.gather [hbm4b:s1+s16], $0x40, s15, s16, $0xb8;
	[tilespmem:$0x13200] =	vst v63  }
0x6d: {  	_ =	swait.ge [sflag:s3], $0x1000  }
0x6e: {  	[sflag:s3] =	ssyncset.done $0x0  }
0x6f: {  	s6 =	simm.s32 $0x2C0;
	[sflag:s3] =	ssyncadd.s32 $0xFFFFF000  }
0x70: {  	[tilespmem:s22], [sflag:$0x4] =	stream.indirect.gather [hbm4b:s1+s16], $0x40, s6, s16, $0xb8;
	[tilespmem:$0x13200] =	vst v63  }
0x71: {  	_ =	swait.ge [sflag:s21], $0x1000  }
0x72: {  	[sflag:s21] =	ssyncset.done $0x0  }
0x73: {  	s14 =	simm.s32 $0x300;
	[sflag:s21] =	ssyncadd.s32 $0xFFFFF000  }
0x74: {  	[tilespmem:s26], [sflag:$0x5] =	stream.indirect.gather [hbm4b:s1+s16], $0x40, s14, s16, $0xb8;
	[tilespmem:$0x13200] =	vst v63  }
0x75: {  	_ =	swait.ge [sflag:s28], $0x1000  }
0x76: {  	[sflag:s28] =	ssyncset.done $0x0  }
0x77: {  	s15 =	simm.s32 $0x340;
	[sflag:s28] =	ssyncadd.s32 $0xFFFFF000  }
0x78: {  	[tilespmem:s29], [sflag:$0x6] =	stream.indirect.gather [hbm4b:s1+s16], $0x40, s15, s16, $0xb8;
	[tilespmem:$0x13200] =	vst v63  }
0x79: {  	_ =	swait.ge [sflag:s0], $0x1000  }
0x7a: {  	[sflag:s0] =	ssyncset.done $0x0  }
0x7b: {  	s6 =	simm.s32 $0x380;
	[sflag:s0] =	ssyncadd.s32 $0xFFFFF000  }
0x7c: {  	[tilespmem:s31], [sflag:$0x7] =	stream.indirect.gather [hbm4b:s1+s16], $0x40, s6, s16, $0xb8;
	[tilespmem:$0x13200] =	vst v63  }
0x7d: {  	_ =	swait.ge [sflag:s5], $0x1000  }
0x7e: {  	[sflag:s5] =	ssyncset.done $0x0  }
0x7f: {  	s14 =	simm.s32 $0x3C0;
	[sflag:s5] =	ssyncadd.s32 $0xFFFFF000  }
0x80: {  	[tilespmem:s4], [sflag:$0x8] =	stream.indirect.gather [hbm4b:s1+s16], $0x40, s14, s16, $0xb8;
	[tilespmem:$0x13200] =	vst v63  }
0x81: {  	_ =	swait.ge [sflag:s7], $0x1000  }
0x82: {  	[sflag:s7] =	ssyncset.done $0x0  }
0x83: {  	s15 =	simm.s32 $0xC00;
	[sflag:s7] =	ssyncadd.s32 $0xFFFFF000  }
0x84: {  	[spmem:s2] =	stream.indirect.scatter.add.f32 [tilespmem:s17], [sflag:$0x9], $0x40, s15, s16, $0xb8;
	[tilespmem:$0x13200] =	vst v63  }
0x85: {  	_ =	swait.ge [sflag:s10], $0x1000  }
0x86: {  	[sflag:s10] =	ssyncset.done $0x0  }
0x87: {  	s6 =	simm.s32 $0xC40;
	[sflag:s10] =	ssyncadd.s32 $0xFFFFF000  }
0x88: {  	[spmem:s2] =	stream.indirect.scatter.add.f32 [tilespmem:s18], [sflag:$0xA], $0x40, s6, s16, $0xb8;
	[tilespmem:$0x13200] =	vst v63  }
0x89: {  	_ =	swait.ge [sflag:s12], $0x1000  }
0x8a: {  	[sflag:s12] =	ssyncset.done $0x0  }
0x8b: {  	s14 =	simm.s32 $0xC80;
	[sflag:s12] =	ssyncadd.s32 $0xFFFFF000  }
0x8c: {  	[spmem:s2] =	stream.indirect.scatter.add.f32 [tilespmem:s20], [sflag:$0xB], $0x40, s14, s16, $0xb8;
	[tilespmem:$0x13200] =	vst v63  }
0x8d: {  	_ =	swait.ge [sflag:s24], $0x1000  }
0x8e: {  	[sflag:s24] =	ssyncset.done $0x0  }
0x8f: {  	s15 =	simm.s32 $0xCC0;
	[sflag:s24] =	ssyncadd.s32 $0xFFFFF000  }
0x90: {  	[spmem:s2] =	stream.indirect.scatter.add.f32 [tilespmem:s22], [sflag:$0xC], $0x40, s15, s16, $0xb8;
	[tilespmem:$0x13200] =	vst v63  }
0x91: {  	_ =	swait.ge [sflag:s8], $0x1000  }
0x92: {  	[sflag:s8] =	ssyncset.done $0x0  }
0x93: {  	s6 =	simm.s32 $0xD00;
	[sflag:s8] =	ssyncadd.s32 $0xFFFFF000  }
0x94: {  	[spmem:s2] =	stream.indirect.scatter.add.f32 [tilespmem:s26], [sflag:$0xD], $0x40, s6, s16, $0xb8;
	[tilespmem:$0x13200] =	vst v63  }
0x95: {  	_ =	swait.ge [sflag:s19], $0x1000  }
0x96: {  	[sflag:s19] =	ssyncset.done $0x0  }
0x97: {  	s14 =	simm.s32 $0xD40;
	[sflag:s19] =	ssyncadd.s32 $0xFFFFF000  }
0x98: {  	[spmem:s2] =	stream.indirect.scatter.add.f32 [tilespmem:s29], [sflag:$0xE], $0x40, s14, s16, $0xb8;
	[tilespmem:$0x13200] =	vst v63  }
0x99: {  	_ =	swait.ge [sflag:s23], $0x1000  }
0x9a: {  	[sflag:s23] =	ssyncset.done $0x0  }
0x9b: {  	s15 =	simm.s32 $0xD80;
	[sflag:s23] =	ssyncadd.s32 $0xFFFFF000  }
0x9c: {  	[spmem:s2] =	stream.indirect.scatter.add.f32 [tilespmem:s31], [sflag:$0xF], $0x40, s15, s16, $0xb8;
	[tilespmem:$0x13200] =	vst v63  }
0x9d: {  	_ =	swait.ge [sflag:s30], $0x1000  }
0x9e: {  	[sflag:s30] =	ssyncset.done $0x0  }
0x9f: {  	s9 =	simm.s32 $0x800;
	s15 =	simm.s32 $0xDC0;
	[sflag:s30] =	ssyncadd.s32 $0xFFFFF000  }
.LBB2_3:
0xa0: {  	[spmem:s2] =	stream.indirect.scatter.add.f32 [tilespmem:s4], [sflag:$0x10], $0x40, s15, s16, $0xb8;
	[tilespmem:$0x13200] =	vst v63  }
0xa1: {  	s14 =	smov.u32 s9  }
0xa2: {  	p1 =	sne.s32 s9, $0x1800;
	s9 =	sadd.s32 $0x800, s9;
	_ =	swait.ge [sflag:s11], $0x1000  }
0xa3: {  	s15 =	sshra.s32 s14, $0x2;
	[sflag:s11] =	ssyncset.done $0x0  }
0xa4: {  	s14 =	sadd.s32 $0x200, s15;
	[sflag:s11] =	ssyncadd.s32 $0xFFFFF000  }
0xa5: {  	[tilespmem:s17], [sflag:$0x1] =	stream.indirect.gather [hbm4b:s1+s16], $0x40, s14, s16, $0xb8;
	[tilespmem:$0x13200] =	vst v63  }
0xa6: {  	_ =	swait.ge [sflag:s13], $0x1000  }
0xa7: {  	[sflag:s13] =	ssyncset.done $0x0  }
0xa8: {  	s14 =	sadd.s32 $0x240, s15;
	[sflag:s13] =	ssyncadd.s32 $0xFFFFF000  }
0xa9: {  	[tilespmem:s18], [sflag:$0x2] =	stream.indirect.gather [hbm4b:s1+s16], $0x40, s14, s16, $0xb8;
	[tilespmem:$0x13200] =	vst v63  }
0xaa: {  	_ =	swait.ge [sflag:s25], $0x1000  }
0xab: {  	[sflag:s25] =	ssyncset.done $0x0  }
0xac: {  	s14 =	sadd.s32 $0x280, s15;
	[sflag:s25] =	ssyncadd.s32 $0xFFFFF000  }
0xad: {  	[tilespmem:s20], [sflag:$0x3] =	stream.indirect.gather [hbm4b:s1+s16], $0x40, s14, s16, $0xb8;
	[tilespmem:$0x13200] =	vst v63  }
0xae: {  	_ =	swait.ge [sflag:s3], $0x1000  }
0xaf: {  	[sflag:s3] =	ssyncset.done $0x0  }
0xb0: {  	s14 =	sadd.s32 $0x2C0, s15;
	[sflag:s3] =	ssyncadd.s32 $0xFFFFF000  }
0xb1: {  	[tilespmem:s22], [sflag:$0x4] =	stream.indirect.gather [hbm4b:s1+s16], $0x40, s14, s16, $0xb8;
	[tilespmem:$0x13200] =	vst v63  }
0xb2: {  	_ =	swait.ge [sflag:s21], $0x1000  }
0xb3: {  	[sflag:s21] =	ssyncset.done $0x0  }
0xb4: {  	s14 =	sadd.s32 $0x300, s15;
	[sflag:s21] =	ssyncadd.s32 $0xFFFFF000  }
0xb5: {  	[tilespmem:s26], [sflag:$0x5] =	stream.indirect.gather [hbm4b:s1+s16], $0x40, s14, s16, $0xb8;
	[tilespmem:$0x13200] =	vst v63  }
0xb6: {  	_ =	swait.ge [sflag:s28], $0x1000  }
0xb7: {  	[sflag:s28] =	ssyncset.done $0x0  }
0xb8: {  	s14 =	sadd.s32 $0x340, s15;
	[sflag:s28] =	ssyncadd.s32 $0xFFFFF000  }
0xb9: {  	[tilespmem:s29], [sflag:$0x6] =	stream.indirect.gather [hbm4b:s1+s16], $0x40, s14, s16, $0xb8;
	[tilespmem:$0x13200] =	vst v63  }
0xba: {  	_ =	swait.ge [sflag:s0], $0x1000  }
0xbb: {  	[sflag:s0] =	ssyncset.done $0x0  }
0xbc: {  	s14 =	sadd.s32 $0x380, s15;
	[sflag:s0] =	ssyncadd.s32 $0xFFFFF000  }
0xbd: {  	[tilespmem:s31], [sflag:$0x7] =	stream.indirect.gather [hbm4b:s1+s16], $0x40, s14, s16, $0xb8;
	[tilespmem:$0x13200] =	vst v63  }
0xbe: {  	_ =	swait.ge [sflag:s5], $0x1000  }
0xbf: {  	[sflag:s5] =	ssyncset.done $0x0  }
0xc0: {  	s14 =	sadd.s32 $0x3C0, s15;
	[sflag:s5] =	ssyncadd.s32 $0xFFFFF000  }
0xc1: {  	[tilespmem:s4], [sflag:$0x8] =	stream.indirect.gather [hbm4b:s1+s16], $0x40, s14, s16, $0xb8;
	[tilespmem:$0x13200] =	vst v63  }
0xc2: {  	_ =	swait.ge [sflag:s7], $0x1000  }
0xc3: {  	[sflag:s7] =	ssyncset.done $0x0  }
0xc4: {  	s14 =	sadd.s32 $0xC00, s15;
	[sflag:s7] =	ssyncadd.s32 $0xFFFFF000  }
0xc5: {  	[spmem:s2] =	stream.indirect.scatter.add.f32 [tilespmem:s17], [sflag:$0x9], $0x40, s14, s16, $0xb8;
	[tilespmem:$0x13200] =	vst v63  }
0xc6: {  	_ =	swait.ge [sflag:s10], $0x1000  }
0xc7: {  	[sflag:s10] =	ssyncset.done $0x0  }
0xc8: {  	s14 =	sadd.s32 $0xC40, s15;
	[sflag:s10] =	ssyncadd.s32 $0xFFFFF000  }
0xc9: {  	[spmem:s2] =	stream.indirect.scatter.add.f32 [tilespmem:s18], [sflag:$0xA], $0x40, s14, s16, $0xb8;
	[tilespmem:$0x13200] =	vst v63  }
0xca: {  	_ =	swait.ge [sflag:s12], $0x1000  }
0xcb: {  	[sflag:s12] =	ssyncset.done $0x0  }
0xcc: {  	s14 =	sadd.s32 $0xC80, s15;
	[sflag:s12] =	ssyncadd.s32 $0xFFFFF000  }
0xcd: {  	[spmem:s2] =	stream.indirect.scatter.add.f32 [tilespmem:s20], [sflag:$0xB], $0x40, s14, s16, $0xb8;
	[tilespmem:$0x13200] =	vst v63  }
0xce: {  	_ =	swait.ge [sflag:s24], $0x1000  }
0xcf: {  	[sflag:s24] =	ssyncset.done $0x0  }
0xd0: {  	s14 =	sadd.s32 $0xCC0, s15;
	[sflag:s24] =	ssyncadd.s32 $0xFFFFF000  }
0xd1: {  	[spmem:s2] =	stream.indirect.scatter.add.f32 [tilespmem:s22], [sflag:$0xC], $0x40, s14, s16, $0xb8;
	[tilespmem:$0x13200] =	vst v63  }
0xd2: {  	_ =	swait.ge [sflag:s8], $0x1000  }
0xd3: {  	[sflag:s8] =	ssyncset.done $0x0  }
0xd4: {  	s14 =	sadd.s32 $0xD00, s15;
	[sflag:s8] =	ssyncadd.s32 $0xFFFFF000  }
0xd5: {  	[spmem:s2] =	stream.indirect.scatter.add.f32 [tilespmem:s26], [sflag:$0xD], $0x40, s14, s16, $0xb8;
	[tilespmem:$0x13200] =	vst v63  }
0xd6: {  	_ =	swait.ge [sflag:s19], $0x1000  }
0xd7: {  	[sflag:s19] =	ssyncset.done $0x0  }
0xd8: {  	s14 =	sadd.s32 $0xD40, s15;
	[sflag:s19] =	ssyncadd.s32 $0xFFFFF000  }
0xd9: {  	[spmem:s2] =	stream.indirect.scatter.add.f32 [tilespmem:s29], [sflag:$0xE], $0x40, s14, s16, $0xb8;
	[tilespmem:$0x13200] =	vst v63  }
0xda: {  	_ =	swait.ge [sflag:s23], $0x1000  }
0xdb: {  	[sflag:s23] =	ssyncset.done $0x0  }
.Ltmp0:
0xdc: {  	s14 =	sadd.s32 $0xD80, s15;
	[sflag:s23] =	ssyncadd.s32 $0xFFFFF000;
	(pc) =	sbr.rel @p1 .LBB2_3-.Ltmp0, $4  }
0xdd: {  	[spmem:s2] =	stream.indirect.scatter.add.f32 [tilespmem:s31], [sflag:$0xF], $0x40, s14, s16, $0xb8;
	[tilespmem:$0x13200] =	vst v63  }
0xde: {  	_ =	swait.ge [sflag:s30], $0x1000  }
0xdf: {  	[sflag:s30] =	ssyncset.done $0x0  }
0xe0: {  	s15 =	sadd.s32 $0xDC0, s15;
	[sflag:s30] =	ssyncadd.s32 $0xFFFFF000  }
0xe1: {  	[spmem:s2] =	stream.indirect.scatter.add.f32 [tilespmem:s4], [sflag:$0x10], $0x40, s15, s16, $0xb8;
	[tilespmem:$0x13200] =	vst v63  }
0xe2: {  	_ =	swait.ge [sflag:s11], $0x1000  }
0xe3: {  	[sflag:s11] =	ssyncset.done $0x0  }
0xe4: {  	[sflag:s11] =	ssyncadd.s32 $0xFFFFF000  }
0xe5: {  	_ =	swait.ge [sflag:s13], $0x1000  }
0xe6: {  	[sflag:s13] =	ssyncset.done $0x0  }
0xe7: {  	[sflag:s13] =	ssyncadd.s32 $0xFFFFF000  }
0xe8: {  	_ =	swait.ge [sflag:s25], $0x1000  }
0xe9: {  	[sflag:s25] =	ssyncset.done $0x0  }
0xea: {  	[sflag:s25] =	ssyncadd.s32 $0xFFFFF000  }
0xeb: {  	_ =	swait.ge [sflag:s3], $0x1000  }
0xec: {  	[sflag:s3] =	ssyncset.done $0x0  }
0xed: {  	[sflag:s3] =	ssyncadd.s32 $0xFFFFF000  }
0xee: {  	_ =	swait.ge [sflag:s21], $0x1000  }
0xef: {  	[sflag:s21] =	ssyncset.done $0x0  }
0xf0: {  	[sflag:s21] =	ssyncadd.s32 $0xFFFFF000  }
0xf1: {  	_ =	swait.ge [sflag:s28], $0x1000  }
0xf2: {  	[sflag:s28] =	ssyncset.done $0x0  }
0xf3: {  	[sflag:s28] =	ssyncadd.s32 $0xFFFFF000  }
0xf4: {  	_ =	swait.ge [sflag:s0], $0x1000  }
0xf5: {  	[sflag:s0] =	ssyncset.done $0x0  }
0xf6: {  	[sflag:s0] =	ssyncadd.s32 $0xFFFFF000  }
0xf7: {  	_ =	swait.ge [sflag:s5], $0x1000  }
0xf8: {  	s6 =	rddreg [dreg:$0x10]  }
0xf9: {  	s6 =	sadd.s32 $0x1, s6  }
0xfa: {  	p1 =	sne.s32 s6, $0x8  }
.Ltmp1:
0xfb: {  	_ = 	snop;
	(pc) =	sbr.rel @p1 .LBB2_2-.Ltmp1, $3  }
0xfc: {  	_ =	sdelay $0x1  }
0xfd: {  	[sflag:s5] =	ssyncset.done $0x0  }
0xfe: {  	[sflag:s5] =	ssyncadd.s32 $0xFFFFF000  }
0xff: {  	[bflag:$0x0] =	sbarrier.arrive $0xFFFF  }
0x100: {  	s15 =	rddreg [dreg:$0x8]  }
0x101: {  	s6 =	rddreg [dreg:$0xb]  }
0x102: {  	s9 =	rddreg [dreg:$0xe]  }
0x103: {  	[hbm:s6], [sflag:s15] =	dma.local @p0 [spmem:s9], $0x1400  }
0x104: {  	s6 =	simm.s32 @p0 $0x11  }
0x105: {  	_ =	swait.ge @p0 [sflag:s6], $0x1400  }
0x106: {  	[sflag:s6] =	ssyncset.done @p0 $0x0;
	s9 =	rddreg [dreg:$0xf]  }
0x107: {  	[sflag:s6] =	ssyncadd.s32 @p0 $0xFFFFEC00;
	s6 =	rddreg [dreg:$0xa]  }
0x108: {  	[hbm:s6], [sflag:s15] =	dma.local @!p0 [spmem:s9], $0x1380  }
0x109: {  	s6 =	simm.s32 @!p0 $0x11  }
0x10a: {  	_ =	swait.ge @!p0 [sflag:s6], $0x1380  }
0x10b: {  	s14 =	rddreg [dreg:$0x4]  }
0x10c: {  	s9 =	rddreg [dreg:$0xc];
	s14 =	sadd.s32 $0x1, s14  }
0x10d: {  	p1 =	sne.s32 s14, s9  }
.Ltmp2:
0x10e: {  	_ = 	snop;
	(pc) =	sbr.rel @p1 .LBB2_1-.Ltmp2, $3  }
0x10f: {  	_ =	sdelay $0x1  }
0x110: {  	[sflag:s6] =	ssyncset.done @!p0 $0x0  }
0x111: {  	[sflag:s6] =	ssyncadd.s32 @!p0 $0xFFFFEC80  }
0x112: {  	_ =	sfence.sel $0x180000  }
0x113: {  	[bflag:$0x0] =	sbarrier.arrive $0xFFFF  }
0x114: {  	_ =	strace $0x9000004A  }
0x115: {  	s0 =	stileid.u32;
	[bflag:$0x2] =	sbarrier.arrive $0xFFFF  }
0x116: {  	p0 =	sne.s32 s0, $0x0;
	s0 =	rddreg [dreg:$0x3]  }
0x117: {  	s0 =	sadd.s32 @!p0 $0x100000, s0  }
0x118: {  	[sflag:s0] =	ssyncadd.tile.s32 @!p0 $0x1;
	_ =	shalt  }
.Lfunc_end2:
_tile_overlayer_lowered:
.L_overlay_start_2:
0x119: {  	(tag) =	ssettag $0x2  }
0x11a: {  	s0 =	rddreg [dreg:$0x0];
	s2 =	stileid.u32  }
0x11b: {  	s1 =	rddreg [dreg:$0x1];
	p0 =	sne.s32 s2, $0x0  }
0x11c: {  	s3 =	rddreg [dreg:$0x2];
	[bflag:$0x3] =	sbarrier.arrive $0xFFFF;
	s2 =	simm.s32 @!p0 $0x1C11  }
0x11d: {  	[timem:s3], [sflag:s2] =	dma.local @!p0 [hbm:s0], s1  }
0x11e: {  	s0 =	simm.s32 @!p0 $0x11  }
0x11f: {  	_ =	swait.ge @!p0 [sflag:s0], s1  }
0x120: {  	s1 =	ssub.s32 @!p0 $0x0, s1;
	[sflag:s0] =	ssyncset.done @!p0 $0x0  }
0x121: {  	[sflag:s0] =	ssyncadd.s32 @!p0 s1  }
0x122: {  	[bflag:$0x3] =	sbarrier.arrive $0xFFFF  }
0x123: {  	_ =	shalt  }

// kernel: kernel.15.cloned.1.call-start
scs
__scs_entry_jumppad:
0x0: {  	(pc) =	sbr.rel $0x88, $3  }
0x1: {  	(tag) =	ssettag $0x0;
	lr =	simm.s32 $0x1  }
0x2: {  	[smem:$0x3F8C] =	sst lr;
	_ =	strace $0xD0000000  }
0x3: {  	_ = 	snop  }
0x4: {  	_ = 	snop  }
0x5: {  	_ = 	snop  }
0x6: {  	_ = 	snop  }
0x7: {  	_ = 	snop  }
__scs_overlays_trampoline_lowered:
0x8: {  	[smem:$0x3F9B] =	sst s0  }
0x9: {  	[smem:$0x3F9C] =	sst s1  }
0xa: {  	[smem:$0x3F9D] =	sst s2  }
0xb: {  	[smem:$0x3F9E] =	sst s3  }
0xc: {  	[smem:$0x3F9F] =	sst s4  }
0xd: {  	[smem:$0x3FA0] =	sst s5  }
0xe: {  	[smem:$0x3FA1] =	sst s6  }
0xf: {  	[smem:$0x3FA2] =	sst s7  }
0x10: {  	[smem:$0x3FA3] =	sst s8  }
0x11: {  	[smem:$0x3FA4] =	sst s9;
	s0 =	simm.s32 @!p0 $0x0  }
0x12: {  	s1 =	sld [smem:$0x3F8A];
	s0 =	simm.s32 @p0 $0x1  }
0x13: {  	[smem:$0x3FA5] =	sst s0;
	s0 =	simm.s32 @!p1 $0x0  }
0x14: {  	s2 =	sld [smem:$0x3F89];
	s0 =	simm.s32 @p1 $0x1  }
0x15: {  	[smem:$0x3FA6] =	sst s0;
	s0 =	simm.s32 @!p2 $0x0  }
0x16: {  	s3 =	sld [smem:$0x3FDB];
	s0 =	simm.s32 @p2 $0x1  }
0x17: {  	s4 =	simm.s32 $0x1BF5;
	[smem:$0x3FA8] =	sst s0  }
0x18: {  	s0 =	sld [smem:$0x3F8B];
	_ =	swait.ge [sflag:s4], $0x0  }
0x19: {  	s7 =	sld [smem:$0x3F8C]  }
0x1a: {  	s8 =	sadd.s32 $0xFFFFE003, lr  }
0x1b: {  	s9 =	sadd.s32 $0xFFFFFEF7, lr;
	s5 =	simm.s32 $0xFFFFFFFF;
	p2 =	slt.u32 s8, $0xFFFFF086  }
0x1c: {  	p1 =	slt.u32 s9, $0xF7A;
	s5 =	simm.s32 @!p2 $0x0  }
0x1d: {  	s5 =	simm.s32 @p1 $0x1;
	p0 =	seq.s32 s7, s2  }
0x1e: {  	s7 =	smul.u32 @!p0 $0xF7A, s2;
	p2 =	seq.s32 @!p0 s5, $0x0  }
0x1f: {  	s9 =	smul.u32 $0xF7A, s1;
	s8 =	simm.s32 @!p0 $0x1BF5;
	p2 =	por !p2, p0  }
0x20: {  	[sflag:s8] =	ssyncset.s32 @!p0 $0xFFFFF086;
	s6 =	sadd.s32 @!p0 s3, s7;
	s7 =	simm.s32 @!p0 $0x108  }
0x21: {  	s3 =	sadd.s32 s3, s9;
	s6 =	sadd.s32 @!p0 $0x88, s6;
	s7 =	simm.s32 @p2 $0x1082  }
0x22: {  	[simem:s7], [sflag:s8] =	dma.local @!p0 [hbm:s6], $0xF7A  }
0x23: {  	s9 =	sor.u32 $0xD0000000, s2;
	s6 =	simm.s32 $0x108;
	_ =	swait.ge @!p0 [sflag:s8], $0x0  }
0x24: {  	s3 =	sadd.s32 $0x88, s3;
	s6 =	simm.s32 @!p1 $0x1082;
	[sflag:s4] =	ssyncset.s32 $0xFFFFF086  }
0x25: {  	[simem:s6], [sflag:s4] =	dma.local [hbm:s3], $0xF7A  }
0x26: {  	[smem:$0x3F8C] =	sst s1;
	(tag) =	ssettag s2;
	_ =	strace s9  }
0x27: {  	s1 =	sld [smem:$0x3F9C]  }
0x28: {  	s2 =	sld [smem:$0x3F9D]  }
0x29: {  	s4 =	sld [smem:$0x3F9F]  }
0x2a: {  	p0 =	seq.s32 s5, $0x0;
	s5 =	sld [smem:$0x3FA0]  }
0x2b: {  	s6 =	sld [smem:$0x3FA1]  }
0x2c: {  	s7 =	sld [smem:$0x3FA2]  }
0x2d: {  	s3 =	simm.s32 $0x108;
	s8 =	sld [smem:$0x3FA3]  }
0x2e: {  	s3 =	simm.s32 @!p0 $0x1082;
	s9 =	sld [smem:$0x3FA4]  }
0x2f: {  	lr =	sadd.s32 s0, s3;
	s0 =	sld [smem:$0x3F9B]  }
0x30: {  	s3 =	sld [smem:$0x3F9E]  }
0x31: {  	[smem:$0x3FA7] =	sst s10  }
0x32: {  	s10 =	sld [smem:$0x3FA5];
	_ =	sdelay $0x3  }
0x33: {  	p0 =	seq.s32 s10, $0x1;
	s10 =	sld [smem:$0x3FA7];
	_ =	sdelay $0x3  }
0x34: {  	[smem:$0x3FA7] =	sst s10  }
0x35: {  	s10 =	sld [smem:$0x3FA6];
	_ =	sdelay $0x3  }
0x36: {  	p1 =	seq.s32 s10, $0x1;
	s10 =	sld [smem:$0x3FA7];
	_ =	sdelay $0x3  }
0x37: {  	[smem:$0x3FA7] =	sst s10  }
0x38: {  	s10 =	sld [smem:$0x3FA8]  }
0x39: {  	_ = 	snop;
	(pc) =	sbr.ind lr, $3  }
0x3a: {  	_ = 	snop  }
0x3b: {  	_ = 	snop  }
0x3c: {  	p2 =	seq.s32 s10, $0x1;
	s10 =	sld [smem:$0x3FA7]  }
0x3d: {  	_ =	shalt  }
0x3e: {  	_ =	shalt  }
0x3f: {  	_ =	shalt  }
0x40: {  	_ =	shalt  }
0x41: {  	_ =	shalt  }
0x42: {  	_ =	shalt  }
0x43: {  	_ =	shalt  }
0x44: {  	_ =	shalt  }
0x45: {  	_ =	shalt  }
0x46: {  	_ =	shalt  }
0x47: {  	_ =	shalt  }
0x48: {  	_ =	shalt  }
0x49: {  	_ =	shalt  }
0x4a: {  	_ =	shalt  }
0x4b: {  	_ =	shalt  }
0x4c: {  	_ =	shalt  }
0x4d: {  	_ =	shalt  }
0x4e: {  	_ =	shalt  }
0x4f: {  	_ =	shalt  }
0x50: {  	_ =	shalt  }
0x51: {  	_ =	shalt  }
0x52: {  	_ =	shalt  }
0x53: {  	_ =	shalt  }
0x54: {  	_ =	shalt  }
0x55: {  	_ =	shalt  }
0x56: {  	_ =	shalt  }
0x57: {  	_ =	shalt  }
0x58: {  	_ =	shalt  }
0x59: {  	_ =	shalt  }
0x5a: {  	_ =	shalt  }
0x5b: {  	_ =	shalt  }
0x5c: {  	_ =	shalt  }
0x5d: {  	_ =	shalt  }
0x5e: {  	_ =	shalt  }
0x5f: {  	_ =	shalt  }
0x60: {  	_ =	shalt  }
0x61: {  	_ =	shalt  }
0x62: {  	_ =	shalt  }
0x63: {  	_ =	shalt  }
0x64: {  	_ =	shalt  }
0x65: {  	_ =	shalt  }
0x66: {  	_ =	shalt  }
0x67: {  	_ =	shalt  }
0x68: {  	_ =	shalt  }
0x69: {  	_ =	shalt  }
0x6a: {  	_ =	shalt  }
0x6b: {  	_ =	shalt  }
0x6c: {  	_ =	shalt  }
0x6d: {  	_ =	shalt  }
0x6e: {  	_ =	shalt  }
0x6f: {  	_ =	shalt  }
0x70: {  	_ =	shalt  }
0x71: {  	_ =	shalt  }
0x72: {  	_ =	shalt  }
0x73: {  	_ =	shalt  }
0x74: {  	_ =	shalt  }
0x75: {  	_ =	shalt  }
0x76: {  	_ =	shalt  }
0x77: {  	_ =	shalt  }
0x78: {  	_ =	shalt  }
0x79: {  	_ =	shalt  }
0x7a: {  	_ =	shalt  }
0x7b: {  	_ =	shalt  }
0x7c: {  	_ =	shalt  }
0x7d: {  	_ =	shalt  }
0x7e: {  	_ =	shalt  }
0x7f: {  	_ =	shalt  }
0x80: {  	_ =	shalt  }
0x81: {  	_ =	shalt  }
0x82: {  	_ =	shalt  }
0x83: {  	_ =	shalt  }
0x84: {  	_ =	shalt  }
0x85: {  	_ =	shalt  }
0x86: {  	_ =	shalt  }
0x87: {  	_ =	shalt  }
.Lfunc_end0:
.L_simem_size_0:
called_computation.2_lowered:
.L_overlay_start_0:
0x88: {  	s2 =	sld [smem:$0x3FD9]  }
0x89: {  	s3 =	sld [smem:$0x3FFE];
	_ =	sdelay $0x1  }
0x8a: {  	s1 =	srdreg.scid  }
0x8b: {  	s0 =	sand.u32 $0x1, s1  }
0x8c: {  	s17 =	sshll.u32 s0, $0xA;
	s2 =	sadd.s32 s3, s2  }
0x8d: {  	s2 =	sadd.s32 s2, s17  }
0x8e: {  	[smem:$0x3FB3] =	sst s2  }
0x8f: {  	_ = 	snop  }
0x90: {  	s2 =	sld [smem:$0x3FD0];
	(tm) =	ssettm $0x1  }
0x91: {  	s18 =	sld [smem:$0x3FFB];
	_ =	sdelay $0x3  }
0x92: {  	_ =	strace s18  }
0x93: {  	s3 =	sld [smem:$0x3FFC];
	_ =	sdelay $0x3  }
0x94: {  	_ =	strace s3  }
0x95: {  	s3 =	sld [smem:$0x3FFD];
	_ =	sdelay $0x3  }
0x96: {  	_ =	strace s3  }
0x97: {  	_ =	strace $0x8FFFFFFF  }
0x98: {  	s19 =	sld [smem:$0x3FDB];
	_ =	sdelay $0x1  }
0x99: {  	s4 =	simm.s32 $_scs_section_size  }
0x9a: {  	s5 =	simm.s32 $_size__tile_overlayer_lowered;
	s6 =	simm.s32 $_tile_overlayer_lowered  }
0x9b: {  	s22 =	simm.s32 $0x1BFF;
	s21 =	sshll.u32 s6, $0x1;
	s3 =	sadd.s32 s4, s19  }
0x9c: {  	s7 =	simm.s32 $0x0;
	s20 =	sshll.u32 s5, $0x1;
	s5 =	sadd.s32 s21, s3  }
0x9d: {  	[timem:s7], [sflag:s22] =	dma.local [hbm:s5], s20  }
0x9e: {  	_ =	swait.ge [sflag:s22], s20  }
0x9f: {  	s4 =	ssub.s32 $0x0, s20;
	[sflag:s22] =	ssyncset.done $0x0  }
0xa0: {  	[sflag:s22] =	ssyncadd.s32 s4;
	_ =	sdelay $0x1  }
0xa1: {  	s23 =	simm.s32 $0x1B8B  }
0xa2: {  	_ =	swait.ge [sflag:s23], $0x1  }
0xa3: {  	[sflag:s23] =	ssyncset.done $0x0  }
0xa4: {  	s25 =	simm.s32 $0x1B8E;
	s24 =	sld [smem:$0x3FFE];
	[sflag:s23] =	ssyncadd.s32 $0xFFFFFFFF  }
0xa5: {  	s26 =	simm.s32 $execute0_lowered;
	[smem:$0x3FD2] =	sst s25  }
0xa6: {  	s5 =	sshll.u32 s26, $0x1;
	_ =	strace $0x8000004C;
	[dreg:$0x1] =	wrdreg $0xFFFFFFFF  }
0xa7: {  	s28 =	simm.s32 $_size_execute0_lowered;
	s3 =	sadd.s32 s3, s5;
	[dreg:$0x0] =	wrdreg $0x0  }
0xa8: {  	s5 =	sshll.u32 s28, $0x1;
	[dreg:$0x2] =	wrdreg s3  }
0xa9: {  	[dreg:$0x3] =	wrdreg s5  }
0xaa: {  	[dreg:$0x4] =	wrdreg $0xC0  }
0xab: {  	_ =	task [dreg:s7], $0x5FFFF  }
0xac: {  	[dreg:$0x1] =	wrdreg $0xFFFFFFFF  }
0xad: {  	[dreg:$0x0] =	wrdreg $0x60  }
0xae: {  	[dreg:$0x2] =	wrdreg s2  }
0xaf: {  	[dreg:$0x3] =	wrdreg s24  }
0xb0: {  	[dreg:$0x4] =	wrdreg $0x94000  }
0xb1: {  	[dreg:$0x5] =	wrdreg $0x9  }
0xb2: {  	_ =	task.clear_ibuf [dreg:s7], $0x6FFFF;
	_ =	strace $0x9000004C  }
0xb3: {  	s29 =	simm.s32 $0x9;
	_ =	strace $0x8000004E  }
0xb4: {  	_ =	swait.ge [sflag:s29], $0x1  }
0xb5: {  	[sflag:s29] =	ssyncadd.s32 $0xFFFFFFFF  }
0xb6: {  	_ =	strace $0x9000004E  }
0xb7: {  	_ =	sfence  }
0xb8: {  	s30 =	sld [smem:$0x0];
	_ =	sdelay $0x2  }
0xb9: {  	s31 =	sshll.u32 s1, $0xD;
	s1 =	sshrl.u32 s1, $0x2  }
0xba: {  	s3 =	sand.u32 $0x4000, s31;
	s1 =	sadd.s32 s1, s30  }
0xbb: {  	s0 =	sor.u32 s3, s0;
	s1 =	sshll.u32 s1, $0x11  }
0xbc: {  	s0 =	sor.u32 s1, s0  }
0xbd: {  	s0 =	sadd.s32 $0x8F2B, s0  }
0xbe: {  	[sflag:s0] =	ssyncadd.remote.s32 $0x1  }
0xbf: {  	_ =	sfence.sel $0xFFFF  }
0xc0: {  	[dreg:$0x0] =	wrdreg $0xFFFFFFFF;
	(pc) =	sbr.abs _section_cstart, $3  }
0xc1: {  	[dreg:$0x1] =	wrdreg $0xFFFFFFFF  }
0xc2: {  	_ =	task.clear_ibuf [dreg:s7], $0x2FFFF;
	_ =	strace $0x9FFFFFFF  }
0xc3: {  	(tm) =	ssettm $0x7FFFFFFF  }
tec
execute0_lowered:
.L_overlay_start_1:
0x0: {  	(tag) =	ssettag $0x1  }
0x1: {  	s1 =	rddreg [dreg:$0x0]  }
0x2: {  	s0 =	rddreg [dreg:$0x1]  }
0x3: {  	s2 =	rddreg [dreg:$0x2];
	s14 =	simm.s32 $0x0;
	s20 =	srdreg.scid  }
0x4: {  	s10 =	stileid.u32;
	s16 =	simm.s32 $0x40;
	s17 =	simm.s32 $0x1400  }
0x5: {  	s18 =	simm.s32 $0x2400;
	s29 =	simm.s32 $0x6400;
	s31 =	simm.s32 $0x7400  }
0x6: {  	s12 =	simm.s32 $0x3;
	s19 =	simm.s32 $0x6;
	s30 =	simm.s32 $0x8  }
0x7: {  	s11 =	simm.s32 $0x9;
	s13 =	simm.s32 $0xA;
	s28 =	simm.s32 $0xE  }
0x8: {  	[smem:$0x7FF] =	sst s14;
	s3 =	sadd.s32 $0x3F400, s0;
	s4 =	sadd.s32 $0x2B400, s0  }
0x9: {  	s21 =	smul.u32 $0x27800, s10;
	s5 =	sadd.s32 $0x4200, s0;
	s0 =	sadd.s32 $0x53400, s0  }
0xa: {  	s23 =	smul.u32 $0x1380, s10;
	_ =	strace $0x8000004D;
	[dreg:$0x5] =	wrdreg s3  }
0xb: {  	s8 =	sshll.u32 s10, $0x6;
	s25 =	smul.u32 $0x27000, s10;
	[dreg:$0x6] =	wrdreg s4  }
0xc: {  	p0 =	seq.s32 s10, $0xF;
	s3 =	sand.u32 $0x1, s20;
	[dreg:$0x7] =	wrdreg s5  }
0xd: {  	s15 =	sor.u32 $0x1C11, s8;
	s20 =	simm.s32 $0x3400;
	s22 =	ssub.s32 $0x2, s3  }
0xe: {  	s4 =	sshrl.u32 s21, $0x2;
	s7 =	smul.u32 $0x13880, s3;
	s9 =	sshll.u32 s3, $0x4  }
0xf: {  	s3 =	smul.u32 $0x9C400, s3;
	s26 =	sshrl.u32 s25, $0x2;
	s25 =	simm.s32 $0xB  }
0x10: {  	s21 =	simm.s32 $0xD;
	[dreg:$0x8] =	wrdreg s15;
	s6 =	sshrl.u32 s22, $0x1  }
0x11: {  	s4 =	sadd.s32 s4, s2;
	s24 =	sor.u32 s10, s9;
	s10 =	simm.s32 $0x2  }
0x12: {  	s5 =	ssub.s32 s22, s6;
	s8 =	smul.u32 $0x5000, s24;
	s6 =	sadd.s32 s23, s7  }
0x13: {  	s3 =	sshrl.u32 s3, $0x3;
	s4 =	sshrl.u32 s4, $0x3;
	s22 =	simm.s32 $0x4400  }
0x14: {  	s7 =	simm.s32 $0x1;
	s24 =	simm.s32 $0x4;
	s23 =	simm.s32 $0x7  }
0x15: {  	s6 =	sadd.s32 s0, s6;
	s0 =	sadd.s32 s0, s3;
	[dreg:$0xd] =	wrdreg s4  }
0x16: {  	s3 =	sadd.s32 s26, s2;
	s5 =	smax.u32 s5, $0x1;
	[dreg:$0x9] =	wrdreg s8  }
0x17: {  	s26 =	simm.s32 $0x5400;
	[dreg:$0xa] =	wrdreg s6;
	s0 =	sadd.s32 $0x12480, s0  }
0x18: {  	s4 =	simm.s32 $0x8400;
	[dreg:$0xb] =	wrdreg s0;
	s0 =	sadd.s32 $0x92400, s2  }
0x19: {  	[dreg:$0xc] =	wrdreg s5;
	s8 =	simm.s32 $0x5;
	s0 =	sshrl.u32 @p0 s0, $0x3  }
0x1a: {  	s5 =	simm.s32 $0x10;
	[dreg:$0xe] =	wrdreg s0;
	s0 =	sshrl.u32 @!p0 s3, $0x3  }
0x1b: {  	s3 =	simm.s32 $0xC;
	[dreg:$0xf] =	wrdreg s0;
	s0 =	simm.s32 $0xF  }
.LBB2_1:
0x1c: {  	[dreg:$0x4] =	wrdreg s14  }
0x1d: {  	s6 =	rddreg [dreg:$0x7]  }
0x1e: {  	s9 =	rddreg [dreg:$0xd]  }
0x1f: {  	[spmem:s9], [sflag:s15] =	dma.local [hbm:s6], $0x13C0  }
0x20: {  	s15 =	simm.s32 $0x11  }
0x21: {  	_ =	swait.ge [sflag:s15], $0x13C0  }
0x22: {  	[sflag:s15] =	ssyncset.done $0x0  }
0x23: {  	[sflag:s15] =	ssyncadd.s32 $0xFFFFEC40  }
0x24: {  	s6 =	simm.s32 $0x0;
	[bflag:$0x0] =	sbarrier.arrive $0xFFFF  }
.LBB2_2:
0x25: {  	s9 =	smul.u32 $0xA00, s6  }
0x26: {  	s14 =	rddreg [dreg:$0x9]  }
0x27: {  	[dreg:$0x10] =	wrdreg s6;
	s9 =	sadd.s32 s14, s9  }
0x28: {  	s6 =	rddreg [dreg:$0x5];
	s9 =	sshrl.u32 s9, $0x3  }
0x29: {  	s14 =	simm.s32 $0x0;
	s15 =	sadd.s32 s6, s9;
	s6 =	simm.s32 $0x11  }
0x2a: {  	[tilespmem:s14], [sflag:$0x11] =	stream.linear.gather [hbm4b:s15+s14], $0xA00, $0x38;
	[tilespmem:$0x13200] =	vst v63  }
0x2b: {  	_ =	swait.ge [sflag:s6], $0xA00  }
0x2c: {  	[sflag:s6] =	ssyncset.done $0x0;
	s15 =	rddreg [dreg:$0x6]  }
0x2d: {  	[sflag:s6] =	ssyncadd.s32 $0xFFFFF600;
	s9 =	sadd.s32 s15, s9;
	s15 =	simm.s32 $0xA00  }
0x2e: {  	[tilespmem:s15], [sflag:$0x11] =	stream.linear.gather [hbm4b:s9+s14], $0xA00, $0x38;
	[tilespmem:$0x13200] =	vst v63  }
0x2f: {  	_ =	swait.ge [sflag:s6], $0xA00  }
0x30: {  	[sflag:s6] =	ssyncset.done $0x0  }
0x31: {  	[sflag:s6] =	ssyncadd.s32 $0xFFFFF600  }
0x32: {  	[tilespmem:s17], [sflag:$0x1] =	stream.indirect.gather [hbm4b:s1+s16], $0x40, s14, s16, $0xb8;
	[tilespmem:$0x13200] =	vst v63  }
0x33: {  	_ = 	snop  }
0x34: {  	[tilespmem:s18], [sflag:$0x2] =	stream.indirect.gather [hbm4b:s1+s16], $0x40, s16, s16, $0xb8;
	[tilespmem:$0x13200] =	vst v63  }
0x35: {  	s9 =	simm.s32 $0x80  }
0x36: {  	[tilespmem:s20], [sflag:$0x3] =	stream.indirect.gather [hbm4b:s1+s16], $0x40, s9, s16, $0xb8;
	[tilespmem:$0x13200] =	vst v63  }
0x37: {  	s14 =	simm.s32 $0xC0  }
0x38: {  	[tilespmem:s22], [sflag:$0x4] =	stream.indirect.gather [hbm4b:s1+s16], $0x40, s14, s16, $0xb8;
	[tilespmem:$0x13200] =	vst v63  }
0x39: {  	s9 =	simm.s32 $0x100  }
0x3a: {  	[tilespmem:s26], [sflag:$0x5] =	stream.indirect.gather [hbm4b:s1+s16], $0x40, s9, s16, $0xb8;
	[tilespmem:$0x13200] =	vst v63  }
0x3b: {  	s14 =	simm.s32 $0x140  }
0x3c: {  	[tilespmem:s29], [sflag:$0x6] =	stream.indirect.gather [hbm4b:s1+s16], $0x40, s14, s16, $0xb8;
	[tilespmem:$0x13200] =	vst v63  }
0x3d: {  	s9 =	simm.s32 $0x180  }
0x3e: {  	[tilespmem:s31], [sflag:$0x7] =	stream.indirect.gather [hbm4b:s1+s16], $0x40, s9, s16, $0xb8;
	[tilespmem:$0x13200] =	vst v63  }
0x3f: {  	s14 =	simm.s32 $0x1C0  }
0x40: {  	[tilespmem:s4], [sflag:$0x8] =	stream.indirect.gather [hbm4b:s1+s16], $0x40, s14, s16, $0xb8;
	[tilespmem:$0x13200] =	vst v63  }
0x41: {  	_ =	swait.ge [sflag:s7], $0x1000  }
0x42: {  	[sflag:s7] =	ssyncset.done $0x0  }
0x43: {  	[sflag:s7] =	ssyncadd.s32 $0xFFFFF000  }
0x44: {  	[spmem:s2] =	stream.indirect.scatter.add.f32 [tilespmem:s17], [sflag:$0x9], $0x40, s15, s16, $0xb8;
	[tilespmem:$0x13200] =	vst v63  }
0x45: {  	_ =	swait.ge [sflag:s10], $0x1000  }
0x46: {  	[sflag:s10] =	ssyncset.done $0x0  }
0x47: {  	s15 =	simm.s32 $0xA40;
	[sflag:s10] =	ssyncadd.s32 $0xFFFFF000  }
0x48: {  	[spmem:s2] =	stream.indirect.scatter.add.f32 [tilespmem:s18], [sflag:$0xA], $0x40, s15, s16, $0xb8;
	[tilespmem:$0x13200] =	vst v63  }
0x49: {  	_ =	swait.ge [sflag:s12], $0x1000  }
0x4a: {  	[sflag:s12] =	ssyncset.done $0x0  }
0x4b: {  	s9 =	simm.s32 $0xA80;
	[sflag:s12] =	ssyncadd.s32 $0xFFFFF000  }
0x4c: {  	[spmem:s2] =	stream.indirect.scatter.add.f32 [tilespmem:s20], [sflag:$0xB], $0x40, s9, s16, $0xb8;
	[tilespmem:$0x13200] =	vst v63  }
0x4d: {  	_ =	swait.ge [sflag:s24], $0x1000  }
0x4e: {  	[sflag:s24] =	ssyncset.done $0x0  }
0x4f: {  	s14 =	simm.s32 $0xAC0;
	[sflag:s24] =	ssyncadd.s32 $0xFFFFF000  }
0x50: {  	[spmem:s2] =	stream.indirect.scatter.add.f32 [tilespmem:s22], [sflag:$0xC], $0x40, s14, s16, $0xb8;
	[tilespmem:$0x13200] =	vst v63  }
0x51: {  	_ =	swait.ge [sflag:s8], $0x1000  }
0x52: {  	[sflag:s8] =	ssyncset.done $0x0  }
0x53: {  	s15 =	simm.s32 $0xB00;
	[sflag:s8] =	ssyncadd.s32 $0xFFFFF000  }
0x54: {  	[spmem:s2] =	stream.indirect.scatter.add.f32 [tilespmem:s26], [sflag:$0xD], $0x40, s15, s16, $0xb8;
	[tilespmem:$0x13200] =	vst v63  }
0x55: {  	_ =	swait.ge [sflag:s19], $0x1000  }
0x56: {  	[sflag:s19] =	ssyncset.done $0x0  }
0x57: {  	s9 =	simm.s32 $0xB40;
	[sflag:s19] =	ssyncadd.s32 $0xFFFFF000  }
0x58: {  	[spmem:s2] =	stream.indirect.scatter.add.f32 [tilespmem:s29], [sflag:$0xE], $0x40, s9, s16, $0xb8;
	[tilespmem:$0x13200] =	vst v63  }
0x59: {  	_ =	swait.ge [sflag:s23], $0x1000  }
0x5a: {  	[sflag:s23] =	ssyncset.done $0x0  }
0x5b: {  	s14 =	simm.s32 $0xB80;
	[sflag:s23] =	ssyncadd.s32 $0xFFFFF000  }
0x5c: {  	[spmem:s2] =	stream.indirect.scatter.add.f32 [tilespmem:s31], [sflag:$0xF], $0x40, s14, s16, $0xb8;
	[tilespmem:$0x13200] =	vst v63  }
0x5d: {  	_ =	swait.ge [sflag:s30], $0x1000  }
0x5e: {  	[sflag:s30] =	ssyncset.done $0x0  }
0x5f: {  	s15 =	simm.s32 $0xBC0;
	[sflag:s30] =	ssyncadd.s32 $0xFFFFF000  }
0x60: {  	[spmem:s2] =	stream.indirect.scatter.add.f32 [tilespmem:s4], [sflag:$0x10], $0x40, s15, s16, $0xb8;
	[tilespmem:$0x13200] =	vst v63  }
0x61: {  	_ =	swait.ge [sflag:s11], $0x1000  }
0x62: {  	[sflag:s11] =	ssyncset.done $0x0  }
0x63: {  	s6 =	simm.s32 $0x200;
	[sflag:s11] =	ssyncadd.s32 $0xFFFFF000  }
0x64: {  	[tilespmem:s17], [sflag:$0x1] =	stream.indirect.gather [hbm4b:s1+s16], $0x40, s6, s16, $0xb8;
	[tilespmem:$0x13200] =	vst v63  }
0x65: {  	_ =	swait.ge [sflag:s13], $0x1000  }
0x66: {  	[sflag:s13] =	ssyncset.done $0x0  }
0x67: {  	s14 =	simm.s32 $0x240;
	[sflag:s13] =	ssyncadd.s32 $0xFFFFF000  }
0x68: {  	[tilespmem:s18], [sflag:$0x2] =	stream.indirect.gather [hbm4b:s1+s16], $0x40, s14, s16, $0xb8;
	[tilespmem:$0x13200] =	vst v63  }
0x69: {  	_ =	swait.ge [sflag:s25], $0x1000  }
0x6a: {  	[sflag:s25] =	ssyncset.done $0x0  }
0x6b: {  	s15 =	simm.s32 $0x280;
	[sflag:s25] =	ssyncadd.s32 $0xFFFFF000  }
0x6c: {  	[tilespmem:s20], [sflag:$0x3] =	stream.indirect.gather [hbm4b:s1+s16], $0x40, s15, s16, $0xb8;
	[tilespmem:$0x13200] =	vst v63  }
0x6d: {  	_ =	swait.ge [sflag:s3], $0x1000  }
0x6e: {  	[sflag:s3] =	ssyncset.done $0x0  }
0x6f: {  	s6 =	simm.s32 $0x2C0;
	[sflag:s3] =	ssyncadd.s32 $0xFFFFF000  }
0x70: {  	[tilespmem:s22], [sflag:$0x4] =	stream.indirect.gather [hbm4b:s1+s16], $0x40, s6, s16, $0xb8;
	[tilespmem:$0x13200] =	vst v63  }
0x71: {  	_ =	swait.ge [sflag:s21], $0x1000  }
0x72: {  	[sflag:s21] =	ssyncset.done $0x0  }
0x73: {  	s14 =	simm.s32 $0x300;
	[sflag:s21] =	ssyncadd.s32 $0xFFFFF000  }
0x74: {  	[tilespmem:s26], [sflag:$0x5] =	stream.indirect.gather [hbm4b:s1+s16], $0x40, s14, s16, $0xb8;
	[tilespmem:$0x13200] =	vst v63  }
0x75: {  	_ =	swait.ge [sflag:s28], $0x1000  }
0x76: {  	[sflag:s28] =	ssyncset.done $0x0  }
0x77: {  	s15 =	simm.s32 $0x340;
	[sflag:s28] =	ssyncadd.s32 $0xFFFFF000  }
0x78: {  	[tilespmem:s29], [sflag:$0x6] =	stream.indirect.gather [hbm4b:s1+s16], $0x40, s15, s16, $0xb8;
	[tilespmem:$0x13200] =	vst v63  }
0x79: {  	_ =	swait.ge [sflag:s0], $0x1000  }
0x7a: {  	[sflag:s0] =	ssyncset.done $0x0  }
0x7b: {  	s6 =	simm.s32 $0x380;
	[sflag:s0] =	ssyncadd.s32 $0xFFFFF000  }
0x7c: {  	[tilespmem:s31], [sflag:$0x7] =	stream.indirect.gather [hbm4b:s1+s16], $0x40, s6, s16, $0xb8;
	[tilespmem:$0x13200] =	vst v63  }
0x7d: {  	_ =	swait.ge [sflag:s5], $0x1000  }
0x7e: {  	[sflag:s5] =	ssyncset.done $0x0  }
0x7f: {  	s14 =	simm.s32 $0x3C0;
	[sflag:s5] =	ssyncadd.s32 $0xFFFFF000  }
0x80: {  	[tilespmem:s4], [sflag:$0x8] =	stream.indirect.gather [hbm4b:s1+s16], $0x40, s14, s16, $0xb8;
	[tilespmem:$0x13200] =	vst v63  }
0x81: {  	_ =	swait.ge [sflag:s7], $0x1000  }
0x82: {  	[sflag:s7] =	ssyncset.done $0x0  }
0x83: {  	s15 =	simm.s32 $0xC00;
	[sflag:s7] =	ssyncadd.s32 $0xFFFFF000  }
0x84: {  	[spmem:s2] =	stream.indirect.scatter.add.f32 [tilespmem:s17], [sflag:$0x9], $0x40, s15, s16, $0xb8;
	[tilespmem:$0x13200] =	vst v63  }
0x85: {  	_ =	swait.ge [sflag:s10], $0x1000  }
0x86: {  	[sflag:s10] =	ssyncset.done $0x0  }
0x87: {  	s6 =	simm.s32 $0xC40;
	[sflag:s10] =	ssyncadd.s32 $0xFFFFF000  }
0x88: {  	[spmem:s2] =	stream.indirect.scatter.add.f32 [tilespmem:s18], [sflag:$0xA], $0x40, s6, s16, $0xb8;
	[tilespmem:$0x13200] =	vst v63  }
0x89: {  	_ =	swait.ge [sflag:s12], $0x1000  }
0x8a: {  	[sflag:s12] =	ssyncset.done $0x0  }
0x8b: {  	s14 =	simm.s32 $0xC80;
	[sflag:s12] =	ssyncadd.s32 $0xFFFFF000  }
0x8c: {  	[spmem:s2] =	stream.indirect.scatter.add.f32 [tilespmem:s20], [sflag:$0xB], $0x40, s14, s16, $0xb8;
	[tilespmem:$0x13200] =	vst v63  }
0x8d: {  	_ =	swait.ge [sflag:s24], $0x1000  }
0x8e: {  	[sflag:s24] =	ssyncset.done $0x0  }
0x8f: {  	s15 =	simm.s32 $0xCC0;
	[sflag:s24] =	ssyncadd.s32 $0xFFFFF000  }
0x90: {  	[spmem:s2] =	stream.indirect.scatter.add.f32 [tilespmem:s22], [sflag:$0xC], $0x40, s15, s16, $0xb8;
	[tilespmem:$0x13200] =	vst v63  }
0x91: {  	_ =	swait.ge [sflag:s8], $0x1000  }
0x92: {  	[sflag:s8] =	ssyncset.done $0x0  }
0x93: {  	s6 =	simm.s32 $0xD00;
	[sflag:s8] =	ssyncadd.s32 $0xFFFFF000  }
0x94: {  	[spmem:s2] =	stream.indirect.scatter.add.f32 [tilespmem:s26], [sflag:$0xD], $0x40, s6, s16, $0xb8;
	[tilespmem:$0x13200] =	vst v63  }
0x95: {  	_ =	swait.ge [sflag:s19], $0x1000  }
0x96: {  	[sflag:s19] =	ssyncset.done $0x0  }
0x97: {  	s14 =	simm.s32 $0xD40;
	[sflag:s19] =	ssyncadd.s32 $0xFFFFF000  }
0x98: {  	[spmem:s2] =	stream.indirect.scatter.add.f32 [tilespmem:s29], [sflag:$0xE], $0x40, s14, s16, $0xb8;
	[tilespmem:$0x13200] =	vst v63  }
0x99: {  	_ =	swait.ge [sflag:s23], $0x1000  }
0x9a: {  	[sflag:s23] =	ssyncset.done $0x0  }
0x9b: {  	s15 =	simm.s32 $0xD80;
	[sflag:s23] =	ssyncadd.s32 $0xFFFFF000  }
0x9c: {  	[spmem:s2] =	stream.indirect.scatter.add.f32 [tilespmem:s31], [sflag:$0xF], $0x40, s15, s16, $0xb8;
	[tilespmem:$0x13200] =	vst v63  }
0x9d: {  	_ =	swait.ge [sflag:s30], $0x1000  }
0x9e: {  	[sflag:s30] =	ssyncset.done $0x0  }
0x9f: {  	s9 =	simm.s32 $0x800;
	s15 =	simm.s32 $0xDC0;
	[sflag:s30] =	ssyncadd.s32 $0xFFFFF000  }
.LBB2_3:
0xa0: {  	[spmem:s2] =	stream.indirect.scatter.add.f32 [tilespmem:s4], [sflag:$0x10], $0x40, s15, s16, $0xb8;
	[tilespmem:$0x13200] =	vst v63  }
0xa1: {  	s14 =	smov.u32 s9  }
0xa2: {  	p1 =	sne.s32 s9, $0x1800;
	s9 =	sadd.s32 $0x800, s9;
	_ =	swait.ge [sflag:s11], $0x1000  }
0xa3: {  	s15 =	sshra.s32 s14, $0x2;
	[sflag:s11] =	ssyncset.done $0x0  }
0xa4: {  	s14 =	sadd.s32 $0x200, s15;
	[sflag:s11] =	ssyncadd.s32 $0xFFFFF000  }
0xa5: {  	[tilespmem:s17], [sflag:$0x1] =	stream.indirect.gather [hbm4b:s1+s16], $0x40, s14, s16, $0xb8;
	[tilespmem:$0x13200] =	vst v63  }
0xa6: {  	_ =	swait.ge [sflag:s13], $0x1000  }
0xa7: {  	[sflag:s13] =	ssyncset.done $0x0  }
0xa8: {  	s14 =	sadd.s32 $0x240, s15;
	[sflag:s13] =	ssyncadd.s32 $0xFFFFF000  }
0xa9: {  	[tilespmem:s18], [sflag:$0x2] =	stream.indirect.gather [hbm4b:s1+s16], $0x40, s14, s16, $0xb8;
	[tilespmem:$0x13200] =	vst v63  }
0xaa: {  	_ =	swait.ge [sflag:s25], $0x1000  }
0xab: {  	[sflag:s25] =	ssyncset.done $0x0  }
0xac: {  	s14 =	sadd.s32 $0x280, s15;
	[sflag:s25] =	ssyncadd.s32 $0xFFFFF000  }
0xad: {  	[tilespmem:s20], [sflag:$0x3] =	stream.indirect.gather [hbm4b:s1+s16], $0x40, s14, s16, $0xb8;
	[tilespmem:$0x13200] =	vst v63  }
0xae: {  	_ =	swait.ge [sflag:s3], $0x1000  }
0xaf: {  	[sflag:s3] =	ssyncset.done $0x0  }
0xb0: {  	s14 =	sadd.s32 $0x2C0, s15;
	[sflag:s3] =	ssyncadd.s32 $0xFFFFF000  }
0xb1: {  	[tilespmem:s22], [sflag:$0x4] =	stream.indirect.gather [hbm4b:s1+s16], $0x40, s14, s16, $0xb8;
	[tilespmem:$0x13200] =	vst v63  }
0xb2: {  	_ =	swait.ge [sflag:s21], $0x1000  }
0xb3: {  	[sflag:s21] =	ssyncset.done $0x0  }
0xb4: {  	s14 =	sadd.s32 $0x300, s15;
	[sflag:s21] =	ssyncadd.s32 $0xFFFFF000  }
0xb5: {  	[tilespmem:s26], [sflag:$0x5] =	stream.indirect.gather [hbm4b:s1+s16], $0x40, s14, s16, $0xb8;
	[tilespmem:$0x13200] =	vst v63  }
0xb6: {  	_ =	swait.ge [sflag:s28], $0x1000  }
0xb7: {  	[sflag:s28] =	ssyncset.done $0x0  }
0xb8: {  	s14 =	sadd.s32 $0x340, s15;
	[sflag:s28] =	ssyncadd.s32 $0xFFFFF000  }
0xb9: {  	[tilespmem:s29], [sflag:$0x6] =	stream.indirect.gather [hbm4b:s1+s16], $0x40, s14, s16, $0xb8;
	[tilespmem:$0x13200] =	vst v63  }
0xba: {  	_ =	swait.ge [sflag:s0], $0x1000  }
0xbb: {  	[sflag:s0] =	ssyncset.done $0x0  }
0xbc: {  	s14 =	sadd.s32 $0x380, s15;
	[sflag:s0] =	ssyncadd.s32 $0xFFFFF000  }
0xbd: {  	[tilespmem:s31], [sflag:$0x7] =	stream.indirect.gather [hbm4b:s1+s16], $0x40, s14, s16, $0xb8;
	[tilespmem:$0x13200] =	vst v63  }
0xbe: {  	_ =	swait.ge [sflag:s5], $0x1000  }
0xbf: {  	[sflag:s5] =	ssyncset.done $0x0  }
0xc0: {  	s14 =	sadd.s32 $0x3C0, s15;
	[sflag:s5] =	ssyncadd.s32 $0xFFFFF000  }
0xc1: {  	[tilespmem:s4], [sflag:$0x8] =	stream.indirect.gather [hbm4b:s1+s16], $0x40, s14, s16, $0xb8;
	[tilespmem:$0x13200] =	vst v63  }
0xc2: {  	_ =	swait.ge [sflag:s7], $0x1000  }
0xc3: {  	[sflag:s7] =	ssyncset.done $0x0  }
0xc4: {  	s14 =	sadd.s32 $0xC00, s15;
	[sflag:s7] =	ssyncadd.s32 $0xFFFFF000  }
0xc5: {  	[spmem:s2] =	stream.indirect.scatter.add.f32 [tilespmem:s17], [sflag:$0x9], $0x40, s14, s16, $0xb8;
	[tilespmem:$0x13200] =	vst v63  }
0xc6: {  	_ =	swait.ge [sflag:s10], $0x1000  }
0xc7: {  	[sflag:s10] =	ssyncset.done $0x0  }
0xc8: {  	s14 =	sadd.s32 $0xC40, s15;
	[sflag:s10] =	ssyncadd.s32 $0xFFFFF000  }
0xc9: {  	[spmem:s2] =	stream.indirect.scatter.add.f32 [tilespmem:s18], [sflag:$0xA], $0x40, s14, s16, $0xb8;
	[tilespmem:$0x13200] =	vst v63  }
0xca: {  	_ =	swait.ge [sflag:s12], $0x1000  }
0xcb: {  	[sflag:s12] =	ssyncset.done $0x0  }
0xcc: {  	s14 =	sadd.s32 $0xC80, s15;
	[sflag:s12] =	ssyncadd.s32 $0xFFFFF000  }
0xcd: {  	[spmem:s2] =	stream.indirect.scatter.add.f32 [tilespmem:s20], [sflag:$0xB], $0x40, s14, s16, $0xb8;
	[tilespmem:$0x13200] =	vst v63  }
0xce: {  	_ =	swait.ge [sflag:s24], $0x1000  }
0xcf: {  	[sflag:s24] =	ssyncset.done $0x0  }
0xd0: {  	s14 =	sadd.s32 $0xCC0, s15;
	[sflag:s24] =	ssyncadd.s32 $0xFFFFF000  }
0xd1: {  	[spmem:s2] =	stream.indirect.scatter.add.f32 [tilespmem:s22], [sflag:$0xC], $0x40, s14, s16, $0xb8;
	[tilespmem:$0x13200] =	vst v63  }
0xd2: {  	_ =	swait.ge [sflag:s8], $0x1000  }
0xd3: {  	[sflag:s8] =	ssyncset.done $0x0  }
0xd4: {  	s14 =	sadd.s32 $0xD00, s15;
	[sflag:s8] =	ssyncadd.s32 $0xFFFFF000  }
0xd5: {  	[spmem:s2] =	stream.indirect.scatter.add.f32 [tilespmem:s26], [sflag:$0xD], $0x40, s14, s16, $0xb8;
	[tilespmem:$0x13200] =	vst v63  }
0xd6: {  	_ =	swait.ge [sflag:s19], $0x1000  }
0xd7: {  	[sflag:s19] =	ssyncset.done $0x0  }
0xd8: {  	s14 =	sadd.s32 $0xD40, s15;
	[sflag:s19] =	ssyncadd.s32 $0xFFFFF000  }
0xd9: {  	[spmem:s2] =	stream.indirect.scatter.add.f32 [tilespmem:s29], [sflag:$0xE], $0x40, s14, s16, $0xb8;
	[tilespmem:$0x13200] =	vst v63  }
0xda: {  	_ =	swait.ge [sflag:s23], $0x1000  }
0xdb: {  	[sflag:s23] =	ssyncset.done $0x0  }
.Ltmp0:
0xdc: {  	s14 =	sadd.s32 $0xD80, s15;
	[sflag:s23] =	ssyncadd.s32 $0xFFFFF000;
	(pc) =	sbr.rel @p1 .LBB2_3-.Ltmp0, $4  }
0xdd: {  	[spmem:s2] =	stream.indirect.scatter.add.f32 [tilespmem:s31], [sflag:$0xF], $0x40, s14, s16, $0xb8;
	[tilespmem:$0x13200] =	vst v63  }
0xde: {  	_ =	swait.ge [sflag:s30], $0x1000  }
0xdf: {  	[sflag:s30] =	ssyncset.done $0x0  }
0xe0: {  	s15 =	sadd.s32 $0xDC0, s15;
	[sflag:s30] =	ssyncadd.s32 $0xFFFFF000  }
0xe1: {  	[spmem:s2] =	stream.indirect.scatter.add.f32 [tilespmem:s4], [sflag:$0x10], $0x40, s15, s16, $0xb8;
	[tilespmem:$0x13200] =	vst v63  }
0xe2: {  	_ =	swait.ge [sflag:s11], $0x1000  }
0xe3: {  	[sflag:s11] =	ssyncset.done $0x0  }
0xe4: {  	[sflag:s11] =	ssyncadd.s32 $0xFFFFF000  }
0xe5: {  	_ =	swait.ge [sflag:s13], $0x1000  }
0xe6: {  	[sflag:s13] =	ssyncset.done $0x0  }
0xe7: {  	[sflag:s13] =	ssyncadd.s32 $0xFFFFF000  }
0xe8: {  	_ =	swait.ge [sflag:s25], $0x1000  }
0xe9: {  	[sflag:s25] =	ssyncset.done $0x0  }
0xea: {  	[sflag:s25] =	ssyncadd.s32 $0xFFFFF000  }
0xeb: {  	_ =	swait.ge [sflag:s3], $0x1000  }
0xec: {  	[sflag:s3] =	ssyncset.done $0x0  }
0xed: {  	[sflag:s3] =	ssyncadd.s32 $0xFFFFF000  }
0xee: {  	_ =	swait.ge [sflag:s21], $0x1000  }
0xef: {  	[sflag:s21] =	ssyncset.done $0x0  }
0xf0: {  	[sflag:s21] =	ssyncadd.s32 $0xFFFFF000  }
0xf1: {  	_ =	swait.ge [sflag:s28], $0x1000  }
0xf2: {  	[sflag:s28] =	ssyncset.done $0x0  }
0xf3: {  	[sflag:s28] =	ssyncadd.s32 $0xFFFFF000  }
0xf4: {  	_ =	swait.ge [sflag:s0], $0x1000  }
0xf5: {  	[sflag:s0] =	ssyncset.done $0x0  }
0xf6: {  	[sflag:s0] =	ssyncadd.s32 $0xFFFFF000  }
0xf7: {  	_ =	swait.ge [sflag:s5], $0x1000  }
0xf8: {  	s6 =	rddreg [dreg:$0x10]  }
0xf9: {  	s6 =	sadd.s32 $0x1, s6  }
0xfa: {  	p1 =	sne.s32 s6, $0x8  }
.Ltmp1:
0xfb: {  	_ = 	snop;
	(pc) =	sbr.rel @p1 .LBB2_2-.Ltmp1, $3  }
0xfc: {  	_ =	sdelay $0x1  }
0xfd: {  	[sflag:s5] =	ssyncset.done $0x0  }
0xfe: {  	[sflag:s5] =	ssyncadd.s32 $0xFFFFF000  }
0xff: {  	[bflag:$0x0] =	sbarrier.arrive $0xFFFF  }
0x100: {  	s15 =	rddreg [dreg:$0x8]  }
0x101: {  	s6 =	rddreg [dreg:$0xb]  }
0x102: {  	s9 =	rddreg [dreg:$0xe]  }
0x103: {  	[hbm:s6], [sflag:s15] =	dma.local @p0 [spmem:s9], $0x1400  }
0x104: {  	s6 =	simm.s32 @p0 $0x11  }
0x105: {  	_ =	swait.ge @p0 [sflag:s6], $0x1400  }
0x106: {  	[sflag:s6] =	ssyncset.done @p0 $0x0;
	s9 =	rddreg [dreg:$0xf]  }
0x107: {  	[sflag:s6] =	ssyncadd.s32 @p0 $0xFFFFEC00;
	s6 =	rddreg [dreg:$0xa]  }
0x108: {  	[hbm:s6], [sflag:s15] =	dma.local @!p0 [spmem:s9], $0x1380  }
0x109: {  	s6 =	simm.s32 @!p0 $0x11  }
0x10a: {  	_ =	swait.ge @!p0 [sflag:s6], $0x1380  }
0x10b: {  	s14 =	rddreg [dreg:$0x4]  }
0x10c: {  	s9 =	rddreg [dreg:$0xc];
	s14 =	sadd.s32 $0x1, s14  }
0x10d: {  	p1 =	sne.s32 s14, s9  }
.Ltmp2:
0x10e: {  	_ = 	snop;
	(pc) =	sbr.rel @p1 .LBB2_1-.Ltmp2, $3  }
0x10f: {  	_ =	sdelay $0x1  }
0x110: {  	[sflag:s6] =	ssyncset.done @!p0 $0x0  }
0x111: {  	[sflag:s6] =	ssyncadd.s32 @!p0 $0xFFFFEC80  }
0x112: {  	_ =	sfence.sel $0x180000  }
0x113: {  	[bflag:$0x0] =	sbarrier.arrive $0xFFFF  }
0x114: {  	_ =	strace $0x9000004D  }
0x115: {  	s0 =	stileid.u32;
	[bflag:$0x2] =	sbarrier.arrive $0xFFFF  }
0x116: {  	p0 =	sne.s32 s0, $0x0;
	s0 =	rddreg [dreg:$0x3]  }
0x117: {  	s0 =	sadd.s32 @!p0 $0x100000, s0  }
0x118: {  	[sflag:s0] =	ssyncadd.tile.s32 @!p0 $0x1;
	_ =	shalt  }
.Lfunc_end2:
_tile_overlayer_lowered:
.L_overlay_start_2:
0x119: {  	(tag) =	ssettag $0x2  }
0x11a: {  	s0 =	rddreg [dreg:$0x0];
	s2 =	stileid.u32  }
0x11b: {  	s1 =	rddreg [dreg:$0x1];
	p0 =	sne.s32 s2, $0x0  }
0x11c: {  	s3 =	rddreg [dreg:$0x2];
	[bflag:$0x3] =	sbarrier.arrive $0xFFFF;
	s2 =	simm.s32 @!p0 $0x1C11  }
0x11d: {  	[timem:s3], [sflag:s2] =	dma.local @!p0 [hbm:s0], s1  }
0x11e: {  	s0 =	simm.s32 @!p0 $0x11  }
0x11f: {  	_ =	swait.ge @!p0 [sflag:s0], s1  }
0x120: {  	s1 =	ssub.s32 @!p0 $0x0, s1;
	[sflag:s0] =	ssyncset.done @!p0 $0x0  }
0x121: {  	[sflag:s0] =	ssyncadd.s32 @!p0 s1  }
0x122: {  	[bflag:$0x3] =	sbarrier.arrive $0xFFFF  }
0x123: {  	_ =	shalt  }

// kernel: kernel.9.cloned.1.call-start
scs
__scs_entry_jumppad:
0x0: {  	(pc) =	sbr.rel $0x88, $3  }
0x1: {  	(tag) =	ssettag $0x0;
	lr =	simm.s32 $0x1  }
0x2: {  	[smem:$0x3F8C] =	sst lr;
	_ =	strace $0xD0000000  }
0x3: {  	_ = 	snop  }
0x4: {  	_ = 	snop  }
0x5: {  	_ = 	snop  }
0x6: {  	_ = 	snop  }
0x7: {  	_ = 	snop  }
__scs_overlays_trampoline_lowered:
0x8: {  	[smem:$0x3F9B] =	sst s0  }
0x9: {  	[smem:$0x3F9C] =	sst s1  }
0xa: {  	[smem:$0x3F9D] =	sst s2  }
0xb: {  	[smem:$0x3F9E] =	sst s3  }
0xc: {  	[smem:$0x3F9F] =	sst s4  }
0xd: {  	[smem:$0x3FA0] =	sst s5  }
0xe: {  	[smem:$0x3FA1] =	sst s6  }
0xf: {  	[smem:$0x3FA2] =	sst s7  }
0x10: {  	[smem:$0x3FA3] =	sst s8  }
0x11: {  	[smem:$0x3FA4] =	sst s9;
	s0 =	simm.s32 @!p0 $0x0  }
0x12: {  	s1 =	sld [smem:$0x3F8A];
	s0 =	simm.s32 @p0 $0x1  }
0x13: {  	[smem:$0x3FA5] =	sst s0;
	s0 =	simm.s32 @!p1 $0x0  }
0x14: {  	s2 =	sld [smem:$0x3F89];
	s0 =	simm.s32 @p1 $0x1  }
0x15: {  	[smem:$0x3FA6] =	sst s0;
	s0 =	simm.s32 @!p2 $0x0  }
0x16: {  	s3 =	sld [smem:$0x3FDB];
	s0 =	simm.s32 @p2 $0x1  }
0x17: {  	s4 =	simm.s32 $0x1BF5;
	[smem:$0x3FA8] =	sst s0  }
0x18: {  	s0 =	sld [smem:$0x3F8B];
	_ =	swait.ge [sflag:s4], $0x0  }
0x19: {  	s7 =	sld [smem:$0x3F8C]  }
0x1a: {  	s8 =	sadd.s32 $0xFFFFE003, lr  }
0x1b: {  	s9 =	sadd.s32 $0xFFFFFEF7, lr;
	s5 =	simm.s32 $0xFFFFFFFF;
	p2 =	slt.u32 s8, $0xFFFFF086  }
0x1c: {  	p1 =	slt.u32 s9, $0xF7A;
	s5 =	simm.s32 @!p2 $0x0  }
0x1d: {  	s5 =	simm.s32 @p1 $0x1;
	p0 =	seq.s32 s7, s2  }
0x1e: {  	s7 =	smul.u32 @!p0 $0xF7A, s2;
	p2 =	seq.s32 @!p0 s5, $0x0  }
0x1f: {  	s9 =	smul.u32 $0xF7A, s1;
	s8 =	simm.s32 @!p0 $0x1BF5;
	p2 =	por !p2, p0  }
0x20: {  	[sflag:s8] =	ssyncset.s32 @!p0 $0xFFFFF086;
	s6 =	sadd.s32 @!p0 s3, s7;
	s7 =	simm.s32 @!p0 $0x108  }
0x21: {  	s3 =	sadd.s32 s3, s9;
	s6 =	sadd.s32 @!p0 $0x88, s6;
	s7 =	simm.s32 @p2 $0x1082  }
0x22: {  	[simem:s7], [sflag:s8] =	dma.local @!p0 [hbm:s6], $0xF7A  }
0x23: {  	s9 =	sor.u32 $0xD0000000, s2;
	s6 =	simm.s32 $0x108;
	_ =	swait.ge @!p0 [sflag:s8], $0x0  }
0x24: {  	s3 =	sadd.s32 $0x88, s3;
	s6 =	simm.s32 @!p1 $0x1082;
	[sflag:s4] =	ssyncset.s32 $0xFFFFF086  }
0x25: {  	[simem:s6], [sflag:s4] =	dma.local [hbm:s3], $0xF7A  }
0x26: {  	[smem:$0x3F8C] =	sst s1;
	(tag) =	ssettag s2;
	_ =	strace s9  }
0x27: {  	s1 =	sld [smem:$0x3F9C]  }
0x28: {  	s2 =	sld [smem:$0x3F9D]  }
0x29: {  	s4 =	sld [smem:$0x3F9F]  }
0x2a: {  	p0 =	seq.s32 s5, $0x0;
	s5 =	sld [smem:$0x3FA0]  }
0x2b: {  	s6 =	sld [smem:$0x3FA1]  }
0x2c: {  	s7 =	sld [smem:$0x3FA2]  }
0x2d: {  	s3 =	simm.s32 $0x108;
	s8 =	sld [smem:$0x3FA3]  }
0x2e: {  	s3 =	simm.s32 @!p0 $0x1082;
	s9 =	sld [smem:$0x3FA4]  }
0x2f: {  	lr =	sadd.s32 s0, s3;
	s0 =	sld [smem:$0x3F9B]  }
0x30: {  	s3 =	sld [smem:$0x3F9E]  }
0x31: {  	[smem:$0x3FA7] =	sst s10  }
0x32: {  	s10 =	sld [smem:$0x3FA5];
	_ =	sdelay $0x3  }
0x33: {  	p0 =	seq.s32 s10, $0x1;
	s10 =	sld [smem:$0x3FA7];
	_ =	sdelay $0x3  }
0x34: {  	[smem:$0x3FA7] =	sst s10  }
0x35: {  	s10 =	sld [smem:$0x3FA6];
	_ =	sdelay $0x3  }
0x36: {  	p1 =	seq.s32 s10, $0x1;
	s10 =	sld [smem:$0x3FA7];
	_ =	sdelay $0x3  }
0x37: {  	[smem:$0x3FA7] =	sst s10  }
0x38: {  	s10 =	sld [smem:$0x3FA8]  }
0x39: {  	_ = 	snop;
	(pc) =	sbr.ind lr, $3  }
0x3a: {  	_ = 	snop  }
0x3b: {  	_ = 	snop  }
0x3c: {  	p2 =	seq.s32 s10, $0x1;
	s10 =	sld [smem:$0x3FA7]  }
0x3d: {  	_ =	shalt  }
0x3e: {  	_ =	shalt  }
0x3f: {  	_ =	shalt  }
0x40: {  	_ =	shalt  }
0x41: {  	_ =	shalt  }
0x42: {  	_ =	shalt  }
0x43: {  	_ =	shalt  }
0x44: {  	_ =	shalt  }
0x45: {  	_ =	shalt  }
0x46: {  	_ =	shalt  }
0x47: {  	_ =	shalt  }
0x48: {  	_ =	shalt  }
0x49: {  	_ =	shalt  }
0x4a: {  	_ =	shalt  }
0x4b: {  	_ =	shalt  }
0x4c: {  	_ =	shalt  }
0x4d: {  	_ =	shalt  }
0x4e: {  	_ =	shalt  }
0x4f: {  	_ =	shalt  }
0x50: {  	_ =	shalt  }
0x51: {  	_ =	shalt  }
0x52: {  	_ =	shalt  }
0x53: {  	_ =	shalt  }
0x54: {  	_ =	shalt  }
0x55: {  	_ =	shalt  }
0x56: {  	_ =	shalt  }
0x57: {  	_ =	shalt  }
0x58: {  	_ =	shalt  }
0x59: {  	_ =	shalt  }
0x5a: {  	_ =	shalt  }
0x5b: {  	_ =	shalt  }
0x5c: {  	_ =	shalt  }
0x5d: {  	_ =	shalt  }
0x5e: {  	_ =	shalt  }
0x5f: {  	_ =	shalt  }
0x60: {  	_ =	shalt  }
0x61: {  	_ =	shalt  }
0x62: {  	_ =	shalt  }
0x63: {  	_ =	shalt  }
0x64: {  	_ =	shalt  }
0x65: {  	_ =	shalt  }
0x66: {  	_ =	shalt  }
0x67: {  	_ =	shalt  }
0x68: {  	_ =	shalt  }
0x69: {  	_ =	shalt  }
0x6a: {  	_ =	shalt  }
0x6b: {  	_ =	shalt  }
0x6c: {  	_ =	shalt  }
0x6d: {  	_ =	shalt  }
0x6e: {  	_ =	shalt  }
0x6f: {  	_ =	shalt  }
0x70: {  	_ =	shalt  }
0x71: {  	_ =	shalt  }
0x72: {  	_ =	shalt  }
0x73: {  	_ =	shalt  }
0x74: {  	_ =	shalt  }
0x75: {  	_ =	shalt  }
0x76: {  	_ =	shalt  }
0x77: {  	_ =	shalt  }
0x78: {  	_ =	shalt  }
0x79: {  	_ =	shalt  }
0x7a: {  	_ =	shalt  }
0x7b: {  	_ =	shalt  }
0x7c: {  	_ =	shalt  }
0x7d: {  	_ =	shalt  }
0x7e: {  	_ =	shalt  }
0x7f: {  	_ =	shalt  }
0x80: {  	_ =	shalt  }
0x81: {  	_ =	shalt  }
0x82: {  	_ =	shalt  }
0x83: {  	_ =	shalt  }
0x84: {  	_ =	shalt  }
0x85: {  	_ =	shalt  }
0x86: {  	_ =	shalt  }
0x87: {  	_ =	shalt  }
.Lfunc_end0:
.L_simem_size_0:
called_computation_lowered:
.L_overlay_start_0:
0x88: {  	s2 =	sld [smem:$0x3FD9]  }
0x89: {  	s3 =	sld [smem:$0x3FFE];
	_ =	sdelay $0x1  }
0x8a: {  	s1 =	srdreg.scid  }
0x8b: {  	s0 =	sand.u32 $0x1, s1  }
0x8c: {  	s17 =	sshll.u32 s0, $0xA;
	s2 =	sadd.s32 s3, s2  }
0x8d: {  	s2 =	sadd.s32 s2, s17  }
0x8e: {  	[smem:$0x3FB3] =	sst s2  }
0x8f: {  	_ = 	snop  }
0x90: {  	s2 =	sld [smem:$0x3FD0];
	(tm) =	ssettm $0x1  }
0x91: {  	s18 =	sld [smem:$0x3FFB];
	_ =	sdelay $0x3  }
0x92: {  	_ =	strace s18  }
0x93: {  	s3 =	sld [smem:$0x3FFC];
	_ =	sdelay $0x3  }
0x94: {  	_ =	strace s3  }
0x95: {  	s3 =	sld [smem:$0x3FFD];
	_ =	sdelay $0x3  }
0x96: {  	_ =	strace s3  }
0x97: {  	_ =	strace $0x8FFFFFFF  }
0x98: {  	s19 =	sld [smem:$0x3FDB];
	_ =	sdelay $0x1  }
0x99: {  	s4 =	simm.s32 $_scs_section_size  }
0x9a: {  	s5 =	simm.s32 $_size__tile_overlayer_lowered;
	s6 =	simm.s32 $_tile_overlayer_lowered  }
0x9b: {  	s22 =	simm.s32 $0x1BFF;
	s21 =	sshll.u32 s6, $0x1;
	s3 =	sadd.s32 s4, s19  }
0x9c: {  	s7 =	simm.s32 $0x0;
	s20 =	sshll.u32 s5, $0x1;
	s5 =	sadd.s32 s21, s3  }
0x9d: {  	[timem:s7], [sflag:s22] =	dma.local [hbm:s5], s20  }
0x9e: {  	_ =	swait.ge [sflag:s22], s20  }
0x9f: {  	s4 =	ssub.s32 $0x0, s20;
	[sflag:s22] =	ssyncset.done $0x0  }
0xa0: {  	[sflag:s22] =	ssyncadd.s32 s4;
	_ =	sdelay $0x1  }
0xa1: {  	s23 =	simm.s32 $0x1B8B  }
0xa2: {  	_ =	swait.ge [sflag:s23], $0x1  }
0xa3: {  	[sflag:s23] =	ssyncset.done $0x0  }
0xa4: {  	s25 =	simm.s32 $0x1B8E;
	s24 =	sld [smem:$0x3FFE];
	[sflag:s23] =	ssyncadd.s32 $0xFFFFFFFF  }
0xa5: {  	s26 =	simm.s32 $execute0_lowered;
	[smem:$0x3FD2] =	sst s25  }
0xa6: {  	s5 =	sshll.u32 s26, $0x1;
	_ =	strace $0x80000046;
	[dreg:$0x1] =	wrdreg $0xFFFFFFFF  }
0xa7: {  	s28 =	simm.s32 $_size_execute0_lowered;
	s3 =	sadd.s32 s3, s5;
	[dreg:$0x0] =	wrdreg $0x0  }
0xa8: {  	s5 =	sshll.u32 s28, $0x1;
	[dreg:$0x2] =	wrdreg s3  }
0xa9: {  	[dreg:$0x3] =	wrdreg s5  }
0xaa: {  	[dreg:$0x4] =	wrdreg $0xC0  }
0xab: {  	_ =	task [dreg:s7], $0x5FFFF  }
0xac: {  	[dreg:$0x1] =	wrdreg $0xFFFFFFFF  }
0xad: {  	[dreg:$0x0] =	wrdreg $0x60  }
0xae: {  	[dreg:$0x2] =	wrdreg s24  }
0xaf: {  	[dreg:$0x3] =	wrdreg s2  }
0xb0: {  	[dreg:$0x4] =	wrdreg $0xB4000  }
0xb1: {  	[dreg:$0x5] =	wrdreg $0x9  }
0xb2: {  	_ =	task.clear_ibuf [dreg:s7], $0x6FFFF;
	_ =	strace $0x90000046  }
0xb3: {  	s29 =	simm.s32 $0x9;
	_ =	strace $0x80000048  }
0xb4: {  	_ =	swait.ge [sflag:s29], $0x1  }
0xb5: {  	[sflag:s29] =	ssyncadd.s32 $0xFFFFFFFF  }
0xb6: {  	_ =	strace $0x90000048  }
0xb7: {  	_ =	sfence  }
0xb8: {  	s30 =	sld [smem:$0x0];
	_ =	sdelay $0x2  }
0xb9: {  	s31 =	sshll.u32 s1, $0xD;
	s1 =	sshrl.u32 s1, $0x2  }
0xba: {  	s3 =	sand.u32 $0x4000, s31;
	s1 =	sadd.s32 s1, s30  }
0xbb: {  	s0 =	sor.u32 s3, s0;
	s1 =	sshll.u32 s1, $0x11  }
0xbc: {  	s0 =	sor.u32 s1, s0  }
0xbd: {  	s0 =	sadd.s32 $0x8F2B, s0  }
0xbe: {  	[sflag:s0] =	ssyncadd.remote.s32 $0x1  }
0xbf: {  	_ =	sfence.sel $0xFFFF  }
0xc0: {  	[dreg:$0x0] =	wrdreg $0xFFFFFFFF;
	(pc) =	sbr.abs _section_cstart, $3  }
0xc1: {  	[dreg:$0x1] =	wrdreg $0xFFFFFFFF  }
0xc2: {  	_ =	task.clear_ibuf [dreg:s7], $0x2FFFF;
	_ =	strace $0x9FFFFFFF  }
0xc3: {  	(tm) =	ssettm $0x7FFFFFFF  }
tec
execute0_lowered:
.L_overlay_start_1:
0x0: {  	(tag) =	ssettag $0x1  }
0x1: {  	s0 =	rddreg [dreg:$0x0]  }
0x2: {  	s2 =	rddreg [dreg:$0x2];
	s22 =	simm.s32 $0x0  }
0x3: {  	s1 =	srdreg.scid;
	s13 =	stileid.u32;
	s15 =	simm.s32 $0xB  }
0x4: {  	s16 =	simm.s32 $0xA00;
	s17 =	simm.s32 $0x40;
	s18 =	simm.s32 $0x1400  }
0x5: {  	s19 =	simm.s32 $0x3400;
	s21 =	simm.s32 $0x5400;
	s28 =	simm.s32 $0x9400  }
0x6: {  	s29 =	simm.s32 $0x1;
	s30 =	simm.s32 $0x2;
	s14 =	simm.s32 $0x6  }
0x7: {  	[smem:$0x7FF] =	sst s22;
	s5 =	sadd.s32 $0x53400, s0;
	s6 =	sadd.s32 $0x7A600, s0  }
0x8: {  	s7 =	sadd.s32 $0x3F400, s0;
	s1 =	sand.u32 $0x1, s1;
	s4 =	smul.u32 $0x4F000, s13  }
0x9: {  	s8 =	sadd.s32 $0x2B400, s0;
	s0 =	sadd.s32 $0xA1800, s0;
	s23 =	smul.u32 $0x2700, s13  }
0xa: {  	s10 =	sshll.u32 s13, $0x6;
	s24 =	smul.u32 $0x4E000, s13;
	p1 =	seq.s32 s13, $0xF  }
0xb: {  	_ =	strace $0x80000047;
	s3 =	ssub.s32 $0x2, s1;
	s11 =	smul.u32 $0x27100, s1  }
0xc: {  	s12 =	smul.u32 $0x138800, s1;
	s26 =	sor.u32 $0x1C0B, s10;
	p0 =	seq.s32 s1, $0x1  }
0xd: {  	s10 =	smul.u32 $0xA000, s13;
	s13 =	simm.s32 $0xB00;
	s9 =	sshrl.u32 s3, $0x1  }
0xe: {  	s4 =	sshrl.u32 s4, $0x2;
	s1 =	sshrl.u32 s24, $0x2;
	s24 =	simm.s32 $0x7  }
0xf: {  	[dreg:$0x5] =	wrdreg s26;
	s3 =	ssub.s32 s3, s9;
	s4 =	sadd.s32 s4, s2  }
0x10: {  	s9 =	sadd.s32 s23, s11;
	s25 =	sshrl.u32 s12, $0x3;
	s1 =	sadd.s32 s1, s2  }
0x11: {  	s23 =	simm.s32 $0x7400;
	s11 =	simm.s32 $0xAC0;
	s12 =	simm.s32 $0x5  }
0x12: {  	s9 =	sadd.s32 s0, s9;
	s0 =	sadd.s32 s0, s25;
	s3 =	smax.u32 s3, $0x1  }
0x13: {  	s31 =	sshrl.u32 s4, $0x3;
	s4 =	simm.s32 $0xA80;
	[dreg:$0x6] =	wrdreg s9  }
.Ltmp0:
0x14: {  	s0 =	sadd.s32 $0x24900, s0;
	[dreg:$0x8] =	wrdreg s3;
	(pc) =	sbr.rel .LBB2_1-.Ltmp0, $4  }
0x15: {  	s25 =	simm.s32 $0x8;
	[dreg:$0x7] =	wrdreg s0;
	s0 =	sadd.s32 $0x124800, s2  }
0x16: {  	[dreg:$0x9] =	wrdreg s31;
	s9 =	simm.s32 $0x9;
	s0 =	sshrl.u32 @p1 s0, $0x3  }
0x17: {  	s3 =	simm.s32 $0xA;
	[dreg:$0xa] =	wrdreg s0;
	s0 =	sshrl.u32 @!p1 s1, $0x3  }
0x18: {  	s1 =	simm.s32 $0x4;
	[dreg:$0xb] =	wrdreg s0;
	s0 =	simm.s32 $0x3  }
.LBB2_8:
0x19: {  	[bflag:$0x0] =	sbarrier.arrive $0xFFFF  }
0x1a: {  	s26 =	rddreg [dreg:$0x5]  }
0x1b: {  	s20 =	rddreg [dreg:$0x7]  }
0x1c: {  	s22 =	rddreg [dreg:$0xa]  }
0x1d: {  	[hbm:s20], [sflag:s26] =	dma.local @p1 [spmem:s22], $0x2800  }
0x1e: {  	s20 =	simm.s32 @p1 $0xB  }
0x1f: {  	_ =	swait.ge @p1 [sflag:s20], $0x2800  }
0x20: {  	[sflag:s20] =	ssyncset.done @p1 $0x0;
	s22 =	rddreg [dreg:$0xb]  }
0x21: {  	[sflag:s20] =	ssyncadd.s32 @p1 $0xFFFFD800;
	s20 =	rddreg [dreg:$0x6]  }
0x22: {  	[hbm:s20], [sflag:s26] =	dma.local @!p1 [spmem:s22], $0x2700  }
0x23: {  	s20 =	simm.s32 @!p1 $0xB  }
0x24: {  	_ =	swait.ge @!p1 [sflag:s20], $0x2700  }
0x25: {  	s31 =	rddreg [dreg:$0x4]  }
0x26: {  	s22 =	sadd.s32 $0x1, s31;
	s31 =	rddreg [dreg:$0x8]  }
0x27: {  	p2 =	sne.s32 s22, s31  }
.Ltmp1:
0x28: {  	_ = 	snop;
	(pc) =	sbr.rel @!p2 .LBB2_9-.Ltmp1, $3  }
0x29: {  	_ =	sdelay $0x1  }
0x2a: {  	[sflag:s20] =	ssyncset.done @!p1 $0x0  }
0x2b: {  	[sflag:s20] =	ssyncadd.s32 @!p1 $0xFFFFD900  }
.LBB2_1:
0x2c: {  	[dreg:$0x4] =	wrdreg s22  }
0x2d: {  	s20 =	rddreg [dreg:$0x1]  }
0x2e: {  	s31 =	rddreg [dreg:$0x9]  }
0x2f: {  	[spmem:s31], [sflag:s26] =	dma.local [hbm:s20], $0x2780  }
.Ltmp2:
0x30: {  	_ =	swait.ge [sflag:s15], $0x2780;
	(pc) =	sbr.rel @!p0 .LBB2_2-.Ltmp2, $4  }
0x31: {  	[sflag:s15] =	ssyncset.done $0x0  }
0x32: {  	[sflag:s15] =	ssyncadd.s32 $0xFFFFD880  }
0x33: {  	[bflag:$0x0] =	sbarrier.arrive $0xFFFF  }
0x34: {  	s22 =	simm.s32 $0x0;
	s20 =	simm.s32 $0x0  }
.LBB2_5:
0x35: {  	s20 =	smul.u32 $0xA00, s22;
	_ =	sdelay $0x1  }
0x36: {  	s20 =	sadd.s32 s10, s20  }
0x37: {  	s20 =	sshrl.u32 s20, $0x3  }
0x38: {  	s31 =	simm.s32 $0x0;
	s26 =	sadd.s32 s7, s20  }
0x39: {  	[tilespmem:s31], [sflag:$0xB] =	stream.linear.gather [hbm4b:s26+s31], $0xA00, $0x38;
	[tilespmem:$0x1F000] =	vst v63  }
0x3a: {  	_ =	swait.ge [sflag:s15], $0xA00  }
0x3b: {  	[sflag:s15] =	ssyncset.done $0x0  }
0x3c: {  	s20 =	sadd.s32 s8, s20;
	[sflag:s15] =	ssyncadd.s32 $0xFFFFF600  }
0x3d: {  	[tilespmem:s16], [sflag:$0xB] =	stream.linear.gather [hbm4b:s20+s31], $0xA00, $0x38;
	[tilespmem:$0x1F000] =	vst v63  }
0x3e: {  	_ =	swait.ge [sflag:s15], $0xA00  }
0x3f: {  	[sflag:s15] =	ssyncset.done $0x0  }
0x40: {  	[sflag:s15] =	ssyncadd.s32 $0xFFFFF600  }
0x41: {  	[tilespmem:s18], [sflag:$0x1] =	stream.indirect.gather [hbm4b:s6+s17], $0x80, s31, s17, $0xb8;
	[tilespmem:$0x1F000] =	vst v63  }
0x42: {  	_ = 	snop  }
0x43: {  	[tilespmem:s19], [sflag:$0x2] =	stream.indirect.gather [hbm4b:s6+s17], $0x80, s17, s17, $0xb8;
	[tilespmem:$0x1F000] =	vst v63  }
0x44: {  	s31 =	simm.s32 $0x80  }
0x45: {  	[tilespmem:s21], [sflag:$0x3] =	stream.indirect.gather [hbm4b:s6+s17], $0x80, s31, s17, $0xb8;
	[tilespmem:$0x1F000] =	vst v63  }
0x46: {  	s26 =	simm.s32 $0xC0  }
0x47: {  	[tilespmem:s23], [sflag:$0x4] =	stream.indirect.gather [hbm4b:s6+s17], $0x80, s26, s17, $0xb8;
	[tilespmem:$0x1F000] =	vst v63  }
0x48: {  	s31 =	simm.s32 $0x100  }
0x49: {  	[tilespmem:s28], [sflag:$0x5] =	stream.indirect.gather [hbm4b:s6+s17], $0x80, s31, s17, $0xb8;
	[tilespmem:$0x1F000] =	vst v63  }
0x4a: {  	_ =	swait.ge [sflag:s29], $0x2000  }
0x4b: {  	[sflag:s29] =	ssyncset.done $0x0  }
0x4c: {  	[sflag:s29] =	ssyncadd.s32 $0xFFFFE000  }
0x4d: {  	[spmem:s2] =	stream.indirect.scatter.add.f32 [tilespmem:s18], [sflag:$0x6], $0x80, s16, s17, $0xb8;
	[tilespmem:$0x1F000] =	vst v63  }
0x4e: {  	_ =	swait.ge [sflag:s30], $0x2000  }
0x4f: {  	[sflag:s30] =	ssyncset.done $0x0  }
0x50: {  	s26 =	simm.s32 $0xA40;
	[sflag:s30] =	ssyncadd.s32 $0xFFFFE000  }
0x51: {  	[spmem:s2] =	stream.indirect.scatter.add.f32 [tilespmem:s19], [sflag:$0x7], $0x80, s26, s17, $0xb8;
	[tilespmem:$0x1F000] =	vst v63  }
0x52: {  	_ =	swait.ge [sflag:s0], $0x2000  }
0x53: {  	[sflag:s0] =	ssyncset.done $0x0  }
0x54: {  	[sflag:s0] =	ssyncadd.s32 $0xFFFFE000  }
0x55: {  	[spmem:s2] =	stream.indirect.scatter.add.f32 [tilespmem:s21], [sflag:$0x8], $0x80, s4, s17, $0xb8;
	[tilespmem:$0x1F000] =	vst v63  }
0x56: {  	_ =	swait.ge [sflag:s1], $0x2000  }
0x57: {  	[sflag:s1] =	ssyncset.done $0x0  }
0x58: {  	[sflag:s1] =	ssyncadd.s32 $0xFFFFE000  }
0x59: {  	[spmem:s2] =	stream.indirect.scatter.add.f32 [tilespmem:s23], [sflag:$0x9], $0x80, s11, s17, $0xb8;
	[tilespmem:$0x1F000] =	vst v63  }
0x5a: {  	_ =	swait.ge [sflag:s12], $0x2000  }
0x5b: {  	[sflag:s12] =	ssyncset.done $0x0  }
0x5c: {  	[sflag:s12] =	ssyncadd.s32 $0xFFFFE000  }
0x5d: {  	[spmem:s2] =	stream.indirect.scatter.add.f32 [tilespmem:s28], [sflag:$0xA], $0x80, s13, s17, $0xb8;
	[tilespmem:$0x1F000] =	vst v63  }
0x5e: {  	_ =	swait.ge [sflag:s14], $0x2000  }
0x5f: {  	[sflag:s14] =	ssyncset.done $0x0  }
0x60: {  	s31 =	simm.s32 $0x140;
	[sflag:s14] =	ssyncadd.s32 $0xFFFFE000  }
0x61: {  	[tilespmem:s18], [sflag:$0x1] =	stream.indirect.gather [hbm4b:s6+s17], $0x80, s31, s17, $0xb8;
	[tilespmem:$0x1F000] =	vst v63  }
0x62: {  	_ =	swait.ge [sflag:s24], $0x2000  }
0x63: {  	[sflag:s24] =	ssyncset.done $0x0  }
0x64: {  	s26 =	simm.s32 $0x180;
	[sflag:s24] =	ssyncadd.s32 $0xFFFFE000  }
0x65: {  	[tilespmem:s19], [sflag:$0x2] =	stream.indirect.gather [hbm4b:s6+s17], $0x80, s26, s17, $0xb8;
	[tilespmem:$0x1F000] =	vst v63  }
0x66: {  	_ =	swait.ge [sflag:s25], $0x2000  }
0x67: {  	[sflag:s25] =	ssyncset.done $0x0  }
0x68: {  	s31 =	simm.s32 $0x1C0;
	[sflag:s25] =	ssyncadd.s32 $0xFFFFE000  }
0x69: {  	[tilespmem:s21], [sflag:$0x3] =	stream.indirect.gather [hbm4b:s6+s17], $0x80, s31, s17, $0xb8;
	[tilespmem:$0x1F000] =	vst v63  }
0x6a: {  	_ =	swait.ge [sflag:s9], $0x2000  }
0x6b: {  	[sflag:s9] =	ssyncset.done $0x0  }
0x6c: {  	s26 =	simm.s32 $0x200;
	[sflag:s9] =	ssyncadd.s32 $0xFFFFE000  }
0x6d: {  	[tilespmem:s23], [sflag:$0x4] =	stream.indirect.gather [hbm4b:s6+s17], $0x80, s26, s17, $0xb8;
	[tilespmem:$0x1F000] =	vst v63  }
0x6e: {  	_ =	swait.ge [sflag:s3], $0x2000  }
0x6f: {  	[sflag:s3] =	ssyncset.done $0x0  }
0x70: {  	s31 =	simm.s32 $0x240;
	[sflag:s3] =	ssyncadd.s32 $0xFFFFE000  }
0x71: {  	[tilespmem:s28], [sflag:$0x5] =	stream.indirect.gather [hbm4b:s6+s17], $0x80, s31, s17, $0xb8;
	[tilespmem:$0x1F000] =	vst v63  }
0x72: {  	_ =	swait.ge [sflag:s29], $0x2000  }
0x73: {  	[sflag:s29] =	ssyncset.done $0x0  }
0x74: {  	s26 =	simm.s32 $0xB40;
	[sflag:s29] =	ssyncadd.s32 $0xFFFFE000  }
0x75: {  	[spmem:s2] =	stream.indirect.scatter.add.f32 [tilespmem:s18], [sflag:$0x6], $0x80, s26, s17, $0xb8;
	[tilespmem:$0x1F000] =	vst v63  }
0x76: {  	_ =	swait.ge [sflag:s30], $0x2000  }
0x77: {  	[sflag:s30] =	ssyncset.done $0x0  }
0x78: {  	s31 =	simm.s32 $0xB80;
	[sflag:s30] =	ssyncadd.s32 $0xFFFFE000  }
0x79: {  	[spmem:s2] =	stream.indirect.scatter.add.f32 [tilespmem:s19], [sflag:$0x7], $0x80, s31, s17, $0xb8;
	[tilespmem:$0x1F000] =	vst v63  }
0x7a: {  	_ =	swait.ge [sflag:s0], $0x2000  }
0x7b: {  	[sflag:s0] =	ssyncset.done $0x0  }
0x7c: {  	s26 =	simm.s32 $0xBC0;
	[sflag:s0] =	ssyncadd.s32 $0xFFFFE000  }
0x7d: {  	[spmem:s2] =	stream.indirect.scatter.add.f32 [tilespmem:s21], [sflag:$0x8], $0x80, s26, s17, $0xb8;
	[tilespmem:$0x1F000] =	vst v63  }
0x7e: {  	_ =	swait.ge [sflag:s1], $0x2000  }
0x7f: {  	[sflag:s1] =	ssyncset.done $0x0  }
0x80: {  	s31 =	simm.s32 $0xC00;
	[sflag:s1] =	ssyncadd.s32 $0xFFFFE000  }
0x81: {  	[spmem:s2] =	stream.indirect.scatter.add.f32 [tilespmem:s23], [sflag:$0x9], $0x80, s31, s17, $0xb8;
	[tilespmem:$0x1F000] =	vst v63  }
0x82: {  	_ =	swait.ge [sflag:s12], $0x2000  }
0x83: {  	[sflag:s12] =	ssyncset.done $0x0  }
0x84: {  	s20 =	simm.s32 $0x500;
	s26 =	simm.s32 $0xC40;
	[sflag:s12] =	ssyncadd.s32 $0xFFFFE000  }
.LBB2_6:
0x85: {  	[spmem:s2] =	stream.indirect.scatter.add.f32 [tilespmem:s28], [sflag:$0xA], $0x80, s26, s17, $0xb8;
	[tilespmem:$0x1F000] =	vst v63  }
0x86: {  	s26 =	smov.u32 s20  }
0x87: {  	p2 =	sne.s32 s20, $0x1E00;
	s20 =	sadd.s32 $0x500, s20;
	_ =	swait.ge [sflag:s14], $0x2000  }
0x88: {  	s26 =	sshra.s32 s26, $0x2;
	[sflag:s14] =	ssyncset.done $0x0  }
0x89: {  	s31 =	sadd.s32 $0x140, s26;
	[sflag:s14] =	ssyncadd.s32 $0xFFFFE000  }
0x8a: {  	[tilespmem:s18], [sflag:$0x1] =	stream.indirect.gather [hbm4b:s6+s17], $0x80, s31, s17, $0xb8;
	[tilespmem:$0x1F000] =	vst v63  }
0x8b: {  	_ =	swait.ge [sflag:s24], $0x2000  }
0x8c: {  	[sflag:s24] =	ssyncset.done $0x0  }
0x8d: {  	s31 =	sadd.s32 $0x180, s26;
	[sflag:s24] =	ssyncadd.s32 $0xFFFFE000  }
0x8e: {  	[tilespmem:s19], [sflag:$0x2] =	stream.indirect.gather [hbm4b:s6+s17], $0x80, s31, s17, $0xb8;
	[tilespmem:$0x1F000] =	vst v63  }
0x8f: {  	_ =	swait.ge [sflag:s25], $0x2000  }
0x90: {  	[sflag:s25] =	ssyncset.done $0x0  }
0x91: {  	s31 =	sadd.s32 $0x1C0, s26;
	[sflag:s25] =	ssyncadd.s32 $0xFFFFE000  }
0x92: {  	[tilespmem:s21], [sflag:$0x3] =	stream.indirect.gather [hbm4b:s6+s17], $0x80, s31, s17, $0xb8;
	[tilespmem:$0x1F000] =	vst v63  }
0x93: {  	_ =	swait.ge [sflag:s9], $0x2000  }
0x94: {  	[sflag:s9] =	ssyncset.done $0x0  }
0x95: {  	s31 =	sadd.s32 $0x200, s26;
	[sflag:s9] =	ssyncadd.s32 $0xFFFFE000  }
0x96: {  	[tilespmem:s23], [sflag:$0x4] =	stream.indirect.gather [hbm4b:s6+s17], $0x80, s31, s17, $0xb8;
	[tilespmem:$0x1F000] =	vst v63  }
0x97: {  	_ =	swait.ge [sflag:s3], $0x2000  }
0x98: {  	[sflag:s3] =	ssyncset.done $0x0  }
0x99: {  	s31 =	sadd.s32 $0x240, s26;
	[sflag:s3] =	ssyncadd.s32 $0xFFFFE000  }
0x9a: {  	[tilespmem:s28], [sflag:$0x5] =	stream.indirect.gather [hbm4b:s6+s17], $0x80, s31, s17, $0xb8;
	[tilespmem:$0x1F000] =	vst v63  }
0x9b: {  	_ =	swait.ge [sflag:s29], $0x2000  }
0x9c: {  	[sflag:s29] =	ssyncset.done $0x0  }
0x9d: {  	s31 =	sadd.s32 $0xB40, s26;
	[sflag:s29] =	ssyncadd.s32 $0xFFFFE000  }
0x9e: {  	[spmem:s2] =	stream.indirect.scatter.add.f32 [tilespmem:s18], [sflag:$0x6], $0x80, s31, s17, $0xb8;
	[tilespmem:$0x1F000] =	vst v63  }
0x9f: {  	_ =	swait.ge [sflag:s30], $0x2000  }
0xa0: {  	[sflag:s30] =	ssyncset.done $0x0  }
0xa1: {  	s31 =	sadd.s32 $0xB80, s26;
	[sflag:s30] =	ssyncadd.s32 $0xFFFFE000  }
0xa2: {  	[spmem:s2] =	stream.indirect.scatter.add.f32 [tilespmem:s19], [sflag:$0x7], $0x80, s31, s17, $0xb8;
	[tilespmem:$0x1F000] =	vst v63  }
0xa3: {  	_ =	swait.ge [sflag:s0], $0x2000  }
0xa4: {  	[sflag:s0] =	ssyncset.done $0x0  }
0xa5: {  	s31 =	sadd.s32 $0xBC0, s26;
	[sflag:s0] =	ssyncadd.s32 $0xFFFFE000  }
0xa6: {  	[spmem:s2] =	stream.indirect.scatter.add.f32 [tilespmem:s21], [sflag:$0x8], $0x80, s31, s17, $0xb8;
	[tilespmem:$0x1F000] =	vst v63  }
0xa7: {  	_ =	swait.ge [sflag:s1], $0x2000  }
0xa8: {  	[sflag:s1] =	ssyncset.done $0x0  }
.Ltmp3:
0xa9: {  	s31 =	sadd.s32 $0xC00, s26;
	[sflag:s1] =	ssyncadd.s32 $0xFFFFE000;
	(pc) =	sbr.rel @p2 .LBB2_6-.Ltmp3, $4  }
0xaa: {  	[spmem:s2] =	stream.indirect.scatter.add.f32 [tilespmem:s23], [sflag:$0x9], $0x80, s31, s17, $0xb8;
	[tilespmem:$0x1F000] =	vst v63  }
0xab: {  	_ =	swait.ge [sflag:s12], $0x2000  }
0xac: {  	[sflag:s12] =	ssyncset.done $0x0  }
0xad: {  	s26 =	sadd.s32 $0xC40, s26;
	[sflag:s12] =	ssyncadd.s32 $0xFFFFE000  }
0xae: {  	[spmem:s2] =	stream.indirect.scatter.add.f32 [tilespmem:s28], [sflag:$0xA], $0x80, s26, s17, $0xb8;
	[tilespmem:$0x1F000] =	vst v63  }
0xaf: {  	_ =	swait.ge [sflag:s14], $0x2000  }
0xb0: {  	[sflag:s14] =	ssyncset.done $0x0  }
0xb1: {  	[sflag:s14] =	ssyncadd.s32 $0xFFFFE000  }
0xb2: {  	_ =	swait.ge [sflag:s24], $0x2000  }
0xb3: {  	[sflag:s24] =	ssyncset.done $0x0  }
0xb4: {  	[sflag:s24] =	ssyncadd.s32 $0xFFFFE000  }
0xb5: {  	_ =	swait.ge [sflag:s25], $0x2000  }
0xb6: {  	[sflag:s25] =	ssyncset.done $0x0  }
0xb7: {  	s22 =	sadd.s32 $0x1, s22;
	[sflag:s25] =	ssyncadd.s32 $0xFFFFE000  }
0xb8: {  	p2 =	sne.s32 s22, $0x10;
	_ =	swait.ge [sflag:s9], $0x2000  }
.Ltmp4:
0xb9: {  	[sflag:s9] =	ssyncset.done $0x0;
	(pc) =	sbr.rel @p2 .LBB2_5-.Ltmp4, $4  }
.Ltmp5:
0xba: {  	[sflag:s9] =	ssyncadd.s32 $0xFFFFE000;
	(pc) =	sbr.rel @!p2 .LBB2_8-.Ltmp5, $4  }
0xbb: {  	_ =	swait.ge [sflag:s3], $0x2000  }
0xbc: {  	[sflag:s3] =	ssyncset.done $0x0  }
0xbd: {  	[sflag:s3] =	ssyncadd.s32 $0xFFFFE000  }
0xbe: {  	_ = 	snop  }
.LBB2_2:
0xbf: {  	s22 =	smul.u32 $0xA00, s20;
	_ =	sdelay $0x1  }
0xc0: {  	s22 =	sadd.s32 s10, s22  }
0xc1: {  	s22 =	sshrl.u32 s22, $0x3  }
0xc2: {  	s31 =	simm.s32 $0x0;
	s26 =	sadd.s32 s7, s22  }
0xc3: {  	[tilespmem:s31], [sflag:$0xB] =	stream.linear.gather [hbm4b:s26+s31], $0xA00, $0x38;
	[tilespmem:$0x1F000] =	vst v63  }
0xc4: {  	_ =	swait.ge [sflag:s15], $0xA00  }
0xc5: {  	[sflag:s15] =	ssyncset.done $0x0  }
0xc6: {  	s22 =	sadd.s32 s8, s22;
	[sflag:s15] =	ssyncadd.s32 $0xFFFFF600  }
0xc7: {  	[tilespmem:s16], [sflag:$0xB] =	stream.linear.gather [hbm4b:s22+s31], $0xA00, $0x38;
	[tilespmem:$0x1F000] =	vst v63  }
0xc8: {  	_ =	swait.ge [sflag:s15], $0xA00  }
0xc9: {  	[sflag:s15] =	ssyncset.done $0x0  }
0xca: {  	[sflag:s15] =	ssyncadd.s32 $0xFFFFF600  }
0xcb: {  	[tilespmem:s18], [sflag:$0x1] =	stream.indirect.gather [hbm4b:s5+s17], $0x80, s31, s17, $0xb8;
	[tilespmem:$0x1F000] =	vst v63  }
0xcc: {  	_ = 	snop  }
0xcd: {  	[tilespmem:s19], [sflag:$0x2] =	stream.indirect.gather [hbm4b:s5+s17], $0x80, s17, s17, $0xb8;
	[tilespmem:$0x1F000] =	vst v63  }
0xce: {  	s31 =	simm.s32 $0x80  }
0xcf: {  	[tilespmem:s21], [sflag:$0x3] =	stream.indirect.gather [hbm4b:s5+s17], $0x80, s31, s17, $0xb8;
	[tilespmem:$0x1F000] =	vst v63  }
0xd0: {  	s26 =	simm.s32 $0xC0  }
0xd1: {  	[tilespmem:s23], [sflag:$0x4] =	stream.indirect.gather [hbm4b:s5+s17], $0x80, s26, s17, $0xb8;
	[tilespmem:$0x1F000] =	vst v63  }
0xd2: {  	s31 =	simm.s32 $0x100  }
0xd3: {  	[tilespmem:s28], [sflag:$0x5] =	stream.indirect.gather [hbm4b:s5+s17], $0x80, s31, s17, $0xb8;
	[tilespmem:$0x1F000] =	vst v63  }
0xd4: {  	_ =	swait.ge [sflag:s29], $0x2000  }
0xd5: {  	[sflag:s29] =	ssyncset.done $0x0  }
0xd6: {  	[sflag:s29] =	ssyncadd.s32 $0xFFFFE000  }
0xd7: {  	[spmem:s2] =	stream.indirect.scatter.add.f32 [tilespmem:s18], [sflag:$0x6], $0x80, s16, s17, $0xb8;
	[tilespmem:$0x1F000] =	vst v63  }
0xd8: {  	_ =	swait.ge [sflag:s30], $0x2000  }
0xd9: {  	[sflag:s30] =	ssyncset.done $0x0  }
0xda: {  	s26 =	simm.s32 $0xA40;
	[sflag:s30] =	ssyncadd.s32 $0xFFFFE000  }
0xdb: {  	[spmem:s2] =	stream.indirect.scatter.add.f32 [tilespmem:s19], [sflag:$0x7], $0x80, s26, s17, $0xb8;
	[tilespmem:$0x1F000] =	vst v63  }
0xdc: {  	_ =	swait.ge [sflag:s0], $0x2000  }
0xdd: {  	[sflag:s0] =	ssyncset.done $0x0  }
0xde: {  	[sflag:s0] =	ssyncadd.s32 $0xFFFFE000  }
0xdf: {  	[spmem:s2] =	stream.indirect.scatter.add.f32 [tilespmem:s21], [sflag:$0x8], $0x80, s4, s17, $0xb8;
	[tilespmem:$0x1F000] =	vst v63  }
0xe0: {  	_ =	swait.ge [sflag:s1], $0x2000  }
0xe1: {  	[sflag:s1] =	ssyncset.done $0x0  }
0xe2: {  	[sflag:s1] =	ssyncadd.s32 $0xFFFFE000  }
0xe3: {  	[spmem:s2] =	stream.indirect.scatter.add.f32 [tilespmem:s23], [sflag:$0x9], $0x80, s11, s17, $0xb8;
	[tilespmem:$0x1F000] =	vst v63  }
0xe4: {  	_ =	swait.ge [sflag:s12], $0x2000  }
0xe5: {  	[sflag:s12] =	ssyncset.done $0x0  }
0xe6: {  	[sflag:s12] =	ssyncadd.s32 $0xFFFFE000  }
0xe7: {  	[spmem:s2] =	stream.indirect.scatter.add.f32 [tilespmem:s28], [sflag:$0xA], $0x80, s13, s17, $0xb8;
	[tilespmem:$0x1F000] =	vst v63  }
0xe8: {  	_ =	swait.ge [sflag:s14], $0x2000  }
0xe9: {  	[sflag:s14] =	ssyncset.done $0x0  }
0xea: {  	s31 =	simm.s32 $0x140;
	[sflag:s14] =	ssyncadd.s32 $0xFFFFE000  }
0xeb: {  	[tilespmem:s18], [sflag:$0x1] =	stream.indirect.gather [hbm4b:s5+s17], $0x80, s31, s17, $0xb8;
	[tilespmem:$0x1F000] =	vst v63  }
0xec: {  	_ =	swait.ge [sflag:s24], $0x2000  }
0xed: {  	[sflag:s24] =	ssyncset.done $0x0  }
0xee: {  	s26 =	simm.s32 $0x180;
	[sflag:s24] =	ssyncadd.s32 $0xFFFFE000  }
0xef: {  	[tilespmem:s19], [sflag:$0x2] =	stream.indirect.gather [hbm4b:s5+s17], $0x80, s26, s17, $0xb8;
	[tilespmem:$0x1F000] =	vst v63  }
0xf0: {  	_ =	swait.ge [sflag:s25], $0x2000  }
0xf1: {  	[sflag:s25] =	ssyncset.done $0x0  }
0xf2: {  	s31 =	simm.s32 $0x1C0;
	[sflag:s25] =	ssyncadd.s32 $0xFFFFE000  }
0xf3: {  	[tilespmem:s21], [sflag:$0x3] =	stream.indirect.gather [hbm4b:s5+s17], $0x80, s31, s17, $0xb8;
	[tilespmem:$0x1F000] =	vst v63  }
0xf4: {  	_ =	swait.ge [sflag:s9], $0x2000  }
0xf5: {  	[sflag:s9] =	ssyncset.done $0x0  }
0xf6: {  	s26 =	simm.s32 $0x200;
	[sflag:s9] =	ssyncadd.s32 $0xFFFFE000  }
0xf7: {  	[tilespmem:s23], [sflag:$0x4] =	stream.indirect.gather [hbm4b:s5+s17], $0x80, s26, s17, $0xb8;
	[tilespmem:$0x1F000] =	vst v63  }
0xf8: {  	_ =	swait.ge [sflag:s3], $0x2000  }
0xf9: {  	[sflag:s3] =	ssyncset.done $0x0  }
0xfa: {  	s31 =	simm.s32 $0x240;
	[sflag:s3] =	ssyncadd.s32 $0xFFFFE000  }
0xfb: {  	[tilespmem:s28], [sflag:$0x5] =	stream.indirect.gather [hbm4b:s5+s17], $0x80, s31, s17, $0xb8;
	[tilespmem:$0x1F000] =	vst v63  }
0xfc: {  	_ =	swait.ge [sflag:s29], $0x2000  }
0xfd: {  	[sflag:s29] =	ssyncset.done $0x0  }
0xfe: {  	s26 =	simm.s32 $0xB40;
	[sflag:s29] =	ssyncadd.s32 $0xFFFFE000  }
0xff: {  	[spmem:s2] =	stream.indirect.scatter.add.f32 [tilespmem:s18], [sflag:$0x6], $0x80, s26, s17, $0xb8;
	[tilespmem:$0x1F000] =	vst v63  }
0x100: {  	_ =	swait.ge [sflag:s30], $0x2000  }
0x101: {  	[sflag:s30] =	ssyncset.done $0x0  }
0x102: {  	s31 =	simm.s32 $0xB80;
	[sflag:s30] =	ssyncadd.s32 $0xFFFFE000  }
0x103: {  	[spmem:s2] =	stream.indirect.scatter.add.f32 [tilespmem:s19], [sflag:$0x7], $0x80, s31, s17, $0xb8;
	[tilespmem:$0x1F000] =	vst v63  }
0x104: {  	_ =	swait.ge [sflag:s0], $0x2000  }
0x105: {  	[sflag:s0] =	ssyncset.done $0x0  }
0x106: {  	s26 =	simm.s32 $0xBC0;
	[sflag:s0] =	ssyncadd.s32 $0xFFFFE000  }
0x107: {  	[spmem:s2] =	stream.indirect.scatter.add.f32 [tilespmem:s21], [sflag:$0x8], $0x80, s26, s17, $0xb8;
	[tilespmem:$0x1F000] =	vst v63  }
0x108: {  	_ =	swait.ge [sflag:s1], $0x2000  }
0x109: {  	[sflag:s1] =	ssyncset.done $0x0  }
0x10a: {  	s31 =	simm.s32 $0xC00;
	[sflag:s1] =	ssyncadd.s32 $0xFFFFE000  }
0x10b: {  	[spmem:s2] =	stream.indirect.scatter.add.f32 [tilespmem:s23], [sflag:$0x9], $0x80, s31, s17, $0xb8;
	[tilespmem:$0x1F000] =	vst v63  }
0x10c: {  	_ =	swait.ge [sflag:s12], $0x2000  }
0x10d: {  	[sflag:s12] =	ssyncset.done $0x0  }
0x10e: {  	s22 =	simm.s32 $0x500;
	s26 =	simm.s32 $0xC40;
	[sflag:s12] =	ssyncadd.s32 $0xFFFFE000  }
.LBB2_3:
0x10f: {  	[spmem:s2] =	stream.indirect.scatter.add.f32 [tilespmem:s28], [sflag:$0xA], $0x80, s26, s17, $0xb8;
	[tilespmem:$0x1F000] =	vst v63  }
0x110: {  	s26 =	smov.u32 s22  }
0x111: {  	p2 =	sne.s32 s22, $0x1E00;
	s22 =	sadd.s32 $0x500, s22;
	_ =	swait.ge [sflag:s14], $0x2000  }
0x112: {  	s26 =	sshra.s32 s26, $0x2;
	[sflag:s14] =	ssyncset.done $0x0  }
0x113: {  	s31 =	sadd.s32 $0x140, s26;
	[sflag:s14] =	ssyncadd.s32 $0xFFFFE000  }
0x114: {  	[tilespmem:s18], [sflag:$0x1] =	stream.indirect.gather [hbm4b:s5+s17], $0x80, s31, s17, $0xb8;
	[tilespmem:$0x1F000] =	vst v63  }
0x115: {  	_ =	swait.ge [sflag:s24], $0x2000  }
0x116: {  	[sflag:s24] =	ssyncset.done $0x0  }
0x117: {  	s31 =	sadd.s32 $0x180, s26;
	[sflag:s24] =	ssyncadd.s32 $0xFFFFE000  }
0x118: {  	[tilespmem:s19], [sflag:$0x2] =	stream.indirect.gather [hbm4b:s5+s17], $0x80, s31, s17, $0xb8;
	[tilespmem:$0x1F000] =	vst v63  }
0x119: {  	_ =	swait.ge [sflag:s25], $0x2000  }
0x11a: {  	[sflag:s25] =	ssyncset.done $0x0  }
0x11b: {  	s31 =	sadd.s32 $0x1C0, s26;
	[sflag:s25] =	ssyncadd.s32 $0xFFFFE000  }
0x11c: {  	[tilespmem:s21], [sflag:$0x3] =	stream.indirect.gather [hbm4b:s5+s17], $0x80, s31, s17, $0xb8;
	[tilespmem:$0x1F000] =	vst v63  }
0x11d: {  	_ =	swait.ge [sflag:s9], $0x2000  }
0x11e: {  	[sflag:s9] =	ssyncset.done $0x0  }
0x11f: {  	s31 =	sadd.s32 $0x200, s26;
	[sflag:s9] =	ssyncadd.s32 $0xFFFFE000  }
0x120: {  	[tilespmem:s23], [sflag:$0x4] =	stream.indirect.gather [hbm4b:s5+s17], $0x80, s31, s17, $0xb8;
	[tilespmem:$0x1F000] =	vst v63  }
0x121: {  	_ =	swait.ge [sflag:s3], $0x2000  }
0x122: {  	[sflag:s3] =	ssyncset.done $0x0  }
0x123: {  	s31 =	sadd.s32 $0x240, s26;
	[sflag:s3] =	ssyncadd.s32 $0xFFFFE000  }
0x124: {  	[tilespmem:s28], [sflag:$0x5] =	stream.indirect.gather [hbm4b:s5+s17], $0x80, s31, s17, $0xb8;
	[tilespmem:$0x1F000] =	vst v63  }
0x125: {  	_ =	swait.ge [sflag:s29], $0x2000  }
0x126: {  	[sflag:s29] =	ssyncset.done $0x0  }
0x127: {  	s31 =	sadd.s32 $0xB40, s26;
	[sflag:s29] =	ssyncadd.s32 $0xFFFFE000  }
0x128: {  	[spmem:s2] =	stream.indirect.scatter.add.f32 [tilespmem:s18], [sflag:$0x6], $0x80, s31, s17, $0xb8;
	[tilespmem:$0x1F000] =	vst v63  }
0x129: {  	_ =	swait.ge [sflag:s30], $0x2000  }
0x12a: {  	[sflag:s30] =	ssyncset.done $0x0  }
0x12b: {  	s31 =	sadd.s32 $0xB80, s26;
	[sflag:s30] =	ssyncadd.s32 $0xFFFFE000  }
0x12c: {  	[spmem:s2] =	stream.indirect.scatter.add.f32 [tilespmem:s19], [sflag:$0x7], $0x80, s31, s17, $0xb8;
	[tilespmem:$0x1F000] =	vst v63  }
0x12d: {  	_ =	swait.ge [sflag:s0], $0x2000  }
0x12e: {  	[sflag:s0] =	ssyncset.done $0x0  }
0x12f: {  	s31 =	sadd.s32 $0xBC0, s26;
	[sflag:s0] =	ssyncadd.s32 $0xFFFFE000  }
0x130: {  	[spmem:s2] =	stream.indirect.scatter.add.f32 [tilespmem:s21], [sflag:$0x8], $0x80, s31, s17, $0xb8;
	[tilespmem:$0x1F000] =	vst v63  }
0x131: {  	_ =	swait.ge [sflag:s1], $0x2000  }
0x132: {  	[sflag:s1] =	ssyncset.done $0x0  }
.Ltmp6:
0x133: {  	s31 =	sadd.s32 $0xC00, s26;
	[sflag:s1] =	ssyncadd.s32 $0xFFFFE000;
	(pc) =	sbr.rel @p2 .LBB2_3-.Ltmp6, $4  }
0x134: {  	[spmem:s2] =	stream.indirect.scatter.add.f32 [tilespmem:s23], [sflag:$0x9], $0x80, s31, s17, $0xb8;
	[tilespmem:$0x1F000] =	vst v63  }
0x135: {  	_ =	swait.ge [sflag:s12], $0x2000  }
0x136: {  	[sflag:s12] =	ssyncset.done $0x0  }
0x137: {  	s26 =	sadd.s32 $0xC40, s26;
	[sflag:s12] =	ssyncadd.s32 $0xFFFFE000  }
0x138: {  	[spmem:s2] =	stream.indirect.scatter.add.f32 [tilespmem:s28], [sflag:$0xA], $0x80, s26, s17, $0xb8;
	[tilespmem:$0x1F000] =	vst v63  }
0x139: {  	_ =	swait.ge [sflag:s14], $0x2000  }
0x13a: {  	[sflag:s14] =	ssyncset.done $0x0  }
0x13b: {  	[sflag:s14] =	ssyncadd.s32 $0xFFFFE000  }
0x13c: {  	_ =	swait.ge [sflag:s24], $0x2000  }
0x13d: {  	[sflag:s24] =	ssyncset.done $0x0  }
0x13e: {  	[sflag:s24] =	ssyncadd.s32 $0xFFFFE000  }
0x13f: {  	_ =	swait.ge [sflag:s25], $0x2000  }
0x140: {  	[sflag:s25] =	ssyncset.done $0x0  }
0x141: {  	s20 =	sadd.s32 $0x1, s20;
	[sflag:s25] =	ssyncadd.s32 $0xFFFFE000  }
0x142: {  	p2 =	seq.s32 s20, $0x10;
	_ =	swait.ge [sflag:s9], $0x2000  }
.Ltmp7:
0x143: {  	[sflag:s9] =	ssyncset.done $0x0;
	(pc) =	sbr.rel @!p2 .LBB2_2-.Ltmp7, $4  }
.Ltmp8:
0x144: {  	[sflag:s9] =	ssyncadd.s32 $0xFFFFE000;
	(pc) =	sbr.rel @p2 .LBB2_8-.Ltmp8, $4  }
0x145: {  	_ =	swait.ge [sflag:s3], $0x2000  }
0x146: {  	[sflag:s3] =	ssyncset.done $0x0  }
0x147: {  	[sflag:s3] =	ssyncadd.s32 $0xFFFFE000  }
0x148: {  	_ = 	snop  }
.LBB2_9:
0x149: {  	_ =	sfence.sel $0x180000  }
0x14a: {  	[bflag:$0x0] =	sbarrier.arrive $0xFFFF  }
0x14b: {  	_ =	strace $0x90000047  }
0x14c: {  	s0 =	stileid.u32;
	[bflag:$0x2] =	sbarrier.arrive $0xFFFF  }
0x14d: {  	p0 =	sne.s32 s0, $0x0;
	s0 =	rddreg [dreg:$0x3]  }
0x14e: {  	s0 =	sadd.s32 @!p0 $0x100000, s0  }
0x14f: {  	[sflag:s0] =	ssyncadd.tile.s32 @!p0 $0x1;
	_ =	shalt  }
.Lfunc_end2:
_tile_overlayer_lowered:
.L_overlay_start_2:
0x150: {  	(tag) =	ssettag $0x2  }
0x151: {  	s0 =	rddreg [dreg:$0x0];
	s2 =	stileid.u32  }
0x152: {  	s1 =	rddreg [dreg:$0x1];
	p0 =	sne.s32 s2, $0x0  }
0x153: {  	s3 =	rddreg [dreg:$0x2];
	[bflag:$0x3] =	sbarrier.arrive $0xFFFF;
	s2 =	simm.s32 @!p0 $0x1C0B  }
0x154: {  	[timem:s3], [sflag:s2] =	dma.local @!p0 [hbm:s0], s1  }
0x155: {  	s0 =	simm.s32 @!p0 $0xB  }
0x156: {  	_ =	swait.ge @!p0 [sflag:s0], s1  }
0x157: {  	s1 =	ssub.s32 @!p0 $0x0, s1;
	[sflag:s0] =	ssyncset.done @!p0 $0x0  }
0x158: {  	[sflag:s0] =	ssyncadd.s32 @!p0 s1  }
0x159: {  	[bflag:$0x3] =	sbarrier.arrive $0xFFFF  }
0x15a: {  	_ =	shalt  }

</sc_bundles>
